<compile_context>
chip_gen: v7x
topology: tpu7x:2x2x1
jax: 0.10.2.dev20260603
libtpu: 0.0.44.dev20260713+nightly
codegen_flags: <defaults>
</compile_context>

<pallas_src>
import functools

import jax
import jax.numpy as jnp
from jax import lax
from jax.experimental import pallas as pl
from jax.experimental.pallas import tpu as pltpu
from jax.experimental.pallas import tpu_sc as plsc

_INF_BITS = 0x7F800000


def _mine_kernel(emb_ref, labr_ref, labc_ref, mm_ref, d2ap_ref, enc_ref,
                 embn_ref, embt_ref, *, blk_r, b):
    i = pl.program_id(0)

    @pl.when(i == 0)
    def _init():
        e = emb_ref[...]
        nrm = jnp.sqrt(jnp.sum(e * e, axis=1, keepdims=True))
        en = e / jnp.maximum(nrm, 1e-12)
        embn_ref[...] = en
        embt_ref[...] = en.T

    r0 = i * blk_r
    rows = embn_ref[pl.ds(r0, blk_r), :]
    ent = embt_ref[...]
    g = jnp.dot(rows, ent, preferred_element_type=jnp.float32)
    sq_cols = jnp.sum(ent * ent, axis=0, keepdims=True)
    sq_rows = jnp.sum(rows * rows, axis=1, keepdims=True)
    d2 = sq_rows + sq_cols - 2.0 * g

    lab_cols = labr_ref[...]
    lab_rows = labc_ref[pl.ds(r0, blk_r), :]
    same = lab_rows == lab_cols

    neg_inf = jnp.float32(-jnp.inf)
    d2_ap = jnp.max(jnp.where(same, d2, neg_inf), axis=1, keepdims=True)
    d2_ap_c = jnp.maximum(d2_ap, 0.0)
    d_ap = jnp.sqrt(d2_ap_c)

    n_lab = mm_ref.shape[0]
    oh_rows = (lab_rows == lax.broadcasted_iota(jnp.int32, (1, n_lab), 1)
               ).astype(jnp.float32)
    oh_cols = (lax.broadcasted_iota(jnp.int32, (n_lab, 1), 0) == lab_cols
               ).astype(jnp.float32)
    mrow = jnp.dot(oh_rows, mm_ref[...], preferred_element_type=jnp.float32)
    margins = jnp.dot(mrow, oh_cols, preferred_element_type=jnp.float32)

    cls_sz = jnp.sum(oh_cols, axis=1, keepdims=True)
    row_sz = jnp.dot(oh_rows, cls_sz, preferred_element_type=jnp.float32)
    has_pos = row_sz >= 2.0

    thr = d_ap + margins
    semi = (d2 > d2_ap_c) & (d2 < thr * thr)

    enc = (lax.bitcast_convert_type(d2, jnp.int32) & jnp.int32(~7)) | lab_cols
    enc_min = jnp.min(jnp.where(semi, enc, jnp.int32(_INF_BITS)),
                      axis=1, keepdims=True)

    d2ap_ref[pl.ds(r0, blk_r), :] = jnp.where(has_pos, d2_ap, neg_inf)
    enc_ref[pl.ds(r0, blk_r), :] = enc_min


def _newton_sqrt(x):
    bits = lax.bitcast_convert_type(x, jnp.int32)
    y = lax.bitcast_convert_type(
        jnp.int32(0x5F3759DF) - lax.shift_right_arithmetic(bits, 1),
        jnp.float32)
    for _ in range(3):
        y = y * (1.5 - 0.5 * x * y * y)
    return x * y


def _make_sc_stage(b, n_workers):
    apw = b // n_workers
    n_chunks = apw // 16
    mesh = plsc.VectorSubcoreMesh(core_axis_name="c", subcore_axis_name="s",
                                  num_cores=1, num_subcores=16)

    @functools.partial(
        pl.kernel, mesh=mesh,
        out_type=jax.ShapeDtypeStruct((2 * n_workers + 8, 16), jnp.float32),
        scratch_types=[
            pltpu.VMEM((apw,), jnp.float32),
            pltpu.VMEM((apw,), jnp.int32),
            pltpu.VMEM((apw,), jnp.int32),
            pltpu.VMEM((64,), jnp.float32),
            pltpu.VMEM((16,), jnp.float32),
            pltpu.VMEM((16,), jnp.float32),
            pltpu.VMEM((2 * n_workers, 16), jnp.float32),
        ],
    )
    def sc_stage(d2ap_hbm, enc_hbm, lab_hbm, mm_hbm, out_hbm,
                 d2ap_v, enc_v, lab_v, mm_v, psum_v, pcnt_v, red_v):
        wid = lax.axis_index("s")
        base = wid * apw
        pltpu.sync_copy(d2ap_hbm.at[pl.ds(base, apw)], d2ap_v)
        pltpu.sync_copy(enc_hbm.at[pl.ds(base, apw)], enc_v)
        pltpu.sync_copy(lab_hbm.at[pl.ds(base, apw)], lab_v)
        pltpu.sync_copy(mm_hbm, mm_v)

        t0 = mm_v[pl.ds(0, 16)]
        t1 = mm_v[pl.ds(16, 16)]
        t2 = mm_v[pl.ds(32, 16)]
        t3 = mm_v[pl.ds(48, 16)]

        psum = jnp.zeros((16,), jnp.float32)
        pcnt = jnp.zeros((16,), jnp.float32)
        for k in range(n_chunks):
            sl = pl.ds(k * 16, 16)
            d2ap_raw = d2ap_v[sl]
            enc = enc_v[sl]
            la = lab_v[sl]
            has_pos = d2ap_raw > jnp.float32(-jnp.inf)
            has_neg = enc < jnp.int32(_INF_BITS)
            lab_n = enc & jnp.int32(7)
            d2an = lax.bitcast_convert_type(enc & jnp.int32(~7), jnp.float32)
            d_ap = _newton_sqrt(jnp.maximum(d2ap_raw, 0.0))
            d_an = _newton_sqrt(d2an)
            midx = la * 8 + lab_n
            mlo = midx & jnp.int32(15)
            g0 = t0.at[mlo].get(mode="promise_in_bounds")
            g1 = t1.at[mlo].get(mode="promise_in_bounds")
            g2 = t2.at[mlo].get(mode="promise_in_bounds")
            g3 = t3.at[mlo].get(mode="promise_in_bounds")
            m = jnp.where(midx < 16, g0,
                          jnp.where(midx < 32, g1,
                                    jnp.where(midx < 48, g2, g3)))
            valid = has_pos & has_neg
            loss = jnp.maximum(d_ap - d_an + m, 0.0)
            psum = psum + jnp.where(valid, loss, 0.0)
            pcnt = pcnt + jnp.where(valid, 1.0, 0.0)
        psum_v[...] = psum
        pcnt_v[...] = pcnt
        pltpu.sync_copy(psum_v, out_hbm.at[wid])
        pltpu.sync_copy(pcnt_v, out_hbm.at[n_workers + wid])
        plsc.subcore_barrier()

        @pl.when(wid == 0)
        def _reduce():
            pltpu.sync_copy(out_hbm.at[pl.ds(0, 2 * n_workers)], red_v)
            acc_s = red_v[0, :]
            acc_c = red_v[n_workers, :]
            for i in range(1, n_workers):
                acc_s = acc_s + red_v[i, :]
                acc_c = acc_c + red_v[n_workers + i, :]
            lanes = lax.broadcasted_iota(jnp.int32, (16,), 0)
            for sh in (8, 4, 2, 1):
                perm = lanes ^ jnp.int32(sh)
                acc_s = acc_s + acc_s.at[perm].get(mode="promise_in_bounds")
                acc_c = acc_c + acc_c.at[perm].get(mode="promise_in_bounds")
            res = jnp.where(acc_c > 0.0,
                            acc_s / jnp.maximum(acc_c, 1.0),
                            0.0)
            psum_v[...] = res
            pltpu.sync_copy(psum_v, out_hbm.at[2 * n_workers])

    return sc_stage


def kernel(embeddings, labels, margin_matrix):
    b, d = embeddings.shape
    blk_r = 1024
    n_blk = b // blk_r
    n_workers = 16
    lab_row = labels.reshape(1, b)
    lab_col = labels.reshape(b, 1)
    n_lab = margin_matrix.shape[0]
    d2ap, enc = pl.pallas_call(
        functools.partial(_mine_kernel, blk_r=blk_r, b=b),
        grid=(n_blk,),
        in_specs=[
            pl.BlockSpec((b, d), lambda i: (0, 0)),
            pl.BlockSpec((1, b), lambda i: (0, 0)),
            pl.BlockSpec((b, 1), lambda i: (0, 0)),
            pl.BlockSpec((n_lab, n_lab), lambda i: (0, 0)),
        ],
        out_specs=[
            pl.BlockSpec((b, 1), lambda i: (0, 0)),
            pl.BlockSpec((b, 1), lambda i: (0, 0)),
        ],
        out_shape=[
            jax.ShapeDtypeStruct((b, 1), jnp.float32),
            jax.ShapeDtypeStruct((b, 1), jnp.int32),
        ],
        scratch_shapes=[
            pltpu.VMEM((b, d), jnp.float32),
            pltpu.VMEM((d, b), jnp.float32),
        ],
    )(embeddings, lab_row, lab_col, margin_matrix)

    sc_stage = _make_sc_stage(b, n_workers)
    out = sc_stage(d2ap.reshape(b), enc.reshape(b), labels,
                   margin_matrix.reshape(n_lab * n_lab))
    return out[2 * n_workers, 0]

# --- scband reference (transcript-rebuilt; emitter-appended) ---
"""Pipeline reference for scband-triplet-semi-hard-margin-loss-81767587381281 (READ-ONLY COPY).

The authoritative reference and input builder live on the scoring server;
editing this copy changes nothing except your own understanding.
"""

import jax, jax.numpy as jnp
import numpy as np


def setup_inputs(seed: int = 0) -> dict:
    key = jax.random.key(seed)
    k1, k2 = jax.random.split(key)
    embeddings = jax.random.normal(k1, (4096, 64), dtype=jnp.float32)
    labels = jax.random.randint(k2, (4096,), 0, 8, dtype=jnp.int32)
    margin_matrix = jnp.full((8, 8), 0.2, dtype=jnp.float32)
    return {"embeddings": embeddings, "labels": labels, "margin_matrix": margin_matrix}


def reference(embeddings, labels, margin_matrix):
    # F.normalize(embeddings, p=2, dim=1)
    emb = embeddings / jnp.maximum(jnp.linalg.norm(embeddings, axis=1, keepdims=True), 1e-12)
    # pairwise distance matrix (torch.cdist on normalized embeddings)
    sq = jnp.sum(emb * emb, axis=1)
    d2 = sq[:, None] + sq[None, :] - 2.0 * (emb @ emb.T)
    D = jnp.sqrt(jnp.clip(d2, 0.0, None))
    B = emb.shape[0]
    same = labels[:, None] == labels[None, :]
    eye = jnp.eye(B, dtype=bool)
    # hardest positive per anchor (max distance among same-label, excluding self)
    pos_mask = same & (~eye)
    masked_pos = jnp.where(pos_mask, D, -jnp.inf)
    d_ap_sel = jnp.max(masked_pos, axis=1)
    pos_idx = jnp.argmax(masked_pos, axis=1)
    has_pos = jnp.any(pos_mask, axis=1)
    # semi-hard negatives: d_an > d_ap and d_an < d_ap + margin[a_lab, n_lab]
    neg_mask = ~same
    margins_bb = margin_matrix[labels[:, None], labels[None, :]]
    semi = neg_mask & (D > d_ap_sel[:, None]) & (D < d_ap_sel[:, None] + margins_bb)
    masked_neg = jnp.where(semi, D, jnp.inf)
    neg_idx = jnp.argmin(masked_neg, axis=1)
    has_neg = jnp.any(semi, axis=1)
    valid = has_pos & has_neg
    # recompute distances from gathered triplets (matches torch.norm(anchor-positive))
    pos_e = jnp.take(emb, pos_idx, axis=0)
    neg_e = jnp.take(emb, neg_idx, axis=0)
    d_ap = jnp.sqrt(jnp.sum((emb - pos_e) ** 2, axis=1) + 1e-24)
    d_an = jnp.sqrt(jnp.sum((emb - neg_e) ** 2, axis=1) + 1e-24)
    m = margin_matrix[labels, jnp.take(labels, neg_idx)]
    loss_i = jnp.maximum(d_ap - d_an + m, 0.0)
    cnt = jnp.sum(valid.astype(jnp.float32))
    total = jnp.sum(jnp.where(valid, loss_i, 0.0))
    return jnp.where(cnt > 0, total / jnp.maximum(cnt, 1.0), jnp.float32(0.0))

if __name__ == "__main__":
    import jax
    _d = setup_inputs()
    print(jax.jit(kernel)(*tuple(_d.values())))

</pallas_src>

<mosaic_0001>
#map = affine_map<(d0, d1) -> (0)>
#map1 = affine_map<(d0, d1) -> (0, 0)>
module attributes {stable_mosaic.version = 14 : i64} {
  func.func @sc_stage(%arg0: i32, %arg1: i32, %arg2: memref<4096xf32, #tpu.memory_space<hbm>>, %arg3: memref<4096xi32, #tpu.memory_space<hbm>>, %arg4: memref<4096xi32, #tpu.memory_space<hbm>>, %arg5: memref<64xf32, #tpu.memory_space<hbm>>, %arg6: memref<40x16xf32, #tpu.memory_space<hbm>>, %arg7: memref<256xf32, #tpu.memory_space<vmem>>, %arg8: memref<256xi32, #tpu.memory_space<vmem>>, %arg9: memref<256xi32, #tpu.memory_space<vmem>>, %arg10: memref<64xf32, #tpu.memory_space<vmem>>, %arg11: memref<16xf32, #tpu.memory_space<vmem>>, %arg12: memref<16xf32, #tpu.memory_space<vmem>>, %arg13: memref<32x16xf32, #tpu.memory_space<vmem>>) attributes {dimension_semantics = [#tpu.dimension_semantics<core_parallel>, #tpu.dimension_semantics<subcore_parallel>], iteration_bounds = array<i64: 1, 16>, scalar_prefetch = 0 : i64, scratch_operands = 7 : i64, tpu.core_type = #tpu.core_type<sc_vector_subcore>, window_params = [{transform_indices = #map}, {transform_indices = #map}, {transform_indices = #map}, {transform_indices = #map}, {transform_indices = #map1}]} {
    %mul3A = arith.constant 256 : i32
    %mul3A_0 = arith.muli %arg1, %mul3A : i32
    "tpu.region"() ({
      %run_scoped3A = tpu.sem_alloc : memref<!tpu.dma_semaphore, #tpu.memory_space<semaphore_mem>>
      %dma_start3A = tpu.memref_slice %arg2[%mul3A_0] : memref<4096xf32, #tpu.memory_space<hbm>> -> memref<256xf32, #tpu.memory_space<hbm>>
      %dma_start3A_2767 = tpu.memref_slice %arg2[%mul3A_0] : memref<4096xf32, #tpu.memory_space<hbm>> -> memref<256xf32, #tpu.memory_space<hbm>>
      tpu.enqueue_dma source(%dma_start3A_2767 : memref<256xf32, #tpu.memory_space<hbm>>) target(%arg7 : memref<256xf32, #tpu.memory_space<vmem>>) target_semaphore(%run_scoped3A : memref<!tpu.dma_semaphore, #tpu.memory_space<semaphore_mem>>)
      %dma_wait3A = tpu.memref_slice %arg2[%mul3A_0] : memref<4096xf32, #tpu.memory_space<hbm>> -> memref<256xf32, #tpu.memory_space<hbm>>
      %dma_wait3A_2768 = tpu.memref_slice %arg2[%mul3A_0] : memref<4096xf32, #tpu.memory_space<hbm>> -> memref<256xf32, #tpu.memory_space<hbm>>
      tpu.wait_dma2 semaphore(%run_scoped3A : memref<!tpu.dma_semaphore, #tpu.memory_space<semaphore_mem>>) src(%dma_wait3A_2768 : memref<256xf32, #tpu.memory_space<hbm>>) dst(%arg7 : memref<256xf32, #tpu.memory_space<vmem>>)
      tpu.yield
    }) : () -> ()
    "tpu.region"() ({
      %run_scoped3A = tpu.sem_alloc : memref<!tpu.dma_semaphore, #tpu.memory_space<semaphore_mem>>
      %dma_start3A = tpu.memref_slice %arg3[%mul3A_0] : memref<4096xi32, #tpu.memory_space<hbm>> -> memref<256xi32, #tpu.memory_space<hbm>>
      %dma_start3A_2767 = tpu.memref_slice %arg3[%mul3A_0] : memref<4096xi32, #tpu.memory_space<hbm>> -> memref<256xi32, #tpu.memory_space<hbm>>
      tpu.enqueue_dma source(%dma_start3A_2767 : memref<256xi32, #tpu.memory_space<hbm>>) target(%arg8 : memref<256xi32, #tpu.memory_space<vmem>>) target_semaphore(%run_scoped3A : memref<!tpu.dma_semaphore, #tpu.memory_space<semaphore_mem>>)
      %dma_wait3A = tpu.memref_slice %arg3[%mul3A_0] : memref<4096xi32, #tpu.memory_space<hbm>> -> memref<256xi32, #tpu.memory_space<hbm>>
      %dma_wait3A_2768 = tpu.memref_slice %arg3[%mul3A_0] : memref<4096xi32, #tpu.memory_space<hbm>> -> memref<256xi32, #tpu.memory_space<hbm>>
      tpu.wait_dma2 semaphore(%run_scoped3A : memref<!tpu.dma_semaphore, #tpu.memory_space<semaphore_mem>>) src(%dma_wait3A_2768 : memref<256xi32, #tpu.memory_space<hbm>>) dst(%arg8 : memref<256xi32, #tpu.memory_space<vmem>>)
      tpu.yield
    }) : () -> ()
    "tpu.region"() ({
      %run_scoped3A = tpu.sem_alloc : memref<!tpu.dma_semaphore, #tpu.memory_space<semaphore_mem>>
      %dma_start3A = tpu.memref_slice %arg4[%mul3A_0] : memref<4096xi32, #tpu.memory_space<hbm>> -> memref<256xi32, #tpu.memory_space<hbm>>
      %dma_start3A_2767 = tpu.memref_slice %arg4[%mul3A_0] : memref<4096xi32, #tpu.memory_space<hbm>> -> memref<256xi32, #tpu.memory_space<hbm>>
      tpu.enqueue_dma source(%dma_start3A_2767 : memref<256xi32, #tpu.memory_space<hbm>>) target(%arg9 : memref<256xi32, #tpu.memory_space<vmem>>) target_semaphore(%run_scoped3A : memref<!tpu.dma_semaphore, #tpu.memory_space<semaphore_mem>>)
      %dma_wait3A = tpu.memref_slice %arg4[%mul3A_0] : memref<4096xi32, #tpu.memory_space<hbm>> -> memref<256xi32, #tpu.memory_space<hbm>>
      %dma_wait3A_2768 = tpu.memref_slice %arg4[%mul3A_0] : memref<4096xi32, #tpu.memory_space<hbm>> -> memref<256xi32, #tpu.memory_space<hbm>>
      tpu.wait_dma2 semaphore(%run_scoped3A : memref<!tpu.dma_semaphore, #tpu.memory_space<semaphore_mem>>) src(%dma_wait3A_2768 : memref<256xi32, #tpu.memory_space<hbm>>) dst(%arg9 : memref<256xi32, #tpu.memory_space<vmem>>)
      tpu.yield
    }) : () -> ()
    "tpu.region"() ({
      %run_scoped3A = tpu.sem_alloc : memref<!tpu.dma_semaphore, #tpu.memory_space<semaphore_mem>>
      tpu.enqueue_dma source(%arg5 : memref<64xf32, #tpu.memory_space<hbm>>) target(%arg10 : memref<64xf32, #tpu.memory_space<vmem>>) target_semaphore(%run_scoped3A : memref<!tpu.dma_semaphore, #tpu.memory_space<semaphore_mem>>)
      tpu.wait_dma2 semaphore(%run_scoped3A : memref<!tpu.dma_semaphore, #tpu.memory_space<semaphore_mem>>) src(%arg5 : memref<64xf32, #tpu.memory_space<hbm>>) dst(%arg10 : memref<64xf32, #tpu.memory_space<vmem>>)
      tpu.yield
    }) : () -> ()
    %get3A = arith.constant 0 : index
    %get3A_1 = tpu.vector_load %arg10[%get3A] {strides = array<i32>} : memref<64xf32, #tpu.memory_space<vmem>>, vector<16xf32>,
    %get3A_2 = vector.shape_cast %get3A_1 : vector<16xf32> to vector<16xf32>
    %get3A_3 = arith.constant 16 : index
    %get3A_4 = tpu.vector_load %arg10[%get3A_3] {strides = array<i32>} : memref<64xf32, #tpu.memory_space<vmem>>, vector<16xf32>,
    %get3A_5 = vector.shape_cast %get3A_4 : vector<16xf32> to vector<16xf32>
    %get3A_6 = arith.constant 32 : index
    %get3A_7 = tpu.vector_load %arg10[%get3A_6] {strides = array<i32>} : memref<64xf32, #tpu.memory_space<vmem>>, vector<16xf32>,
    %get3A_8 = vector.shape_cast %get3A_7 : vector<16xf32> to vector<16xf32>
    %get3A_9 = arith.constant 48 : index
    %get3A_10 = tpu.vector_load %arg10[%get3A_9] {strides = array<i32>} : memref<64xf32, #tpu.memory_space<vmem>>, vector<16xf32>,
    %get3A_11 = vector.shape_cast %get3A_10 : vector<16xf32> to vector<16xf32>
    %broadcast_in_dim3A = arith.constant 0.000000e+00 : f32
    %broadcast_in_dim3A_12 = vector.broadcast %broadcast_in_dim3A : f32 to vector<16xf32>
    %broadcast_in_dim3A_13 = arith.constant 0.000000e+00 : f32
    %broadcast_in_dim3A_14 = vector.broadcast %broadcast_in_dim3A_13 : f32 to vector<16xf32>
    %get3A_15 = arith.constant 0 : index
    %get3A_16 = tpu.vector_load %arg7[%get3A_15] {strides = array<i32>} : memref<256xf32, #tpu.memory_space<vmem>>, vector<16xf32>,
    %get3A_17 = vector.shape_cast %get3A_16 : vector<16xf32> to vector<16xf32>
    %get3A_18 = arith.constant 0 : index
    %get3A_19 = tpu.vector_load %arg8[%get3A_18] {strides = array<i32>} : memref<256xi32, #tpu.memory_space<vmem>>, vector<16xi32>,
    %get3A_20 = vector.shape_cast %get3A_19 : vector<16xi32> to vector<16xi32>
    %get3A_21 = arith.constant 0 : index
    %get3A_22 = tpu.vector_load %arg9[%get3A_21] {strides = array<i32>} : memref<256xi32, #tpu.memory_space<vmem>>, vector<16xi32>,
    %get3A_23 = vector.shape_cast %get3A_22 : vector<16xi32> to vector<16xi32>
    %gt3A = arith.constant 0xFF800000 : f32
    %gt3A_24 = vector.broadcast %gt3A : f32 to vector<16xf32>
    %gt3A_25 = arith.cmpf ogt, %get3A_17, %gt3A_24 : vector<16xf32>
    %lt3A = arith.constant 2139095040 : i32
    %lt3A_26 = vector.broadcast %lt3A : i32 to vector<16xi32>
    %lt3A_27 = arith.cmpi slt, %get3A_20, %lt3A_26 : vector<16xi32>
    %and3A = arith.constant 7 : i32
    %and3A_28 = vector.broadcast %and3A : i32 to vector<16xi32>
    %and3A_29 = arith.andi %get3A_20, %and3A_28 : vector<16xi32>
    %and3A_30 = arith.constant -8 : i32
    %and3A_31 = vector.broadcast %and3A_30 : i32 to vector<16xi32>
    %and3A_32 = arith.andi %get3A_20, %and3A_31 : vector<16xi32>
    %bitcast_convert_type3A = tpu.bitcast %and3A_32 : vector<16xi32> -> vector<16xf32>
    %max3A = arith.constant 0.000000e+00 : f32
    %max3A_33 = vector.broadcast %max3A : f32 to vector<16xf32>
    %max3A_34 = arith.maximumf %get3A_17, %max3A_33 : vector<16xf32>
    %bitcast_convert_type3A_35 = tpu.bitcast %max3A_34 : vector<16xf32> -> vector<16xi32>
    %shift_right_arithmetic3A = arith.constant 1 : i32
    %shift_right_arithmetic3A_36 = vector.broadcast %shift_right_arithmetic3A : i32 to vector<16xi32>
    %shift_right_arithmetic3A_37 = arith.shrsi %bitcast_convert_type3A_35, %shift_right_arithmetic3A_36 : vector<16xi32>
    %sub3A = arith.constant 1597463007 : i32
    %sub3A_38 = vector.broadcast %sub3A : i32 to vector<16xi32>
    %sub3A_39 = arith.subi %sub3A_38, %shift_right_arithmetic3A_37 : vector<16xi32>
    %bitcast_convert_type3A_40 = tpu.bitcast %sub3A_39 : vector<16xi32> -> vector<16xf32>
    %mul3A_41 = arith.constant 5.000000e-01 : f32
    %mul3A_42 = vector.broadcast %mul3A_41 : f32 to vector<16xf32>
    %mul3A_43 = arith.mulf %mul3A_42, %max3A_34 : vector<16xf32>
    %mul3A_44 = arith.mulf %mul3A_43, %bitcast_convert_type3A_40 : vector<16xf32>
    %mul3A_45 = arith.mulf %mul3A_44, %bitcast_convert_type3A_40 : vector<16xf32>
    %sub3A_46 = arith.constant 1.500000e+00 : f32
    %sub3A_47 = vector.broadcast %sub3A_46 : f32 to vector<16xf32>
    %sub3A_48 = arith.subf %sub3A_47, %mul3A_45 : vector<16xf32>
    %mul3A_49 = arith.mulf %bitcast_convert_type3A_40, %sub3A_48 : vector<16xf32>
    %mul3A_50 = arith.constant 5.000000e-01 : f32
    %mul3A_51 = vector.broadcast %mul3A_50 : f32 to vector<16xf32>
    %mul3A_52 = arith.mulf %mul3A_51, %max3A_34 : vector<16xf32>
    %mul3A_53 = arith.mulf %mul3A_52, %mul3A_49 : vector<16xf32>
    %mul3A_54 = arith.mulf %mul3A_53, %mul3A_49 : vector<16xf32>
    %sub3A_55 = arith.constant 1.500000e+00 : f32
    %sub3A_56 = vector.broadcast %sub3A_55 : f32 to vector<16xf32>
    %sub3A_57 = arith.subf %sub3A_56, %mul3A_54 : vector<16xf32>
    %mul3A_58 = arith.mulf %mul3A_49, %sub3A_57 : vector<16xf32>
    %mul3A_59 = arith.constant 5.000000e-01 : f32
    %mul3A_60 = vector.broadcast %mul3A_59 : f32 to vector<16xf32>
    %mul3A_61 = arith.mulf %mul3A_60, %max3A_34 : vector<16xf32>
    %mul3A_62 = arith.mulf %mul3A_61, %mul3A_58 : vector<16xf32>
    %mul3A_63 = arith.mulf %mul3A_62, %mul3A_58 : vector<16xf32>
    %sub3A_64 = arith.constant 1.500000e+00 : f32
    %sub3A_65 = vector.broadcast %sub3A_64 : f32 to vector<16xf32>
    %sub3A_66 = arith.subf %sub3A_65, %mul3A_63 : vector<16xf32>
    %mul3A_67 = arith.mulf %mul3A_58, %sub3A_66 : vector<16xf32>
    %mul3A_68 = arith.mulf %max3A_34, %mul3A_67 : vector<16xf32>
    %bitcast_convert_type3A_69 = tpu.bitcast %bitcast_convert_type3A : vector<16xf32> -> vector<16xi32>
    %shift_right_arithmetic3A_70 = arith.constant 1 : i32
    %shift_right_arithmetic3A_71 = vector.broadcast %shift_right_arithmetic3A_70 : i32 to vector<16xi32>
    %shift_right_arithmetic3A_72 = arith.shrsi %bitcast_convert_type3A_69, %shift_right_arithmetic3A_71 : vector<16xi32>
    %sub3A_73 = arith.constant 1597463007 : i32
    %sub3A_74 = vector.broadcast %sub3A_73 : i32 to vector<16xi32>
    %sub3A_75 = arith.subi %sub3A_74, %shift_right_arithmetic3A_72 : vector<16xi32>
    %bitcast_convert_type3A_76 = tpu.bitcast %sub3A_75 : vector<16xi32> -> vector<16xf32>
    %mul3A_77 = arith.constant 5.000000e-01 : f32
    %mul3A_78 = vector.broadcast %mul3A_77 : f32 to vector<16xf32>
    %mul3A_79 = arith.mulf %mul3A_78, %bitcast_convert_type3A : vector<16xf32>
    %mul3A_80 = arith.mulf %mul3A_79, %bitcast_convert_type3A_76 : vector<16xf32>
    %mul3A_81 = arith.mulf %mul3A_80, %bitcast_convert_type3A_76 : vector<16xf32>
    %sub3A_82 = arith.constant 1.500000e+00 : f32
    %sub3A_83 = vector.broadcast %sub3A_82 : f32 to vector<16xf32>
    %sub3A_84 = arith.subf %sub3A_83, %mul3A_81 : vector<16xf32>
    %mul3A_85 = arith.mulf %bitcast_convert_type3A_76, %sub3A_84 : vector<16xf32>
    %mul3A_86 = arith.constant 5.000000e-01 : f32
    %mul3A_87 = vector.broadcast %mul3A_86 : f32 to vector<16xf32>
    %mul3A_88 = arith.mulf %mul3A_87, %bitcast_convert_type3A : vector<16xf32>
    %mul3A_89 = arith.mulf %mul3A_88, %mul3A_85 : vector<16xf32>
    %mul3A_90 = arith.mulf %mul3A_89, %mul3A_85 : vector<16xf32>
    %sub3A_91 = arith.constant 1.500000e+00 : f32
    %sub3A_92 = vector.broadcast %sub3A_91 : f32 to vector<16xf32>
    %sub3A_93 = arith.subf %sub3A_92, %mul3A_90 : vector<16xf32>
    %mul3A_94 = arith.mulf %mul3A_85, %sub3A_93 : vector<16xf32>
    %mul3A_95 = arith.constant 5.000000e-01 : f32
    %mul3A_96 = vector.broadcast %mul3A_95 : f32 to vector<16xf32>
    %mul3A_97 = arith.mulf %mul3A_96, %bitcast_convert_type3A : vector<16xf32>
    %mul3A_98 = arith.mulf %mul3A_97, %mul3A_94 : vector<16xf32>
    %mul3A_99 = arith.mulf %mul3A_98, %mul3A_94 : vector<16xf32>
    %sub3A_100 = arith.constant 1.500000e+00 : f32
    %sub3A_101 = vector.broadcast %sub3A_100 : f32 to vector<16xf32>
    %sub3A_102 = arith.subf %sub3A_101, %mul3A_99 : vector<16xf32>
    %mul3A_103 = arith.mulf %mul3A_94, %sub3A_102 : vector<16xf32>
    %mul3A_104 = arith.mulf %bitcast_convert_type3A, %mul3A_103 : vector<16xf32>
    %mul3A_105 = arith.constant 8 : i32
    %mul3A_106 = vector.broadcast %mul3A_105 : i32 to vector<16xi32>
    %mul3A_107 = arith.muli %get3A_23, %mul3A_106 : vector<16xi32>
    %add3A = arith.addi %mul3A_107, %and3A_29 : vector<16xi32>
    %and3A_108 = arith.constant 15 : i32
    %and3A_109 = vector.broadcast %and3A_108 : i32 to vector<16xi32>
    %and3A_110 = arith.andi %add3A, %and3A_109 : vector<16xi32>
    %lt3A_111 = arith.constant 0 : i32
    %lt3A_112 = vector.broadcast %lt3A_111 : i32 to vector<16xi32>
    %lt3A_113 = arith.cmpi slt, %and3A_110, %lt3A_112 : vector<16xi32>
    %add3A_114 = arith.constant 16 : i32
    %add3A_115 = vector.broadcast %add3A_114 : i32 to vector<16xi32>
    %add3A_116 = arith.addi %and3A_110, %add3A_115 : vector<16xi32>
    %select_n3A = arith.select %lt3A_113, %add3A_116, %and3A_110 : vector<16xi1>, vector<16xi32>
    %broadcast_in_dim3A_117 = vector.shape_cast %select_n3A : vector<16xi32> to vector<16x1xi32>
    %gather3A = vector.shape_cast %broadcast_in_dim3A_117 : vector<16x1xi32> to vector<16xi32>
    %gather3A_118 = tpu.dynamic_gather %get3A_2[%gather3A] in [0] : vector<16xf32>, vector<16xi32> -> vector<16xf32>
    %lt3A_119 = arith.constant 0 : i32
    %lt3A_120 = vector.broadcast %lt3A_119 : i32 to vector<16xi32>
    %lt3A_121 = arith.cmpi slt, %and3A_110, %lt3A_120 : vector<16xi32>
    %add3A_122 = arith.constant 16 : i32
    %add3A_123 = vector.broadcast %add3A_122 : i32 to vector<16xi32>
    %add3A_124 = arith.addi %and3A_110, %add3A_123 : vector<16xi32>
    %select_n3A_125 = arith.select %lt3A_121, %add3A_124, %and3A_110 : vector<16xi1>, vector<16xi32>
    %broadcast_in_dim3A_126 = vector.shape_cast %select_n3A_125 : vector<16xi32> to vector<16x1xi32>
    %gather3A_127 = vector.shape_cast %broadcast_in_dim3A_126 : vector<16x1xi32> to vector<16xi32>
    %gather3A_128 = tpu.dynamic_gather %get3A_5[%gather3A_127] in [0] : vector<16xf32>, vector<16xi32> -> vector<16xf32>
    %lt3A_129 = arith.constant 0 : i32
    %lt3A_130 = vector.broadcast %lt3A_129 : i32 to vector<16xi32>
    %lt3A_131 = arith.cmpi slt, %and3A_110, %lt3A_130 : vector<16xi32>
    %add3A_132 = arith.constant 16 : i32
    %add3A_133 = vector.broadcast %add3A_132 : i32 to vector<16xi32>
    %add3A_134 = arith.addi %and3A_110, %add3A_133 : vector<16xi32>
    %select_n3A_135 = arith.select %lt3A_131, %add3A_134, %and3A_110 : vector<16xi1>, vector<16xi32>
    %broadcast_in_dim3A_136 = vector.shape_cast %select_n3A_135 : vector<16xi32> to vector<16x1xi32>
    %gather3A_137 = vector.shape_cast %broadcast_in_dim3A_136 : vector<16x1xi32> to vector<16xi32>
    %gather3A_138 = tpu.dynamic_gather %get3A_8[%gather3A_137] in [0] : vector<16xf32>, vector<16xi32> -> vector<16xf32>
    %lt3A_139 = arith.constant 0 : i32
    %lt3A_140 = vector.broadcast %lt3A_139 : i32 to vector<16xi32>
    %lt3A_141 = arith.cmpi slt, %and3A_110, %lt3A_140 : vector<16xi32>
    %add3A_142 = arith.constant 16 : i32
    %add3A_143 = vector.broadcast %add3A_142 : i32 to vector<16xi32>
    %add3A_144 = arith.addi %and3A_110, %add3A_143 : vector<16xi32>
    %select_n3A_145 = arith.select %lt3A_141, %add3A_144, %and3A_110 : vector<16xi1>, vector<16xi32>
    %broadcast_in_dim3A_146 = vector.shape_cast %select_n3A_145 : vector<16xi32> to vector<16x1xi32>
    %gather3A_147 = vector.shape_cast %broadcast_in_dim3A_146 : vector<16x1xi32> to vector<16xi32>
    %gather3A_148 = tpu.dynamic_gather %get3A_11[%gather3A_147] in [0] : vector<16xf32>, vector<16xi32> -> vector<16xf32>
    %lt3A_149 = arith.constant 16 : i32
    %lt3A_150 = vector.broadcast %lt3A_149 : i32 to vector<16xi32>
    %lt3A_151 = arith.cmpi slt, %add3A, %lt3A_150 : vector<16xi32>
    %lt3A_152 = arith.constant 32 : i32
    %lt3A_153 = vector.broadcast %lt3A_152 : i32 to vector<16xi32>
    %lt3A_154 = arith.cmpi slt, %add3A, %lt3A_153 : vector<16xi32>
    %lt3A_155 = arith.constant 48 : i32
    %lt3A_156 = vector.broadcast %lt3A_155 : i32 to vector<16xi32>
    %lt3A_157 = arith.cmpi slt, %add3A, %lt3A_156 : vector<16xi32>
    %select_n3A_158 = arith.select %lt3A_157, %gather3A_138, %gather3A_148 : vector<16xi1>, vector<16xf32>
    %select_n3A_159 = arith.select %lt3A_154, %gather3A_128, %select_n3A_158 : vector<16xi1>, vector<16xf32>
    %select_n3A_160 = arith.select %lt3A_151, %gather3A_118, %select_n3A_159 : vector<16xi1>, vector<16xf32>
    %and3A_161 = arith.andi %gt3A_25, %lt3A_27 : vector<16xi1>
    %sub3A_162 = arith.subf %mul3A_68, %mul3A_104 : vector<16xf32>
    %add3A_163 = arith.addf %sub3A_162, %select_n3A_160 : vector<16xf32>
    %max3A_164 = arith.constant 0.000000e+00 : f32
    %max3A_165 = vector.broadcast %max3A_164 : f32 to vector<16xf32>
    %max3A_166 = arith.maximumf %add3A_163, %max3A_165 : vector<16xf32>
    %jit3A = arith.constant 0.000000e+00 : f32
    %broadcast_in_dim3A_167 = vector.broadcast %jit3A : f32 to vector<16xf32>
    %select_n3A_168 = arith.select %and3A_161, %max3A_166, %broadcast_in_dim3A_167 : vector<16xi1>, vector<16xf32>
    %add3A_169 = arith.addf %broadcast_in_dim3A_12, %select_n3A_168 : vector<16xf32>
    %jit3A_170 = arith.constant 1.000000e+00 : f32
    %jit3A_171 = arith.constant 0.000000e+00 : f32
    %broadcast_in_dim3A_172 = vector.broadcast %jit3A_170 : f32 to vector<16xf32>
    %broadcast_in_dim3A_173 = vector.broadcast %jit3A_171 : f32 to vector<16xf32>
    %select_n3A_174 = arith.select %and3A_161, %broadcast_in_dim3A_172, %broadcast_in_dim3A_173 : vector<16xi1>, vector<16xf32>
    %add3A_175 = arith.addf %broadcast_in_dim3A_14, %select_n3A_174 : vector<16xf32>
    %get3A_176 = arith.constant 16 : index
    %get3A_177 = tpu.vector_load %arg7[%get3A_176] {strides = array<i32>} : memref<256xf32, #tpu.memory_space<vmem>>, vector<16xf32>,
    %get3A_178 = vector.shape_cast %get3A_177 : vector<16xf32> to vector<16xf32>
    %get3A_179 = arith.constant 16 : index
    %get3A_180 = tpu.vector_load %arg8[%get3A_179] {strides = array<i32>} : memref<256xi32, #tpu.memory_space<vmem>>, vector<16xi32>,
    %get3A_181 = vector.shape_cast %get3A_180 : vector<16xi32> to vector<16xi32>
    %get3A_182 = arith.constant 16 : index
    %get3A_183 = tpu.vector_load %arg9[%get3A_182] {strides = array<i32>} : memref<256xi32, #tpu.memory_space<vmem>>, vector<16xi32>,
    %get3A_184 = vector.shape_cast %get3A_183 : vector<16xi32> to vector<16xi32>
    %gt3A_185 = arith.constant 0xFF800000 : f32
    %gt3A_186 = vector.broadcast %gt3A_185 : f32 to vector<16xf32>
    %gt3A_187 = arith.cmpf ogt, %get3A_178, %gt3A_186 : vector<16xf32>
    %lt3A_188 = arith.constant 2139095040 : i32
    %lt3A_189 = vector.broadcast %lt3A_188 : i32 to vector<16xi32>
    %lt3A_190 = arith.cmpi slt, %get3A_181, %lt3A_189 : vector<16xi32>
    %and3A_191 = arith.constant 7 : i32
    %and3A_192 = vector.broadcast %and3A_191 : i32 to vector<16xi32>
    %and3A_193 = arith.andi %get3A_181, %and3A_192 : vector<16xi32>
    %and3A_194 = arith.constant -8 : i32
    %and3A_195 = vector.broadcast %and3A_194 : i32 to vector<16xi32>
    %and3A_196 = arith.andi %get3A_181, %and3A_195 : vector<16xi32>
    %bitcast_convert_type3A_197 = tpu.bitcast %and3A_196 : vector<16xi32> -> vector<16xf32>
    %max3A_198 = arith.constant 0.000000e+00 : f32
    %max3A_199 = vector.broadcast %max3A_198 : f32 to vector<16xf32>
    %max3A_200 = arith.maximumf %get3A_178, %max3A_199 : vector<16xf32>
    %bitcast_convert_type3A_201 = tpu.bitcast %max3A_200 : vector<16xf32> -> vector<16xi32>
    %shift_right_arithmetic3A_202 = arith.constant 1 : i32
    %shift_right_arithmetic3A_203 = vector.broadcast %shift_right_arithmetic3A_202 : i32 to vector<16xi32>
    %shift_right_arithmetic3A_204 = arith.shrsi %bitcast_convert_type3A_201, %shift_right_arithmetic3A_203 : vector<16xi32>
    %sub3A_205 = arith.constant 1597463007 : i32
    %sub3A_206 = vector.broadcast %sub3A_205 : i32 to vector<16xi32>
    %sub3A_207 = arith.subi %sub3A_206, %shift_right_arithmetic3A_204 : vector<16xi32>
    %bitcast_convert_type3A_208 = tpu.bitcast %sub3A_207 : vector<16xi32> -> vector<16xf32>
    %mul3A_209 = arith.constant 5.000000e-01 : f32
    %mul3A_210 = vector.broadcast %mul3A_209 : f32 to vector<16xf32>
    %mul3A_211 = arith.mulf %mul3A_210, %max3A_200 : vector<16xf32>
    %mul3A_212 = arith.mulf %mul3A_211, %bitcast_convert_type3A_208 : vector<16xf32>
    %mul3A_213 = arith.mulf %mul3A_212, %bitcast_convert_type3A_208 : vector<16xf32>
    %sub3A_214 = arith.constant 1.500000e+00 : f32
    %sub3A_215 = vector.broadcast %sub3A_214 : f32 to vector<16xf32>
    %sub3A_216 = arith.subf %sub3A_215, %mul3A_213 : vector<16xf32>
    %mul3A_217 = arith.mulf %bitcast_convert_type3A_208, %sub3A_216 : vector<16xf32>
    %mul3A_218 = arith.constant 5.000000e-01 : f32
    %mul3A_219 = vector.broadcast %mul3A_218 : f32 to vector<16xf32>
    %mul3A_220 = arith.mulf %mul3A_219, %max3A_200 : vector<16xf32>
    %mul3A_221 = arith.mulf %mul3A_220, %mul3A_217 : vector<16xf32>
    %mul3A_222 = arith.mulf %mul3A_221, %mul3A_217 : vector<16xf32>
    %sub3A_223 = arith.constant 1.500000e+00 : f32
    %sub3A_224 = vector.broadcast %sub3A_223 : f32 to vector<16xf32>
    %sub3A_225 = arith.subf %sub3A_224, %mul3A_222 : vector<16xf32>
    %mul3A_226 = arith.mulf %mul3A_217, %sub3A_225 : vector<16xf32>
    %mul3A_227 = arith.constant 5.000000e-01 : f32
    %mul3A_228 = vector.broadcast %mul3A_227 : f32 to vector<16xf32>
    %mul3A_229 = arith.mulf %mul3A_228, %max3A_200 : vector<16xf32>
    %mul3A_230 = arith.mulf %mul3A_229, %mul3A_226 : vector<16xf32>
    %mul3A_231 = arith.mulf %mul3A_230, %mul3A_226 : vector<16xf32>
    %sub3A_232 = arith.constant 1.500000e+00 : f32
    %sub3A_233 = vector.broadcast %sub3A_232 : f32 to vector<16xf32>
    %sub3A_234 = arith.subf %sub3A_233, %mul3A_231 : vector<16xf32>
    %mul3A_235 = arith.mulf %mul3A_226, %sub3A_234 : vector<16xf32>
    %mul3A_236 = arith.mulf %max3A_200, %mul3A_235 : vector<16xf32>
    %bitcast_convert_type3A_237 = tpu.bitcast %bitcast_convert_type3A_197 : vector<16xf32> -> vector<16xi32>
    %shift_right_arithmetic3A_238 = arith.constant 1 : i32
    %shift_right_arithmetic3A_239 = vector.broadcast %shift_right_arithmetic3A_238 : i32 to vector<16xi32>
    %shift_right_arithmetic3A_240 = arith.shrsi %bitcast_convert_type3A_237, %shift_right_arithmetic3A_239 : vector<16xi32>
    %sub3A_241 = arith.constant 1597463007 : i32
    %sub3A_242 = vector.broadcast %sub3A_241 : i32 to vector<16xi32>
    %sub3A_243 = arith.subi %sub3A_242, %shift_right_arithmetic3A_240 : vector<16xi32>
    %bitcast_convert_type3A_244 = tpu.bitcast %sub3A_243 : vector<16xi32> -> vector<16xf32>
    %mul3A_245 = arith.constant 5.000000e-01 : f32
    %mul3A_246 = vector.broadcast %mul3A_245 : f32 to vector<16xf32>
    %mul3A_247 = arith.mulf %mul3A_246, %bitcast_convert_type3A_197 : vector<16xf32>
    %mul3A_248 = arith.mulf %mul3A_247, %bitcast_convert_type3A_244 : vector<16xf32>
    %mul3A_249 = arith.mulf %mul3A_248, %bitcast_convert_type3A_244 : vector<16xf32>
    %sub3A_250 = arith.constant 1.500000e+00 : f32
    %sub3A_251 = vector.broadcast %sub3A_250 : f32 to vector<16xf32>
    %sub3A_252 = arith.subf %sub3A_251, %mul3A_249 : vector<16xf32>
    %mul3A_253 = arith.mulf %bitcast_convert_type3A_244, %sub3A_252 : vector<16xf32>
    %mul3A_254 = arith.constant 5.000000e-01 : f32
    %mul3A_255 = vector.broadcast %mul3A_254 : f32 to vector<16xf32>
    %mul3A_256 = arith.mulf %mul3A_255, %bitcast_convert_type3A_197 : vector<16xf32>
    %mul3A_257 = arith.mulf %mul3A_256, %mul3A_253 : vector<16xf32>
    %mul3A_258 = arith.mulf %mul3A_257, %mul3A_253 : vector<16xf32>
    %sub3A_259 = arith.constant 1.500000e+00 : f32
    %sub3A_260 = vector.broadcast %sub3A_259 : f32 to vector<16xf32>
    %sub3A_261 = arith.subf %sub3A_260, %mul3A_258 : vector<16xf32>
    %mul3A_262 = arith.mulf %mul3A_253, %sub3A_261 : vector<16xf32>
    %mul3A_263 = arith.constant 5.000000e-01 : f32
    %mul3A_264 = vector.broadcast %mul3A_263 : f32 to vector<16xf32>
    %mul3A_265 = arith.mulf %mul3A_264, %bitcast_convert_type3A_197 : vector<16xf32>
    %mul3A_266 = arith.mulf %mul3A_265, %mul3A_262 : vector<16xf32>
    %mul3A_267 = arith.mulf %mul3A_266, %mul3A_262 : vector<16xf32>
    %sub3A_268 = arith.constant 1.500000e+00 : f32
    %sub3A_269 = vector.broadcast %sub3A_268 : f32 to vector<16xf32>
    %sub3A_270 = arith.subf %sub3A_269, %mul3A_267 : vector<16xf32>
    %mul3A_271 = arith.mulf %mul3A_262, %sub3A_270 : vector<16xf32>
    %mul3A_272 = arith.mulf %bitcast_convert_type3A_197, %mul3A_271 : vector<16xf32>
    %mul3A_273 = arith.constant 8 : i32
    %mul3A_274 = vector.broadcast %mul3A_273 : i32 to vector<16xi32>
    %mul3A_275 = arith.muli %get3A_184, %mul3A_274 : vector<16xi32>
    %add3A_276 = arith.addi %mul3A_275, %and3A_193 : vector<16xi32>
    %and3A_277 = arith.constant 15 : i32
    %and3A_278 = vector.broadcast %and3A_277 : i32 to vector<16xi32>
    %and3A_279 = arith.andi %add3A_276, %and3A_278 : vector<16xi32>
    %lt3A_280 = arith.constant 0 : i32
    %lt3A_281 = vector.broadcast %lt3A_280 : i32 to vector<16xi32>
    %lt3A_282 = arith.cmpi slt, %and3A_279, %lt3A_281 : vector<16xi32>
    %add3A_283 = arith.constant 16 : i32
    %add3A_284 = vector.broadcast %add3A_283 : i32 to vector<16xi32>
    %add3A_285 = arith.addi %and3A_279, %add3A_284 : vector<16xi32>
    %select_n3A_286 = arith.select %lt3A_282, %add3A_285, %and3A_279 : vector<16xi1>, vector<16xi32>
    %broadcast_in_dim3A_287 = vector.shape_cast %select_n3A_286 : vector<16xi32> to vector<16x1xi32>
    %gather3A_288 = vector.shape_cast %broadcast_in_dim3A_287 : vector<16x1xi32> to vector<16xi32>
    %gather3A_289 = tpu.dynamic_gather %get3A_2[%gather3A_288] in [0] : vector<16xf32>, vector<16xi32> -> vector<16xf32>
    %lt3A_290 = arith.constant 0 : i32
    %lt3A_291 = vector.broadcast %lt3A_290 : i32 to vector<16xi32>
    %lt3A_292 = arith.cmpi slt, %and3A_279, %lt3A_291 : vector<16xi32>
    %add3A_293 = arith.constant 16 : i32
    %add3A_294 = vector.broadcast %add3A_293 : i32 to vector<16xi32>
    %add3A_295 = arith.addi %and3A_279, %add3A_294 : vector<16xi32>
    %select_n3A_296 = arith.select %lt3A_292, %add3A_295, %and3A_279 : vector<16xi1>, vector<16xi32>
    %broadcast_in_dim3A_297 = vector.shape_cast %select_n3A_296 : vector<16xi32> to vector<16x1xi32>
    %gather3A_298 = vector.shape_cast %broadcast_in_dim3A_297 : vector<16x1xi32> to vector<16xi32>
    %gather3A_299 = tpu.dynamic_gather %get3A_5[%gather3A_298] in [0] : vector<16xf32>, vector<16xi32> -> vector<16xf32>
    %lt3A_300 = arith.constant 0 : i32
    %lt3A_301 = vector.broadcast %lt3A_300 : i32 to vector<16xi32>
    %lt3A_302 = arith.cmpi slt, %and3A_279, %lt3A_301 : vector<16xi32>
    %add3A_303 = arith.constant 16 : i32
    %add3A_304 = vector.broadcast %add3A_303 : i32 to vector<16xi32>
    %add3A_305 = arith.addi %and3A_279, %add3A_304 : vector<16xi32>
    %select_n3A_306 = arith.select %lt3A_302, %add3A_305, %and3A_279 : vector<16xi1>, vector<16xi32>
    %broadcast_in_dim3A_307 = vector.shape_cast %select_n3A_306 : vector<16xi32> to vector<16x1xi32>
    %gather3A_308 = vector.shape_cast %broadcast_in_dim3A_307 : vector<16x1xi32> to vector<16xi32>
    %gather3A_309 = tpu.dynamic_gather %get3A_8[%gather3A_308] in [0] : vector<16xf32>, vector<16xi32> -> vector<16xf32>
    %lt3A_310 = arith.constant 0 : i32
    %lt3A_311 = vector.broadcast %lt3A_310 : i32 to vector<16xi32>
    %lt3A_312 = arith.cmpi slt, %and3A_279, %lt3A_311 : vector<16xi32>
    %add3A_313 = arith.constant 16 : i32
    %add3A_314 = vector.broadcast %add3A_313 : i32 to vector<16xi32>
    %add3A_315 = arith.addi %and3A_279, %add3A_314 : vector<16xi32>
    %select_n3A_316 = arith.select %lt3A_312, %add3A_315, %and3A_279 : vector<16xi1>, vector<16xi32>
    %broadcast_in_dim3A_317 = vector.shape_cast %select_n3A_316 : vector<16xi32> to vector<16x1xi32>
    %gather3A_318 = vector.shape_cast %broadcast_in_dim3A_317 : vector<16x1xi32> to vector<16xi32>
    %gather3A_319 = tpu.dynamic_gather %get3A_11[%gather3A_318] in [0] : vector<16xf32>, vector<16xi32> -> vector<16xf32>
    %lt3A_320 = arith.constant 16 : i32
    %lt3A_321 = vector.broadcast %lt3A_320 : i32 to vector<16xi32>
    %lt3A_322 = arith.cmpi slt, %add3A_276, %lt3A_321 : vector<16xi32>
    %lt3A_323 = arith.constant 32 : i32
    %lt3A_324 = vector.broadcast %lt3A_323 : i32 to vector<16xi32>
    %lt3A_325 = arith.cmpi slt, %add3A_276, %lt3A_324 : vector<16xi32>
    %lt3A_326 = arith.constant 48 : i32
    %lt3A_327 = vector.broadcast %lt3A_326 : i32 to vector<16xi32>
    %lt3A_328 = arith.cmpi slt, %add3A_276, %lt3A_327 : vector<16xi32>
    %select_n3A_329 = arith.select %lt3A_328, %gather3A_309, %gather3A_319 : vector<16xi1>, vector<16xf32>
    %select_n3A_330 = arith.select %lt3A_325, %gather3A_299, %select_n3A_329 : vector<16xi1>, vector<16xf32>
    %select_n3A_331 = arith.select %lt3A_322, %gather3A_289, %select_n3A_330 : vector<16xi1>, vector<16xf32>
    %and3A_332 = arith.andi %gt3A_187, %lt3A_190 : vector<16xi1>
    %sub3A_333 = arith.subf %mul3A_236, %mul3A_272 : vector<16xf32>
    %add3A_334 = arith.addf %sub3A_333, %select_n3A_331 : vector<16xf32>
    %max3A_335 = arith.constant 0.000000e+00 : f32
    %max3A_336 = vector.broadcast %max3A_335 : f32 to vector<16xf32>
    %max3A_337 = arith.maximumf %add3A_334, %max3A_336 : vector<16xf32>
    %jit3A_338 = arith.constant 0.000000e+00 : f32
    %broadcast_in_dim3A_339 = vector.broadcast %jit3A_338 : f32 to vector<16xf32>
    %select_n3A_340 = arith.select %and3A_332, %max3A_337, %broadcast_in_dim3A_339 : vector<16xi1>, vector<16xf32>
    %add3A_341 = arith.addf %add3A_169, %select_n3A_340 : vector<16xf32>
    %jit3A_342 = arith.constant 1.000000e+00 : f32
    %jit3A_343 = arith.constant 0.000000e+00 : f32
    %broadcast_in_dim3A_344 = vector.broadcast %jit3A_342 : f32 to vector<16xf32>
    %broadcast_in_dim3A_345 = vector.broadcast %jit3A_343 : f32 to vector<16xf32>
    %select_n3A_346 = arith.select %and3A_332, %broadcast_in_dim3A_344, %broadcast_in_dim3A_345 : vector<16xi1>, vector<16xf32>
    %add3A_347 = arith.addf %add3A_175, %select_n3A_346 : vector<16xf32>
    %get3A_348 = arith.constant 32 : index
    %get3A_349 = tpu.vector_load %arg7[%get3A_348] {strides = array<i32>} : memref<256xf32, #tpu.memory_space<vmem>>, vector<16xf32>,
    %get3A_350 = vector.shape_cast %get3A_349 : vector<16xf32> to vector<16xf32>
    %get3A_351 = arith.constant 32 : index
    %get3A_352 = tpu.vector_load %arg8[%get3A_351] {strides = array<i32>} : memref<256xi32, #tpu.memory_space<vmem>>, vector<16xi32>,
    %get3A_353 = vector.shape_cast %get3A_352 : vector<16xi32> to vector<16xi32>
    %get3A_354 = arith.constant 32 : index
    %get3A_355 = tpu.vector_load %arg9[%get3A_354] {strides = array<i32>} : memref<256xi32, #tpu.memory_space<vmem>>, vector<16xi32>,
    %get3A_356 = vector.shape_cast %get3A_355 : vector<16xi32> to vector<16xi32>
    %gt3A_357 = arith.constant 0xFF800000 : f32
    %gt3A_358 = vector.broadcast %gt3A_357 : f32 to vector<16xf32>
    %gt3A_359 = arith.cmpf ogt, %get3A_350, %gt3A_358 : vector<16xf32>
    %lt3A_360 = arith.constant 2139095040 : i32
    %lt3A_361 = vector.broadcast %lt3A_360 : i32 to vector<16xi32>
    %lt3A_362 = arith.cmpi slt, %get3A_353, %lt3A_361 : vector<16xi32>
    %and3A_363 = arith.constant 7 : i32
    %and3A_364 = vector.broadcast %and3A_363 : i32 to vector<16xi32>
    %and3A_365 = arith.andi %get3A_353, %and3A_364 : vector<16xi32>
    %and3A_366 = arith.constant -8 : i32
    %and3A_367 = vector.broadcast %and3A_366 : i32 to vector<16xi32>
    %and3A_368 = arith.andi %get3A_353, %and3A_367 : vector<16xi32>
    %bitcast_convert_type3A_369 = tpu.bitcast %and3A_368 : vector<16xi32> -> vector<16xf32>
    %max3A_370 = arith.constant 0.000000e+00 : f32
    %max3A_371 = vector.broadcast %max3A_370 : f32 to vector<16xf32>
    %max3A_372 = arith.maximumf %get3A_350, %max3A_371 : vector<16xf32>
    %bitcast_convert_type3A_373 = tpu.bitcast %max3A_372 : vector<16xf32> -> vector<16xi32>
    %shift_right_arithmetic3A_374 = arith.constant 1 : i32
    %shift_right_arithmetic3A_375 = vector.broadcast %shift_right_arithmetic3A_374 : i32 to vector<16xi32>
    %shift_right_arithmetic3A_376 = arith.shrsi %bitcast_convert_type3A_373, %shift_right_arithmetic3A_375 : vector<16xi32>
    %sub3A_377 = arith.constant 1597463007 : i32
    %sub3A_378 = vector.broadcast %sub3A_377 : i32 to vector<16xi32>
    %sub3A_379 = arith.subi %sub3A_378, %shift_right_arithmetic3A_376 : vector<16xi32>
    %bitcast_convert_type3A_380 = tpu.bitcast %sub3A_379 : vector<16xi32> -> vector<16xf32>
    %mul3A_381 = arith.constant 5.000000e-01 : f32
    %mul3A_382 = vector.broadcast %mul3A_381 : f32 to vector<16xf32>
    %mul3A_383 = arith.mulf %mul3A_382, %max3A_372 : vector<16xf32>
    %mul3A_384 = arith.mulf %mul3A_383, %bitcast_convert_type3A_380 : vector<16xf32>
    %mul3A_385 = arith.mulf %mul3A_384, %bitcast_convert_type3A_380 : vector<16xf32>
    %sub3A_386 = arith.constant 1.500000e+00 : f32
    %sub3A_387 = vector.broadcast %sub3A_386 : f32 to vector<16xf32>
    %sub3A_388 = arith.subf %sub3A_387, %mul3A_385 : vector<16xf32>
    %mul3A_389 = arith.mulf %bitcast_convert_type3A_380, %sub3A_388 : vector<16xf32>
    %mul3A_390 = arith.constant 5.000000e-01 : f32
    %mul3A_391 = vector.broadcast %mul3A_390 : f32 to vector<16xf32>
    %mul3A_392 = arith.mulf %mul3A_391, %max3A_372 : vector<16xf32>
    %mul3A_393 = arith.mulf %mul3A_392, %mul3A_389 : vector<16xf32>
    %mul3A_394 = arith.mulf %mul3A_393, %mul3A_389 : vector<16xf32>
    %sub3A_395 = arith.constant 1.500000e+00 : f32
    %sub3A_396 = vector.broadcast %sub3A_395 : f32 to vector<16xf32>
    %sub3A_397 = arith.subf %sub3A_396, %mul3A_394 : vector<16xf32>
    %mul3A_398 = arith.mulf %mul3A_389, %sub3A_397 : vector<16xf32>
    %mul3A_399 = arith.constant 5.000000e-01 : f32
    %mul3A_400 = vector.broadcast %mul3A_399 : f32 to vector<16xf32>
    %mul3A_401 = arith.mulf %mul3A_400, %max3A_372 : vector<16xf32>
    %mul3A_402 = arith.mulf %mul3A_401, %mul3A_398 : vector<16xf32>
    %mul3A_403 = arith.mulf %mul3A_402, %mul3A_398 : vector<16xf32>
    %sub3A_404 = arith.constant 1.500000e+00 : f32
    %sub3A_405 = vector.broadcast %sub3A_404 : f32 to vector<16xf32>
    %sub3A_406 = arith.subf %sub3A_405, %mul3A_403 : vector<16xf32>
    %mul3A_407 = arith.mulf %mul3A_398, %sub3A_406 : vector<16xf32>
    %mul3A_408 = arith.mulf %max3A_372, %mul3A_407 : vector<16xf32>
    %bitcast_convert_type3A_409 = tpu.bitcast %bitcast_convert_type3A_369 : vector<16xf32> -> vector<16xi32>
    %shift_right_arithmetic3A_410 = arith.constant 1 : i32
    %shift_right_arithmetic3A_411 = vector.broadcast %shift_right_arithmetic3A_410 : i32 to vector<16xi32>
    %shift_right_arithmetic3A_412 = arith.shrsi %bitcast_convert_type3A_409, %shift_right_arithmetic3A_411 : vector<16xi32>
    %sub3A_413 = arith.constant 1597463007 : i32
    %sub3A_414 = vector.broadcast %sub3A_413 : i32 to vector<16xi32>
    %sub3A_415 = arith.subi %sub3A_414, %shift_right_arithmetic3A_412 : vector<16xi32>
    %bitcast_convert_type3A_416 = tpu.bitcast %sub3A_415 : vector<16xi32> -> vector<16xf32>
    %mul3A_417 = arith.constant 5.000000e-01 : f32
    %mul3A_418 = vector.broadcast %mul3A_417 : f32 to vector<16xf32>
    %mul3A_419 = arith.mulf %mul3A_418, %bitcast_convert_type3A_369 : vector<16xf32>
    %mul3A_420 = arith.mulf %mul3A_419, %bitcast_convert_type3A_416 : vector<16xf32>
    %mul3A_421 = arith.mulf %mul3A_420, %bitcast_convert_type3A_416 : vector<16xf32>
    %sub3A_422 = arith.constant 1.500000e+00 : f32
    %sub3A_423 = vector.broadcast %sub3A_422 : f32 to vector<16xf32>
    %sub3A_424 = arith.subf %sub3A_423, %mul3A_421 : vector<16xf32>
    %mul3A_425 = arith.mulf %bitcast_convert_type3A_416, %sub3A_424 : vector<16xf32>
    %mul3A_426 = arith.constant 5.000000e-01 : f32
    %mul3A_427 = vector.broadcast %mul3A_426 : f32 to vector<16xf32>
    %mul3A_428 = arith.mulf %mul3A_427, %bitcast_convert_type3A_369 : vector<16xf32>
    %mul3A_429 = arith.mulf %mul3A_428, %mul3A_425 : vector<16xf32>
    %mul3A_430 = arith.mulf %mul3A_429, %mul3A_425 : vector<16xf32>
    %sub3A_431 = arith.constant 1.500000e+00 : f32
    %sub3A_432 = vector.broadcast %sub3A_431 : f32 to vector<16xf32>
    %sub3A_433 = arith.subf %sub3A_432, %mul3A_430 : vector<16xf32>
    %mul3A_434 = arith.mulf %mul3A_425, %sub3A_433 : vector<16xf32>
    %mul3A_435 = arith.constant 5.000000e-01 : f32
    %mul3A_436 = vector.broadcast %mul3A_435 : f32 to vector<16xf32>
    %mul3A_437 = arith.mulf %mul3A_436, %bitcast_convert_type3A_369 : vector<16xf32>
    %mul3A_438 = arith.mulf %mul3A_437, %mul3A_434 : vector<16xf32>
    %mul3A_439 = arith.mulf %mul3A_438, %mul3A_434 : vector<16xf32>
    %sub3A_440 = arith.constant 1.500000e+00 : f32
    %sub3A_441 = vector.broadcast %sub3A_440 : f32 to vector<16xf32>
    %sub3A_442 = arith.subf %sub3A_441, %mul3A_439 : vector<16xf32>
    %mul3A_443 = arith.mulf %mul3A_434, %sub3A_442 : vector<16xf32>
    %mul3A_444 = arith.mulf %bitcast_convert_type3A_369, %mul3A_443 : vector<16xf32>
    %mul3A_445 = arith.constant 8 : i32
    %mul3A_446 = vector.broadcast %mul3A_445 : i32 to vector<16xi32>
    %mul3A_447 = arith.muli %get3A_356, %mul3A_446 : vector<16xi32>
    %add3A_448 = arith.addi %mul3A_447, %and3A_365 : vector<16xi32>
    %and3A_449 = arith.constant 15 : i32
    %and3A_450 = vector.broadcast %and3A_449 : i32 to vector<16xi32>
    %and3A_451 = arith.andi %add3A_448, %and3A_450 : vector<16xi32>
    %lt3A_452 = arith.constant 0 : i32
    %lt3A_453 = vector.broadcast %lt3A_452 : i32 to vector<16xi32>
    %lt3A_454 = arith.cmpi slt, %and3A_451, %lt3A_453 : vector<16xi32>
    %add3A_455 = arith.constant 16 : i32
    %add3A_456 = vector.broadcast %add3A_455 : i32 to vector<16xi32>
    %add3A_457 = arith.addi %and3A_451, %add3A_456 : vector<16xi32>
    %select_n3A_458 = arith.select %lt3A_454, %add3A_457, %and3A_451 : vector<16xi1>, vector<16xi32>
    %broadcast_in_dim3A_459 = vector.shape_cast %select_n3A_458 : vector<16xi32> to vector<16x1xi32>
    %gather3A_460 = vector.shape_cast %broadcast_in_dim3A_459 : vector<16x1xi32> to vector<16xi32>
    %gather3A_461 = tpu.dynamic_gather %get3A_2[%gather3A_460] in [0] : vector<16xf32>, vector<16xi32> -> vector<16xf32>
    %lt3A_462 = arith.constant 0 : i32
    %lt3A_463 = vector.broadcast %lt3A_462 : i32 to vector<16xi32>
    %lt3A_464 = arith.cmpi slt, %and3A_451, %lt3A_463 : vector<16xi32>
    %add3A_465 = arith.constant 16 : i32
    %add3A_466 = vector.broadcast %add3A_465 : i32 to vector<16xi32>
    %add3A_467 = arith.addi %and3A_451, %add3A_466 : vector<16xi32>
    %select_n3A_468 = arith.select %lt3A_464, %add3A_467, %and3A_451 : vector<16xi1>, vector<16xi32>
    %broadcast_in_dim3A_469 = vector.shape_cast %select_n3A_468 : vector<16xi32> to vector<16x1xi32>
    %gather3A_470 = vector.shape_cast %broadcast_in_dim3A_469 : vector<16x1xi32> to vector<16xi32>
    %gather3A_471 = tpu.dynamic_gather %get3A_5[%gather3A_470] in [0] : vector<16xf32>, vector<16xi32> -> vector<16xf32>
    %lt3A_472 = arith.constant 0 : i32
    %lt3A_473 = vector.broadcast %lt3A_472 : i32 to vector<16xi32>
    %lt3A_474 = arith.cmpi slt, %and3A_451, %lt3A_473 : vector<16xi32>
    %add3A_475 = arith.constant 16 : i32
    %add3A_476 = vector.broadcast %add3A_475 : i32 to vector<16xi32>
    %add3A_477 = arith.addi %and3A_451, %add3A_476 : vector<16xi32>
    %select_n3A_478 = arith.select %lt3A_474, %add3A_477, %and3A_451 : vector<16xi1>, vector<16xi32>
    %broadcast_in_dim3A_479 = vector.shape_cast %select_n3A_478 : vector<16xi32> to vector<16x1xi32>
    %gather3A_480 = vector.shape_cast %broadcast_in_dim3A_479 : vector<16x1xi32> to vector<16xi32>
    %gather3A_481 = tpu.dynamic_gather %get3A_8[%gather3A_480] in [0] : vector<16xf32>, vector<16xi32> -> vector<16xf32>
    %lt3A_482 = arith.constant 0 : i32
    %lt3A_483 = vector.broadcast %lt3A_482 : i32 to vector<16xi32>
    %lt3A_484 = arith.cmpi slt, %and3A_451, %lt3A_483 : vector<16xi32>
    %add3A_485 = arith.constant 16 : i32
    %add3A_486 = vector.broadcast %add3A_485 : i32 to vector<16xi32>
    %add3A_487 = arith.addi %and3A_451, %add3A_486 : vector<16xi32>
    %select_n3A_488 = arith.select %lt3A_484, %add3A_487, %and3A_451 : vector<16xi1>, vector<16xi32>
    %broadcast_in_dim3A_489 = vector.shape_cast %select_n3A_488 : vector<16xi32> to vector<16x1xi32>
    %gather3A_490 = vector.shape_cast %broadcast_in_dim3A_489 : vector<16x1xi32> to vector<16xi32>
    %gather3A_491 = tpu.dynamic_gather %get3A_11[%gather3A_490] in [0] : vector<16xf32>, vector<16xi32> -> vector<16xf32>
    %lt3A_492 = arith.constant 16 : i32
    %lt3A_493 = vector.broadcast %lt3A_492 : i32 to vector<16xi32>
    %lt3A_494 = arith.cmpi slt, %add3A_448, %lt3A_493 : vector<16xi32>
    %lt3A_495 = arith.constant 32 : i32
    %lt3A_496 = vector.broadcast %lt3A_495 : i32 to vector<16xi32>
    %lt3A_497 = arith.cmpi slt, %add3A_448, %lt3A_496 : vector<16xi32>
    %lt3A_498 = arith.constant 48 : i32
    %lt3A_499 = vector.broadcast %lt3A_498 : i32 to vector<16xi32>
    %lt3A_500 = arith.cmpi slt, %add3A_448, %lt3A_499 : vector<16xi32>
    %select_n3A_501 = arith.select %lt3A_500, %gather3A_481, %gather3A_491 : vector<16xi1>, vector<16xf32>
    %select_n3A_502 = arith.select %lt3A_497, %gather3A_471, %select_n3A_501 : vector<16xi1>, vector<16xf32>
    %select_n3A_503 = arith.select %lt3A_494, %gather3A_461, %select_n3A_502 : vector<16xi1>, vector<16xf32>
    %and3A_504 = arith.andi %gt3A_359, %lt3A_362 : vector<16xi1>
    %sub3A_505 = arith.subf %mul3A_408, %mul3A_444 : vector<16xf32>
    %add3A_506 = arith.addf %sub3A_505, %select_n3A_503 : vector<16xf32>
    %max3A_507 = arith.constant 0.000000e+00 : f32
    %max3A_508 = vector.broadcast %max3A_507 : f32 to vector<16xf32>
    %max3A_509 = arith.maximumf %add3A_506, %max3A_508 : vector<16xf32>
    %jit3A_510 = arith.constant 0.000000e+00 : f32
    %broadcast_in_dim3A_511 = vector.broadcast %jit3A_510 : f32 to vector<16xf32>
    %select_n3A_512 = arith.select %and3A_504, %max3A_509, %broadcast_in_dim3A_511 : vector<16xi1>, vector<16xf32>
    %add3A_513 = arith.addf %add3A_341, %select_n3A_512 : vector<16xf32>
    %jit3A_514 = arith.constant 1.000000e+00 : f32
    %jit3A_515 = arith.constant 0.000000e+00 : f32
    %broadcast_in_dim3A_516 = vector.broadcast %jit3A_514 : f32 to vector<16xf32>
    %broadcast_in_dim3A_517 = vector.broadcast %jit3A_515 : f32 to vector<16xf32>
    %select_n3A_518 = arith.select %and3A_504, %broadcast_in_dim3A_516, %broadcast_in_dim3A_517 : vector<16xi1>, vector<16xf32>
    %add3A_519 = arith.addf %add3A_347, %select_n3A_518 : vector<16xf32>
    %get3A_520 = arith.constant 48 : index
    %get3A_521 = tpu.vector_load %arg7[%get3A_520] {strides = array<i32>} : memref<256xf32, #tpu.memory_space<vmem>>, vector<16xf32>,
    %get3A_522 = vector.shape_cast %get3A_521 : vector<16xf32> to vector<16xf32>
    %get3A_523 = arith.constant 48 : index
    %get3A_524 = tpu.vector_load %arg8[%get3A_523] {strides = array<i32>} : memref<256xi32, #tpu.memory_space<vmem>>, vector<16xi32>,
    %get3A_525 = vector.shape_cast %get3A_524 : vector<16xi32> to vector<16xi32>
    %get3A_526 = arith.constant 48 : index
    %get3A_527 = tpu.vector_load %arg9[%get3A_526] {strides = array<i32>} : memref<256xi32, #tpu.memory_space<vmem>>, vector<16xi32>,
    %get3A_528 = vector.shape_cast %get3A_527 : vector<16xi32> to vector<16xi32>
    %gt3A_529 = arith.constant 0xFF800000 : f32
    %gt3A_530 = vector.broadcast %gt3A_529 : f32 to vector<16xf32>
    %gt3A_531 = arith.cmpf ogt, %get3A_522, %gt3A_530 : vector<16xf32>
    %lt3A_532 = arith.constant 2139095040 : i32
    %lt3A_533 = vector.broadcast %lt3A_532 : i32 to vector<16xi32>
    %lt3A_534 = arith.cmpi slt, %get3A_525, %lt3A_533 : vector<16xi32>
    %and3A_535 = arith.constant 7 : i32
    %and3A_536 = vector.broadcast %and3A_535 : i32 to vector<16xi32>
    %and3A_537 = arith.andi %get3A_525, %and3A_536 : vector<16xi32>
    %and3A_538 = arith.constant -8 : i32
    %and3A_539 = vector.broadcast %and3A_538 : i32 to vector<16xi32>
    %and3A_540 = arith.andi %get3A_525, %and3A_539 : vector<16xi32>
    %bitcast_convert_type3A_541 = tpu.bitcast %and3A_540 : vector<16xi32> -> vector<16xf32>
    %max3A_542 = arith.constant 0.000000e+00 : f32
    %max3A_543 = vector.broadcast %max3A_542 : f32 to vector<16xf32>
    %max3A_544 = arith.maximumf %get3A_522, %max3A_543 : vector<16xf32>
    %bitcast_convert_type3A_545 = tpu.bitcast %max3A_544 : vector<16xf32> -> vector<16xi32>
    %shift_right_arithmetic3A_546 = arith.constant 1 : i32
    %shift_right_arithmetic3A_547 = vector.broadcast %shift_right_arithmetic3A_546 : i32 to vector<16xi32>
    %shift_right_arithmetic3A_548 = arith.shrsi %bitcast_convert_type3A_545, %shift_right_arithmetic3A_547 : vector<16xi32>
    %sub3A_549 = arith.constant 1597463007 : i32
    %sub3A_550 = vector.broadcast %sub3A_549 : i32 to vector<16xi32>
    %sub3A_551 = arith.subi %sub3A_550, %shift_right_arithmetic3A_548 : vector<16xi32>
    %bitcast_convert_type3A_552 = tpu.bitcast %sub3A_551 : vector<16xi32> -> vector<16xf32>
    %mul3A_553 = arith.constant 5.000000e-01 : f32
    %mul3A_554 = vector.broadcast %mul3A_553 : f32 to vector<16xf32>
    %mul3A_555 = arith.mulf %mul3A_554, %max3A_544 : vector<16xf32>
    %mul3A_556 = arith.mulf %mul3A_555, %bitcast_convert_type3A_552 : vector<16xf32>
    %mul3A_557 = arith.mulf %mul3A_556, %bitcast_convert_type3A_552 : vector<16xf32>
    %sub3A_558 = arith.constant 1.500000e+00 : f32
    %sub3A_559 = vector.broadcast %sub3A_558 : f32 to vector<16xf32>
    %sub3A_560 = arith.subf %sub3A_559, %mul3A_557 : vector<16xf32>
    %mul3A_561 = arith.mulf %bitcast_convert_type3A_552, %sub3A_560 : vector<16xf32>
    %mul3A_562 = arith.constant 5.000000e-01 : f32
    %mul3A_563 = vector.broadcast %mul3A_562 : f32 to vector<16xf32>
    %mul3A_564 = arith.mulf %mul3A_563, %max3A_544 : vector<16xf32>
    %mul3A_565 = arith.mulf %mul3A_564, %mul3A_561 : vector<16xf32>
    %mul3A_566 = arith.mulf %mul3A_565, %mul3A_561 : vector<16xf32>
    %sub3A_567 = arith.constant 1.500000e+00 : f32
    %sub3A_568 = vector.broadcast %sub3A_567 : f32 to vector<16xf32>
    %sub3A_569 = arith.subf %sub3A_568, %mul3A_566 : vector<16xf32>
    %mul3A_570 = arith.mulf %mul3A_561, %sub3A_569 : vector<16xf32>
    %mul3A_571 = arith.constant 5.000000e-01 : f32
    %mul3A_572 = vector.broadcast %mul3A_571 : f32 to vector<16xf32>
    %mul3A_573 = arith.mulf %mul3A_572, %max3A_544 : vector<16xf32>
    %mul3A_574 = arith.mulf %mul3A_573, %mul3A_570 : vector<16xf32>
    %mul3A_575 = arith.mulf %mul3A_574, %mul3A_570 : vector<16xf32>
    %sub3A_576 = arith.constant 1.500000e+00 : f32
    %sub3A_577 = vector.broadcast %sub3A_576 : f32 to vector<16xf32>
    %sub3A_578 = arith.subf %sub3A_577, %mul3A_575 : vector<16xf32>
    %mul3A_579 = arith.mulf %mul3A_570, %sub3A_578 : vector<16xf32>
    %mul3A_580 = arith.mulf %max3A_544, %mul3A_579 : vector<16xf32>
    %bitcast_convert_type3A_581 = tpu.bitcast %bitcast_convert_type3A_541 : vector<16xf32> -> vector<16xi32>
    %shift_right_arithmetic3A_582 = arith.constant 1 : i32
    %shift_right_arithmetic3A_583 = vector.broadcast %shift_right_arithmetic3A_582 : i32 to vector<16xi32>
    %shift_right_arithmetic3A_584 = arith.shrsi %bitcast_convert_type3A_581, %shift_right_arithmetic3A_583 : vector<16xi32>
    %sub3A_585 = arith.constant 1597463007 : i32
    %sub3A_586 = vector.broadcast %sub3A_585 : i32 to vector<16xi32>
    %sub3A_587 = arith.subi %sub3A_586, %shift_right_arithmetic3A_584 : vector<16xi32>
    %bitcast_convert_type3A_588 = tpu.bitcast %sub3A_587 : vector<16xi32> -> vector<16xf32>
    %mul3A_589 = arith.constant 5.000000e-01 : f32
    %mul3A_590 = vector.broadcast %mul3A_589 : f32 to vector<16xf32>
    %mul3A_591 = arith.mulf %mul3A_590, %bitcast_convert_type3A_541 : vector<16xf32>
    %mul3A_592 = arith.mulf %mul3A_591, %bitcast_convert_type3A_588 : vector<16xf32>
    %mul3A_593 = arith.mulf %mul3A_592, %bitcast_convert_type3A_588 : vector<16xf32>
    %sub3A_594 = arith.constant 1.500000e+00 : f32
    %sub3A_595 = vector.broadcast %sub3A_594 : f32 to vector<16xf32>
    %sub3A_596 = arith.subf %sub3A_595, %mul3A_593 : vector<16xf32>
    %mul3A_597 = arith.mulf %bitcast_convert_type3A_588, %sub3A_596 : vector<16xf32>
    %mul3A_598 = arith.constant 5.000000e-01 : f32
    %mul3A_599 = vector.broadcast %mul3A_598 : f32 to vector<16xf32>
    %mul3A_600 = arith.mulf %mul3A_599, %bitcast_convert_type3A_541 : vector<16xf32>
    %mul3A_601 = arith.mulf %mul3A_600, %mul3A_597 : vector<16xf32>
    %mul3A_602 = arith.mulf %mul3A_601, %mul3A_597 : vector<16xf32>
    %sub3A_603 = arith.constant 1.500000e+00 : f32
    %sub3A_604 = vector.broadcast %sub3A_603 : f32 to vector<16xf32>
    %sub3A_605 = arith.subf %sub3A_604, %mul3A_602 : vector<16xf32>
    %mul3A_606 = arith.mulf %mul3A_597, %sub3A_605 : vector<16xf32>
    %mul3A_607 = arith.constant 5.000000e-01 : f32
    %mul3A_608 = vector.broadcast %mul3A_607 : f32 to vector<16xf32>
    %mul3A_609 = arith.mulf %mul3A_608, %bitcast_convert_type3A_541 : vector<16xf32>
    %mul3A_610 = arith.mulf %mul3A_609, %mul3A_606 : vector<16xf32>
    %mul3A_611 = arith.mulf %mul3A_610, %mul3A_606 : vector<16xf32>
    %sub3A_612 = arith.constant 1.500000e+00 : f32
    %sub3A_613 = vector.broadcast %sub3A_612 : f32 to vector<16xf32>
    %sub3A_614 = arith.subf %sub3A_613, %mul3A_611 : vector<16xf32>
    %mul3A_615 = arith.mulf %mul3A_606, %sub3A_614 : vector<16xf32>
    %mul3A_616 = arith.mulf %bitcast_convert_type3A_541, %mul3A_615 : vector<16xf32>
    %mul3A_617 = arith.constant 8 : i32
    %mul3A_618 = vector.broadcast %mul3A_617 : i32 to vector<16xi32>
    %mul3A_619 = arith.muli %get3A_528, %mul3A_618 : vector<16xi32>
    %add3A_620 = arith.addi %mul3A_619, %and3A_537 : vector<16xi32>
    %and3A_621 = arith.constant 15 : i32
    %and3A_622 = vector.broadcast %and3A_621 : i32 to vector<16xi32>
    %and3A_623 = arith.andi %add3A_620, %and3A_622 : vector<16xi32>
    %lt3A_624 = arith.constant 0 : i32
    %lt3A_625 = vector.broadcast %lt3A_624 : i32 to vector<16xi32>
    %lt3A_626 = arith.cmpi slt, %and3A_623, %lt3A_625 : vector<16xi32>
    %add3A_627 = arith.constant 16 : i32
    %add3A_628 = vector.broadcast %add3A_627 : i32 to vector<16xi32>
    %add3A_629 = arith.addi %and3A_623, %add3A_628 : vector<16xi32>
    %select_n3A_630 = arith.select %lt3A_626, %add3A_629, %and3A_623 : vector<16xi1>, vector<16xi32>
    %broadcast_in_dim3A_631 = vector.shape_cast %select_n3A_630 : vector<16xi32> to vector<16x1xi32>
    %gather3A_632 = vector.shape_cast %broadcast_in_dim3A_631 : vector<16x1xi32> to vector<16xi32>
    %gather3A_633 = tpu.dynamic_gather %get3A_2[%gather3A_632] in [0] : vector<16xf32>, vector<16xi32> -> vector<16xf32>
    %lt3A_634 = arith.constant 0 : i32
    %lt3A_635 = vector.broadcast %lt3A_634 : i32 to vector<16xi32>
    %lt3A_636 = arith.cmpi slt, %and3A_623, %lt3A_635 : vector<16xi32>
    %add3A_637 = arith.constant 16 : i32
    %add3A_638 = vector.broadcast %add3A_637 : i32 to vector<16xi32>
    %add3A_639 = arith.addi %and3A_623, %add3A_638 : vector<16xi32>
    %select_n3A_640 = arith.select %lt3A_636, %add3A_639, %and3A_623 : vector<16xi1>, vector<16xi32>
    %broadcast_in_dim3A_641 = vector.shape_cast %select_n3A_640 : vector<16xi32> to vector<16x1xi32>
    %gather3A_642 = vector.shape_cast %broadcast_in_dim3A_641 : vector<16x1xi32> to vector<16xi32>
    %gather3A_643 = tpu.dynamic_gather %get3A_5[%gather3A_642] in [0] : vector<16xf32>, vector<16xi32> -> vector<16xf32>
    %lt3A_644 = arith.constant 0 : i32
    %lt3A_645 = vector.broadcast %lt3A_644 : i32 to vector<16xi32>
    %lt3A_646 = arith.cmpi slt, %and3A_623, %lt3A_645 : vector<16xi32>
    %add3A_647 = arith.constant 16 : i32
    %add3A_648 = vector.broadcast %add3A_647 : i32 to vector<16xi32>
    %add3A_649 = arith.addi %and3A_623, %add3A_648 : vector<16xi32>
    %select_n3A_650 = arith.select %lt3A_646, %add3A_649, %and3A_623 : vector<16xi1>, vector<16xi32>
    %broadcast_in_dim3A_651 = vector.shape_cast %select_n3A_650 : vector<16xi32> to vector<16x1xi32>
    %gather3A_652 = vector.shape_cast %broadcast_in_dim3A_651 : vector<16x1xi32> to vector<16xi32>
    %gather3A_653 = tpu.dynamic_gather %get3A_8[%gather3A_652] in [0] : vector<16xf32>, vector<16xi32> -> vector<16xf32>
    %lt3A_654 = arith.constant 0 : i32
    %lt3A_655 = vector.broadcast %lt3A_654 : i32 to vector<16xi32>
    %lt3A_656 = arith.cmpi slt, %and3A_623, %lt3A_655 : vector<16xi32>
    %add3A_657 = arith.constant 16 : i32
    %add3A_658 = vector.broadcast %add3A_657 : i32 to vector<16xi32>
    %add3A_659 = arith.addi %and3A_623, %add3A_658 : vector<16xi32>
    %select_n3A_660 = arith.select %lt3A_656, %add3A_659, %and3A_623 : vector<16xi1>, vector<16xi32>
    %broadcast_in_dim3A_661 = vector.shape_cast %select_n3A_660 : vector<16xi32> to vector<16x1xi32>
    %gather3A_662 = vector.shape_cast %broadcast_in_dim3A_661 : vector<16x1xi32> to vector<16xi32>
    %gather3A_663 = tpu.dynamic_gather %get3A_11[%gather3A_662] in [0] : vector<16xf32>, vector<16xi32> -> vector<16xf32>
    %lt3A_664 = arith.constant 16 : i32
    %lt3A_665 = vector.broadcast %lt3A_664 : i32 to vector<16xi32>
    %lt3A_666 = arith.cmpi slt, %add3A_620, %lt3A_665 : vector<16xi32>
    %lt3A_667 = arith.constant 32 : i32
    %lt3A_668 = vector.broadcast %lt3A_667 : i32 to vector<16xi32>
    %lt3A_669 = arith.cmpi slt, %add3A_620, %lt3A_668 : vector<16xi32>
    %lt3A_670 = arith.constant 48 : i32
    %lt3A_671 = vector.broadcast %lt3A_670 : i32 to vector<16xi32>
    %lt3A_672 = arith.cmpi slt, %add3A_620, %lt3A_671 : vector<16xi32>
    %select_n3A_673 = arith.select %lt3A_672, %gather3A_653, %gather3A_663 : vector<16xi1>, vector<16xf32>
    %select_n3A_674 = arith.select %lt3A_669, %gather3A_643, %select_n3A_673 : vector<16xi1>, vector<16xf32>
    %select_n3A_675 = arith.select %lt3A_666, %gather3A_633, %select_n3A_674 : vector<16xi1>, vector<16xf32>
    %and3A_676 = arith.andi %gt3A_531, %lt3A_534 : vector<16xi1>
    %sub3A_677 = arith.subf %mul3A_580, %mul3A_616 : vector<16xf32>
    %add3A_678 = arith.addf %sub3A_677, %select_n3A_675 : vector<16xf32>
    %max3A_679 = arith.constant 0.000000e+00 : f32
    %max3A_680 = vector.broadcast %max3A_679 : f32 to vector<16xf32>
    %max3A_681 = arith.maximumf %add3A_678, %max3A_680 : vector<16xf32>
    %jit3A_682 = arith.constant 0.000000e+00 : f32
    %broadcast_in_dim3A_683 = vector.broadcast %jit3A_682 : f32 to vector<16xf32>
    %select_n3A_684 = arith.select %and3A_676, %max3A_681, %broadcast_in_dim3A_683 : vector<16xi1>, vector<16xf32>
    %add3A_685 = arith.addf %add3A_513, %select_n3A_684 : vector<16xf32>
    %jit3A_686 = arith.constant 1.000000e+00 : f32
    %jit3A_687 = arith.constant 0.000000e+00 : f32
    %broadcast_in_dim3A_688 = vector.broadcast %jit3A_686 : f32 to vector<16xf32>
    %broadcast_in_dim3A_689 = vector.broadcast %jit3A_687 : f32 to vector<16xf32>
    %select_n3A_690 = arith.select %and3A_676, %broadcast_in_dim3A_688, %broadcast_in_dim3A_689 : vector<16xi1>, vector<16xf32>
    %add3A_691 = arith.addf %add3A_519, %select_n3A_690 : vector<16xf32>
    %get3A_692 = arith.constant 64 : index
    %get3A_693 = tpu.vector_load %arg7[%get3A_692] {strides = array<i32>} : memref<256xf32, #tpu.memory_space<vmem>>, vector<16xf32>,
    %get3A_694 = vector.shape_cast %get3A_693 : vector<16xf32> to vector<16xf32>
    %get3A_695 = arith.constant 64 : index
    %get3A_696 = tpu.vector_load %arg8[%get3A_695] {strides = array<i32>} : memref<256xi32, #tpu.memory_space<vmem>>, vector<16xi32>,
    %get3A_697 = vector.shape_cast %get3A_696 : vector<16xi32> to vector<16xi32>
    %get3A_698 = arith.constant 64 : index
    %get3A_699 = tpu.vector_load %arg9[%get3A_698] {strides = array<i32>} : memref<256xi32, #tpu.memory_space<vmem>>, vector<16xi32>,
    %get3A_700 = vector.shape_cast %get3A_699 : vector<16xi32> to vector<16xi32>
    %gt3A_701 = arith.constant 0xFF800000 : f32
    %gt3A_702 = vector.broadcast %gt3A_701 : f32 to vector<16xf32>
    %gt3A_703 = arith.cmpf ogt, %get3A_694, %gt3A_702 : vector<16xf32>
    %lt3A_704 = arith.constant 2139095040 : i32
    %lt3A_705 = vector.broadcast %lt3A_704 : i32 to vector<16xi32>
    %lt3A_706 = arith.cmpi slt, %get3A_697, %lt3A_705 : vector<16xi32>
    %and3A_707 = arith.constant 7 : i32
    %and3A_708 = vector.broadcast %and3A_707 : i32 to vector<16xi32>
    %and3A_709 = arith.andi %get3A_697, %and3A_708 : vector<16xi32>
    %and3A_710 = arith.constant -8 : i32
    %and3A_711 = vector.broadcast %and3A_710 : i32 to vector<16xi32>
    %and3A_712 = arith.andi %get3A_697, %and3A_711 : vector<16xi32>
    %bitcast_convert_type3A_713 = tpu.bitcast %and3A_712 : vector<16xi32> -> vector<16xf32>
    %max3A_714 = arith.constant 0.000000e+00 : f32
    %max3A_715 = vector.broadcast %max3A_714 : f32 to vector<16xf32>
    %max3A_716 = arith.maximumf %get3A_694, %max3A_715 : vector<16xf32>
    %bitcast_convert_type3A_717 = tpu.bitcast %max3A_716 : vector<16xf32> -> vector<16xi32>
    %shift_right_arithmetic3A_718 = arith.constant 1 : i32
    %shift_right_arithmetic3A_719 = vector.broadcast %shift_right_arithmetic3A_718 : i32 to vector<16xi32>
    %shift_right_arithmetic3A_720 = arith.shrsi %bitcast_convert_type3A_717, %shift_right_arithmetic3A_719 : vector<16xi32>
    %sub3A_721 = arith.constant 1597463007 : i32
    %sub3A_722 = vector.broadcast %sub3A_721 : i32 to vector<16xi32>
    %sub3A_723 = arith.subi %sub3A_722, %shift_right_arithmetic3A_720 : vector<16xi32>
    %bitcast_convert_type3A_724 = tpu.bitcast %sub3A_723 : vector<16xi32> -> vector<16xf32>
    %mul3A_725 = arith.constant 5.000000e-01 : f32
    %mul3A_726 = vector.broadcast %mul3A_725 : f32 to vector<16xf32>
    %mul3A_727 = arith.mulf %mul3A_726, %max3A_716 : vector<16xf32>
    %mul3A_728 = arith.mulf %mul3A_727, %bitcast_convert_type3A_724 : vector<16xf32>
    %mul3A_729 = arith.mulf %mul3A_728, %bitcast_convert_type3A_724 : vector<16xf32>
    %sub3A_730 = arith.constant 1.500000e+00 : f32
    %sub3A_731 = vector.broadcast %sub3A_730 : f32 to vector<16xf32>
    %sub3A_732 = arith.subf %sub3A_731, %mul3A_729 : vector<16xf32>
    %mul3A_733 = arith.mulf %bitcast_convert_type3A_724, %sub3A_732 : vector<16xf32>
    %mul3A_734 = arith.constant 5.000000e-01 : f32
    %mul3A_735 = vector.broadcast %mul3A_734 : f32 to vector<16xf32>
    %mul3A_736 = arith.mulf %mul3A_735, %max3A_716 : vector<16xf32>
    %mul3A_737 = arith.mulf %mul3A_736, %mul3A_733 : vector<16xf32>
    %mul3A_738 = arith.mulf %mul3A_737, %mul3A_733 : vector<16xf32>
    %sub3A_739 = arith.constant 1.500000e+00 : f32
    %sub3A_740 = vector.broadcast %sub3A_739 : f32 to vector<16xf32>
    %sub3A_741 = arith.subf %sub3A_740, %mul3A_738 : vector<16xf32>
    %mul3A_742 = arith.mulf %mul3A_733, %sub3A_741 : vector<16xf32>
    %mul3A_743 = arith.constant 5.000000e-01 : f32
    %mul3A_744 = vector.broadcast %mul3A_743 : f32 to vector<16xf32>
    %mul3A_745 = arith.mulf %mul3A_744, %max3A_716 : vector<16xf32>
    %mul3A_746 = arith.mulf %mul3A_745, %mul3A_742 : vector<16xf32>
    %mul3A_747 = arith.mulf %mul3A_746, %mul3A_742 : vector<16xf32>
    %sub3A_748 = arith.constant 1.500000e+00 : f32
    %sub3A_749 = vector.broadcast %sub3A_748 : f32 to vector<16xf32>
    %sub3A_750 = arith.subf %sub3A_749, %mul3A_747 : vector<16xf32>
    %mul3A_751 = arith.mulf %mul3A_742, %sub3A_750 : vector<16xf32>
    %mul3A_752 = arith.mulf %max3A_716, %mul3A_751 : vector<16xf32>
    %bitcast_convert_type3A_753 = tpu.bitcast %bitcast_convert_type3A_713 : vector<16xf32> -> vector<16xi32>
    %shift_right_arithmetic3A_754 = arith.constant 1 : i32
    %shift_right_arithmetic3A_755 = vector.broadcast %shift_right_arithmetic3A_754 : i32 to vector<16xi32>
    %shift_right_arithmetic3A_756 = arith.shrsi %bitcast_convert_type3A_753, %shift_right_arithmetic3A_755 : vector<16xi32>
    %sub3A_757 = arith.constant 1597463007 : i32
    %sub3A_758 = vector.broadcast %sub3A_757 : i32 to vector<16xi32>
    %sub3A_759 = arith.subi %sub3A_758, %shift_right_arithmetic3A_756 : vector<16xi32>
    %bitcast_convert_type3A_760 = tpu.bitcast %sub3A_759 : vector<16xi32> -> vector<16xf32>
    %mul3A_761 = arith.constant 5.000000e-01 : f32
    %mul3A_762 = vector.broadcast %mul3A_761 : f32 to vector<16xf32>
    %mul3A_763 = arith.mulf %mul3A_762, %bitcast_convert_type3A_713 : vector<16xf32>
    %mul3A_764 = arith.mulf %mul3A_763, %bitcast_convert_type3A_760 : vector<16xf32>
    %mul3A_765 = arith.mulf %mul3A_764, %bitcast_convert_type3A_760 : vector<16xf32>
    %sub3A_766 = arith.constant 1.500000e+00 : f32
    %sub3A_767 = vector.broadcast %sub3A_766 : f32 to vector<16xf32>
    %sub3A_768 = arith.subf %sub3A_767, %mul3A_765 : vector<16xf32>
    %mul3A_769 = arith.mulf %bitcast_convert_type3A_760, %sub3A_768 : vector<16xf32>
    %mul3A_770 = arith.constant 5.000000e-01 : f32
    %mul3A_771 = vector.broadcast %mul3A_770 : f32 to vector<16xf32>
    %mul3A_772 = arith.mulf %mul3A_771, %bitcast_convert_type3A_713 : vector<16xf32>
    %mul3A_773 = arith.mulf %mul3A_772, %mul3A_769 : vector<16xf32>
    %mul3A_774 = arith.mulf %mul3A_773, %mul3A_769 : vector<16xf32>
    %sub3A_775 = arith.constant 1.500000e+00 : f32
    %sub3A_776 = vector.broadcast %sub3A_775 : f32 to vector<16xf32>
    %sub3A_777 = arith.subf %sub3A_776, %mul3A_774 : vector<16xf32>
    %mul3A_778 = arith.mulf %mul3A_769, %sub3A_777 : vector<16xf32>
    %mul3A_779 = arith.constant 5.000000e-01 : f32
    %mul3A_780 = vector.broadcast %mul3A_779 : f32 to vector<16xf32>
    %mul3A_781 = arith.mulf %mul3A_780, %bitcast_convert_type3A_713 : vector<16xf32>
    %mul3A_782 = arith.mulf %mul3A_781, %mul3A_778 : vector<16xf32>
    %mul3A_783 = arith.mulf %mul3A_782, %mul3A_778 : vector<16xf32>
    %sub3A_784 = arith.constant 1.500000e+00 : f32
    %sub3A_785 = vector.broadcast %sub3A_784 : f32 to vector<16xf32>
    %sub3A_786 = arith.subf %sub3A_785, %mul3A_783 : vector<16xf32>
    %mul3A_787 = arith.mulf %mul3A_778, %sub3A_786 : vector<16xf32>
    %mul3A_788 = arith.mulf %bitcast_convert_type3A_713, %mul3A_787 : vector<16xf32>
    %mul3A_789 = arith.constant 8 : i32
    %mul3A_790 = vector.broadcast %mul3A_789 : i32 to vector<16xi32>
    %mul3A_791 = arith.muli %get3A_700, %mul3A_790 : vector<16xi32>
    %add3A_792 = arith.addi %mul3A_791, %and3A_709 : vector<16xi32>
    %and3A_793 = arith.constant 15 : i32
    %and3A_794 = vector.broadcast %and3A_793 : i32 to vector<16xi32>
    %and3A_795 = arith.andi %add3A_792, %and3A_794 : vector<16xi32>
    %lt3A_796 = arith.constant 0 : i32
    %lt3A_797 = vector.broadcast %lt3A_796 : i32 to vector<16xi32>
    %lt3A_798 = arith.cmpi slt, %and3A_795, %lt3A_797 : vector<16xi32>
    %add3A_799 = arith.constant 16 : i32
    %add3A_800 = vector.broadcast %add3A_799 : i32 to vector<16xi32>
    %add3A_801 = arith.addi %and3A_795, %add3A_800 : vector<16xi32>
    %select_n3A_802 = arith.select %lt3A_798, %add3A_801, %and3A_795 : vector<16xi1>, vector<16xi32>
    %broadcast_in_dim3A_803 = vector.shape_cast %select_n3A_802 : vector<16xi32> to vector<16x1xi32>
    %gather3A_804 = vector.shape_cast %broadcast_in_dim3A_803 : vector<16x1xi32> to vector<16xi32>
    %gather3A_805 = tpu.dynamic_gather %get3A_2[%gather3A_804] in [0] : vector<16xf32>, vector<16xi32> -> vector<16xf32>
    %lt3A_806 = arith.constant 0 : i32
    %lt3A_807 = vector.broadcast %lt3A_806 : i32 to vector<16xi32>
    %lt3A_808 = arith.cmpi slt, %and3A_795, %lt3A_807 : vector<16xi32>
    %add3A_809 = arith.constant 16 : i32
    %add3A_810 = vector.broadcast %add3A_809 : i32 to vector<16xi32>
    %add3A_811 = arith.addi %and3A_795, %add3A_810 : vector<16xi32>
    %select_n3A_812 = arith.select %lt3A_808, %add3A_811, %and3A_795 : vector<16xi1>, vector<16xi32>
    %broadcast_in_dim3A_813 = vector.shape_cast %select_n3A_812 : vector<16xi32> to vector<16x1xi32>
    %gather3A_814 = vector.shape_cast %broadcast_in_dim3A_813 : vector<16x1xi32> to vector<16xi32>
    %gather3A_815 = tpu.dynamic_gather %get3A_5[%gather3A_814] in [0] : vector<16xf32>, vector<16xi32> -> vector<16xf32>
    %lt3A_816 = arith.constant 0 : i32
    %lt3A_817 = vector.broadcast %lt3A_816 : i32 to vector<16xi32>
    %lt3A_818 = arith.cmpi slt, %and3A_795, %lt3A_817 : vector<16xi32>
    %add3A_819 = arith.constant 16 : i32
    %add3A_820 = vector.broadcast %add3A_819 : i32 to vector<16xi32>
    %add3A_821 = arith.addi %and3A_795, %add3A_820 : vector<16xi32>
    %select_n3A_822 = arith.select %lt3A_818, %add3A_821, %and3A_795 : vector<16xi1>, vector<16xi32>
    %broadcast_in_dim3A_823 = vector.shape_cast %select_n3A_822 : vector<16xi32> to vector<16x1xi32>
    %gather3A_824 = vector.shape_cast %broadcast_in_dim3A_823 : vector<16x1xi32> to vector<16xi32>
    %gather3A_825 = tpu.dynamic_gather %get3A_8[%gather3A_824] in [0] : vector<16xf32>, vector<16xi32> -> vector<16xf32>
    %lt3A_826 = arith.constant 0 : i32
    %lt3A_827 = vector.broadcast %lt3A_826 : i32 to vector<16xi32>
    %lt3A_828 = arith.cmpi slt, %and3A_795, %lt3A_827 : vector<16xi32>
    %add3A_829 = arith.constant 16 : i32
    %add3A_830 = vector.broadcast %add3A_829 : i32 to vector<16xi32>
    %add3A_831 = arith.addi %and3A_795, %add3A_830 : vector<16xi32>
    %select_n3A_832 = arith.select %lt3A_828, %add3A_831, %and3A_795 : vector<16xi1>, vector<16xi32>
    %broadcast_in_dim3A_833 = vector.shape_cast %select_n3A_832 : vector<16xi32> to vector<16x1xi32>
    %gather3A_834 = vector.shape_cast %broadcast_in_dim3A_833 : vector<16x1xi32> to vector<16xi32>
    %gather3A_835 = tpu.dynamic_gather %get3A_11[%gather3A_834] in [0] : vector<16xf32>, vector<16xi32> -> vector<16xf32>
    %lt3A_836 = arith.constant 16 : i32
    %lt3A_837 = vector.broadcast %lt3A_836 : i32 to vector<16xi32>
    %lt3A_838 = arith.cmpi slt, %add3A_792, %lt3A_837 : vector<16xi32>
    %lt3A_839 = arith.constant 32 : i32
    %lt3A_840 = vector.broadcast %lt3A_839 : i32 to vector<16xi32>
    %lt3A_841 = arith.cmpi slt, %add3A_792, %lt3A_840 : vector<16xi32>
    %lt3A_842 = arith.constant 48 : i32
    %lt3A_843 = vector.broadcast %lt3A_842 : i32 to vector<16xi32>
    %lt3A_844 = arith.cmpi slt, %add3A_792, %lt3A_843 : vector<16xi32>
    %select_n3A_845 = arith.select %lt3A_844, %gather3A_825, %gather3A_835 : vector<16xi1>, vector<16xf32>
    %select_n3A_846 = arith.select %lt3A_841, %gather3A_815, %select_n3A_845 : vector<16xi1>, vector<16xf32>
    %select_n3A_847 = arith.select %lt3A_838, %gather3A_805, %select_n3A_846 : vector<16xi1>, vector<16xf32>
    %and3A_848 = arith.andi %gt3A_703, %lt3A_706 : vector<16xi1>
    %sub3A_849 = arith.subf %mul3A_752, %mul3A_788 : vector<16xf32>
    %add3A_850 = arith.addf %sub3A_849, %select_n3A_847 : vector<16xf32>
    %max3A_851 = arith.constant 0.000000e+00 : f32
    %max3A_852 = vector.broadcast %max3A_851 : f32 to vector<16xf32>
    %max3A_853 = arith.maximumf %add3A_850, %max3A_852 : vector<16xf32>
    %jit3A_854 = arith.constant 0.000000e+00 : f32
    %broadcast_in_dim3A_855 = vector.broadcast %jit3A_854 : f32 to vector<16xf32>
    %select_n3A_856 = arith.select %and3A_848, %max3A_853, %broadcast_in_dim3A_855 : vector<16xi1>, vector<16xf32>
    %add3A_857 = arith.addf %add3A_685, %select_n3A_856 : vector<16xf32>
    %jit3A_858 = arith.constant 1.000000e+00 : f32
    %jit3A_859 = arith.constant 0.000000e+00 : f32
    %broadcast_in_dim3A_860 = vector.broadcast %jit3A_858 : f32 to vector<16xf32>
    %broadcast_in_dim3A_861 = vector.broadcast %jit3A_859 : f32 to vector<16xf32>
    %select_n3A_862 = arith.select %and3A_848, %broadcast_in_dim3A_860, %broadcast_in_dim3A_861 : vector<16xi1>, vector<16xf32>
    %add3A_863 = arith.addf %add3A_691, %select_n3A_862 : vector<16xf32>
    %get3A_864 = arith.constant 80 : index
    %get3A_865 = tpu.vector_load %arg7[%get3A_864] {strides = array<i32>} : memref<256xf32, #tpu.memory_space<vmem>>, vector<16xf32>,
    %get3A_866 = vector.shape_cast %get3A_865 : vector<16xf32> to vector<16xf32>
    %get3A_867 = arith.constant 80 : index
    %get3A_868 = tpu.vector_load %arg8[%get3A_867] {strides = array<i32>} : memref<256xi32, #tpu.memory_space<vmem>>, vector<16xi32>,
    %get3A_869 = vector.shape_cast %get3A_868 : vector<16xi32> to vector<16xi32>
    %get3A_870 = arith.constant 80 : index
    %get3A_871 = tpu.vector_load %arg9[%get3A_870] {strides = array<i32>} : memref<256xi32, #tpu.memory_space<vmem>>, vector<16xi32>,
    %get3A_872 = vector.shape_cast %get3A_871 : vector<16xi32> to vector<16xi32>
    %gt3A_873 = arith.constant 0xFF800000 : f32
    %gt3A_874 = vector.broadcast %gt3A_873 : f32 to vector<16xf32>
    %gt3A_875 = arith.cmpf ogt, %get3A_866, %gt3A_874 : vector<16xf32>
    %lt3A_876 = arith.constant 2139095040 : i32
    %lt3A_877 = vector.broadcast %lt3A_876 : i32 to vector<16xi32>
    %lt3A_878 = arith.cmpi slt, %get3A_869, %lt3A_877 : vector<16xi32>
    %and3A_879 = arith.constant 7 : i32
    %and3A_880 = vector.broadcast %and3A_879 : i32 to vector<16xi32>
    %and3A_881 = arith.andi %get3A_869, %and3A_880 : vector<16xi32>
    %and3A_882 = arith.constant -8 : i32
    %and3A_883 = vector.broadcast %and3A_882 : i32 to vector<16xi32>
    %and3A_884 = arith.andi %get3A_869, %and3A_883 : vector<16xi32>
    %bitcast_convert_type3A_885 = tpu.bitcast %and3A_884 : vector<16xi32> -> vector<16xf32>
    %max3A_886 = arith.constant 0.000000e+00 : f32
    %max3A_887 = vector.broadcast %max3A_886 : f32 to vector<16xf32>
    %max3A_888 = arith.maximumf %get3A_866, %max3A_887 : vector<16xf32>
    %bitcast_convert_type3A_889 = tpu.bitcast %max3A_888 : vector<16xf32> -> vector<16xi32>
    %shift_right_arithmetic3A_890 = arith.constant 1 : i32
    %shift_right_arithmetic3A_891 = vector.broadcast %shift_right_arithmetic3A_890 : i32 to vector<16xi32>
    %shift_right_arithmetic3A_892 = arith.shrsi %bitcast_convert_type3A_889, %shift_right_arithmetic3A_891 : vector<16xi32>
    %sub3A_893 = arith.constant 1597463007 : i32
    %sub3A_894 = vector.broadcast %sub3A_893 : i32 to vector<16xi32>
    %sub3A_895 = arith.subi %sub3A_894, %shift_right_arithmetic3A_892 : vector<16xi32>
    %bitcast_convert_type3A_896 = tpu.bitcast %sub3A_895 : vector<16xi32> -> vector<16xf32>
    %mul3A_897 = arith.constant 5.000000e-01 : f32
    %mul3A_898 = vector.broadcast %mul3A_897 : f32 to vector<16xf32>
    %mul3A_899 = arith.mulf %mul3A_898, %max3A_888 : vector<16xf32>
    %mul3A_900 = arith.mulf %mul3A_899, %bitcast_convert_type3A_896 : vector<16xf32>
    %mul3A_901 = arith.mulf %mul3A_900, %bitcast_convert_type3A_896 : vector<16xf32>
    %sub3A_902 = arith.constant 1.500000e+00 : f32
    %sub3A_903 = vector.broadcast %sub3A_902 : f32 to vector<16xf32>
    %sub3A_904 = arith.subf %sub3A_903, %mul3A_901 : vector<16xf32>
    %mul3A_905 = arith.mulf %bitcast_convert_type3A_896, %sub3A_904 : vector<16xf32>
    %mul3A_906 = arith.constant 5.000000e-01 : f32
    %mul3A_907 = vector.broadcast %mul3A_906 : f32 to vector<16xf32>
    %mul3A_908 = arith.mulf %mul3A_907, %max3A_888 : vector<16xf32>
    %mul3A_909 = arith.mulf %mul3A_908, %mul3A_905 : vector<16xf32>
    %mul3A_910 = arith.mulf %mul3A_909, %mul3A_905 : vector<16xf32>
    %sub3A_911 = arith.constant 1.500000e+00 : f32
    %sub3A_912 = vector.broadcast %sub3A_911 : f32 to vector<16xf32>
    %sub3A_913 = arith.subf %sub3A_912, %mul3A_910 : vector<16xf32>
    %mul3A_914 = arith.mulf %mul3A_905, %sub3A_913 : vector<16xf32>
    %mul3A_915 = arith.constant 5.000000e-01 : f32
    %mul3A_916 = vector.broadcast %mul3A_915 : f32 to vector<16xf32>
    %mul3A_917 = arith.mulf %mul3A_916, %max3A_888 : vector<16xf32>
    %mul3A_918 = arith.mulf %mul3A_917, %mul3A_914 : vector<16xf32>
    %mul3A_919 = arith.mulf %mul3A_918, %mul3A_914 : vector<16xf32>
    %sub3A_920 = arith.constant 1.500000e+00 : f32
    %sub3A_921 = vector.broadcast %sub3A_920 : f32 to vector<16xf32>
    %sub3A_922 = arith.subf %sub3A_921, %mul3A_919 : vector<16xf32>
    %mul3A_923 = arith.mulf %mul3A_914, %sub3A_922 : vector<16xf32>
    %mul3A_924 = arith.mulf %max3A_888, %mul3A_923 : vector<16xf32>
    %bitcast_convert_type3A_925 = tpu.bitcast %bitcast_convert_type3A_885 : vector<16xf32> -> vector<16xi32>
    %shift_right_arithmetic3A_926 = arith.constant 1 : i32
    %shift_right_arithmetic3A_927 = vector.broadcast %shift_right_arithmetic3A_926 : i32 to vector<16xi32>
    %shift_right_arithmetic3A_928 = arith.shrsi %bitcast_convert_type3A_925, %shift_right_arithmetic3A_927 : vector<16xi32>
    %sub3A_929 = arith.constant 1597463007 : i32
    %sub3A_930 = vector.broadcast %sub3A_929 : i32 to vector<16xi32>
    %sub3A_931 = arith.subi %sub3A_930, %shift_right_arithmetic3A_928 : vector<16xi32>
    %bitcast_convert_type3A_932 = tpu.bitcast %sub3A_931 : vector<16xi32> -> vector<16xf32>
    %mul3A_933 = arith.constant 5.000000e-01 : f32
    %mul3A_934 = vector.broadcast %mul3A_933 : f32 to vector<16xf32>
    %mul3A_935 = arith.mulf %mul3A_934, %bitcast_convert_type3A_885 : vector<16xf32>
    %mul3A_936 = arith.mulf %mul3A_935, %bitcast_convert_type3A_932 : vector<16xf32>
    %mul3A_937 = arith.mulf %mul3A_936, %bitcast_convert_type3A_932 : vector<16xf32>
    %sub3A_938 = arith.constant 1.500000e+00 : f32
    %sub3A_939 = vector.broadcast %sub3A_938 : f32 to vector<16xf32>
    %sub3A_940 = arith.subf %sub3A_939, %mul3A_937 : vector<16xf32>
    %mul3A_941 = arith.mulf %bitcast_convert_type3A_932, %sub3A_940 : vector<16xf32>
    %mul3A_942 = arith.constant 5.000000e-01 : f32
    %mul3A_943 = vector.broadcast %mul3A_942 : f32 to vector<16xf32>
    %mul3A_944 = arith.mulf %mul3A_943, %bitcast_convert_type3A_885 : vector<16xf32>
    %mul3A_945 = arith.mulf %mul3A_944, %mul3A_941 : vector<16xf32>
    %mul3A_946 = arith.mulf %mul3A_945, %mul3A_941 : vector<16xf32>
    %sub3A_947 = arith.constant 1.500000e+00 : f32
    %sub3A_948 = vector.broadcast %sub3A_947 : f32 to vector<16xf32>
    %sub3A_949 = arith.subf %sub3A_948, %mul3A_946 : vector<16xf32>
    %mul3A_950 = arith.mulf %mul3A_941, %sub3A_949 : vector<16xf32>
    %mul3A_951 = arith.constant 5.000000e-01 : f32
    %mul3A_952 = vector.broadcast %mul3A_951 : f32 to vector<16xf32>
    %mul3A_953 = arith.mulf %mul3A_952, %bitcast_convert_type3A_885 : vector<16xf32>
    %mul3A_954 = arith.mulf %mul3A_953, %mul3A_950 : vector<16xf32>
    %mul3A_955 = arith.mulf %mul3A_954, %mul3A_950 : vector<16xf32>
    %sub3A_956 = arith.constant 1.500000e+00 : f32
    %sub3A_957 = vector.broadcast %sub3A_956 : f32 to vector<16xf32>
    %sub3A_958 = arith.subf %sub3A_957, %mul3A_955 : vector<16xf32>
    %mul3A_959 = arith.mulf %mul3A_950, %sub3A_958 : vector<16xf32>
    %mul3A_960 = arith.mulf %bitcast_convert_type3A_885, %mul3A_959 : vector<16xf32>
    %mul3A_961 = arith.constant 8 : i32
    %mul3A_962 = vector.broadcast %mul3A_961 : i32 to vector<16xi32>
    %mul3A_963 = arith.muli %get3A_872, %mul3A_962 : vector<16xi32>
    %add3A_964 = arith.addi %mul3A_963, %and3A_881 : vector<16xi32>
    %and3A_965 = arith.constant 15 : i32
    %and3A_966 = vector.broadcast %and3A_965 : i32 to vector<16xi32>
    %and3A_967 = arith.andi %add3A_964, %and3A_966 : vector<16xi32>
    %lt3A_968 = arith.constant 0 : i32
    %lt3A_969 = vector.broadcast %lt3A_968 : i32 to vector<16xi32>
    %lt3A_970 = arith.cmpi slt, %and3A_967, %lt3A_969 : vector<16xi32>
    %add3A_971 = arith.constant 16 : i32
    %add3A_972 = vector.broadcast %add3A_971 : i32 to vector<16xi32>
    %add3A_973 = arith.addi %and3A_967, %add3A_972 : vector<16xi32>
    %select_n3A_974 = arith.select %lt3A_970, %add3A_973, %and3A_967 : vector<16xi1>, vector<16xi32>
    %broadcast_in_dim3A_975 = vector.shape_cast %select_n3A_974 : vector<16xi32> to vector<16x1xi32>
    %gather3A_976 = vector.shape_cast %broadcast_in_dim3A_975 : vector<16x1xi32> to vector<16xi32>
    %gather3A_977 = tpu.dynamic_gather %get3A_2[%gather3A_976] in [0] : vector<16xf32>, vector<16xi32> -> vector<16xf32>
    %lt3A_978 = arith.constant 0 : i32
    %lt3A_979 = vector.broadcast %lt3A_978 : i32 to vector<16xi32>
    %lt3A_980 = arith.cmpi slt, %and3A_967, %lt3A_979 : vector<16xi32>
    %add3A_981 = arith.constant 16 : i32
    %add3A_982 = vector.broadcast %add3A_981 : i32 to vector<16xi32>
    %add3A_983 = arith.addi %and3A_967, %add3A_982 : vector<16xi32>
    %select_n3A_984 = arith.select %lt3A_980, %add3A_983, %and3A_967 : vector<16xi1>, vector<16xi32>
    %broadcast_in_dim3A_985 = vector.shape_cast %select_n3A_984 : vector<16xi32> to vector<16x1xi32>
    %gather3A_986 = vector.shape_cast %broadcast_in_dim3A_985 : vector<16x1xi32> to vector<16xi32>
    %gather3A_987 = tpu.dynamic_gather %get3A_5[%gather3A_986] in [0] : vector<16xf32>, vector<16xi32> -> vector<16xf32>
    %lt3A_988 = arith.constant 0 : i32
    %lt3A_989 = vector.broadcast %lt3A_988 : i32 to vector<16xi32>
    %lt3A_990 = arith.cmpi slt, %and3A_967, %lt3A_989 : vector<16xi32>
    %add3A_991 = arith.constant 16 : i32
    %add3A_992 = vector.broadcast %add3A_991 : i32 to vector<16xi32>
    %add3A_993 = arith.addi %and3A_967, %add3A_992 : vector<16xi32>
    %select_n3A_994 = arith.select %lt3A_990, %add3A_993, %and3A_967 : vector<16xi1>, vector<16xi32>
    %broadcast_in_dim3A_995 = vector.shape_cast %select_n3A_994 : vector<16xi32> to vector<16x1xi32>
    %gather3A_996 = vector.shape_cast %broadcast_in_dim3A_995 : vector<16x1xi32> to vector<16xi32>
    %gather3A_997 = tpu.dynamic_gather %get3A_8[%gather3A_996] in [0] : vector<16xf32>, vector<16xi32> -> vector<16xf32>
    %lt3A_998 = arith.constant 0 : i32
    %lt3A_999 = vector.broadcast %lt3A_998 : i32 to vector<16xi32>
    %lt3A_1000 = arith.cmpi slt, %and3A_967, %lt3A_999 : vector<16xi32>
    %add3A_1001 = arith.constant 16 : i32
    %add3A_1002 = vector.broadcast %add3A_1001 : i32 to vector<16xi32>
    %add3A_1003 = arith.addi %and3A_967, %add3A_1002 : vector<16xi32>
    %select_n3A_1004 = arith.select %lt3A_1000, %add3A_1003, %and3A_967 : vector<16xi1>, vector<16xi32>
    %broadcast_in_dim3A_1005 = vector.shape_cast %select_n3A_1004 : vector<16xi32> to vector<16x1xi32>
    %gather3A_1006 = vector.shape_cast %broadcast_in_dim3A_1005 : vector<16x1xi32> to vector<16xi32>
    %gather3A_1007 = tpu.dynamic_gather %get3A_11[%gather3A_1006] in [0] : vector<16xf32>, vector<16xi32> -> vector<16xf32>
    %lt3A_1008 = arith.constant 16 : i32
    %lt3A_1009 = vector.broadcast %lt3A_1008 : i32 to vector<16xi32>
    %lt3A_1010 = arith.cmpi slt, %add3A_964, %lt3A_1009 : vector<16xi32>
    %lt3A_1011 = arith.constant 32 : i32
    %lt3A_1012 = vector.broadcast %lt3A_1011 : i32 to vector<16xi32>
    %lt3A_1013 = arith.cmpi slt, %add3A_964, %lt3A_1012 : vector<16xi32>
    %lt3A_1014 = arith.constant 48 : i32
    %lt3A_1015 = vector.broadcast %lt3A_1014 : i32 to vector<16xi32>
    %lt3A_1016 = arith.cmpi slt, %add3A_964, %lt3A_1015 : vector<16xi32>
    %select_n3A_1017 = arith.select %lt3A_1016, %gather3A_997, %gather3A_1007 : vector<16xi1>, vector<16xf32>
    %select_n3A_1018 = arith.select %lt3A_1013, %gather3A_987, %select_n3A_1017 : vector<16xi1>, vector<16xf32>
    %select_n3A_1019 = arith.select %lt3A_1010, %gather3A_977, %select_n3A_1018 : vector<16xi1>, vector<16xf32>
    %and3A_1020 = arith.andi %gt3A_875, %lt3A_878 : vector<16xi1>
    %sub3A_1021 = arith.subf %mul3A_924, %mul3A_960 : vector<16xf32>
    %add3A_1022 = arith.addf %sub3A_1021, %select_n3A_1019 : vector<16xf32>
    %max3A_1023 = arith.constant 0.000000e+00 : f32
    %max3A_1024 = vector.broadcast %max3A_1023 : f32 to vector<16xf32>
    %max3A_1025 = arith.maximumf %add3A_1022, %max3A_1024 : vector<16xf32>
    %jit3A_1026 = arith.constant 0.000000e+00 : f32
    %broadcast_in_dim3A_1027 = vector.broadcast %jit3A_1026 : f32 to vector<16xf32>
    %select_n3A_1028 = arith.select %and3A_1020, %max3A_1025, %broadcast_in_dim3A_1027 : vector<16xi1>, vector<16xf32>
    %add3A_1029 = arith.addf %add3A_857, %select_n3A_1028 : vector<16xf32>
    %jit3A_1030 = arith.constant 1.000000e+00 : f32
    %jit3A_1031 = arith.constant 0.000000e+00 : f32
    %broadcast_in_dim3A_1032 = vector.broadcast %jit3A_1030 : f32 to vector<16xf32>
    %broadcast_in_dim3A_1033 = vector.broadcast %jit3A_1031 : f32 to vector<16xf32>
    %select_n3A_1034 = arith.select %and3A_1020, %broadcast_in_dim3A_1032, %broadcast_in_dim3A_1033 : vector<16xi1>, vector<16xf32>
    %add3A_1035 = arith.addf %add3A_863, %select_n3A_1034 : vector<16xf32>
    %get3A_1036 = arith.constant 96 : index
    %get3A_1037 = tpu.vector_load %arg7[%get3A_1036] {strides = array<i32>} : memref<256xf32, #tpu.memory_space<vmem>>, vector<16xf32>,
    %get3A_1038 = vector.shape_cast %get3A_1037 : vector<16xf32> to vector<16xf32>
    %get3A_1039 = arith.constant 96 : index
    %get3A_1040 = tpu.vector_load %arg8[%get3A_1039] {strides = array<i32>} : memref<256xi32, #tpu.memory_space<vmem>>, vector<16xi32>,
    %get3A_1041 = vector.shape_cast %get3A_1040 : vector<16xi32> to vector<16xi32>
    %get3A_1042 = arith.constant 96 : index
    %get3A_1043 = tpu.vector_load %arg9[%get3A_1042] {strides = array<i32>} : memref<256xi32, #tpu.memory_space<vmem>>, vector<16xi32>,
    %get3A_1044 = vector.shape_cast %get3A_1043 : vector<16xi32> to vector<16xi32>
    %gt3A_1045 = arith.constant 0xFF800000 : f32
    %gt3A_1046 = vector.broadcast %gt3A_1045 : f32 to vector<16xf32>
    %gt3A_1047 = arith.cmpf ogt, %get3A_1038, %gt3A_1046 : vector<16xf32>
    %lt3A_1048 = arith.constant 2139095040 : i32
    %lt3A_1049 = vector.broadcast %lt3A_1048 : i32 to vector<16xi32>
    %lt3A_1050 = arith.cmpi slt, %get3A_1041, %lt3A_1049 : vector<16xi32>
    %and3A_1051 = arith.constant 7 : i32
    %and3A_1052 = vector.broadcast %and3A_1051 : i32 to vector<16xi32>
    %and3A_1053 = arith.andi %get3A_1041, %and3A_1052 : vector<16xi32>
    %and3A_1054 = arith.constant -8 : i32
    %and3A_1055 = vector.broadcast %and3A_1054 : i32 to vector<16xi32>
    %and3A_1056 = arith.andi %get3A_1041, %and3A_1055 : vector<16xi32>
    %bitcast_convert_type3A_1057 = tpu.bitcast %and3A_1056 : vector<16xi32> -> vector<16xf32>
    %max3A_1058 = arith.constant 0.000000e+00 : f32
    %max3A_1059 = vector.broadcast %max3A_1058 : f32 to vector<16xf32>
    %max3A_1060 = arith.maximumf %get3A_1038, %max3A_1059 : vector<16xf32>
    %bitcast_convert_type3A_1061 = tpu.bitcast %max3A_1060 : vector<16xf32> -> vector<16xi32>
    %shift_right_arithmetic3A_1062 = arith.constant 1 : i32
    %shift_right_arithmetic3A_1063 = vector.broadcast %shift_right_arithmetic3A_1062 : i32 to vector<16xi32>
    %shift_right_arithmetic3A_1064 = arith.shrsi %bitcast_convert_type3A_1061, %shift_right_arithmetic3A_1063 : vector<16xi32>
    %sub3A_1065 = arith.constant 1597463007 : i32
    %sub3A_1066 = vector.broadcast %sub3A_1065 : i32 to vector<16xi32>
    %sub3A_1067 = arith.subi %sub3A_1066, %shift_right_arithmetic3A_1064 : vector<16xi32>
    %bitcast_convert_type3A_1068 = tpu.bitcast %sub3A_1067 : vector<16xi32> -> vector<16xf32>
    %mul3A_1069 = arith.constant 5.000000e-01 : f32
    %mul3A_1070 = vector.broadcast %mul3A_1069 : f32 to vector<16xf32>
    %mul3A_1071 = arith.mulf %mul3A_1070, %max3A_1060 : vector<16xf32>
    %mul3A_1072 = arith.mulf %mul3A_1071, %bitcast_convert_type3A_1068 : vector<16xf32>
    %mul3A_1073 = arith.mulf %mul3A_1072, %bitcast_convert_type3A_1068 : vector<16xf32>
    %sub3A_1074 = arith.constant 1.500000e+00 : f32
    %sub3A_1075 = vector.broadcast %sub3A_1074 : f32 to vector<16xf32>
    %sub3A_1076 = arith.subf %sub3A_1075, %mul3A_1073 : vector<16xf32>
    %mul3A_1077 = arith.mulf %bitcast_convert_type3A_1068, %sub3A_1076 : vector<16xf32>
    %mul3A_1078 = arith.constant 5.000000e-01 : f32
    %mul3A_1079 = vector.broadcast %mul3A_1078 : f32 to vector<16xf32>
    %mul3A_1080 = arith.mulf %mul3A_1079, %max3A_1060 : vector<16xf32>
    %mul3A_1081 = arith.mulf %mul3A_1080, %mul3A_1077 : vector<16xf32>
    %mul3A_1082 = arith.mulf %mul3A_1081, %mul3A_1077 : vector<16xf32>
    %sub3A_1083 = arith.constant 1.500000e+00 : f32
    %sub3A_1084 = vector.broadcast %sub3A_1083 : f32 to vector<16xf32>
    %sub3A_1085 = arith.subf %sub3A_1084, %mul3A_1082 : vector<16xf32>
    %mul3A_1086 = arith.mulf %mul3A_1077, %sub3A_1085 : vector<16xf32>
    %mul3A_1087 = arith.constant 5.000000e-01 : f32
    %mul3A_1088 = vector.broadcast %mul3A_1087 : f32 to vector<16xf32>
    %mul3A_1089 = arith.mulf %mul3A_1088, %max3A_1060 : vector<16xf32>
    %mul3A_1090 = arith.mulf %mul3A_1089, %mul3A_1086 : vector<16xf32>
    %mul3A_1091 = arith.mulf %mul3A_1090, %mul3A_1086 : vector<16xf32>
    %sub3A_1092 = arith.constant 1.500000e+00 : f32
    %sub3A_1093 = vector.broadcast %sub3A_1092 : f32 to vector<16xf32>
    %sub3A_1094 = arith.subf %sub3A_1093, %mul3A_1091 : vector<16xf32>
    %mul3A_1095 = arith.mulf %mul3A_1086, %sub3A_1094 : vector<16xf32>
    %mul3A_1096 = arith.mulf %max3A_1060, %mul3A_1095 : vector<16xf32>
    %bitcast_convert_type3A_1097 = tpu.bitcast %bitcast_convert_type3A_1057 : vector<16xf32> -> vector<16xi32>
    %shift_right_arithmetic3A_1098 = arith.constant 1 : i32
    %shift_right_arithmetic3A_1099 = vector.broadcast %shift_right_arithmetic3A_1098 : i32 to vector<16xi32>
    %shift_right_arithmetic3A_1100 = arith.shrsi %bitcast_convert_type3A_1097, %shift_right_arithmetic3A_1099 : vector<16xi32>
    %sub3A_1101 = arith.constant 1597463007 : i32
    %sub3A_1102 = vector.broadcast %sub3A_1101 : i32 to vector<16xi32>
    %sub3A_1103 = arith.subi %sub3A_1102, %shift_right_arithmetic3A_1100 : vector<16xi32>
    %bitcast_convert_type3A_1104 = tpu.bitcast %sub3A_1103 : vector<16xi32> -> vector<16xf32>
    %mul3A_1105 = arith.constant 5.000000e-01 : f32
    %mul3A_1106 = vector.broadcast %mul3A_1105 : f32 to vector<16xf32>
    %mul3A_1107 = arith.mulf %mul3A_1106, %bitcast_convert_type3A_1057 : vector<16xf32>
    %mul3A_1108 = arith.mulf %mul3A_1107, %bitcast_convert_type3A_1104 : vector<16xf32>
    %mul3A_1109 = arith.mulf %mul3A_1108, %bitcast_convert_type3A_1104 : vector<16xf32>
    %sub3A_1110 = arith.constant 1.500000e+00 : f32
    %sub3A_1111 = vector.broadcast %sub3A_1110 : f32 to vector<16xf32>
    %sub3A_1112 = arith.subf %sub3A_1111, %mul3A_1109 : vector<16xf32>
    %mul3A_1113 = arith.mulf %bitcast_convert_type3A_1104, %sub3A_1112 : vector<16xf32>
    %mul3A_1114 = arith.constant 5.000000e-01 : f32
    %mul3A_1115 = vector.broadcast %mul3A_1114 : f32 to vector<16xf32>
    %mul3A_1116 = arith.mulf %mul3A_1115, %bitcast_convert_type3A_1057 : vector<16xf32>
    %mul3A_1117 = arith.mulf %mul3A_1116, %mul3A_1113 : vector<16xf32>
    %mul3A_1118 = arith.mulf %mul3A_1117, %mul3A_1113 : vector<16xf32>
    %sub3A_1119 = arith.constant 1.500000e+00 : f32
    %sub3A_1120 = vector.broadcast %sub3A_1119 : f32 to vector<16xf32>
    %sub3A_1121 = arith.subf %sub3A_1120, %mul3A_1118 : vector<16xf32>
    %mul3A_1122 = arith.mulf %mul3A_1113, %sub3A_1121 : vector<16xf32>
    %mul3A_1123 = arith.constant 5.000000e-01 : f32
    %mul3A_1124 = vector.broadcast %mul3A_1123 : f32 to vector<16xf32>
    %mul3A_1125 = arith.mulf %mul3A_1124, %bitcast_convert_type3A_1057 : vector<16xf32>
    %mul3A_1126 = arith.mulf %mul3A_1125, %mul3A_1122 : vector<16xf32>
    %mul3A_1127 = arith.mulf %mul3A_1126, %mul3A_1122 : vector<16xf32>
    %sub3A_1128 = arith.constant 1.500000e+00 : f32
    %sub3A_1129 = vector.broadcast %sub3A_1128 : f32 to vector<16xf32>
    %sub3A_1130 = arith.subf %sub3A_1129, %mul3A_1127 : vector<16xf32>
    %mul3A_1131 = arith.mulf %mul3A_1122, %sub3A_1130 : vector<16xf32>
    %mul3A_1132 = arith.mulf %bitcast_convert_type3A_1057, %mul3A_1131 : vector<16xf32>
    %mul3A_1133 = arith.constant 8 : i32
    %mul3A_1134 = vector.broadcast %mul3A_1133 : i32 to vector<16xi32>
    %mul3A_1135 = arith.muli %get3A_1044, %mul3A_1134 : vector<16xi32>
    %add3A_1136 = arith.addi %mul3A_1135, %and3A_1053 : vector<16xi32>
    %and3A_1137 = arith.constant 15 : i32
    %and3A_1138 = vector.broadcast %and3A_1137 : i32 to vector<16xi32>
    %and3A_1139 = arith.andi %add3A_1136, %and3A_1138 : vector<16xi32>
    %lt3A_1140 = arith.constant 0 : i32
    %lt3A_1141 = vector.broadcast %lt3A_1140 : i32 to vector<16xi32>
    %lt3A_1142 = arith.cmpi slt, %and3A_1139, %lt3A_1141 : vector<16xi32>
    %add3A_1143 = arith.constant 16 : i32
    %add3A_1144 = vector.broadcast %add3A_1143 : i32 to vector<16xi32>
    %add3A_1145 = arith.addi %and3A_1139, %add3A_1144 : vector<16xi32>
    %select_n3A_1146 = arith.select %lt3A_1142, %add3A_1145, %and3A_1139 : vector<16xi1>, vector<16xi32>
    %broadcast_in_dim3A_1147 = vector.shape_cast %select_n3A_1146 : vector<16xi32> to vector<16x1xi32>
    %gather3A_1148 = vector.shape_cast %broadcast_in_dim3A_1147 : vector<16x1xi32> to vector<16xi32>
    %gather3A_1149 = tpu.dynamic_gather %get3A_2[%gather3A_1148] in [0] : vector<16xf32>, vector<16xi32> -> vector<16xf32>
    %lt3A_1150 = arith.constant 0 : i32
    %lt3A_1151 = vector.broadcast %lt3A_1150 : i32 to vector<16xi32>
    %lt3A_1152 = arith.cmpi slt, %and3A_1139, %lt3A_1151 : vector<16xi32>
    %add3A_1153 = arith.constant 16 : i32
    %add3A_1154 = vector.broadcast %add3A_1153 : i32 to vector<16xi32>
    %add3A_1155 = arith.addi %and3A_1139, %add3A_1154 : vector<16xi32>
    %select_n3A_1156 = arith.select %lt3A_1152, %add3A_1155, %and3A_1139 : vector<16xi1>, vector<16xi32>
    %broadcast_in_dim3A_1157 = vector.shape_cast %select_n3A_1156 : vector<16xi32> to vector<16x1xi32>
    %gather3A_1158 = vector.shape_cast %broadcast_in_dim3A_1157 : vector<16x1xi32> to vector<16xi32>
    %gather3A_1159 = tpu.dynamic_gather %get3A_5[%gather3A_1158] in [0] : vector<16xf32>, vector<16xi32> -> vector<16xf32>
    %lt3A_1160 = arith.constant 0 : i32
    %lt3A_1161 = vector.broadcast %lt3A_1160 : i32 to vector<16xi32>
    %lt3A_1162 = arith.cmpi slt, %and3A_1139, %lt3A_1161 : vector<16xi32>
    %add3A_1163 = arith.constant 16 : i32
    %add3A_1164 = vector.broadcast %add3A_1163 : i32 to vector<16xi32>
    %add3A_1165 = arith.addi %and3A_1139, %add3A_1164 : vector<16xi32>
    %select_n3A_1166 = arith.select %lt3A_1162, %add3A_1165, %and3A_1139 : vector<16xi1>, vector<16xi32>
    %broadcast_in_dim3A_1167 = vector.shape_cast %select_n3A_1166 : vector<16xi32> to vector<16x1xi32>
    %gather3A_1168 = vector.shape_cast %broadcast_in_dim3A_1167 : vector<16x1xi32> to vector<16xi32>
    %gather3A_1169 = tpu.dynamic_gather %get3A_8[%gather3A_1168] in [0] : vector<16xf32>, vector<16xi32> -> vector<16xf32>
    %lt3A_1170 = arith.constant 0 : i32
    %lt3A_1171 = vector.broadcast %lt3A_1170 : i32 to vector<16xi32>
    %lt3A_1172 = arith.cmpi slt, %and3A_1139, %lt3A_1171 : vector<16xi32>
    %add3A_1173 = arith.constant 16 : i32
    %add3A_1174 = vector.broadcast %add3A_1173 : i32 to vector<16xi32>
    %add3A_1175 = arith.addi %and3A_1139, %add3A_1174 : vector<16xi32>
    %select_n3A_1176 = arith.select %lt3A_1172, %add3A_1175, %and3A_1139 : vector<16xi1>, vector<16xi32>
    %broadcast_in_dim3A_1177 = vector.shape_cast %select_n3A_1176 : vector<16xi32> to vector<16x1xi32>
    %gather3A_1178 = vector.shape_cast %broadcast_in_dim3A_1177 : vector<16x1xi32> to vector<16xi32>
    %gather3A_1179 = tpu.dynamic_gather %get3A_11[%gather3A_1178] in [0] : vector<16xf32>, vector<16xi32> -> vector<16xf32>
    %lt3A_1180 = arith.constant 16 : i32
    %lt3A_1181 = vector.broadcast %lt3A_1180 : i32 to vector<16xi32>
    %lt3A_1182 = arith.cmpi slt, %add3A_1136, %lt3A_1181 : vector<16xi32>
    %lt3A_1183 = arith.constant 32 : i32
    %lt3A_1184 = vector.broadcast %lt3A_1183 : i32 to vector<16xi32>
    %lt3A_1185 = arith.cmpi slt, %add3A_1136, %lt3A_1184 : vector<16xi32>
    %lt3A_1186 = arith.constant 48 : i32
    %lt3A_1187 = vector.broadcast %lt3A_1186 : i32 to vector<16xi32>
    %lt3A_1188 = arith.cmpi slt, %add3A_1136, %lt3A_1187 : vector<16xi32>
    %select_n3A_1189 = arith.select %lt3A_1188, %gather3A_1169, %gather3A_1179 : vector<16xi1>, vector<16xf32>
    %select_n3A_1190 = arith.select %lt3A_1185, %gather3A_1159, %select_n3A_1189 : vector<16xi1>, vector<16xf32>
    %select_n3A_1191 = arith.select %lt3A_1182, %gather3A_1149, %select_n3A_1190 : vector<16xi1>, vector<16xf32>
    %and3A_1192 = arith.andi %gt3A_1047, %lt3A_1050 : vector<16xi1>
    %sub3A_1193 = arith.subf %mul3A_1096, %mul3A_1132 : vector<16xf32>
    %add3A_1194 = arith.addf %sub3A_1193, %select_n3A_1191 : vector<16xf32>
    %max3A_1195 = arith.constant 0.000000e+00 : f32
    %max3A_1196 = vector.broadcast %max3A_1195 : f32 to vector<16xf32>
    %max3A_1197 = arith.maximumf %add3A_1194, %max3A_1196 : vector<16xf32>
    %jit3A_1198 = arith.constant 0.000000e+00 : f32
    %broadcast_in_dim3A_1199 = vector.broadcast %jit3A_1198 : f32 to vector<16xf32>
    %select_n3A_1200 = arith.select %and3A_1192, %max3A_1197, %broadcast_in_dim3A_1199 : vector<16xi1>, vector<16xf32>
    %add3A_1201 = arith.addf %add3A_1029, %select_n3A_1200 : vector<16xf32>
    %jit3A_1202 = arith.constant 1.000000e+00 : f32
    %jit3A_1203 = arith.constant 0.000000e+00 : f32
    %broadcast_in_dim3A_1204 = vector.broadcast %jit3A_1202 : f32 to vector<16xf32>
    %broadcast_in_dim3A_1205 = vector.broadcast %jit3A_1203 : f32 to vector<16xf32>
    %select_n3A_1206 = arith.select %and3A_1192, %broadcast_in_dim3A_1204, %broadcast_in_dim3A_1205 : vector<16xi1>, vector<16xf32>
    %add3A_1207 = arith.addf %add3A_1035, %select_n3A_1206 : vector<16xf32>
    %get3A_1208 = arith.constant 112 : index
    %get3A_1209 = tpu.vector_load %arg7[%get3A_1208] {strides = array<i32>} : memref<256xf32, #tpu.memory_space<vmem>>, vector<16xf32>,
    %get3A_1210 = vector.shape_cast %get3A_1209 : vector<16xf32> to vector<16xf32>
    %get3A_1211 = arith.constant 112 : index
    %get3A_1212 = tpu.vector_load %arg8[%get3A_1211] {strides = array<i32>} : memref<256xi32, #tpu.memory_space<vmem>>, vector<16xi32>,
    %get3A_1213 = vector.shape_cast %get3A_1212 : vector<16xi32> to vector<16xi32>
    %get3A_1214 = arith.constant 112 : index
    %get3A_1215 = tpu.vector_load %arg9[%get3A_1214] {strides = array<i32>} : memref<256xi32, #tpu.memory_space<vmem>>, vector<16xi32>,
    %get3A_1216 = vector.shape_cast %get3A_1215 : vector<16xi32> to vector<16xi32>
    %gt3A_1217 = arith.constant 0xFF800000 : f32
    %gt3A_1218 = vector.broadcast %gt3A_1217 : f32 to vector<16xf32>
    %gt3A_1219 = arith.cmpf ogt, %get3A_1210, %gt3A_1218 : vector<16xf32>
    %lt3A_1220 = arith.constant 2139095040 : i32
    %lt3A_1221 = vector.broadcast %lt3A_1220 : i32 to vector<16xi32>
    %lt3A_1222 = arith.cmpi slt, %get3A_1213, %lt3A_1221 : vector<16xi32>
    %and3A_1223 = arith.constant 7 : i32
    %and3A_1224 = vector.broadcast %and3A_1223 : i32 to vector<16xi32>
    %and3A_1225 = arith.andi %get3A_1213, %and3A_1224 : vector<16xi32>
    %and3A_1226 = arith.constant -8 : i32
    %and3A_1227 = vector.broadcast %and3A_1226 : i32 to vector<16xi32>
    %and3A_1228 = arith.andi %get3A_1213, %and3A_1227 : vector<16xi32>
    %bitcast_convert_type3A_1229 = tpu.bitcast %and3A_1228 : vector<16xi32> -> vector<16xf32>
    %max3A_1230 = arith.constant 0.000000e+00 : f32
    %max3A_1231 = vector.broadcast %max3A_1230 : f32 to vector<16xf32>
    %max3A_1232 = arith.maximumf %get3A_1210, %max3A_1231 : vector<16xf32>
    %bitcast_convert_type3A_1233 = tpu.bitcast %max3A_1232 : vector<16xf32> -> vector<16xi32>
    %shift_right_arithmetic3A_1234 = arith.constant 1 : i32
    %shift_right_arithmetic3A_1235 = vector.broadcast %shift_right_arithmetic3A_1234 : i32 to vector<16xi32>
    %shift_right_arithmetic3A_1236 = arith.shrsi %bitcast_convert_type3A_1233, %shift_right_arithmetic3A_1235 : vector<16xi32>
    %sub3A_1237 = arith.constant 1597463007 : i32
    %sub3A_1238 = vector.broadcast %sub3A_1237 : i32 to vector<16xi32>
    %sub3A_1239 = arith.subi %sub3A_1238, %shift_right_arithmetic3A_1236 : vector<16xi32>
    %bitcast_convert_type3A_1240 = tpu.bitcast %sub3A_1239 : vector<16xi32> -> vector<16xf32>
    %mul3A_1241 = arith.constant 5.000000e-01 : f32
    %mul3A_1242 = vector.broadcast %mul3A_1241 : f32 to vector<16xf32>
    %mul3A_1243 = arith.mulf %mul3A_1242, %max3A_1232 : vector<16xf32>
    %mul3A_1244 = arith.mulf %mul3A_1243, %bitcast_convert_type3A_1240 : vector<16xf32>
    %mul3A_1245 = arith.mulf %mul3A_1244, %bitcast_convert_type3A_1240 : vector<16xf32>
    %sub3A_1246 = arith.constant 1.500000e+00 : f32
    %sub3A_1247 = vector.broadcast %sub3A_1246 : f32 to vector<16xf32>
    %sub3A_1248 = arith.subf %sub3A_1247, %mul3A_1245 : vector<16xf32>
    %mul3A_1249 = arith.mulf %bitcast_convert_type3A_1240, %sub3A_1248 : vector<16xf32>
    %mul3A_1250 = arith.constant 5.000000e-01 : f32
    %mul3A_1251 = vector.broadcast %mul3A_1250 : f32 to vector<16xf32>
    %mul3A_1252 = arith.mulf %mul3A_1251, %max3A_1232 : vector<16xf32>
    %mul3A_1253 = arith.mulf %mul3A_1252, %mul3A_1249 : vector<16xf32>
    %mul3A_1254 = arith.mulf %mul3A_1253, %mul3A_1249 : vector<16xf32>
    %sub3A_1255 = arith.constant 1.500000e+00 : f32
    %sub3A_1256 = vector.broadcast %sub3A_1255 : f32 to vector<16xf32>
    %sub3A_1257 = arith.subf %sub3A_1256, %mul3A_1254 : vector<16xf32>
    %mul3A_1258 = arith.mulf %mul3A_1249, %sub3A_1257 : vector<16xf32>
    %mul3A_1259 = arith.constant 5.000000e-01 : f32
    %mul3A_1260 = vector.broadcast %mul3A_1259 : f32 to vector<16xf32>
    %mul3A_1261 = arith.mulf %mul3A_1260, %max3A_1232 : vector<16xf32>
    %mul3A_1262 = arith.mulf %mul3A_1261, %mul3A_1258 : vector<16xf32>
    %mul3A_1263 = arith.mulf %mul3A_1262, %mul3A_1258 : vector<16xf32>
    %sub3A_1264 = arith.constant 1.500000e+00 : f32
    %sub3A_1265 = vector.broadcast %sub3A_1264 : f32 to vector<16xf32>
    %sub3A_1266 = arith.subf %sub3A_1265, %mul3A_1263 : vector<16xf32>
    %mul3A_1267 = arith.mulf %mul3A_1258, %sub3A_1266 : vector<16xf32>
    %mul3A_1268 = arith.mulf %max3A_1232, %mul3A_1267 : vector<16xf32>
    %bitcast_convert_type3A_1269 = tpu.bitcast %bitcast_convert_type3A_1229 : vector<16xf32> -> vector<16xi32>
    %shift_right_arithmetic3A_1270 = arith.constant 1 : i32
    %shift_right_arithmetic3A_1271 = vector.broadcast %shift_right_arithmetic3A_1270 : i32 to vector<16xi32>
    %shift_right_arithmetic3A_1272 = arith.shrsi %bitcast_convert_type3A_1269, %shift_right_arithmetic3A_1271 : vector<16xi32>
    %sub3A_1273 = arith.constant 1597463007 : i32
    %sub3A_1274 = vector.broadcast %sub3A_1273 : i32 to vector<16xi32>
    %sub3A_1275 = arith.subi %sub3A_1274, %shift_right_arithmetic3A_1272 : vector<16xi32>
    %bitcast_convert_type3A_1276 = tpu.bitcast %sub3A_1275 : vector<16xi32> -> vector<16xf32>
    %mul3A_1277 = arith.constant 5.000000e-01 : f32
    %mul3A_1278 = vector.broadcast %mul3A_1277 : f32 to vector<16xf32>
    %mul3A_1279 = arith.mulf %mul3A_1278, %bitcast_convert_type3A_1229 : vector<16xf32>
    %mul3A_1280 = arith.mulf %mul3A_1279, %bitcast_convert_type3A_1276 : vector<16xf32>
    %mul3A_1281 = arith.mulf %mul3A_1280, %bitcast_convert_type3A_1276 : vector<16xf32>
    %sub3A_1282 = arith.constant 1.500000e+00 : f32
    %sub3A_1283 = vector.broadcast %sub3A_1282 : f32 to vector<16xf32>
    %sub3A_1284 = arith.subf %sub3A_1283, %mul3A_1281 : vector<16xf32>
    %mul3A_1285 = arith.mulf %bitcast_convert_type3A_1276, %sub3A_1284 : vector<16xf32>
    %mul3A_1286 = arith.constant 5.000000e-01 : f32
    %mul3A_1287 = vector.broadcast %mul3A_1286 : f32 to vector<16xf32>
    %mul3A_1288 = arith.mulf %mul3A_1287, %bitcast_convert_type3A_1229 : vector<16xf32>
    %mul3A_1289 = arith.mulf %mul3A_1288, %mul3A_1285 : vector<16xf32>
    %mul3A_1290 = arith.mulf %mul3A_1289, %mul3A_1285 : vector<16xf32>
    %sub3A_1291 = arith.constant 1.500000e+00 : f32
    %sub3A_1292 = vector.broadcast %sub3A_1291 : f32 to vector<16xf32>
    %sub3A_1293 = arith.subf %sub3A_1292, %mul3A_1290 : vector<16xf32>
    %mul3A_1294 = arith.mulf %mul3A_1285, %sub3A_1293 : vector<16xf32>
    %mul3A_1295 = arith.constant 5.000000e-01 : f32
    %mul3A_1296 = vector.broadcast %mul3A_1295 : f32 to vector<16xf32>
    %mul3A_1297 = arith.mulf %mul3A_1296, %bitcast_convert_type3A_1229 : vector<16xf32>
    %mul3A_1298 = arith.mulf %mul3A_1297, %mul3A_1294 : vector<16xf32>
    %mul3A_1299 = arith.mulf %mul3A_1298, %mul3A_1294 : vector<16xf32>
    %sub3A_1300 = arith.constant 1.500000e+00 : f32
    %sub3A_1301 = vector.broadcast %sub3A_1300 : f32 to vector<16xf32>
    %sub3A_1302 = arith.subf %sub3A_1301, %mul3A_1299 : vector<16xf32>
    %mul3A_1303 = arith.mulf %mul3A_1294, %sub3A_1302 : vector<16xf32>
    %mul3A_1304 = arith.mulf %bitcast_convert_type3A_1229, %mul3A_1303 : vector<16xf32>
    %mul3A_1305 = arith.constant 8 : i32
    %mul3A_1306 = vector.broadcast %mul3A_1305 : i32 to vector<16xi32>
    %mul3A_1307 = arith.muli %get3A_1216, %mul3A_1306 : vector<16xi32>
    %add3A_1308 = arith.addi %mul3A_1307, %and3A_1225 : vector<16xi32>
    %and3A_1309 = arith.constant 15 : i32
    %and3A_1310 = vector.broadcast %and3A_1309 : i32 to vector<16xi32>
    %and3A_1311 = arith.andi %add3A_1308, %and3A_1310 : vector<16xi32>
    %lt3A_1312 = arith.constant 0 : i32
    %lt3A_1313 = vector.broadcast %lt3A_1312 : i32 to vector<16xi32>
    %lt3A_1314 = arith.cmpi slt, %and3A_1311, %lt3A_1313 : vector<16xi32>
    %add3A_1315 = arith.constant 16 : i32
    %add3A_1316 = vector.broadcast %add3A_1315 : i32 to vector<16xi32>
    %add3A_1317 = arith.addi %and3A_1311, %add3A_1316 : vector<16xi32>
    %select_n3A_1318 = arith.select %lt3A_1314, %add3A_1317, %and3A_1311 : vector<16xi1>, vector<16xi32>
    %broadcast_in_dim3A_1319 = vector.shape_cast %select_n3A_1318 : vector<16xi32> to vector<16x1xi32>
    %gather3A_1320 = vector.shape_cast %broadcast_in_dim3A_1319 : vector<16x1xi32> to vector<16xi32>
    %gather3A_1321 = tpu.dynamic_gather %get3A_2[%gather3A_1320] in [0] : vector<16xf32>, vector<16xi32> -> vector<16xf32>
    %lt3A_1322 = arith.constant 0 : i32
    %lt3A_1323 = vector.broadcast %lt3A_1322 : i32 to vector<16xi32>
    %lt3A_1324 = arith.cmpi slt, %and3A_1311, %lt3A_1323 : vector<16xi32>
    %add3A_1325 = arith.constant 16 : i32
    %add3A_1326 = vector.broadcast %add3A_1325 : i32 to vector<16xi32>
    %add3A_1327 = arith.addi %and3A_1311, %add3A_1326 : vector<16xi32>
    %select_n3A_1328 = arith.select %lt3A_1324, %add3A_1327, %and3A_1311 : vector<16xi1>, vector<16xi32>
    %broadcast_in_dim3A_1329 = vector.shape_cast %select_n3A_1328 : vector<16xi32> to vector<16x1xi32>
    %gather3A_1330 = vector.shape_cast %broadcast_in_dim3A_1329 : vector<16x1xi32> to vector<16xi32>
    %gather3A_1331 = tpu.dynamic_gather %get3A_5[%gather3A_1330] in [0] : vector<16xf32>, vector<16xi32> -> vector<16xf32>
    %lt3A_1332 = arith.constant 0 : i32
    %lt3A_1333 = vector.broadcast %lt3A_1332 : i32 to vector<16xi32>
    %lt3A_1334 = arith.cmpi slt, %and3A_1311, %lt3A_1333 : vector<16xi32>
    %add3A_1335 = arith.constant 16 : i32
    %add3A_1336 = vector.broadcast %add3A_1335 : i32 to vector<16xi32>
    %add3A_1337 = arith.addi %and3A_1311, %add3A_1336 : vector<16xi32>
    %select_n3A_1338 = arith.select %lt3A_1334, %add3A_1337, %and3A_1311 : vector<16xi1>, vector<16xi32>
    %broadcast_in_dim3A_1339 = vector.shape_cast %select_n3A_1338 : vector<16xi32> to vector<16x1xi32>
    %gather3A_1340 = vector.shape_cast %broadcast_in_dim3A_1339 : vector<16x1xi32> to vector<16xi32>
    %gather3A_1341 = tpu.dynamic_gather %get3A_8[%gather3A_1340] in [0] : vector<16xf32>, vector<16xi32> -> vector<16xf32>
    %lt3A_1342 = arith.constant 0 : i32
    %lt3A_1343 = vector.broadcast %lt3A_1342 : i32 to vector<16xi32>
    %lt3A_1344 = arith.cmpi slt, %and3A_1311, %lt3A_1343 : vector<16xi32>
    %add3A_1345 = arith.constant 16 : i32
    %add3A_1346 = vector.broadcast %add3A_1345 : i32 to vector<16xi32>
    %add3A_1347 = arith.addi %and3A_1311, %add3A_1346 : vector<16xi32>
    %select_n3A_1348 = arith.select %lt3A_1344, %add3A_1347, %and3A_1311 : vector<16xi1>, vector<16xi32>
    %broadcast_in_dim3A_1349 = vector.shape_cast %select_n3A_1348 : vector<16xi32> to vector<16x1xi32>
    %gather3A_1350 = vector.shape_cast %broadcast_in_dim3A_1349 : vector<16x1xi32> to vector<16xi32>
    %gather3A_1351 = tpu.dynamic_gather %get3A_11[%gather3A_1350] in [0] : vector<16xf32>, vector<16xi32> -> vector<16xf32>
    %lt3A_1352 = arith.constant 16 : i32
    %lt3A_1353 = vector.broadcast %lt3A_1352 : i32 to vector<16xi32>
    %lt3A_1354 = arith.cmpi slt, %add3A_1308, %lt3A_1353 : vector<16xi32>
    %lt3A_1355 = arith.constant 32 : i32
    %lt3A_1356 = vector.broadcast %lt3A_1355 : i32 to vector<16xi32>
    %lt3A_1357 = arith.cmpi slt, %add3A_1308, %lt3A_1356 : vector<16xi32>
    %lt3A_1358 = arith.constant 48 : i32
    %lt3A_1359 = vector.broadcast %lt3A_1358 : i32 to vector<16xi32>
    %lt3A_1360 = arith.cmpi slt, %add3A_1308, %lt3A_1359 : vector<16xi32>
    %select_n3A_1361 = arith.select %lt3A_1360, %gather3A_1341, %gather3A_1351 : vector<16xi1>, vector<16xf32>
    %select_n3A_1362 = arith.select %lt3A_1357, %gather3A_1331, %select_n3A_1361 : vector<16xi1>, vector<16xf32>
    %select_n3A_1363 = arith.select %lt3A_1354, %gather3A_1321, %select_n3A_1362 : vector<16xi1>, vector<16xf32>
    %and3A_1364 = arith.andi %gt3A_1219, %lt3A_1222 : vector<16xi1>
    %sub3A_1365 = arith.subf %mul3A_1268, %mul3A_1304 : vector<16xf32>
    %add3A_1366 = arith.addf %sub3A_1365, %select_n3A_1363 : vector<16xf32>
    %max3A_1367 = arith.constant 0.000000e+00 : f32
    %max3A_1368 = vector.broadcast %max3A_1367 : f32 to vector<16xf32>
    %max3A_1369 = arith.maximumf %add3A_1366, %max3A_1368 : vector<16xf32>
    %jit3A_1370 = arith.constant 0.000000e+00 : f32
    %broadcast_in_dim3A_1371 = vector.broadcast %jit3A_1370 : f32 to vector<16xf32>
    %select_n3A_1372 = arith.select %and3A_1364, %max3A_1369, %broadcast_in_dim3A_1371 : vector<16xi1>, vector<16xf32>
    %add3A_1373 = arith.addf %add3A_1201, %select_n3A_1372 : vector<16xf32>
    %jit3A_1374 = arith.constant 1.000000e+00 : f32
    %jit3A_1375 = arith.constant 0.000000e+00 : f32
    %broadcast_in_dim3A_1376 = vector.broadcast %jit3A_1374 : f32 to vector<16xf32>
    %broadcast_in_dim3A_1377 = vector.broadcast %jit3A_1375 : f32 to vector<16xf32>
    %select_n3A_1378 = arith.select %and3A_1364, %broadcast_in_dim3A_1376, %broadcast_in_dim3A_1377 : vector<16xi1>, vector<16xf32>
    %add3A_1379 = arith.addf %add3A_1207, %select_n3A_1378 : vector<16xf32>
    %get3A_1380 = arith.constant 128 : index
    %get3A_1381 = tpu.vector_load %arg7[%get3A_1380] {strides = array<i32>} : memref<256xf32, #tpu.memory_space<vmem>>, vector<16xf32>,
    %get3A_1382 = vector.shape_cast %get3A_1381 : vector<16xf32> to vector<16xf32>
    %get3A_1383 = arith.constant 128 : index
    %get3A_1384 = tpu.vector_load %arg8[%get3A_1383] {strides = array<i32>} : memref<256xi32, #tpu.memory_space<vmem>>, vector<16xi32>,
    %get3A_1385 = vector.shape_cast %get3A_1384 : vector<16xi32> to vector<16xi32>
    %get3A_1386 = arith.constant 128 : index
    %get3A_1387 = tpu.vector_load %arg9[%get3A_1386] {strides = array<i32>} : memref<256xi32, #tpu.memory_space<vmem>>, vector<16xi32>,
    %get3A_1388 = vector.shape_cast %get3A_1387 : vector<16xi32> to vector<16xi32>
    %gt3A_1389 = arith.constant 0xFF800000 : f32
    %gt3A_1390 = vector.broadcast %gt3A_1389 : f32 to vector<16xf32>
    %gt3A_1391 = arith.cmpf ogt, %get3A_1382, %gt3A_1390 : vector<16xf32>
    %lt3A_1392 = arith.constant 2139095040 : i32
    %lt3A_1393 = vector.broadcast %lt3A_1392 : i32 to vector<16xi32>
    %lt3A_1394 = arith.cmpi slt, %get3A_1385, %lt3A_1393 : vector<16xi32>
    %and3A_1395 = arith.constant 7 : i32
    %and3A_1396 = vector.broadcast %and3A_1395 : i32 to vector<16xi32>
    %and3A_1397 = arith.andi %get3A_1385, %and3A_1396 : vector<16xi32>
    %and3A_1398 = arith.constant -8 : i32
    %and3A_1399 = vector.broadcast %and3A_1398 : i32 to vector<16xi32>
    %and3A_1400 = arith.andi %get3A_1385, %and3A_1399 : vector<16xi32>
    %bitcast_convert_type3A_1401 = tpu.bitcast %and3A_1400 : vector<16xi32> -> vector<16xf32>
    %max3A_1402 = arith.constant 0.000000e+00 : f32
    %max3A_1403 = vector.broadcast %max3A_1402 : f32 to vector<16xf32>
    %max3A_1404 = arith.maximumf %get3A_1382, %max3A_1403 : vector<16xf32>
    %bitcast_convert_type3A_1405 = tpu.bitcast %max3A_1404 : vector<16xf32> -> vector<16xi32>
    %shift_right_arithmetic3A_1406 = arith.constant 1 : i32
    %shift_right_arithmetic3A_1407 = vector.broadcast %shift_right_arithmetic3A_1406 : i32 to vector<16xi32>
    %shift_right_arithmetic3A_1408 = arith.shrsi %bitcast_convert_type3A_1405, %shift_right_arithmetic3A_1407 : vector<16xi32>
    %sub3A_1409 = arith.constant 1597463007 : i32
    %sub3A_1410 = vector.broadcast %sub3A_1409 : i32 to vector<16xi32>
    %sub3A_1411 = arith.subi %sub3A_1410, %shift_right_arithmetic3A_1408 : vector<16xi32>
    %bitcast_convert_type3A_1412 = tpu.bitcast %sub3A_1411 : vector<16xi32> -> vector<16xf32>
    %mul3A_1413 = arith.constant 5.000000e-01 : f32
    %mul3A_1414 = vector.broadcast %mul3A_1413 : f32 to vector<16xf32>
    %mul3A_1415 = arith.mulf %mul3A_1414, %max3A_1404 : vector<16xf32>
    %mul3A_1416 = arith.mulf %mul3A_1415, %bitcast_convert_type3A_1412 : vector<16xf32>
    %mul3A_1417 = arith.mulf %mul3A_1416, %bitcast_convert_type3A_1412 : vector<16xf32>
    %sub3A_1418 = arith.constant 1.500000e+00 : f32
    %sub3A_1419 = vector.broadcast %sub3A_1418 : f32 to vector<16xf32>
    %sub3A_1420 = arith.subf %sub3A_1419, %mul3A_1417 : vector<16xf32>
    %mul3A_1421 = arith.mulf %bitcast_convert_type3A_1412, %sub3A_1420 : vector<16xf32>
    %mul3A_1422 = arith.constant 5.000000e-01 : f32
    %mul3A_1423 = vector.broadcast %mul3A_1422 : f32 to vector<16xf32>
    %mul3A_1424 = arith.mulf %mul3A_1423, %max3A_1404 : vector<16xf32>
    %mul3A_1425 = arith.mulf %mul3A_1424, %mul3A_1421 : vector<16xf32>
    %mul3A_1426 = arith.mulf %mul3A_1425, %mul3A_1421 : vector<16xf32>
    %sub3A_1427 = arith.constant 1.500000e+00 : f32
    %sub3A_1428 = vector.broadcast %sub3A_1427 : f32 to vector<16xf32>
    %sub3A_1429 = arith.subf %sub3A_1428, %mul3A_1426 : vector<16xf32>
    %mul3A_1430 = arith.mulf %mul3A_1421, %sub3A_1429 : vector<16xf32>
    %mul3A_1431 = arith.constant 5.000000e-01 : f32
    %mul3A_1432 = vector.broadcast %mul3A_1431 : f32 to vector<16xf32>
    %mul3A_1433 = arith.mulf %mul3A_1432, %max3A_1404 : vector<16xf32>
    %mul3A_1434 = arith.mulf %mul3A_1433, %mul3A_1430 : vector<16xf32>
    %mul3A_1435 = arith.mulf %mul3A_1434, %mul3A_1430 : vector<16xf32>
    %sub3A_1436 = arith.constant 1.500000e+00 : f32
    %sub3A_1437 = vector.broadcast %sub3A_1436 : f32 to vector<16xf32>
    %sub3A_1438 = arith.subf %sub3A_1437, %mul3A_1435 : vector<16xf32>
    %mul3A_1439 = arith.mulf %mul3A_1430, %sub3A_1438 : vector<16xf32>
    %mul3A_1440 = arith.mulf %max3A_1404, %mul3A_1439 : vector<16xf32>
    %bitcast_convert_type3A_1441 = tpu.bitcast %bitcast_convert_type3A_1401 : vector<16xf32> -> vector<16xi32>
    %shift_right_arithmetic3A_1442 = arith.constant 1 : i32
    %shift_right_arithmetic3A_1443 = vector.broadcast %shift_right_arithmetic3A_1442 : i32 to vector<16xi32>
    %shift_right_arithmetic3A_1444 = arith.shrsi %bitcast_convert_type3A_1441, %shift_right_arithmetic3A_1443 : vector<16xi32>
    %sub3A_1445 = arith.constant 1597463007 : i32
    %sub3A_1446 = vector.broadcast %sub3A_1445 : i32 to vector<16xi32>
    %sub3A_1447 = arith.subi %sub3A_1446, %shift_right_arithmetic3A_1444 : vector<16xi32>
    %bitcast_convert_type3A_1448 = tpu.bitcast %sub3A_1447 : vector<16xi32> -> vector<16xf32>
    %mul3A_1449 = arith.constant 5.000000e-01 : f32
    %mul3A_1450 = vector.broadcast %mul3A_1449 : f32 to vector<16xf32>
    %mul3A_1451 = arith.mulf %mul3A_1450, %bitcast_convert_type3A_1401 : vector<16xf32>
    %mul3A_1452 = arith.mulf %mul3A_1451, %bitcast_convert_type3A_1448 : vector<16xf32>
    %mul3A_1453 = arith.mulf %mul3A_1452, %bitcast_convert_type3A_1448 : vector<16xf32>
    %sub3A_1454 = arith.constant 1.500000e+00 : f32
    %sub3A_1455 = vector.broadcast %sub3A_1454 : f32 to vector<16xf32>
    %sub3A_1456 = arith.subf %sub3A_1455, %mul3A_1453 : vector<16xf32>
    %mul3A_1457 = arith.mulf %bitcast_convert_type3A_1448, %sub3A_1456 : vector<16xf32>
    %mul3A_1458 = arith.constant 5.000000e-01 : f32
    %mul3A_1459 = vector.broadcast %mul3A_1458 : f32 to vector<16xf32>
    %mul3A_1460 = arith.mulf %mul3A_1459, %bitcast_convert_type3A_1401 : vector<16xf32>
    %mul3A_1461 = arith.mulf %mul3A_1460, %mul3A_1457 : vector<16xf32>
    %mul3A_1462 = arith.mulf %mul3A_1461, %mul3A_1457 : vector<16xf32>
    %sub3A_1463 = arith.constant 1.500000e+00 : f32
    %sub3A_1464 = vector.broadcast %sub3A_1463 : f32 to vector<16xf32>
    %sub3A_1465 = arith.subf %sub3A_1464, %mul3A_1462 : vector<16xf32>
    %mul3A_1466 = arith.mulf %mul3A_1457, %sub3A_1465 : vector<16xf32>
    %mul3A_1467 = arith.constant 5.000000e-01 : f32
    %mul3A_1468 = vector.broadcast %mul3A_1467 : f32 to vector<16xf32>
    %mul3A_1469 = arith.mulf %mul3A_1468, %bitcast_convert_type3A_1401 : vector<16xf32>
    %mul3A_1470 = arith.mulf %mul3A_1469, %mul3A_1466 : vector<16xf32>
    %mul3A_1471 = arith.mulf %mul3A_1470, %mul3A_1466 : vector<16xf32>
    %sub3A_1472 = arith.constant 1.500000e+00 : f32
    %sub3A_1473 = vector.broadcast %sub3A_1472 : f32 to vector<16xf32>
    %sub3A_1474 = arith.subf %sub3A_1473, %mul3A_1471 : vector<16xf32>
    %mul3A_1475 = arith.mulf %mul3A_1466, %sub3A_1474 : vector<16xf32>
    %mul3A_1476 = arith.mulf %bitcast_convert_type3A_1401, %mul3A_1475 : vector<16xf32>
    %mul3A_1477 = arith.constant 8 : i32
    %mul3A_1478 = vector.broadcast %mul3A_1477 : i32 to vector<16xi32>
    %mul3A_1479 = arith.muli %get3A_1388, %mul3A_1478 : vector<16xi32>
    %add3A_1480 = arith.addi %mul3A_1479, %and3A_1397 : vector<16xi32>
    %and3A_1481 = arith.constant 15 : i32
    %and3A_1482 = vector.broadcast %and3A_1481 : i32 to vector<16xi32>
    %and3A_1483 = arith.andi %add3A_1480, %and3A_1482 : vector<16xi32>
    %lt3A_1484 = arith.constant 0 : i32
    %lt3A_1485 = vector.broadcast %lt3A_1484 : i32 to vector<16xi32>
    %lt3A_1486 = arith.cmpi slt, %and3A_1483, %lt3A_1485 : vector<16xi32>
    %add3A_1487 = arith.constant 16 : i32
    %add3A_1488 = vector.broadcast %add3A_1487 : i32 to vector<16xi32>
    %add3A_1489 = arith.addi %and3A_1483, %add3A_1488 : vector<16xi32>
    %select_n3A_1490 = arith.select %lt3A_1486, %add3A_1489, %and3A_1483 : vector<16xi1>, vector<16xi32>
    %broadcast_in_dim3A_1491 = vector.shape_cast %select_n3A_1490 : vector<16xi32> to vector<16x1xi32>
    %gather3A_1492 = vector.shape_cast %broadcast_in_dim3A_1491 : vector<16x1xi32> to vector<16xi32>
    %gather3A_1493 = tpu.dynamic_gather %get3A_2[%gather3A_1492] in [0] : vector<16xf32>, vector<16xi32> -> vector<16xf32>
    %lt3A_1494 = arith.constant 0 : i32
    %lt3A_1495 = vector.broadcast %lt3A_1494 : i32 to vector<16xi32>
    %lt3A_1496 = arith.cmpi slt, %and3A_1483, %lt3A_1495 : vector<16xi32>
    %add3A_1497 = arith.constant 16 : i32
    %add3A_1498 = vector.broadcast %add3A_1497 : i32 to vector<16xi32>
    %add3A_1499 = arith.addi %and3A_1483, %add3A_1498 : vector<16xi32>
    %select_n3A_1500 = arith.select %lt3A_1496, %add3A_1499, %and3A_1483 : vector<16xi1>, vector<16xi32>
    %broadcast_in_dim3A_1501 = vector.shape_cast %select_n3A_1500 : vector<16xi32> to vector<16x1xi32>
    %gather3A_1502 = vector.shape_cast %broadcast_in_dim3A_1501 : vector<16x1xi32> to vector<16xi32>
    %gather3A_1503 = tpu.dynamic_gather %get3A_5[%gather3A_1502] in [0] : vector<16xf32>, vector<16xi32> -> vector<16xf32>
    %lt3A_1504 = arith.constant 0 : i32
    %lt3A_1505 = vector.broadcast %lt3A_1504 : i32 to vector<16xi32>
    %lt3A_1506 = arith.cmpi slt, %and3A_1483, %lt3A_1505 : vector<16xi32>
    %add3A_1507 = arith.constant 16 : i32
    %add3A_1508 = vector.broadcast %add3A_1507 : i32 to vector<16xi32>
    %add3A_1509 = arith.addi %and3A_1483, %add3A_1508 : vector<16xi32>
    %select_n3A_1510 = arith.select %lt3A_1506, %add3A_1509, %and3A_1483 : vector<16xi1>, vector<16xi32>
    %broadcast_in_dim3A_1511 = vector.shape_cast %select_n3A_1510 : vector<16xi32> to vector<16x1xi32>
    %gather3A_1512 = vector.shape_cast %broadcast_in_dim3A_1511 : vector<16x1xi32> to vector<16xi32>
    %gather3A_1513 = tpu.dynamic_gather %get3A_8[%gather3A_1512] in [0] : vector<16xf32>, vector<16xi32> -> vector<16xf32>
    %lt3A_1514 = arith.constant 0 : i32
    %lt3A_1515 = vector.broadcast %lt3A_1514 : i32 to vector<16xi32>
    %lt3A_1516 = arith.cmpi slt, %and3A_1483, %lt3A_1515 : vector<16xi32>
    %add3A_1517 = arith.constant 16 : i32
    %add3A_1518 = vector.broadcast %add3A_1517 : i32 to vector<16xi32>
    %add3A_1519 = arith.addi %and3A_1483, %add3A_1518 : vector<16xi32>
    %select_n3A_1520 = arith.select %lt3A_1516, %add3A_1519, %and3A_1483 : vector<16xi1>, vector<16xi32>
    %broadcast_in_dim3A_1521 = vector.shape_cast %select_n3A_1520 : vector<16xi32> to vector<16x1xi32>
    %gather3A_1522 = vector.shape_cast %broadcast_in_dim3A_1521 : vector<16x1xi32> to vector<16xi32>
    %gather3A_1523 = tpu.dynamic_gather %get3A_11[%gather3A_1522] in [0] : vector<16xf32>, vector<16xi32> -> vector<16xf32>
    %lt3A_1524 = arith.constant 16 : i32
    %lt3A_1525 = vector.broadcast %lt3A_1524 : i32 to vector<16xi32>
    %lt3A_1526 = arith.cmpi slt, %add3A_1480, %lt3A_1525 : vector<16xi32>
    %lt3A_1527 = arith.constant 32 : i32
    %lt3A_1528 = vector.broadcast %lt3A_1527 : i32 to vector<16xi32>
    %lt3A_1529 = arith.cmpi slt, %add3A_1480, %lt3A_1528 : vector<16xi32>
    %lt3A_1530 = arith.constant 48 : i32
    %lt3A_1531 = vector.broadcast %lt3A_1530 : i32 to vector<16xi32>
    %lt3A_1532 = arith.cmpi slt, %add3A_1480, %lt3A_1531 : vector<16xi32>
    %select_n3A_1533 = arith.select %lt3A_1532, %gather3A_1513, %gather3A_1523 : vector<16xi1>, vector<16xf32>
    %select_n3A_1534 = arith.select %lt3A_1529, %gather3A_1503, %select_n3A_1533 : vector<16xi1>, vector<16xf32>
    %select_n3A_1535 = arith.select %lt3A_1526, %gather3A_1493, %select_n3A_1534 : vector<16xi1>, vector<16xf32>
    %and3A_1536 = arith.andi %gt3A_1391, %lt3A_1394 : vector<16xi1>
    %sub3A_1537 = arith.subf %mul3A_1440, %mul3A_1476 : vector<16xf32>
    %add3A_1538 = arith.addf %sub3A_1537, %select_n3A_1535 : vector<16xf32>
    %max3A_1539 = arith.constant 0.000000e+00 : f32
    %max3A_1540 = vector.broadcast %max3A_1539 : f32 to vector<16xf32>
    %max3A_1541 = arith.maximumf %add3A_1538, %max3A_1540 : vector<16xf32>
    %jit3A_1542 = arith.constant 0.000000e+00 : f32
    %broadcast_in_dim3A_1543 = vector.broadcast %jit3A_1542 : f32 to vector<16xf32>
    %select_n3A_1544 = arith.select %and3A_1536, %max3A_1541, %broadcast_in_dim3A_1543 : vector<16xi1>, vector<16xf32>
    %add3A_1545 = arith.addf %add3A_1373, %select_n3A_1544 : vector<16xf32>
    %jit3A_1546 = arith.constant 1.000000e+00 : f32
    %jit3A_1547 = arith.constant 0.000000e+00 : f32
    %broadcast_in_dim3A_1548 = vector.broadcast %jit3A_1546 : f32 to vector<16xf32>
    %broadcast_in_dim3A_1549 = vector.broadcast %jit3A_1547 : f32 to vector<16xf32>
    %select_n3A_1550 = arith.select %and3A_1536, %broadcast_in_dim3A_1548, %broadcast_in_dim3A_1549 : vector<16xi1>, vector<16xf32>
    %add3A_1551 = arith.addf %add3A_1379, %select_n3A_1550 : vector<16xf32>
    %get3A_1552 = arith.constant 144 : index
    %get3A_1553 = tpu.vector_load %arg7[%get3A_1552] {strides = array<i32>} : memref<256xf32, #tpu.memory_space<vmem>>, vector<16xf32>,
    %get3A_1554 = vector.shape_cast %get3A_1553 : vector<16xf32> to vector<16xf32>
    %get3A_1555 = arith.constant 144 : index
    %get3A_1556 = tpu.vector_load %arg8[%get3A_1555] {strides = array<i32>} : memref<256xi32, #tpu.memory_space<vmem>>, vector<16xi32>,
    %get3A_1557 = vector.shape_cast %get3A_1556 : vector<16xi32> to vector<16xi32>
    %get3A_1558 = arith.constant 144 : index
    %get3A_1559 = tpu.vector_load %arg9[%get3A_1558] {strides = array<i32>} : memref<256xi32, #tpu.memory_space<vmem>>, vector<16xi32>,
    %get3A_1560 = vector.shape_cast %get3A_1559 : vector<16xi32> to vector<16xi32>
    %gt3A_1561 = arith.constant 0xFF800000 : f32
    %gt3A_1562 = vector.broadcast %gt3A_1561 : f32 to vector<16xf32>
    %gt3A_1563 = arith.cmpf ogt, %get3A_1554, %gt3A_1562 : vector<16xf32>
    %lt3A_1564 = arith.constant 2139095040 : i32
    %lt3A_1565 = vector.broadcast %lt3A_1564 : i32 to vector<16xi32>
    %lt3A_1566 = arith.cmpi slt, %get3A_1557, %lt3A_1565 : vector<16xi32>
    %and3A_1567 = arith.constant 7 : i32
    %and3A_1568 = vector.broadcast %and3A_1567 : i32 to vector<16xi32>
    %and3A_1569 = arith.andi %get3A_1557, %and3A_1568 : vector<16xi32>
    %and3A_1570 = arith.constant -8 : i32
    %and3A_1571 = vector.broadcast %and3A_1570 : i32 to vector<16xi32>
    %and3A_1572 = arith.andi %get3A_1557, %and3A_1571 : vector<16xi32>
    %bitcast_convert_type3A_1573 = tpu.bitcast %and3A_1572 : vector<16xi32> -> vector<16xf32>
    %max3A_1574 = arith.constant 0.000000e+00 : f32
    %max3A_1575 = vector.broadcast %max3A_1574 : f32 to vector<16xf32>
    %max3A_1576 = arith.maximumf %get3A_1554, %max3A_1575 : vector<16xf32>
    %bitcast_convert_type3A_1577 = tpu.bitcast %max3A_1576 : vector<16xf32> -> vector<16xi32>
    %shift_right_arithmetic3A_1578 = arith.constant 1 : i32
    %shift_right_arithmetic3A_1579 = vector.broadcast %shift_right_arithmetic3A_1578 : i32 to vector<16xi32>
    %shift_right_arithmetic3A_1580 = arith.shrsi %bitcast_convert_type3A_1577, %shift_right_arithmetic3A_1579 : vector<16xi32>
    %sub3A_1581 = arith.constant 1597463007 : i32
    %sub3A_1582 = vector.broadcast %sub3A_1581 : i32 to vector<16xi32>
    %sub3A_1583 = arith.subi %sub3A_1582, %shift_right_arithmetic3A_1580 : vector<16xi32>
    %bitcast_convert_type3A_1584 = tpu.bitcast %sub3A_1583 : vector<16xi32> -> vector<16xf32>
    %mul3A_1585 = arith.constant 5.000000e-01 : f32
    %mul3A_1586 = vector.broadcast %mul3A_1585 : f32 to vector<16xf32>
    %mul3A_1587 = arith.mulf %mul3A_1586, %max3A_1576 : vector<16xf32>
    %mul3A_1588 = arith.mulf %mul3A_1587, %bitcast_convert_type3A_1584 : vector<16xf32>
    %mul3A_1589 = arith.mulf %mul3A_1588, %bitcast_convert_type3A_1584 : vector<16xf32>
    %sub3A_1590 = arith.constant 1.500000e+00 : f32
    %sub3A_1591 = vector.broadcast %sub3A_1590 : f32 to vector<16xf32>
    %sub3A_1592 = arith.subf %sub3A_1591, %mul3A_1589 : vector<16xf32>
    %mul3A_1593 = arith.mulf %bitcast_convert_type3A_1584, %sub3A_1592 : vector<16xf32>
    %mul3A_1594 = arith.constant 5.000000e-01 : f32
    %mul3A_1595 = vector.broadcast %mul3A_1594 : f32 to vector<16xf32>
    %mul3A_1596 = arith.mulf %mul3A_1595, %max3A_1576 : vector<16xf32>
    %mul3A_1597 = arith.mulf %mul3A_1596, %mul3A_1593 : vector<16xf32>
    %mul3A_1598 = arith.mulf %mul3A_1597, %mul3A_1593 : vector<16xf32>
    %sub3A_1599 = arith.constant 1.500000e+00 : f32
    %sub3A_1600 = vector.broadcast %sub3A_1599 : f32 to vector<16xf32>
    %sub3A_1601 = arith.subf %sub3A_1600, %mul3A_1598 : vector<16xf32>
    %mul3A_1602 = arith.mulf %mul3A_1593, %sub3A_1601 : vector<16xf32>
    %mul3A_1603 = arith.constant 5.000000e-01 : f32
    %mul3A_1604 = vector.broadcast %mul3A_1603 : f32 to vector<16xf32>
    %mul3A_1605 = arith.mulf %mul3A_1604, %max3A_1576 : vector<16xf32>
    %mul3A_1606 = arith.mulf %mul3A_1605, %mul3A_1602 : vector<16xf32>
    %mul3A_1607 = arith.mulf %mul3A_1606, %mul3A_1602 : vector<16xf32>
    %sub3A_1608 = arith.constant 1.500000e+00 : f32
    %sub3A_1609 = vector.broadcast %sub3A_1608 : f32 to vector<16xf32>
    %sub3A_1610 = arith.subf %sub3A_1609, %mul3A_1607 : vector<16xf32>
    %mul3A_1611 = arith.mulf %mul3A_1602, %sub3A_1610 : vector<16xf32>
    %mul3A_1612 = arith.mulf %max3A_1576, %mul3A_1611 : vector<16xf32>
    %bitcast_convert_type3A_1613 = tpu.bitcast %bitcast_convert_type3A_1573 : vector<16xf32> -> vector<16xi32>
    %shift_right_arithmetic3A_1614 = arith.constant 1 : i32
    %shift_right_arithmetic3A_1615 = vector.broadcast %shift_right_arithmetic3A_1614 : i32 to vector<16xi32>
    %shift_right_arithmetic3A_1616 = arith.shrsi %bitcast_convert_type3A_1613, %shift_right_arithmetic3A_1615 : vector<16xi32>
    %sub3A_1617 = arith.constant 1597463007 : i32
    %sub3A_1618 = vector.broadcast %sub3A_1617 : i32 to vector<16xi32>
    %sub3A_1619 = arith.subi %sub3A_1618, %shift_right_arithmetic3A_1616 : vector<16xi32>
    %bitcast_convert_type3A_1620 = tpu.bitcast %sub3A_1619 : vector<16xi32> -> vector<16xf32>
    %mul3A_1621 = arith.constant 5.000000e-01 : f32
    %mul3A_1622 = vector.broadcast %mul3A_1621 : f32 to vector<16xf32>
    %mul3A_1623 = arith.mulf %mul3A_1622, %bitcast_convert_type3A_1573 : vector<16xf32>
    %mul3A_1624 = arith.mulf %mul3A_1623, %bitcast_convert_type3A_1620 : vector<16xf32>
    %mul3A_1625 = arith.mulf %mul3A_1624, %bitcast_convert_type3A_1620 : vector<16xf32>
    %sub3A_1626 = arith.constant 1.500000e+00 : f32
    %sub3A_1627 = vector.broadcast %sub3A_1626 : f32 to vector<16xf32>
    %sub3A_1628 = arith.subf %sub3A_1627, %mul3A_1625 : vector<16xf32>
    %mul3A_1629 = arith.mulf %bitcast_convert_type3A_1620, %sub3A_1628 : vector<16xf32>
    %mul3A_1630 = arith.constant 5.000000e-01 : f32
    %mul3A_1631 = vector.broadcast %mul3A_1630 : f32 to vector<16xf32>
    %mul3A_1632 = arith.mulf %mul3A_1631, %bitcast_convert_type3A_1573 : vector<16xf32>
    %mul3A_1633 = arith.mulf %mul3A_1632, %mul3A_1629 : vector<16xf32>
    %mul3A_1634 = arith.mulf %mul3A_1633, %mul3A_1629 : vector<16xf32>
    %sub3A_1635 = arith.constant 1.500000e+00 : f32
    %sub3A_1636 = vector.broadcast %sub3A_1635 : f32 to vector<16xf32>
    %sub3A_1637 = arith.subf %sub3A_1636, %mul3A_1634 : vector<16xf32>
    %mul3A_1638 = arith.mulf %mul3A_1629, %sub3A_1637 : vector<16xf32>
    %mul3A_1639 = arith.constant 5.000000e-01 : f32
    %mul3A_1640 = vector.broadcast %mul3A_1639 : f32 to vector<16xf32>
    %mul3A_1641 = arith.mulf %mul3A_1640, %bitcast_convert_type3A_1573 : vector<16xf32>
    %mul3A_1642 = arith.mulf %mul3A_1641, %mul3A_1638 : vector<16xf32>
    %mul3A_1643 = arith.mulf %mul3A_1642, %mul3A_1638 : vector<16xf32>
    %sub3A_1644 = arith.constant 1.500000e+00 : f32
    %sub3A_1645 = vector.broadcast %sub3A_1644 : f32 to vector<16xf32>
    %sub3A_1646 = arith.subf %sub3A_1645, %mul3A_1643 : vector<16xf32>
    %mul3A_1647 = arith.mulf %mul3A_1638, %sub3A_1646 : vector<16xf32>
    %mul3A_1648 = arith.mulf %bitcast_convert_type3A_1573, %mul3A_1647 : vector<16xf32>
    %mul3A_1649 = arith.constant 8 : i32
    %mul3A_1650 = vector.broadcast %mul3A_1649 : i32 to vector<16xi32>
    %mul3A_1651 = arith.muli %get3A_1560, %mul3A_1650 : vector<16xi32>
    %add3A_1652 = arith.addi %mul3A_1651, %and3A_1569 : vector<16xi32>
    %and3A_1653 = arith.constant 15 : i32
    %and3A_1654 = vector.broadcast %and3A_1653 : i32 to vector<16xi32>
    %and3A_1655 = arith.andi %add3A_1652, %and3A_1654 : vector<16xi32>
    %lt3A_1656 = arith.constant 0 : i32
    %lt3A_1657 = vector.broadcast %lt3A_1656 : i32 to vector<16xi32>
    %lt3A_1658 = arith.cmpi slt, %and3A_1655, %lt3A_1657 : vector<16xi32>
    %add3A_1659 = arith.constant 16 : i32
    %add3A_1660 = vector.broadcast %add3A_1659 : i32 to vector<16xi32>
    %add3A_1661 = arith.addi %and3A_1655, %add3A_1660 : vector<16xi32>
    %select_n3A_1662 = arith.select %lt3A_1658, %add3A_1661, %and3A_1655 : vector<16xi1>, vector<16xi32>
    %broadcast_in_dim3A_1663 = vector.shape_cast %select_n3A_1662 : vector<16xi32> to vector<16x1xi32>
    %gather3A_1664 = vector.shape_cast %broadcast_in_dim3A_1663 : vector<16x1xi32> to vector<16xi32>
    %gather3A_1665 = tpu.dynamic_gather %get3A_2[%gather3A_1664] in [0] : vector<16xf32>, vector<16xi32> -> vector<16xf32>
    %lt3A_1666 = arith.constant 0 : i32
    %lt3A_1667 = vector.broadcast %lt3A_1666 : i32 to vector<16xi32>
    %lt3A_1668 = arith.cmpi slt, %and3A_1655, %lt3A_1667 : vector<16xi32>
    %add3A_1669 = arith.constant 16 : i32
    %add3A_1670 = vector.broadcast %add3A_1669 : i32 to vector<16xi32>
    %add3A_1671 = arith.addi %and3A_1655, %add3A_1670 : vector<16xi32>
    %select_n3A_1672 = arith.select %lt3A_1668, %add3A_1671, %and3A_1655 : vector<16xi1>, vector<16xi32>
    %broadcast_in_dim3A_1673 = vector.shape_cast %select_n3A_1672 : vector<16xi32> to vector<16x1xi32>
    %gather3A_1674 = vector.shape_cast %broadcast_in_dim3A_1673 : vector<16x1xi32> to vector<16xi32>
    %gather3A_1675 = tpu.dynamic_gather %get3A_5[%gather3A_1674] in [0] : vector<16xf32>, vector<16xi32> -> vector<16xf32>
    %lt3A_1676 = arith.constant 0 : i32
    %lt3A_1677 = vector.broadcast %lt3A_1676 : i32 to vector<16xi32>
    %lt3A_1678 = arith.cmpi slt, %and3A_1655, %lt3A_1677 : vector<16xi32>
    %add3A_1679 = arith.constant 16 : i32
    %add3A_1680 = vector.broadcast %add3A_1679 : i32 to vector<16xi32>
    %add3A_1681 = arith.addi %and3A_1655, %add3A_1680 : vector<16xi32>
    %select_n3A_1682 = arith.select %lt3A_1678, %add3A_1681, %and3A_1655 : vector<16xi1>, vector<16xi32>
    %broadcast_in_dim3A_1683 = vector.shape_cast %select_n3A_1682 : vector<16xi32> to vector<16x1xi32>
    %gather3A_1684 = vector.shape_cast %broadcast_in_dim3A_1683 : vector<16x1xi32> to vector<16xi32>
    %gather3A_1685 = tpu.dynamic_gather %get3A_8[%gather3A_1684] in [0] : vector<16xf32>, vector<16xi32> -> vector<16xf32>
    %lt3A_1686 = arith.constant 0 : i32
    %lt3A_1687 = vector.broadcast %lt3A_1686 : i32 to vector<16xi32>
    %lt3A_1688 = arith.cmpi slt, %and3A_1655, %lt3A_1687 : vector<16xi32>
    %add3A_1689 = arith.constant 16 : i32
    %add3A_1690 = vector.broadcast %add3A_1689 : i32 to vector<16xi32>
    %add3A_1691 = arith.addi %and3A_1655, %add3A_1690 : vector<16xi32>
    %select_n3A_1692 = arith.select %lt3A_1688, %add3A_1691, %and3A_1655 : vector<16xi1>, vector<16xi32>
    %broadcast_in_dim3A_1693 = vector.shape_cast %select_n3A_1692 : vector<16xi32> to vector<16x1xi32>
    %gather3A_1694 = vector.shape_cast %broadcast_in_dim3A_1693 : vector<16x1xi32> to vector<16xi32>
    %gather3A_1695 = tpu.dynamic_gather %get3A_11[%gather3A_1694] in [0] : vector<16xf32>, vector<16xi32> -> vector<16xf32>
    %lt3A_1696 = arith.constant 16 : i32
    %lt3A_1697 = vector.broadcast %lt3A_1696 : i32 to vector<16xi32>
    %lt3A_1698 = arith.cmpi slt, %add3A_1652, %lt3A_1697 : vector<16xi32>
    %lt3A_1699 = arith.constant 32 : i32
    %lt3A_1700 = vector.broadcast %lt3A_1699 : i32 to vector<16xi32>
    %lt3A_1701 = arith.cmpi slt, %add3A_1652, %lt3A_1700 : vector<16xi32>
    %lt3A_1702 = arith.constant 48 : i32
    %lt3A_1703 = vector.broadcast %lt3A_1702 : i32 to vector<16xi32>
    %lt3A_1704 = arith.cmpi slt, %add3A_1652, %lt3A_1703 : vector<16xi32>
    %select_n3A_1705 = arith.select %lt3A_1704, %gather3A_1685, %gather3A_1695 : vector<16xi1>, vector<16xf32>
    %select_n3A_1706 = arith.select %lt3A_1701, %gather3A_1675, %select_n3A_1705 : vector<16xi1>, vector<16xf32>
    %select_n3A_1707 = arith.select %lt3A_1698, %gather3A_1665, %select_n3A_1706 : vector<16xi1>, vector<16xf32>
    %and3A_1708 = arith.andi %gt3A_1563, %lt3A_1566 : vector<16xi1>
    %sub3A_1709 = arith.subf %mul3A_1612, %mul3A_1648 : vector<16xf32>
    %add3A_1710 = arith.addf %sub3A_1709, %select_n3A_1707 : vector<16xf32>
    %max3A_1711 = arith.constant 0.000000e+00 : f32
    %max3A_1712 = vector.broadcast %max3A_1711 : f32 to vector<16xf32>
    %max3A_1713 = arith.maximumf %add3A_1710, %max3A_1712 : vector<16xf32>
    %jit3A_1714 = arith.constant 0.000000e+00 : f32
    %broadcast_in_dim3A_1715 = vector.broadcast %jit3A_1714 : f32 to vector<16xf32>
    %select_n3A_1716 = arith.select %and3A_1708, %max3A_1713, %broadcast_in_dim3A_1715 : vector<16xi1>, vector<16xf32>
    %add3A_1717 = arith.addf %add3A_1545, %select_n3A_1716 : vector<16xf32>
    %jit3A_1718 = arith.constant 1.000000e+00 : f32
    %jit3A_1719 = arith.constant 0.000000e+00 : f32
    %broadcast_in_dim3A_1720 = vector.broadcast %jit3A_1718 : f32 to vector<16xf32>
    %broadcast_in_dim3A_1721 = vector.broadcast %jit3A_1719 : f32 to vector<16xf32>
    %select_n3A_1722 = arith.select %and3A_1708, %broadcast_in_dim3A_1720, %broadcast_in_dim3A_1721 : vector<16xi1>, vector<16xf32>
    %add3A_1723 = arith.addf %add3A_1551, %select_n3A_1722 : vector<16xf32>
    %get3A_1724 = arith.constant 160 : index
    %get3A_1725 = tpu.vector_load %arg7[%get3A_1724] {strides = array<i32>} : memref<256xf32, #tpu.memory_space<vmem>>, vector<16xf32>,
    %get3A_1726 = vector.shape_cast %get3A_1725 : vector<16xf32> to vector<16xf32>
    %get3A_1727 = arith.constant 160 : index
    %get3A_1728 = tpu.vector_load %arg8[%get3A_1727] {strides = array<i32>} : memref<256xi32, #tpu.memory_space<vmem>>, vector<16xi32>,
    %get3A_1729 = vector.shape_cast %get3A_1728 : vector<16xi32> to vector<16xi32>
    %get3A_1730 = arith.constant 160 : index
    %get3A_1731 = tpu.vector_load %arg9[%get3A_1730] {strides = array<i32>} : memref<256xi32, #tpu.memory_space<vmem>>, vector<16xi32>,
    %get3A_1732 = vector.shape_cast %get3A_1731 : vector<16xi32> to vector<16xi32>
    %gt3A_1733 = arith.constant 0xFF800000 : f32
    %gt3A_1734 = vector.broadcast %gt3A_1733 : f32 to vector<16xf32>
    %gt3A_1735 = arith.cmpf ogt, %get3A_1726, %gt3A_1734 : vector<16xf32>
    %lt3A_1736 = arith.constant 2139095040 : i32
    %lt3A_1737 = vector.broadcast %lt3A_1736 : i32 to vector<16xi32>
    %lt3A_1738 = arith.cmpi slt, %get3A_1729, %lt3A_1737 : vector<16xi32>
    %and3A_1739 = arith.constant 7 : i32
    %and3A_1740 = vector.broadcast %and3A_1739 : i32 to vector<16xi32>
    %and3A_1741 = arith.andi %get3A_1729, %and3A_1740 : vector<16xi32>
    %and3A_1742 = arith.constant -8 : i32
    %and3A_1743 = vector.broadcast %and3A_1742 : i32 to vector<16xi32>
    %and3A_1744 = arith.andi %get3A_1729, %and3A_1743 : vector<16xi32>
    %bitcast_convert_type3A_1745 = tpu.bitcast %and3A_1744 : vector<16xi32> -> vector<16xf32>
    %max3A_1746 = arith.constant 0.000000e+00 : f32
    %max3A_1747 = vector.broadcast %max3A_1746 : f32 to vector<16xf32>
    %max3A_1748 = arith.maximumf %get3A_1726, %max3A_1747 : vector<16xf32>
    %bitcast_convert_type3A_1749 = tpu.bitcast %max3A_1748 : vector<16xf32> -> vector<16xi32>
    %shift_right_arithmetic3A_1750 = arith.constant 1 : i32
    %shift_right_arithmetic3A_1751 = vector.broadcast %shift_right_arithmetic3A_1750 : i32 to vector<16xi32>
    %shift_right_arithmetic3A_1752 = arith.shrsi %bitcast_convert_type3A_1749, %shift_right_arithmetic3A_1751 : vector<16xi32>
    %sub3A_1753 = arith.constant 1597463007 : i32
    %sub3A_1754 = vector.broadcast %sub3A_1753 : i32 to vector<16xi32>
    %sub3A_1755 = arith.subi %sub3A_1754, %shift_right_arithmetic3A_1752 : vector<16xi32>
    %bitcast_convert_type3A_1756 = tpu.bitcast %sub3A_1755 : vector<16xi32> -> vector<16xf32>
    %mul3A_1757 = arith.constant 5.000000e-01 : f32
    %mul3A_1758 = vector.broadcast %mul3A_1757 : f32 to vector<16xf32>
    %mul3A_1759 = arith.mulf %mul3A_1758, %max3A_1748 : vector<16xf32>
    %mul3A_1760 = arith.mulf %mul3A_1759, %bitcast_convert_type3A_1756 : vector<16xf32>
    %mul3A_1761 = arith.mulf %mul3A_1760, %bitcast_convert_type3A_1756 : vector<16xf32>
    %sub3A_1762 = arith.constant 1.500000e+00 : f32
    %sub3A_1763 = vector.broadcast %sub3A_1762 : f32 to vector<16xf32>
    %sub3A_1764 = arith.subf %sub3A_1763, %mul3A_1761 : vector<16xf32>
    %mul3A_1765 = arith.mulf %bitcast_convert_type3A_1756, %sub3A_1764 : vector<16xf32>
    %mul3A_1766 = arith.constant 5.000000e-01 : f32
    %mul3A_1767 = vector.broadcast %mul3A_1766 : f32 to vector<16xf32>
    %mul3A_1768 = arith.mulf %mul3A_1767, %max3A_1748 : vector<16xf32>
    %mul3A_1769 = arith.mulf %mul3A_1768, %mul3A_1765 : vector<16xf32>
    %mul3A_1770 = arith.mulf %mul3A_1769, %mul3A_1765 : vector<16xf32>
    %sub3A_1771 = arith.constant 1.500000e+00 : f32
    %sub3A_1772 = vector.broadcast %sub3A_1771 : f32 to vector<16xf32>
    %sub3A_1773 = arith.subf %sub3A_1772, %mul3A_1770 : vector<16xf32>
    %mul3A_1774 = arith.mulf %mul3A_1765, %sub3A_1773 : vector<16xf32>
    %mul3A_1775 = arith.constant 5.000000e-01 : f32
    %mul3A_1776 = vector.broadcast %mul3A_1775 : f32 to vector<16xf32>
    %mul3A_1777 = arith.mulf %mul3A_1776, %max3A_1748 : vector<16xf32>
    %mul3A_1778 = arith.mulf %mul3A_1777, %mul3A_1774 : vector<16xf32>
    %mul3A_1779 = arith.mulf %mul3A_1778, %mul3A_1774 : vector<16xf32>
    %sub3A_1780 = arith.constant 1.500000e+00 : f32
    %sub3A_1781 = vector.broadcast %sub3A_1780 : f32 to vector<16xf32>
    %sub3A_1782 = arith.subf %sub3A_1781, %mul3A_1779 : vector<16xf32>
    %mul3A_1783 = arith.mulf %mul3A_1774, %sub3A_1782 : vector<16xf32>
    %mul3A_1784 = arith.mulf %max3A_1748, %mul3A_1783 : vector<16xf32>
    %bitcast_convert_type3A_1785 = tpu.bitcast %bitcast_convert_type3A_1745 : vector<16xf32> -> vector<16xi32>
    %shift_right_arithmetic3A_1786 = arith.constant 1 : i32
    %shift_right_arithmetic3A_1787 = vector.broadcast %shift_right_arithmetic3A_1786 : i32 to vector<16xi32>
    %shift_right_arithmetic3A_1788 = arith.shrsi %bitcast_convert_type3A_1785, %shift_right_arithmetic3A_1787 : vector<16xi32>
    %sub3A_1789 = arith.constant 1597463007 : i32
    %sub3A_1790 = vector.broadcast %sub3A_1789 : i32 to vector<16xi32>
    %sub3A_1791 = arith.subi %sub3A_1790, %shift_right_arithmetic3A_1788 : vector<16xi32>
    %bitcast_convert_type3A_1792 = tpu.bitcast %sub3A_1791 : vector<16xi32> -> vector<16xf32>
    %mul3A_1793 = arith.constant 5.000000e-01 : f32
    %mul3A_1794 = vector.broadcast %mul3A_1793 : f32 to vector<16xf32>
    %mul3A_1795 = arith.mulf %mul3A_1794, %bitcast_convert_type3A_1745 : vector<16xf32>
    %mul3A_1796 = arith.mulf %mul3A_1795, %bitcast_convert_type3A_1792 : vector<16xf32>
    %mul3A_1797 = arith.mulf %mul3A_1796, %bitcast_convert_type3A_1792 : vector<16xf32>
    %sub3A_1798 = arith.constant 1.500000e+00 : f32
    %sub3A_1799 = vector.broadcast %sub3A_1798 : f32 to vector<16xf32>
    %sub3A_1800 = arith.subf %sub3A_1799, %mul3A_1797 : vector<16xf32>
    %mul3A_1801 = arith.mulf %bitcast_convert_type3A_1792, %sub3A_1800 : vector<16xf32>
    %mul3A_1802 = arith.constant 5.000000e-01 : f32
    %mul3A_1803 = vector.broadcast %mul3A_1802 : f32 to vector<16xf32>
    %mul3A_1804 = arith.mulf %mul3A_1803, %bitcast_convert_type3A_1745 : vector<16xf32>
    %mul3A_1805 = arith.mulf %mul3A_1804, %mul3A_1801 : vector<16xf32>
    %mul3A_1806 = arith.mulf %mul3A_1805, %mul3A_1801 : vector<16xf32>
    %sub3A_1807 = arith.constant 1.500000e+00 : f32
    %sub3A_1808 = vector.broadcast %sub3A_1807 : f32 to vector<16xf32>
    %sub3A_1809 = arith.subf %sub3A_1808, %mul3A_1806 : vector<16xf32>
    %mul3A_1810 = arith.mulf %mul3A_1801, %sub3A_1809 : vector<16xf32>
    %mul3A_1811 = arith.constant 5.000000e-01 : f32
    %mul3A_1812 = vector.broadcast %mul3A_1811 : f32 to vector<16xf32>
    %mul3A_1813 = arith.mulf %mul3A_1812, %bitcast_convert_type3A_1745 : vector<16xf32>
    %mul3A_1814 = arith.mulf %mul3A_1813, %mul3A_1810 : vector<16xf32>
    %mul3A_1815 = arith.mulf %mul3A_1814, %mul3A_1810 : vector<16xf32>
    %sub3A_1816 = arith.constant 1.500000e+00 : f32
    %sub3A_1817 = vector.broadcast %sub3A_1816 : f32 to vector<16xf32>
    %sub3A_1818 = arith.subf %sub3A_1817, %mul3A_1815 : vector<16xf32>
    %mul3A_1819 = arith.mulf %mul3A_1810, %sub3A_1818 : vector<16xf32>
    %mul3A_1820 = arith.mulf %bitcast_convert_type3A_1745, %mul3A_1819 : vector<16xf32>
    %mul3A_1821 = arith.constant 8 : i32
    %mul3A_1822 = vector.broadcast %mul3A_1821 : i32 to vector<16xi32>
    %mul3A_1823 = arith.muli %get3A_1732, %mul3A_1822 : vector<16xi32>
    %add3A_1824 = arith.addi %mul3A_1823, %and3A_1741 : vector<16xi32>
    %and3A_1825 = arith.constant 15 : i32
    %and3A_1826 = vector.broadcast %and3A_1825 : i32 to vector<16xi32>
    %and3A_1827 = arith.andi %add3A_1824, %and3A_1826 : vector<16xi32>
    %lt3A_1828 = arith.constant 0 : i32
    %lt3A_1829 = vector.broadcast %lt3A_1828 : i32 to vector<16xi32>
    %lt3A_1830 = arith.cmpi slt, %and3A_1827, %lt3A_1829 : vector<16xi32>
    %add3A_1831 = arith.constant 16 : i32
    %add3A_1832 = vector.broadcast %add3A_1831 : i32 to vector<16xi32>
    %add3A_1833 = arith.addi %and3A_1827, %add3A_1832 : vector<16xi32>
    %select_n3A_1834 = arith.select %lt3A_1830, %add3A_1833, %and3A_1827 : vector<16xi1>, vector<16xi32>
    %broadcast_in_dim3A_1835 = vector.shape_cast %select_n3A_1834 : vector<16xi32> to vector<16x1xi32>
    %gather3A_1836 = vector.shape_cast %broadcast_in_dim3A_1835 : vector<16x1xi32> to vector<16xi32>
    %gather3A_1837 = tpu.dynamic_gather %get3A_2[%gather3A_1836] in [0] : vector<16xf32>, vector<16xi32> -> vector<16xf32>
    %lt3A_1838 = arith.constant 0 : i32
    %lt3A_1839 = vector.broadcast %lt3A_1838 : i32 to vector<16xi32>
    %lt3A_1840 = arith.cmpi slt, %and3A_1827, %lt3A_1839 : vector<16xi32>
    %add3A_1841 = arith.constant 16 : i32
    %add3A_1842 = vector.broadcast %add3A_1841 : i32 to vector<16xi32>
    %add3A_1843 = arith.addi %and3A_1827, %add3A_1842 : vector<16xi32>
    %select_n3A_1844 = arith.select %lt3A_1840, %add3A_1843, %and3A_1827 : vector<16xi1>, vector<16xi32>
    %broadcast_in_dim3A_1845 = vector.shape_cast %select_n3A_1844 : vector<16xi32> to vector<16x1xi32>
    %gather3A_1846 = vector.shape_cast %broadcast_in_dim3A_1845 : vector<16x1xi32> to vector<16xi32>
    %gather3A_1847 = tpu.dynamic_gather %get3A_5[%gather3A_1846] in [0] : vector<16xf32>, vector<16xi32> -> vector<16xf32>
    %lt3A_1848 = arith.constant 0 : i32
    %lt3A_1849 = vector.broadcast %lt3A_1848 : i32 to vector<16xi32>
    %lt3A_1850 = arith.cmpi slt, %and3A_1827, %lt3A_1849 : vector<16xi32>
    %add3A_1851 = arith.constant 16 : i32
    %add3A_1852 = vector.broadcast %add3A_1851 : i32 to vector<16xi32>
    %add3A_1853 = arith.addi %and3A_1827, %add3A_1852 : vector<16xi32>
    %select_n3A_1854 = arith.select %lt3A_1850, %add3A_1853, %and3A_1827 : vector<16xi1>, vector<16xi32>
    %broadcast_in_dim3A_1855 = vector.shape_cast %select_n3A_1854 : vector<16xi32> to vector<16x1xi32>
    %gather3A_1856 = vector.shape_cast %broadcast_in_dim3A_1855 : vector<16x1xi32> to vector<16xi32>
    %gather3A_1857 = tpu.dynamic_gather %get3A_8[%gather3A_1856] in [0] : vector<16xf32>, vector<16xi32> -> vector<16xf32>
    %lt3A_1858 = arith.constant 0 : i32
    %lt3A_1859 = vector.broadcast %lt3A_1858 : i32 to vector<16xi32>
    %lt3A_1860 = arith.cmpi slt, %and3A_1827, %lt3A_1859 : vector<16xi32>
    %add3A_1861 = arith.constant 16 : i32
    %add3A_1862 = vector.broadcast %add3A_1861 : i32 to vector<16xi32>
    %add3A_1863 = arith.addi %and3A_1827, %add3A_1862 : vector<16xi32>
    %select_n3A_1864 = arith.select %lt3A_1860, %add3A_1863, %and3A_1827 : vector<16xi1>, vector<16xi32>
    %broadcast_in_dim3A_1865 = vector.shape_cast %select_n3A_1864 : vector<16xi32> to vector<16x1xi32>
    %gather3A_1866 = vector.shape_cast %broadcast_in_dim3A_1865 : vector<16x1xi32> to vector<16xi32>
    %gather3A_1867 = tpu.dynamic_gather %get3A_11[%gather3A_1866] in [0] : vector<16xf32>, vector<16xi32> -> vector<16xf32>
    %lt3A_1868 = arith.constant 16 : i32
    %lt3A_1869 = vector.broadcast %lt3A_1868 : i32 to vector<16xi32>
    %lt3A_1870 = arith.cmpi slt, %add3A_1824, %lt3A_1869 : vector<16xi32>
    %lt3A_1871 = arith.constant 32 : i32
    %lt3A_1872 = vector.broadcast %lt3A_1871 : i32 to vector<16xi32>
    %lt3A_1873 = arith.cmpi slt, %add3A_1824, %lt3A_1872 : vector<16xi32>
    %lt3A_1874 = arith.constant 48 : i32
    %lt3A_1875 = vector.broadcast %lt3A_1874 : i32 to vector<16xi32>
    %lt3A_1876 = arith.cmpi slt, %add3A_1824, %lt3A_1875 : vector<16xi32>
    %select_n3A_1877 = arith.select %lt3A_1876, %gather3A_1857, %gather3A_1867 : vector<16xi1>, vector<16xf32>
    %select_n3A_1878 = arith.select %lt3A_1873, %gather3A_1847, %select_n3A_1877 : vector<16xi1>, vector<16xf32>
    %select_n3A_1879 = arith.select %lt3A_1870, %gather3A_1837, %select_n3A_1878 : vector<16xi1>, vector<16xf32>
    %and3A_1880 = arith.andi %gt3A_1735, %lt3A_1738 : vector<16xi1>
    %sub3A_1881 = arith.subf %mul3A_1784, %mul3A_1820 : vector<16xf32>
    %add3A_1882 = arith.addf %sub3A_1881, %select_n3A_1879 : vector<16xf32>
    %max3A_1883 = arith.constant 0.000000e+00 : f32
    %max3A_1884 = vector.broadcast %max3A_1883 : f32 to vector<16xf32>
    %max3A_1885 = arith.maximumf %add3A_1882, %max3A_1884 : vector<16xf32>
    %jit3A_1886 = arith.constant 0.000000e+00 : f32
    %broadcast_in_dim3A_1887 = vector.broadcast %jit3A_1886 : f32 to vector<16xf32>
    %select_n3A_1888 = arith.select %and3A_1880, %max3A_1885, %broadcast_in_dim3A_1887 : vector<16xi1>, vector<16xf32>
    %add3A_1889 = arith.addf %add3A_1717, %select_n3A_1888 : vector<16xf32>
    %jit3A_1890 = arith.constant 1.000000e+00 : f32
    %jit3A_1891 = arith.constant 0.000000e+00 : f32
    %broadcast_in_dim3A_1892 = vector.broadcast %jit3A_1890 : f32 to vector<16xf32>
    %broadcast_in_dim3A_1893 = vector.broadcast %jit3A_1891 : f32 to vector<16xf32>
    %select_n3A_1894 = arith.select %and3A_1880, %broadcast_in_dim3A_1892, %broadcast_in_dim3A_1893 : vector<16xi1>, vector<16xf32>
    %add3A_1895 = arith.addf %add3A_1723, %select_n3A_1894 : vector<16xf32>
    %get3A_1896 = arith.constant 176 : index
    %get3A_1897 = tpu.vector_load %arg7[%get3A_1896] {strides = array<i32>} : memref<256xf32, #tpu.memory_space<vmem>>, vector<16xf32>,
    %get3A_1898 = vector.shape_cast %get3A_1897 : vector<16xf32> to vector<16xf32>
    %get3A_1899 = arith.constant 176 : index
    %get3A_1900 = tpu.vector_load %arg8[%get3A_1899] {strides = array<i32>} : memref<256xi32, #tpu.memory_space<vmem>>, vector<16xi32>,
    %get3A_1901 = vector.shape_cast %get3A_1900 : vector<16xi32> to vector<16xi32>
    %get3A_1902 = arith.constant 176 : index
    %get3A_1903 = tpu.vector_load %arg9[%get3A_1902] {strides = array<i32>} : memref<256xi32, #tpu.memory_space<vmem>>, vector<16xi32>,
    %get3A_1904 = vector.shape_cast %get3A_1903 : vector<16xi32> to vector<16xi32>
    %gt3A_1905 = arith.constant 0xFF800000 : f32
    %gt3A_1906 = vector.broadcast %gt3A_1905 : f32 to vector<16xf32>
    %gt3A_1907 = arith.cmpf ogt, %get3A_1898, %gt3A_1906 : vector<16xf32>
    %lt3A_1908 = arith.constant 2139095040 : i32
    %lt3A_1909 = vector.broadcast %lt3A_1908 : i32 to vector<16xi32>
    %lt3A_1910 = arith.cmpi slt, %get3A_1901, %lt3A_1909 : vector<16xi32>
    %and3A_1911 = arith.constant 7 : i32
    %and3A_1912 = vector.broadcast %and3A_1911 : i32 to vector<16xi32>
    %and3A_1913 = arith.andi %get3A_1901, %and3A_1912 : vector<16xi32>
    %and3A_1914 = arith.constant -8 : i32
    %and3A_1915 = vector.broadcast %and3A_1914 : i32 to vector<16xi32>
    %and3A_1916 = arith.andi %get3A_1901, %and3A_1915 : vector<16xi32>
    %bitcast_convert_type3A_1917 = tpu.bitcast %and3A_1916 : vector<16xi32> -> vector<16xf32>
    %max3A_1918 = arith.constant 0.000000e+00 : f32
    %max3A_1919 = vector.broadcast %max3A_1918 : f32 to vector<16xf32>
    %max3A_1920 = arith.maximumf %get3A_1898, %max3A_1919 : vector<16xf32>
    %bitcast_convert_type3A_1921 = tpu.bitcast %max3A_1920 : vector<16xf32> -> vector<16xi32>
    %shift_right_arithmetic3A_1922 = arith.constant 1 : i32
    %shift_right_arithmetic3A_1923 = vector.broadcast %shift_right_arithmetic3A_1922 : i32 to vector<16xi32>
    %shift_right_arithmetic3A_1924 = arith.shrsi %bitcast_convert_type3A_1921, %shift_right_arithmetic3A_1923 : vector<16xi32>
    %sub3A_1925 = arith.constant 1597463007 : i32
    %sub3A_1926 = vector.broadcast %sub3A_1925 : i32 to vector<16xi32>
    %sub3A_1927 = arith.subi %sub3A_1926, %shift_right_arithmetic3A_1924 : vector<16xi32>
    %bitcast_convert_type3A_1928 = tpu.bitcast %sub3A_1927 : vector<16xi32> -> vector<16xf32>
    %mul3A_1929 = arith.constant 5.000000e-01 : f32
    %mul3A_1930 = vector.broadcast %mul3A_1929 : f32 to vector<16xf32>
    %mul3A_1931 = arith.mulf %mul3A_1930, %max3A_1920 : vector<16xf32>
    %mul3A_1932 = arith.mulf %mul3A_1931, %bitcast_convert_type3A_1928 : vector<16xf32>
    %mul3A_1933 = arith.mulf %mul3A_1932, %bitcast_convert_type3A_1928 : vector<16xf32>
    %sub3A_1934 = arith.constant 1.500000e+00 : f32
    %sub3A_1935 = vector.broadcast %sub3A_1934 : f32 to vector<16xf32>
    %sub3A_1936 = arith.subf %sub3A_1935, %mul3A_1933 : vector<16xf32>
    %mul3A_1937 = arith.mulf %bitcast_convert_type3A_1928, %sub3A_1936 : vector<16xf32>
    %mul3A_1938 = arith.constant 5.000000e-01 : f32
    %mul3A_1939 = vector.broadcast %mul3A_1938 : f32 to vector<16xf32>
    %mul3A_1940 = arith.mulf %mul3A_1939, %max3A_1920 : vector<16xf32>
    %mul3A_1941 = arith.mulf %mul3A_1940, %mul3A_1937 : vector<16xf32>
    %mul3A_1942 = arith.mulf %mul3A_1941, %mul3A_1937 : vector<16xf32>
    %sub3A_1943 = arith.constant 1.500000e+00 : f32
    %sub3A_1944 = vector.broadcast %sub3A_1943 : f32 to vector<16xf32>
    %sub3A_1945 = arith.subf %sub3A_1944, %mul3A_1942 : vector<16xf32>
    %mul3A_1946 = arith.mulf %mul3A_1937, %sub3A_1945 : vector<16xf32>
    %mul3A_1947 = arith.constant 5.000000e-01 : f32
    %mul3A_1948 = vector.broadcast %mul3A_1947 : f32 to vector<16xf32>
    %mul3A_1949 = arith.mulf %mul3A_1948, %max3A_1920 : vector<16xf32>
    %mul3A_1950 = arith.mulf %mul3A_1949, %mul3A_1946 : vector<16xf32>
    %mul3A_1951 = arith.mulf %mul3A_1950, %mul3A_1946 : vector<16xf32>
    %sub3A_1952 = arith.constant 1.500000e+00 : f32
    %sub3A_1953 = vector.broadcast %sub3A_1952 : f32 to vector<16xf32>
    %sub3A_1954 = arith.subf %sub3A_1953, %mul3A_1951 : vector<16xf32>
    %mul3A_1955 = arith.mulf %mul3A_1946, %sub3A_1954 : vector<16xf32>
    %mul3A_1956 = arith.mulf %max3A_1920, %mul3A_1955 : vector<16xf32>
    %bitcast_convert_type3A_1957 = tpu.bitcast %bitcast_convert_type3A_1917 : vector<16xf32> -> vector<16xi32>
    %shift_right_arithmetic3A_1958 = arith.constant 1 : i32
    %shift_right_arithmetic3A_1959 = vector.broadcast %shift_right_arithmetic3A_1958 : i32 to vector<16xi32>
    %shift_right_arithmetic3A_1960 = arith.shrsi %bitcast_convert_type3A_1957, %shift_right_arithmetic3A_1959 : vector<16xi32>
    %sub3A_1961 = arith.constant 1597463007 : i32
    %sub3A_1962 = vector.broadcast %sub3A_1961 : i32 to vector<16xi32>
    %sub3A_1963 = arith.subi %sub3A_1962, %shift_right_arithmetic3A_1960 : vector<16xi32>
    %bitcast_convert_type3A_1964 = tpu.bitcast %sub3A_1963 : vector<16xi32> -> vector<16xf32>
    %mul3A_1965 = arith.constant 5.000000e-01 : f32
    %mul3A_1966 = vector.broadcast %mul3A_1965 : f32 to vector<16xf32>
    %mul3A_1967 = arith.mulf %mul3A_1966, %bitcast_convert_type3A_1917 : vector<16xf32>
    %mul3A_1968 = arith.mulf %mul3A_1967, %bitcast_convert_type3A_1964 : vector<16xf32>
    %mul3A_1969 = arith.mulf %mul3A_1968, %bitcast_convert_type3A_1964 : vector<16xf32>
    %sub3A_1970 = arith.constant 1.500000e+00 : f32
    %sub3A_1971 = vector.broadcast %sub3A_1970 : f32 to vector<16xf32>
    %sub3A_1972 = arith.subf %sub3A_1971, %mul3A_1969 : vector<16xf32>
    %mul3A_1973 = arith.mulf %bitcast_convert_type3A_1964, %sub3A_1972 : vector<16xf32>
    %mul3A_1974 = arith.constant 5.000000e-01 : f32
    %mul3A_1975 = vector.broadcast %mul3A_1974 : f32 to vector<16xf32>
    %mul3A_1976 = arith.mulf %mul3A_1975, %bitcast_convert_type3A_1917 : vector<16xf32>
    %mul3A_1977 = arith.mulf %mul3A_1976, %mul3A_1973 : vector<16xf32>
    %mul3A_1978 = arith.mulf %mul3A_1977, %mul3A_1973 : vector<16xf32>
    %sub3A_1979 = arith.constant 1.500000e+00 : f32
    %sub3A_1980 = vector.broadcast %sub3A_1979 : f32 to vector<16xf32>
    %sub3A_1981 = arith.subf %sub3A_1980, %mul3A_1978 : vector<16xf32>
    %mul3A_1982 = arith.mulf %mul3A_1973, %sub3A_1981 : vector<16xf32>
    %mul3A_1983 = arith.constant 5.000000e-01 : f32
    %mul3A_1984 = vector.broadcast %mul3A_1983 : f32 to vector<16xf32>
    %mul3A_1985 = arith.mulf %mul3A_1984, %bitcast_convert_type3A_1917 : vector<16xf32>
    %mul3A_1986 = arith.mulf %mul3A_1985, %mul3A_1982 : vector<16xf32>
    %mul3A_1987 = arith.mulf %mul3A_1986, %mul3A_1982 : vector<16xf32>
    %sub3A_1988 = arith.constant 1.500000e+00 : f32
    %sub3A_1989 = vector.broadcast %sub3A_1988 : f32 to vector<16xf32>
    %sub3A_1990 = arith.subf %sub3A_1989, %mul3A_1987 : vector<16xf32>
    %mul3A_1991 = arith.mulf %mul3A_1982, %sub3A_1990 : vector<16xf32>
    %mul3A_1992 = arith.mulf %bitcast_convert_type3A_1917, %mul3A_1991 : vector<16xf32>
    %mul3A_1993 = arith.constant 8 : i32
    %mul3A_1994 = vector.broadcast %mul3A_1993 : i32 to vector<16xi32>
    %mul3A_1995 = arith.muli %get3A_1904, %mul3A_1994 : vector<16xi32>
    %add3A_1996 = arith.addi %mul3A_1995, %and3A_1913 : vector<16xi32>
    %and3A_1997 = arith.constant 15 : i32
    %and3A_1998 = vector.broadcast %and3A_1997 : i32 to vector<16xi32>
    %and3A_1999 = arith.andi %add3A_1996, %and3A_1998 : vector<16xi32>
    %lt3A_2000 = arith.constant 0 : i32
    %lt3A_2001 = vector.broadcast %lt3A_2000 : i32 to vector<16xi32>
    %lt3A_2002 = arith.cmpi slt, %and3A_1999, %lt3A_2001 : vector<16xi32>
    %add3A_2003 = arith.constant 16 : i32
    %add3A_2004 = vector.broadcast %add3A_2003 : i32 to vector<16xi32>
    %add3A_2005 = arith.addi %and3A_1999, %add3A_2004 : vector<16xi32>
    %select_n3A_2006 = arith.select %lt3A_2002, %add3A_2005, %and3A_1999 : vector<16xi1>, vector<16xi32>
    %broadcast_in_dim3A_2007 = vector.shape_cast %select_n3A_2006 : vector<16xi32> to vector<16x1xi32>
    %gather3A_2008 = vector.shape_cast %broadcast_in_dim3A_2007 : vector<16x1xi32> to vector<16xi32>
    %gather3A_2009 = tpu.dynamic_gather %get3A_2[%gather3A_2008] in [0] : vector<16xf32>, vector<16xi32> -> vector<16xf32>
    %lt3A_2010 = arith.constant 0 : i32
    %lt3A_2011 = vector.broadcast %lt3A_2010 : i32 to vector<16xi32>
    %lt3A_2012 = arith.cmpi slt, %and3A_1999, %lt3A_2011 : vector<16xi32>
    %add3A_2013 = arith.constant 16 : i32
    %add3A_2014 = vector.broadcast %add3A_2013 : i32 to vector<16xi32>
    %add3A_2015 = arith.addi %and3A_1999, %add3A_2014 : vector<16xi32>
    %select_n3A_2016 = arith.select %lt3A_2012, %add3A_2015, %and3A_1999 : vector<16xi1>, vector<16xi32>
    %broadcast_in_dim3A_2017 = vector.shape_cast %select_n3A_2016 : vector<16xi32> to vector<16x1xi32>
    %gather3A_2018 = vector.shape_cast %broadcast_in_dim3A_2017 : vector<16x1xi32> to vector<16xi32>
    %gather3A_2019 = tpu.dynamic_gather %get3A_5[%gather3A_2018] in [0] : vector<16xf32>, vector<16xi32> -> vector<16xf32>
    %lt3A_2020 = arith.constant 0 : i32
    %lt3A_2021 = vector.broadcast %lt3A_2020 : i32 to vector<16xi32>
    %lt3A_2022 = arith.cmpi slt, %and3A_1999, %lt3A_2021 : vector<16xi32>
    %add3A_2023 = arith.constant 16 : i32
    %add3A_2024 = vector.broadcast %add3A_2023 : i32 to vector<16xi32>
    %add3A_2025 = arith.addi %and3A_1999, %add3A_2024 : vector<16xi32>
    %select_n3A_2026 = arith.select %lt3A_2022, %add3A_2025, %and3A_1999 : vector<16xi1>, vector<16xi32>
    %broadcast_in_dim3A_2027 = vector.shape_cast %select_n3A_2026 : vector<16xi32> to vector<16x1xi32>
    %gather3A_2028 = vector.shape_cast %broadcast_in_dim3A_2027 : vector<16x1xi32> to vector<16xi32>
    %gather3A_2029 = tpu.dynamic_gather %get3A_8[%gather3A_2028] in [0] : vector<16xf32>, vector<16xi32> -> vector<16xf32>
    %lt3A_2030 = arith.constant 0 : i32
    %lt3A_2031 = vector.broadcast %lt3A_2030 : i32 to vector<16xi32>
    %lt3A_2032 = arith.cmpi slt, %and3A_1999, %lt3A_2031 : vector<16xi32>
    %add3A_2033 = arith.constant 16 : i32
    %add3A_2034 = vector.broadcast %add3A_2033 : i32 to vector<16xi32>
    %add3A_2035 = arith.addi %and3A_1999, %add3A_2034 : vector<16xi32>
    %select_n3A_2036 = arith.select %lt3A_2032, %add3A_2035, %and3A_1999 : vector<16xi1>, vector<16xi32>
    %broadcast_in_dim3A_2037 = vector.shape_cast %select_n3A_2036 : vector<16xi32> to vector<16x1xi32>
    %gather3A_2038 = vector.shape_cast %broadcast_in_dim3A_2037 : vector<16x1xi32> to vector<16xi32>
    %gather3A_2039 = tpu.dynamic_gather %get3A_11[%gather3A_2038] in [0] : vector<16xf32>, vector<16xi32> -> vector<16xf32>
    %lt3A_2040 = arith.constant 16 : i32
    %lt3A_2041 = vector.broadcast %lt3A_2040 : i32 to vector<16xi32>
    %lt3A_2042 = arith.cmpi slt, %add3A_1996, %lt3A_2041 : vector<16xi32>
    %lt3A_2043 = arith.constant 32 : i32
    %lt3A_2044 = vector.broadcast %lt3A_2043 : i32 to vector<16xi32>
    %lt3A_2045 = arith.cmpi slt, %add3A_1996, %lt3A_2044 : vector<16xi32>
    %lt3A_2046 = arith.constant 48 : i32
    %lt3A_2047 = vector.broadcast %lt3A_2046 : i32 to vector<16xi32>
    %lt3A_2048 = arith.cmpi slt, %add3A_1996, %lt3A_2047 : vector<16xi32>
    %select_n3A_2049 = arith.select %lt3A_2048, %gather3A_2029, %gather3A_2039 : vector<16xi1>, vector<16xf32>
    %select_n3A_2050 = arith.select %lt3A_2045, %gather3A_2019, %select_n3A_2049 : vector<16xi1>, vector<16xf32>
    %select_n3A_2051 = arith.select %lt3A_2042, %gather3A_2009, %select_n3A_2050 : vector<16xi1>, vector<16xf32>
    %and3A_2052 = arith.andi %gt3A_1907, %lt3A_1910 : vector<16xi1>
    %sub3A_2053 = arith.subf %mul3A_1956, %mul3A_1992 : vector<16xf32>
    %add3A_2054 = arith.addf %sub3A_2053, %select_n3A_2051 : vector<16xf32>
    %max3A_2055 = arith.constant 0.000000e+00 : f32
    %max3A_2056 = vector.broadcast %max3A_2055 : f32 to vector<16xf32>
    %max3A_2057 = arith.maximumf %add3A_2054, %max3A_2056 : vector<16xf32>
    %jit3A_2058 = arith.constant 0.000000e+00 : f32
    %broadcast_in_dim3A_2059 = vector.broadcast %jit3A_2058 : f32 to vector<16xf32>
    %select_n3A_2060 = arith.select %and3A_2052, %max3A_2057, %broadcast_in_dim3A_2059 : vector<16xi1>, vector<16xf32>
    %add3A_2061 = arith.addf %add3A_1889, %select_n3A_2060 : vector<16xf32>
    %jit3A_2062 = arith.constant 1.000000e+00 : f32
    %jit3A_2063 = arith.constant 0.000000e+00 : f32
    %broadcast_in_dim3A_2064 = vector.broadcast %jit3A_2062 : f32 to vector<16xf32>
    %broadcast_in_dim3A_2065 = vector.broadcast %jit3A_2063 : f32 to vector<16xf32>
    %select_n3A_2066 = arith.select %and3A_2052, %broadcast_in_dim3A_2064, %broadcast_in_dim3A_2065 : vector<16xi1>, vector<16xf32>
    %add3A_2067 = arith.addf %add3A_1895, %select_n3A_2066 : vector<16xf32>
    %get3A_2068 = arith.constant 192 : index
    %get3A_2069 = tpu.vector_load %arg7[%get3A_2068] {strides = array<i32>} : memref<256xf32, #tpu.memory_space<vmem>>, vector<16xf32>,
    %get3A_2070 = vector.shape_cast %get3A_2069 : vector<16xf32> to vector<16xf32>
    %get3A_2071 = arith.constant 192 : index
    %get3A_2072 = tpu.vector_load %arg8[%get3A_2071] {strides = array<i32>} : memref<256xi32, #tpu.memory_space<vmem>>, vector<16xi32>,
    %get3A_2073 = vector.shape_cast %get3A_2072 : vector<16xi32> to vector<16xi32>
    %get3A_2074 = arith.constant 192 : index
    %get3A_2075 = tpu.vector_load %arg9[%get3A_2074] {strides = array<i32>} : memref<256xi32, #tpu.memory_space<vmem>>, vector<16xi32>,
    %get3A_2076 = vector.shape_cast %get3A_2075 : vector<16xi32> to vector<16xi32>
    %gt3A_2077 = arith.constant 0xFF800000 : f32
    %gt3A_2078 = vector.broadcast %gt3A_2077 : f32 to vector<16xf32>
    %gt3A_2079 = arith.cmpf ogt, %get3A_2070, %gt3A_2078 : vector<16xf32>
    %lt3A_2080 = arith.constant 2139095040 : i32
    %lt3A_2081 = vector.broadcast %lt3A_2080 : i32 to vector<16xi32>
    %lt3A_2082 = arith.cmpi slt, %get3A_2073, %lt3A_2081 : vector<16xi32>
    %and3A_2083 = arith.constant 7 : i32
    %and3A_2084 = vector.broadcast %and3A_2083 : i32 to vector<16xi32>
    %and3A_2085 = arith.andi %get3A_2073, %and3A_2084 : vector<16xi32>
    %and3A_2086 = arith.constant -8 : i32
    %and3A_2087 = vector.broadcast %and3A_2086 : i32 to vector<16xi32>
    %and3A_2088 = arith.andi %get3A_2073, %and3A_2087 : vector<16xi32>
    %bitcast_convert_type3A_2089 = tpu.bitcast %and3A_2088 : vector<16xi32> -> vector<16xf32>
    %max3A_2090 = arith.constant 0.000000e+00 : f32
    %max3A_2091 = vector.broadcast %max3A_2090 : f32 to vector<16xf32>
    %max3A_2092 = arith.maximumf %get3A_2070, %max3A_2091 : vector<16xf32>
    %bitcast_convert_type3A_2093 = tpu.bitcast %max3A_2092 : vector<16xf32> -> vector<16xi32>
    %shift_right_arithmetic3A_2094 = arith.constant 1 : i32
    %shift_right_arithmetic3A_2095 = vector.broadcast %shift_right_arithmetic3A_2094 : i32 to vector<16xi32>
    %shift_right_arithmetic3A_2096 = arith.shrsi %bitcast_convert_type3A_2093, %shift_right_arithmetic3A_2095 : vector<16xi32>
    %sub3A_2097 = arith.constant 1597463007 : i32
    %sub3A_2098 = vector.broadcast %sub3A_2097 : i32 to vector<16xi32>
    %sub3A_2099 = arith.subi %sub3A_2098, %shift_right_arithmetic3A_2096 : vector<16xi32>
    %bitcast_convert_type3A_2100 = tpu.bitcast %sub3A_2099 : vector<16xi32> -> vector<16xf32>
    %mul3A_2101 = arith.constant 5.000000e-01 : f32
    %mul3A_2102 = vector.broadcast %mul3A_2101 : f32 to vector<16xf32>
    %mul3A_2103 = arith.mulf %mul3A_2102, %max3A_2092 : vector<16xf32>
    %mul3A_2104 = arith.mulf %mul3A_2103, %bitcast_convert_type3A_2100 : vector<16xf32>
    %mul3A_2105 = arith.mulf %mul3A_2104, %bitcast_convert_type3A_2100 : vector<16xf32>
    %sub3A_2106 = arith.constant 1.500000e+00 : f32
    %sub3A_2107 = vector.broadcast %sub3A_2106 : f32 to vector<16xf32>
    %sub3A_2108 = arith.subf %sub3A_2107, %mul3A_2105 : vector<16xf32>
    %mul3A_2109 = arith.mulf %bitcast_convert_type3A_2100, %sub3A_2108 : vector<16xf32>
    %mul3A_2110 = arith.constant 5.000000e-01 : f32
    %mul3A_2111 = vector.broadcast %mul3A_2110 : f32 to vector<16xf32>
    %mul3A_2112 = arith.mulf %mul3A_2111, %max3A_2092 : vector<16xf32>
    %mul3A_2113 = arith.mulf %mul3A_2112, %mul3A_2109 : vector<16xf32>
    %mul3A_2114 = arith.mulf %mul3A_2113, %mul3A_2109 : vector<16xf32>
    %sub3A_2115 = arith.constant 1.500000e+00 : f32
    %sub3A_2116 = vector.broadcast %sub3A_2115 : f32 to vector<16xf32>
    %sub3A_2117 = arith.subf %sub3A_2116, %mul3A_2114 : vector<16xf32>
    %mul3A_2118 = arith.mulf %mul3A_2109, %sub3A_2117 : vector<16xf32>
    %mul3A_2119 = arith.constant 5.000000e-01 : f32
    %mul3A_2120 = vector.broadcast %mul3A_2119 : f32 to vector<16xf32>
    %mul3A_2121 = arith.mulf %mul3A_2120, %max3A_2092 : vector<16xf32>
    %mul3A_2122 = arith.mulf %mul3A_2121, %mul3A_2118 : vector<16xf32>
    %mul3A_2123 = arith.mulf %mul3A_2122, %mul3A_2118 : vector<16xf32>
    %sub3A_2124 = arith.constant 1.500000e+00 : f32
    %sub3A_2125 = vector.broadcast %sub3A_2124 : f32 to vector<16xf32>
    %sub3A_2126 = arith.subf %sub3A_2125, %mul3A_2123 : vector<16xf32>
    %mul3A_2127 = arith.mulf %mul3A_2118, %sub3A_2126 : vector<16xf32>
    %mul3A_2128 = arith.mulf %max3A_2092, %mul3A_2127 : vector<16xf32>
    %bitcast_convert_type3A_2129 = tpu.bitcast %bitcast_convert_type3A_2089 : vector<16xf32> -> vector<16xi32>
    %shift_right_arithmetic3A_2130 = arith.constant 1 : i32
    %shift_right_arithmetic3A_2131 = vector.broadcast %shift_right_arithmetic3A_2130 : i32 to vector<16xi32>
    %shift_right_arithmetic3A_2132 = arith.shrsi %bitcast_convert_type3A_2129, %shift_right_arithmetic3A_2131 : vector<16xi32>
    %sub3A_2133 = arith.constant 1597463007 : i32
    %sub3A_2134 = vector.broadcast %sub3A_2133 : i32 to vector<16xi32>
    %sub3A_2135 = arith.subi %sub3A_2134, %shift_right_arithmetic3A_2132 : vector<16xi32>
    %bitcast_convert_type3A_2136 = tpu.bitcast %sub3A_2135 : vector<16xi32> -> vector<16xf32>
    %mul3A_2137 = arith.constant 5.000000e-01 : f32
    %mul3A_2138 = vector.broadcast %mul3A_2137 : f32 to vector<16xf32>
    %mul3A_2139 = arith.mulf %mul3A_2138, %bitcast_convert_type3A_2089 : vector<16xf32>
    %mul3A_2140 = arith.mulf %mul3A_2139, %bitcast_convert_type3A_2136 : vector<16xf32>
    %mul3A_2141 = arith.mulf %mul3A_2140, %bitcast_convert_type3A_2136 : vector<16xf32>
    %sub3A_2142 = arith.constant 1.500000e+00 : f32
    %sub3A_2143 = vector.broadcast %sub3A_2142 : f32 to vector<16xf32>
    %sub3A_2144 = arith.subf %sub3A_2143, %mul3A_2141 : vector<16xf32>
    %mul3A_2145 = arith.mulf %bitcast_convert_type3A_2136, %sub3A_2144 : vector<16xf32>
    %mul3A_2146 = arith.constant 5.000000e-01 : f32
    %mul3A_2147 = vector.broadcast %mul3A_2146 : f32 to vector<16xf32>
    %mul3A_2148 = arith.mulf %mul3A_2147, %bitcast_convert_type3A_2089 : vector<16xf32>
    %mul3A_2149 = arith.mulf %mul3A_2148, %mul3A_2145 : vector<16xf32>
    %mul3A_2150 = arith.mulf %mul3A_2149, %mul3A_2145 : vector<16xf32>
    %sub3A_2151 = arith.constant 1.500000e+00 : f32
    %sub3A_2152 = vector.broadcast %sub3A_2151 : f32 to vector<16xf32>
    %sub3A_2153 = arith.subf %sub3A_2152, %mul3A_2150 : vector<16xf32>
    %mul3A_2154 = arith.mulf %mul3A_2145, %sub3A_2153 : vector<16xf32>
    %mul3A_2155 = arith.constant 5.000000e-01 : f32
    %mul3A_2156 = vector.broadcast %mul3A_2155 : f32 to vector<16xf32>
    %mul3A_2157 = arith.mulf %mul3A_2156, %bitcast_convert_type3A_2089 : vector<16xf32>
    %mul3A_2158 = arith.mulf %mul3A_2157, %mul3A_2154 : vector<16xf32>
    %mul3A_2159 = arith.mulf %mul3A_2158, %mul3A_2154 : vector<16xf32>
    %sub3A_2160 = arith.constant 1.500000e+00 : f32
    %sub3A_2161 = vector.broadcast %sub3A_2160 : f32 to vector<16xf32>
    %sub3A_2162 = arith.subf %sub3A_2161, %mul3A_2159 : vector<16xf32>
    %mul3A_2163 = arith.mulf %mul3A_2154, %sub3A_2162 : vector<16xf32>
    %mul3A_2164 = arith.mulf %bitcast_convert_type3A_2089, %mul3A_2163 : vector<16xf32>
    %mul3A_2165 = arith.constant 8 : i32
    %mul3A_2166 = vector.broadcast %mul3A_2165 : i32 to vector<16xi32>
    %mul3A_2167 = arith.muli %get3A_2076, %mul3A_2166 : vector<16xi32>
    %add3A_2168 = arith.addi %mul3A_2167, %and3A_2085 : vector<16xi32>
    %and3A_2169 = arith.constant 15 : i32
    %and3A_2170 = vector.broadcast %and3A_2169 : i32 to vector<16xi32>
    %and3A_2171 = arith.andi %add3A_2168, %and3A_2170 : vector<16xi32>
    %lt3A_2172 = arith.constant 0 : i32
    %lt3A_2173 = vector.broadcast %lt3A_2172 : i32 to vector<16xi32>
    %lt3A_2174 = arith.cmpi slt, %and3A_2171, %lt3A_2173 : vector<16xi32>
    %add3A_2175 = arith.constant 16 : i32
    %add3A_2176 = vector.broadcast %add3A_2175 : i32 to vector<16xi32>
    %add3A_2177 = arith.addi %and3A_2171, %add3A_2176 : vector<16xi32>
    %select_n3A_2178 = arith.select %lt3A_2174, %add3A_2177, %and3A_2171 : vector<16xi1>, vector<16xi32>
    %broadcast_in_dim3A_2179 = vector.shape_cast %select_n3A_2178 : vector<16xi32> to vector<16x1xi32>
    %gather3A_2180 = vector.shape_cast %broadcast_in_dim3A_2179 : vector<16x1xi32> to vector<16xi32>
    %gather3A_2181 = tpu.dynamic_gather %get3A_2[%gather3A_2180] in [0] : vector<16xf32>, vector<16xi32> -> vector<16xf32>
    %lt3A_2182 = arith.constant 0 : i32
    %lt3A_2183 = vector.broadcast %lt3A_2182 : i32 to vector<16xi32>
    %lt3A_2184 = arith.cmpi slt, %and3A_2171, %lt3A_2183 : vector<16xi32>
    %add3A_2185 = arith.constant 16 : i32
    %add3A_2186 = vector.broadcast %add3A_2185 : i32 to vector<16xi32>
    %add3A_2187 = arith.addi %and3A_2171, %add3A_2186 : vector<16xi32>
    %select_n3A_2188 = arith.select %lt3A_2184, %add3A_2187, %and3A_2171 : vector<16xi1>, vector<16xi32>
    %broadcast_in_dim3A_2189 = vector.shape_cast %select_n3A_2188 : vector<16xi32> to vector<16x1xi32>
    %gather3A_2190 = vector.shape_cast %broadcast_in_dim3A_2189 : vector<16x1xi32> to vector<16xi32>
    %gather3A_2191 = tpu.dynamic_gather %get3A_5[%gather3A_2190] in [0] : vector<16xf32>, vector<16xi32> -> vector<16xf32>
    %lt3A_2192 = arith.constant 0 : i32
    %lt3A_2193 = vector.broadcast %lt3A_2192 : i32 to vector<16xi32>
    %lt3A_2194 = arith.cmpi slt, %and3A_2171, %lt3A_2193 : vector<16xi32>
    %add3A_2195 = arith.constant 16 : i32
    %add3A_2196 = vector.broadcast %add3A_2195 : i32 to vector<16xi32>
    %add3A_2197 = arith.addi %and3A_2171, %add3A_2196 : vector<16xi32>
    %select_n3A_2198 = arith.select %lt3A_2194, %add3A_2197, %and3A_2171 : vector<16xi1>, vector<16xi32>
    %broadcast_in_dim3A_2199 = vector.shape_cast %select_n3A_2198 : vector<16xi32> to vector<16x1xi32>
    %gather3A_2200 = vector.shape_cast %broadcast_in_dim3A_2199 : vector<16x1xi32> to vector<16xi32>
    %gather3A_2201 = tpu.dynamic_gather %get3A_8[%gather3A_2200] in [0] : vector<16xf32>, vector<16xi32> -> vector<16xf32>
    %lt3A_2202 = arith.constant 0 : i32
    %lt3A_2203 = vector.broadcast %lt3A_2202 : i32 to vector<16xi32>
    %lt3A_2204 = arith.cmpi slt, %and3A_2171, %lt3A_2203 : vector<16xi32>
    %add3A_2205 = arith.constant 16 : i32
    %add3A_2206 = vector.broadcast %add3A_2205 : i32 to vector<16xi32>
    %add3A_2207 = arith.addi %and3A_2171, %add3A_2206 : vector<16xi32>
    %select_n3A_2208 = arith.select %lt3A_2204, %add3A_2207, %and3A_2171 : vector<16xi1>, vector<16xi32>
    %broadcast_in_dim3A_2209 = vector.shape_cast %select_n3A_2208 : vector<16xi32> to vector<16x1xi32>
    %gather3A_2210 = vector.shape_cast %broadcast_in_dim3A_2209 : vector<16x1xi32> to vector<16xi32>
    %gather3A_2211 = tpu.dynamic_gather %get3A_11[%gather3A_2210] in [0] : vector<16xf32>, vector<16xi32> -> vector<16xf32>
    %lt3A_2212 = arith.constant 16 : i32
    %lt3A_2213 = vector.broadcast %lt3A_2212 : i32 to vector<16xi32>
    %lt3A_2214 = arith.cmpi slt, %add3A_2168, %lt3A_2213 : vector<16xi32>
    %lt3A_2215 = arith.constant 32 : i32
    %lt3A_2216 = vector.broadcast %lt3A_2215 : i32 to vector<16xi32>
    %lt3A_2217 = arith.cmpi slt, %add3A_2168, %lt3A_2216 : vector<16xi32>
    %lt3A_2218 = arith.constant 48 : i32
    %lt3A_2219 = vector.broadcast %lt3A_2218 : i32 to vector<16xi32>
    %lt3A_2220 = arith.cmpi slt, %add3A_2168, %lt3A_2219 : vector<16xi32>
    %select_n3A_2221 = arith.select %lt3A_2220, %gather3A_2201, %gather3A_2211 : vector<16xi1>, vector<16xf32>
    %select_n3A_2222 = arith.select %lt3A_2217, %gather3A_2191, %select_n3A_2221 : vector<16xi1>, vector<16xf32>
    %select_n3A_2223 = arith.select %lt3A_2214, %gather3A_2181, %select_n3A_2222 : vector<16xi1>, vector<16xf32>
    %and3A_2224 = arith.andi %gt3A_2079, %lt3A_2082 : vector<16xi1>
    %sub3A_2225 = arith.subf %mul3A_2128, %mul3A_2164 : vector<16xf32>
    %add3A_2226 = arith.addf %sub3A_2225, %select_n3A_2223 : vector<16xf32>
    %max3A_2227 = arith.constant 0.000000e+00 : f32
    %max3A_2228 = vector.broadcast %max3A_2227 : f32 to vector<16xf32>
    %max3A_2229 = arith.maximumf %add3A_2226, %max3A_2228 : vector<16xf32>
    %jit3A_2230 = arith.constant 0.000000e+00 : f32
    %broadcast_in_dim3A_2231 = vector.broadcast %jit3A_2230 : f32 to vector<16xf32>
    %select_n3A_2232 = arith.select %and3A_2224, %max3A_2229, %broadcast_in_dim3A_2231 : vector<16xi1>, vector<16xf32>
    %add3A_2233 = arith.addf %add3A_2061, %select_n3A_2232 : vector<16xf32>
    %jit3A_2234 = arith.constant 1.000000e+00 : f32
    %jit3A_2235 = arith.constant 0.000000e+00 : f32
    %broadcast_in_dim3A_2236 = vector.broadcast %jit3A_2234 : f32 to vector<16xf32>
    %broadcast_in_dim3A_2237 = vector.broadcast %jit3A_2235 : f32 to vector<16xf32>
    %select_n3A_2238 = arith.select %and3A_2224, %broadcast_in_dim3A_2236, %broadcast_in_dim3A_2237 : vector<16xi1>, vector<16xf32>
    %add3A_2239 = arith.addf %add3A_2067, %select_n3A_2238 : vector<16xf32>
    %get3A_2240 = arith.constant 208 : index
    %get3A_2241 = tpu.vector_load %arg7[%get3A_2240] {strides = array<i32>} : memref<256xf32, #tpu.memory_space<vmem>>, vector<16xf32>,
    %get3A_2242 = vector.shape_cast %get3A_2241 : vector<16xf32> to vector<16xf32>
    %get3A_2243 = arith.constant 208 : index
    %get3A_2244 = tpu.vector_load %arg8[%get3A_2243] {strides = array<i32>} : memref<256xi32, #tpu.memory_space<vmem>>, vector<16xi32>,
    %get3A_2245 = vector.shape_cast %get3A_2244 : vector<16xi32> to vector<16xi32>
    %get3A_2246 = arith.constant 208 : index
    %get3A_2247 = tpu.vector_load %arg9[%get3A_2246] {strides = array<i32>} : memref<256xi32, #tpu.memory_space<vmem>>, vector<16xi32>,
    %get3A_2248 = vector.shape_cast %get3A_2247 : vector<16xi32> to vector<16xi32>
    %gt3A_2249 = arith.constant 0xFF800000 : f32
    %gt3A_2250 = vector.broadcast %gt3A_2249 : f32 to vector<16xf32>
    %gt3A_2251 = arith.cmpf ogt, %get3A_2242, %gt3A_2250 : vector<16xf32>
    %lt3A_2252 = arith.constant 2139095040 : i32
    %lt3A_2253 = vector.broadcast %lt3A_2252 : i32 to vector<16xi32>
    %lt3A_2254 = arith.cmpi slt, %get3A_2245, %lt3A_2253 : vector<16xi32>
    %and3A_2255 = arith.constant 7 : i32
    %and3A_2256 = vector.broadcast %and3A_2255 : i32 to vector<16xi32>
    %and3A_2257 = arith.andi %get3A_2245, %and3A_2256 : vector<16xi32>
    %and3A_2258 = arith.constant -8 : i32
    %and3A_2259 = vector.broadcast %and3A_2258 : i32 to vector<16xi32>
    %and3A_2260 = arith.andi %get3A_2245, %and3A_2259 : vector<16xi32>
    %bitcast_convert_type3A_2261 = tpu.bitcast %and3A_2260 : vector<16xi32> -> vector<16xf32>
    %max3A_2262 = arith.constant 0.000000e+00 : f32
    %max3A_2263 = vector.broadcast %max3A_2262 : f32 to vector<16xf32>
    %max3A_2264 = arith.maximumf %get3A_2242, %max3A_2263 : vector<16xf32>
    %bitcast_convert_type3A_2265 = tpu.bitcast %max3A_2264 : vector<16xf32> -> vector<16xi32>
    %shift_right_arithmetic3A_2266 = arith.constant 1 : i32
    %shift_right_arithmetic3A_2267 = vector.broadcast %shift_right_arithmetic3A_2266 : i32 to vector<16xi32>
    %shift_right_arithmetic3A_2268 = arith.shrsi %bitcast_convert_type3A_2265, %shift_right_arithmetic3A_2267 : vector<16xi32>
    %sub3A_2269 = arith.constant 1597463007 : i32
    %sub3A_2270 = vector.broadcast %sub3A_2269 : i32 to vector<16xi32>
    %sub3A_2271 = arith.subi %sub3A_2270, %shift_right_arithmetic3A_2268 : vector<16xi32>
    %bitcast_convert_type3A_2272 = tpu.bitcast %sub3A_2271 : vector<16xi32> -> vector<16xf32>
    %mul3A_2273 = arith.constant 5.000000e-01 : f32
    %mul3A_2274 = vector.broadcast %mul3A_2273 : f32 to vector<16xf32>
    %mul3A_2275 = arith.mulf %mul3A_2274, %max3A_2264 : vector<16xf32>
    %mul3A_2276 = arith.mulf %mul3A_2275, %bitcast_convert_type3A_2272 : vector<16xf32>
    %mul3A_2277 = arith.mulf %mul3A_2276, %bitcast_convert_type3A_2272 : vector<16xf32>
    %sub3A_2278 = arith.constant 1.500000e+00 : f32
    %sub3A_2279 = vector.broadcast %sub3A_2278 : f32 to vector<16xf32>
    %sub3A_2280 = arith.subf %sub3A_2279, %mul3A_2277 : vector<16xf32>
    %mul3A_2281 = arith.mulf %bitcast_convert_type3A_2272, %sub3A_2280 : vector<16xf32>
    %mul3A_2282 = arith.constant 5.000000e-01 : f32
    %mul3A_2283 = vector.broadcast %mul3A_2282 : f32 to vector<16xf32>
    %mul3A_2284 = arith.mulf %mul3A_2283, %max3A_2264 : vector<16xf32>
    %mul3A_2285 = arith.mulf %mul3A_2284, %mul3A_2281 : vector<16xf32>
    %mul3A_2286 = arith.mulf %mul3A_2285, %mul3A_2281 : vector<16xf32>
    %sub3A_2287 = arith.constant 1.500000e+00 : f32
    %sub3A_2288 = vector.broadcast %sub3A_2287 : f32 to vector<16xf32>
    %sub3A_2289 = arith.subf %sub3A_2288, %mul3A_2286 : vector<16xf32>
    %mul3A_2290 = arith.mulf %mul3A_2281, %sub3A_2289 : vector<16xf32>
    %mul3A_2291 = arith.constant 5.000000e-01 : f32
    %mul3A_2292 = vector.broadcast %mul3A_2291 : f32 to vector<16xf32>
    %mul3A_2293 = arith.mulf %mul3A_2292, %max3A_2264 : vector<16xf32>
    %mul3A_2294 = arith.mulf %mul3A_2293, %mul3A_2290 : vector<16xf32>
    %mul3A_2295 = arith.mulf %mul3A_2294, %mul3A_2290 : vector<16xf32>
    %sub3A_2296 = arith.constant 1.500000e+00 : f32
    %sub3A_2297 = vector.broadcast %sub3A_2296 : f32 to vector<16xf32>
    %sub3A_2298 = arith.subf %sub3A_2297, %mul3A_2295 : vector<16xf32>
    %mul3A_2299 = arith.mulf %mul3A_2290, %sub3A_2298 : vector<16xf32>
    %mul3A_2300 = arith.mulf %max3A_2264, %mul3A_2299 : vector<16xf32>
    %bitcast_convert_type3A_2301 = tpu.bitcast %bitcast_convert_type3A_2261 : vector<16xf32> -> vector<16xi32>
    %shift_right_arithmetic3A_2302 = arith.constant 1 : i32
    %shift_right_arithmetic3A_2303 = vector.broadcast %shift_right_arithmetic3A_2302 : i32 to vector<16xi32>
    %shift_right_arithmetic3A_2304 = arith.shrsi %bitcast_convert_type3A_2301, %shift_right_arithmetic3A_2303 : vector<16xi32>
    %sub3A_2305 = arith.constant 1597463007 : i32
    %sub3A_2306 = vector.broadcast %sub3A_2305 : i32 to vector<16xi32>
    %sub3A_2307 = arith.subi %sub3A_2306, %shift_right_arithmetic3A_2304 : vector<16xi32>
    %bitcast_convert_type3A_2308 = tpu.bitcast %sub3A_2307 : vector<16xi32> -> vector<16xf32>
    %mul3A_2309 = arith.constant 5.000000e-01 : f32
    %mul3A_2310 = vector.broadcast %mul3A_2309 : f32 to vector<16xf32>
    %mul3A_2311 = arith.mulf %mul3A_2310, %bitcast_convert_type3A_2261 : vector<16xf32>
    %mul3A_2312 = arith.mulf %mul3A_2311, %bitcast_convert_type3A_2308 : vector<16xf32>
    %mul3A_2313 = arith.mulf %mul3A_2312, %bitcast_convert_type3A_2308 : vector<16xf32>
    %sub3A_2314 = arith.constant 1.500000e+00 : f32
    %sub3A_2315 = vector.broadcast %sub3A_2314 : f32 to vector<16xf32>
    %sub3A_2316 = arith.subf %sub3A_2315, %mul3A_2313 : vector<16xf32>
    %mul3A_2317 = arith.mulf %bitcast_convert_type3A_2308, %sub3A_2316 : vector<16xf32>
    %mul3A_2318 = arith.constant 5.000000e-01 : f32
    %mul3A_2319 = vector.broadcast %mul3A_2318 : f32 to vector<16xf32>
    %mul3A_2320 = arith.mulf %mul3A_2319, %bitcast_convert_type3A_2261 : vector<16xf32>
    %mul3A_2321 = arith.mulf %mul3A_2320, %mul3A_2317 : vector<16xf32>
    %mul3A_2322 = arith.mulf %mul3A_2321, %mul3A_2317 : vector<16xf32>
    %sub3A_2323 = arith.constant 1.500000e+00 : f32
    %sub3A_2324 = vector.broadcast %sub3A_2323 : f32 to vector<16xf32>
    %sub3A_2325 = arith.subf %sub3A_2324, %mul3A_2322 : vector<16xf32>
    %mul3A_2326 = arith.mulf %mul3A_2317, %sub3A_2325 : vector<16xf32>
    %mul3A_2327 = arith.constant 5.000000e-01 : f32
    %mul3A_2328 = vector.broadcast %mul3A_2327 : f32 to vector<16xf32>
    %mul3A_2329 = arith.mulf %mul3A_2328, %bitcast_convert_type3A_2261 : vector<16xf32>
    %mul3A_2330 = arith.mulf %mul3A_2329, %mul3A_2326 : vector<16xf32>
    %mul3A_2331 = arith.mulf %mul3A_2330, %mul3A_2326 : vector<16xf32>
    %sub3A_2332 = arith.constant 1.500000e+00 : f32
    %sub3A_2333 = vector.broadcast %sub3A_2332 : f32 to vector<16xf32>
    %sub3A_2334 = arith.subf %sub3A_2333, %mul3A_2331 : vector<16xf32>
    %mul3A_2335 = arith.mulf %mul3A_2326, %sub3A_2334 : vector<16xf32>
    %mul3A_2336 = arith.mulf %bitcast_convert_type3A_2261, %mul3A_2335 : vector<16xf32>
    %mul3A_2337 = arith.constant 8 : i32
    %mul3A_2338 = vector.broadcast %mul3A_2337 : i32 to vector<16xi32>
    %mul3A_2339 = arith.muli %get3A_2248, %mul3A_2338 : vector<16xi32>
    %add3A_2340 = arith.addi %mul3A_2339, %and3A_2257 : vector<16xi32>
    %and3A_2341 = arith.constant 15 : i32
    %and3A_2342 = vector.broadcast %and3A_2341 : i32 to vector<16xi32>
    %and3A_2343 = arith.andi %add3A_2340, %and3A_2342 : vector<16xi32>
    %lt3A_2344 = arith.constant 0 : i32
    %lt3A_2345 = vector.broadcast %lt3A_2344 : i32 to vector<16xi32>
    %lt3A_2346 = arith.cmpi slt, %and3A_2343, %lt3A_2345 : vector<16xi32>
    %add3A_2347 = arith.constant 16 : i32
    %add3A_2348 = vector.broadcast %add3A_2347 : i32 to vector<16xi32>
    %add3A_2349 = arith.addi %and3A_2343, %add3A_2348 : vector<16xi32>
    %select_n3A_2350 = arith.select %lt3A_2346, %add3A_2349, %and3A_2343 : vector<16xi1>, vector<16xi32>
    %broadcast_in_dim3A_2351 = vector.shape_cast %select_n3A_2350 : vector<16xi32> to vector<16x1xi32>
    %gather3A_2352 = vector.shape_cast %broadcast_in_dim3A_2351 : vector<16x1xi32> to vector<16xi32>
    %gather3A_2353 = tpu.dynamic_gather %get3A_2[%gather3A_2352] in [0] : vector<16xf32>, vector<16xi32> -> vector<16xf32>
    %lt3A_2354 = arith.constant 0 : i32
    %lt3A_2355 = vector.broadcast %lt3A_2354 : i32 to vector<16xi32>
    %lt3A_2356 = arith.cmpi slt, %and3A_2343, %lt3A_2355 : vector<16xi32>
    %add3A_2357 = arith.constant 16 : i32
    %add3A_2358 = vector.broadcast %add3A_2357 : i32 to vector<16xi32>
    %add3A_2359 = arith.addi %and3A_2343, %add3A_2358 : vector<16xi32>
    %select_n3A_2360 = arith.select %lt3A_2356, %add3A_2359, %and3A_2343 : vector<16xi1>, vector<16xi32>
    %broadcast_in_dim3A_2361 = vector.shape_cast %select_n3A_2360 : vector<16xi32> to vector<16x1xi32>
    %gather3A_2362 = vector.shape_cast %broadcast_in_dim3A_2361 : vector<16x1xi32> to vector<16xi32>
    %gather3A_2363 = tpu.dynamic_gather %get3A_5[%gather3A_2362] in [0] : vector<16xf32>, vector<16xi32> -> vector<16xf32>
    %lt3A_2364 = arith.constant 0 : i32
    %lt3A_2365 = vector.broadcast %lt3A_2364 : i32 to vector<16xi32>
    %lt3A_2366 = arith.cmpi slt, %and3A_2343, %lt3A_2365 : vector<16xi32>
    %add3A_2367 = arith.constant 16 : i32
    %add3A_2368 = vector.broadcast %add3A_2367 : i32 to vector<16xi32>
    %add3A_2369 = arith.addi %and3A_2343, %add3A_2368 : vector<16xi32>
    %select_n3A_2370 = arith.select %lt3A_2366, %add3A_2369, %and3A_2343 : vector<16xi1>, vector<16xi32>
    %broadcast_in_dim3A_2371 = vector.shape_cast %select_n3A_2370 : vector<16xi32> to vector<16x1xi32>
    %gather3A_2372 = vector.shape_cast %broadcast_in_dim3A_2371 : vector<16x1xi32> to vector<16xi32>
    %gather3A_2373 = tpu.dynamic_gather %get3A_8[%gather3A_2372] in [0] : vector<16xf32>, vector<16xi32> -> vector<16xf32>
    %lt3A_2374 = arith.constant 0 : i32
    %lt3A_2375 = vector.broadcast %lt3A_2374 : i32 to vector<16xi32>
    %lt3A_2376 = arith.cmpi slt, %and3A_2343, %lt3A_2375 : vector<16xi32>
    %add3A_2377 = arith.constant 16 : i32
    %add3A_2378 = vector.broadcast %add3A_2377 : i32 to vector<16xi32>
    %add3A_2379 = arith.addi %and3A_2343, %add3A_2378 : vector<16xi32>
    %select_n3A_2380 = arith.select %lt3A_2376, %add3A_2379, %and3A_2343 : vector<16xi1>, vector<16xi32>
    %broadcast_in_dim3A_2381 = vector.shape_cast %select_n3A_2380 : vector<16xi32> to vector<16x1xi32>
    %gather3A_2382 = vector.shape_cast %broadcast_in_dim3A_2381 : vector<16x1xi32> to vector<16xi32>
    %gather3A_2383 = tpu.dynamic_gather %get3A_11[%gather3A_2382] in [0] : vector<16xf32>, vector<16xi32> -> vector<16xf32>
    %lt3A_2384 = arith.constant 16 : i32
    %lt3A_2385 = vector.broadcast %lt3A_2384 : i32 to vector<16xi32>
    %lt3A_2386 = arith.cmpi slt, %add3A_2340, %lt3A_2385 : vector<16xi32>
    %lt3A_2387 = arith.constant 32 : i32
    %lt3A_2388 = vector.broadcast %lt3A_2387 : i32 to vector<16xi32>
    %lt3A_2389 = arith.cmpi slt, %add3A_2340, %lt3A_2388 : vector<16xi32>
    %lt3A_2390 = arith.constant 48 : i32
    %lt3A_2391 = vector.broadcast %lt3A_2390 : i32 to vector<16xi32>
    %lt3A_2392 = arith.cmpi slt, %add3A_2340, %lt3A_2391 : vector<16xi32>
    %select_n3A_2393 = arith.select %lt3A_2392, %gather3A_2373, %gather3A_2383 : vector<16xi1>, vector<16xf32>
    %select_n3A_2394 = arith.select %lt3A_2389, %gather3A_2363, %select_n3A_2393 : vector<16xi1>, vector<16xf32>
    %select_n3A_2395 = arith.select %lt3A_2386, %gather3A_2353, %select_n3A_2394 : vector<16xi1>, vector<16xf32>
    %and3A_2396 = arith.andi %gt3A_2251, %lt3A_2254 : vector<16xi1>
    %sub3A_2397 = arith.subf %mul3A_2300, %mul3A_2336 : vector<16xf32>
    %add3A_2398 = arith.addf %sub3A_2397, %select_n3A_2395 : vector<16xf32>
    %max3A_2399 = arith.constant 0.000000e+00 : f32
    %max3A_2400 = vector.broadcast %max3A_2399 : f32 to vector<16xf32>
    %max3A_2401 = arith.maximumf %add3A_2398, %max3A_2400 : vector<16xf32>
    %jit3A_2402 = arith.constant 0.000000e+00 : f32
    %broadcast_in_dim3A_2403 = vector.broadcast %jit3A_2402 : f32 to vector<16xf32>
    %select_n3A_2404 = arith.select %and3A_2396, %max3A_2401, %broadcast_in_dim3A_2403 : vector<16xi1>, vector<16xf32>
    %add3A_2405 = arith.addf %add3A_2233, %select_n3A_2404 : vector<16xf32>
    %jit3A_2406 = arith.constant 1.000000e+00 : f32
    %jit3A_2407 = arith.constant 0.000000e+00 : f32
    %broadcast_in_dim3A_2408 = vector.broadcast %jit3A_2406 : f32 to vector<16xf32>
    %broadcast_in_dim3A_2409 = vector.broadcast %jit3A_2407 : f32 to vector<16xf32>
    %select_n3A_2410 = arith.select %and3A_2396, %broadcast_in_dim3A_2408, %broadcast_in_dim3A_2409 : vector<16xi1>, vector<16xf32>
    %add3A_2411 = arith.addf %add3A_2239, %select_n3A_2410 : vector<16xf32>
    %get3A_2412 = arith.constant 224 : index
    %get3A_2413 = tpu.vector_load %arg7[%get3A_2412] {strides = array<i32>} : memref<256xf32, #tpu.memory_space<vmem>>, vector<16xf32>,
    %get3A_2414 = vector.shape_cast %get3A_2413 : vector<16xf32> to vector<16xf32>
    %get3A_2415 = arith.constant 224 : index
    %get3A_2416 = tpu.vector_load %arg8[%get3A_2415] {strides = array<i32>} : memref<256xi32, #tpu.memory_space<vmem>>, vector<16xi32>,
    %get3A_2417 = vector.shape_cast %get3A_2416 : vector<16xi32> to vector<16xi32>
    %get3A_2418 = arith.constant 224 : index
    %get3A_2419 = tpu.vector_load %arg9[%get3A_2418] {strides = array<i32>} : memref<256xi32, #tpu.memory_space<vmem>>, vector<16xi32>,
    %get3A_2420 = vector.shape_cast %get3A_2419 : vector<16xi32> to vector<16xi32>
    %gt3A_2421 = arith.constant 0xFF800000 : f32
    %gt3A_2422 = vector.broadcast %gt3A_2421 : f32 to vector<16xf32>
    %gt3A_2423 = arith.cmpf ogt, %get3A_2414, %gt3A_2422 : vector<16xf32>
    %lt3A_2424 = arith.constant 2139095040 : i32
    %lt3A_2425 = vector.broadcast %lt3A_2424 : i32 to vector<16xi32>
    %lt3A_2426 = arith.cmpi slt, %get3A_2417, %lt3A_2425 : vector<16xi32>
    %and3A_2427 = arith.constant 7 : i32
    %and3A_2428 = vector.broadcast %and3A_2427 : i32 to vector<16xi32>
    %and3A_2429 = arith.andi %get3A_2417, %and3A_2428 : vector<16xi32>
    %and3A_2430 = arith.constant -8 : i32
    %and3A_2431 = vector.broadcast %and3A_2430 : i32 to vector<16xi32>
    %and3A_2432 = arith.andi %get3A_2417, %and3A_2431 : vector<16xi32>
    %bitcast_convert_type3A_2433 = tpu.bitcast %and3A_2432 : vector<16xi32> -> vector<16xf32>
    %max3A_2434 = arith.constant 0.000000e+00 : f32
    %max3A_2435 = vector.broadcast %max3A_2434 : f32 to vector<16xf32>
    %max3A_2436 = arith.maximumf %get3A_2414, %max3A_2435 : vector<16xf32>
    %bitcast_convert_type3A_2437 = tpu.bitcast %max3A_2436 : vector<16xf32> -> vector<16xi32>
    %shift_right_arithmetic3A_2438 = arith.constant 1 : i32
    %shift_right_arithmetic3A_2439 = vector.broadcast %shift_right_arithmetic3A_2438 : i32 to vector<16xi32>
    %shift_right_arithmetic3A_2440 = arith.shrsi %bitcast_convert_type3A_2437, %shift_right_arithmetic3A_2439 : vector<16xi32>
    %sub3A_2441 = arith.constant 1597463007 : i32
    %sub3A_2442 = vector.broadcast %sub3A_2441 : i32 to vector<16xi32>
    %sub3A_2443 = arith.subi %sub3A_2442, %shift_right_arithmetic3A_2440 : vector<16xi32>
    %bitcast_convert_type3A_2444 = tpu.bitcast %sub3A_2443 : vector<16xi32> -> vector<16xf32>
    %mul3A_2445 = arith.constant 5.000000e-01 : f32
    %mul3A_2446 = vector.broadcast %mul3A_2445 : f32 to vector<16xf32>
    %mul3A_2447 = arith.mulf %mul3A_2446, %max3A_2436 : vector<16xf32>
    %mul3A_2448 = arith.mulf %mul3A_2447, %bitcast_convert_type3A_2444 : vector<16xf32>
    %mul3A_2449 = arith.mulf %mul3A_2448, %bitcast_convert_type3A_2444 : vector<16xf32>
    %sub3A_2450 = arith.constant 1.500000e+00 : f32
    %sub3A_2451 = vector.broadcast %sub3A_2450 : f32 to vector<16xf32>
    %sub3A_2452 = arith.subf %sub3A_2451, %mul3A_2449 : vector<16xf32>
    %mul3A_2453 = arith.mulf %bitcast_convert_type3A_2444, %sub3A_2452 : vector<16xf32>
    %mul3A_2454 = arith.constant 5.000000e-01 : f32
    %mul3A_2455 = vector.broadcast %mul3A_2454 : f32 to vector<16xf32>
    %mul3A_2456 = arith.mulf %mul3A_2455, %max3A_2436 : vector<16xf32>
    %mul3A_2457 = arith.mulf %mul3A_2456, %mul3A_2453 : vector<16xf32>
    %mul3A_2458 = arith.mulf %mul3A_2457, %mul3A_2453 : vector<16xf32>
    %sub3A_2459 = arith.constant 1.500000e+00 : f32
    %sub3A_2460 = vector.broadcast %sub3A_2459 : f32 to vector<16xf32>
    %sub3A_2461 = arith.subf %sub3A_2460, %mul3A_2458 : vector<16xf32>
    %mul3A_2462 = arith.mulf %mul3A_2453, %sub3A_2461 : vector<16xf32>
    %mul3A_2463 = arith.constant 5.000000e-01 : f32
    %mul3A_2464 = vector.broadcast %mul3A_2463 : f32 to vector<16xf32>
    %mul3A_2465 = arith.mulf %mul3A_2464, %max3A_2436 : vector<16xf32>
    %mul3A_2466 = arith.mulf %mul3A_2465, %mul3A_2462 : vector<16xf32>
    %mul3A_2467 = arith.mulf %mul3A_2466, %mul3A_2462 : vector<16xf32>
    %sub3A_2468 = arith.constant 1.500000e+00 : f32
    %sub3A_2469 = vector.broadcast %sub3A_2468 : f32 to vector<16xf32>
    %sub3A_2470 = arith.subf %sub3A_2469, %mul3A_2467 : vector<16xf32>
    %mul3A_2471 = arith.mulf %mul3A_2462, %sub3A_2470 : vector<16xf32>
    %mul3A_2472 = arith.mulf %max3A_2436, %mul3A_2471 : vector<16xf32>
    %bitcast_convert_type3A_2473 = tpu.bitcast %bitcast_convert_type3A_2433 : vector<16xf32> -> vector<16xi32>
    %shift_right_arithmetic3A_2474 = arith.constant 1 : i32
    %shift_right_arithmetic3A_2475 = vector.broadcast %shift_right_arithmetic3A_2474 : i32 to vector<16xi32>
    %shift_right_arithmetic3A_2476 = arith.shrsi %bitcast_convert_type3A_2473, %shift_right_arithmetic3A_2475 : vector<16xi32>
    %sub3A_2477 = arith.constant 1597463007 : i32
    %sub3A_2478 = vector.broadcast %sub3A_2477 : i32 to vector<16xi32>
    %sub3A_2479 = arith.subi %sub3A_2478, %shift_right_arithmetic3A_2476 : vector<16xi32>
    %bitcast_convert_type3A_2480 = tpu.bitcast %sub3A_2479 : vector<16xi32> -> vector<16xf32>
    %mul3A_2481 = arith.constant 5.000000e-01 : f32
    %mul3A_2482 = vector.broadcast %mul3A_2481 : f32 to vector<16xf32>
    %mul3A_2483 = arith.mulf %mul3A_2482, %bitcast_convert_type3A_2433 : vector<16xf32>
    %mul3A_2484 = arith.mulf %mul3A_2483, %bitcast_convert_type3A_2480 : vector<16xf32>
    %mul3A_2485 = arith.mulf %mul3A_2484, %bitcast_convert_type3A_2480 : vector<16xf32>
    %sub3A_2486 = arith.constant 1.500000e+00 : f32
    %sub3A_2487 = vector.broadcast %sub3A_2486 : f32 to vector<16xf32>
    %sub3A_2488 = arith.subf %sub3A_2487, %mul3A_2485 : vector<16xf32>
    %mul3A_2489 = arith.mulf %bitcast_convert_type3A_2480, %sub3A_2488 : vector<16xf32>
    %mul3A_2490 = arith.constant 5.000000e-01 : f32
    %mul3A_2491 = vector.broadcast %mul3A_2490 : f32 to vector<16xf32>
    %mul3A_2492 = arith.mulf %mul3A_2491, %bitcast_convert_type3A_2433 : vector<16xf32>
    %mul3A_2493 = arith.mulf %mul3A_2492, %mul3A_2489 : vector<16xf32>
    %mul3A_2494 = arith.mulf %mul3A_2493, %mul3A_2489 : vector<16xf32>
    %sub3A_2495 = arith.constant 1.500000e+00 : f32
    %sub3A_2496 = vector.broadcast %sub3A_2495 : f32 to vector<16xf32>
    %sub3A_2497 = arith.subf %sub3A_2496, %mul3A_2494 : vector<16xf32>
    %mul3A_2498 = arith.mulf %mul3A_2489, %sub3A_2497 : vector<16xf32>
    %mul3A_2499 = arith.constant 5.000000e-01 : f32
    %mul3A_2500 = vector.broadcast %mul3A_2499 : f32 to vector<16xf32>
    %mul3A_2501 = arith.mulf %mul3A_2500, %bitcast_convert_type3A_2433 : vector<16xf32>
    %mul3A_2502 = arith.mulf %mul3A_2501, %mul3A_2498 : vector<16xf32>
    %mul3A_2503 = arith.mulf %mul3A_2502, %mul3A_2498 : vector<16xf32>
    %sub3A_2504 = arith.constant 1.500000e+00 : f32
    %sub3A_2505 = vector.broadcast %sub3A_2504 : f32 to vector<16xf32>
    %sub3A_2506 = arith.subf %sub3A_2505, %mul3A_2503 : vector<16xf32>
    %mul3A_2507 = arith.mulf %mul3A_2498, %sub3A_2506 : vector<16xf32>
    %mul3A_2508 = arith.mulf %bitcast_convert_type3A_2433, %mul3A_2507 : vector<16xf32>
    %mul3A_2509 = arith.constant 8 : i32
    %mul3A_2510 = vector.broadcast %mul3A_2509 : i32 to vector<16xi32>
    %mul3A_2511 = arith.muli %get3A_2420, %mul3A_2510 : vector<16xi32>
    %add3A_2512 = arith.addi %mul3A_2511, %and3A_2429 : vector<16xi32>
    %and3A_2513 = arith.constant 15 : i32
    %and3A_2514 = vector.broadcast %and3A_2513 : i32 to vector<16xi32>
    %and3A_2515 = arith.andi %add3A_2512, %and3A_2514 : vector<16xi32>
    %lt3A_2516 = arith.constant 0 : i32
    %lt3A_2517 = vector.broadcast %lt3A_2516 : i32 to vector<16xi32>
    %lt3A_2518 = arith.cmpi slt, %and3A_2515, %lt3A_2517 : vector<16xi32>
    %add3A_2519 = arith.constant 16 : i32
    %add3A_2520 = vector.broadcast %add3A_2519 : i32 to vector<16xi32>
    %add3A_2521 = arith.addi %and3A_2515, %add3A_2520 : vector<16xi32>
    %select_n3A_2522 = arith.select %lt3A_2518, %add3A_2521, %and3A_2515 : vector<16xi1>, vector<16xi32>
    %broadcast_in_dim3A_2523 = vector.shape_cast %select_n3A_2522 : vector<16xi32> to vector<16x1xi32>
    %gather3A_2524 = vector.shape_cast %broadcast_in_dim3A_2523 : vector<16x1xi32> to vector<16xi32>
    %gather3A_2525 = tpu.dynamic_gather %get3A_2[%gather3A_2524] in [0] : vector<16xf32>, vector<16xi32> -> vector<16xf32>
    %lt3A_2526 = arith.constant 0 : i32
    %lt3A_2527 = vector.broadcast %lt3A_2526 : i32 to vector<16xi32>
    %lt3A_2528 = arith.cmpi slt, %and3A_2515, %lt3A_2527 : vector<16xi32>
    %add3A_2529 = arith.constant 16 : i32
    %add3A_2530 = vector.broadcast %add3A_2529 : i32 to vector<16xi32>
    %add3A_2531 = arith.addi %and3A_2515, %add3A_2530 : vector<16xi32>
    %select_n3A_2532 = arith.select %lt3A_2528, %add3A_2531, %and3A_2515 : vector<16xi1>, vector<16xi32>
    %broadcast_in_dim3A_2533 = vector.shape_cast %select_n3A_2532 : vector<16xi32> to vector<16x1xi32>
    %gather3A_2534 = vector.shape_cast %broadcast_in_dim3A_2533 : vector<16x1xi32> to vector<16xi32>
    %gather3A_2535 = tpu.dynamic_gather %get3A_5[%gather3A_2534] in [0] : vector<16xf32>, vector<16xi32> -> vector<16xf32>
    %lt3A_2536 = arith.constant 0 : i32
    %lt3A_2537 = vector.broadcast %lt3A_2536 : i32 to vector<16xi32>
    %lt3A_2538 = arith.cmpi slt, %and3A_2515, %lt3A_2537 : vector<16xi32>
    %add3A_2539 = arith.constant 16 : i32
    %add3A_2540 = vector.broadcast %add3A_2539 : i32 to vector<16xi32>
    %add3A_2541 = arith.addi %and3A_2515, %add3A_2540 : vector<16xi32>
    %select_n3A_2542 = arith.select %lt3A_2538, %add3A_2541, %and3A_2515 : vector<16xi1>, vector<16xi32>
    %broadcast_in_dim3A_2543 = vector.shape_cast %select_n3A_2542 : vector<16xi32> to vector<16x1xi32>
    %gather3A_2544 = vector.shape_cast %broadcast_in_dim3A_2543 : vector<16x1xi32> to vector<16xi32>
    %gather3A_2545 = tpu.dynamic_gather %get3A_8[%gather3A_2544] in [0] : vector<16xf32>, vector<16xi32> -> vector<16xf32>
    %lt3A_2546 = arith.constant 0 : i32
    %lt3A_2547 = vector.broadcast %lt3A_2546 : i32 to vector<16xi32>
    %lt3A_2548 = arith.cmpi slt, %and3A_2515, %lt3A_2547 : vector<16xi32>
    %add3A_2549 = arith.constant 16 : i32
    %add3A_2550 = vector.broadcast %add3A_2549 : i32 to vector<16xi32>
    %add3A_2551 = arith.addi %and3A_2515, %add3A_2550 : vector<16xi32>
    %select_n3A_2552 = arith.select %lt3A_2548, %add3A_2551, %and3A_2515 : vector<16xi1>, vector<16xi32>
    %broadcast_in_dim3A_2553 = vector.shape_cast %select_n3A_2552 : vector<16xi32> to vector<16x1xi32>
    %gather3A_2554 = vector.shape_cast %broadcast_in_dim3A_2553 : vector<16x1xi32> to vector<16xi32>
    %gather3A_2555 = tpu.dynamic_gather %get3A_11[%gather3A_2554] in [0] : vector<16xf32>, vector<16xi32> -> vector<16xf32>
    %lt3A_2556 = arith.constant 16 : i32
    %lt3A_2557 = vector.broadcast %lt3A_2556 : i32 to vector<16xi32>
    %lt3A_2558 = arith.cmpi slt, %add3A_2512, %lt3A_2557 : vector<16xi32>
    %lt3A_2559 = arith.constant 32 : i32
    %lt3A_2560 = vector.broadcast %lt3A_2559 : i32 to vector<16xi32>
    %lt3A_2561 = arith.cmpi slt, %add3A_2512, %lt3A_2560 : vector<16xi32>
    %lt3A_2562 = arith.constant 48 : i32
    %lt3A_2563 = vector.broadcast %lt3A_2562 : i32 to vector<16xi32>
    %lt3A_2564 = arith.cmpi slt, %add3A_2512, %lt3A_2563 : vector<16xi32>
    %select_n3A_2565 = arith.select %lt3A_2564, %gather3A_2545, %gather3A_2555 : vector<16xi1>, vector<16xf32>
    %select_n3A_2566 = arith.select %lt3A_2561, %gather3A_2535, %select_n3A_2565 : vector<16xi1>, vector<16xf32>
    %select_n3A_2567 = arith.select %lt3A_2558, %gather3A_2525, %select_n3A_2566 : vector<16xi1>, vector<16xf32>
    %and3A_2568 = arith.andi %gt3A_2423, %lt3A_2426 : vector<16xi1>
    %sub3A_2569 = arith.subf %mul3A_2472, %mul3A_2508 : vector<16xf32>
    %add3A_2570 = arith.addf %sub3A_2569, %select_n3A_2567 : vector<16xf32>
    %max3A_2571 = arith.constant 0.000000e+00 : f32
    %max3A_2572 = vector.broadcast %max3A_2571 : f32 to vector<16xf32>
    %max3A_2573 = arith.maximumf %add3A_2570, %max3A_2572 : vector<16xf32>
    %jit3A_2574 = arith.constant 0.000000e+00 : f32
    %broadcast_in_dim3A_2575 = vector.broadcast %jit3A_2574 : f32 to vector<16xf32>
    %select_n3A_2576 = arith.select %and3A_2568, %max3A_2573, %broadcast_in_dim3A_2575 : vector<16xi1>, vector<16xf32>
    %add3A_2577 = arith.addf %add3A_2405, %select_n3A_2576 : vector<16xf32>
    %jit3A_2578 = arith.constant 1.000000e+00 : f32
    %jit3A_2579 = arith.constant 0.000000e+00 : f32
    %broadcast_in_dim3A_2580 = vector.broadcast %jit3A_2578 : f32 to vector<16xf32>
    %broadcast_in_dim3A_2581 = vector.broadcast %jit3A_2579 : f32 to vector<16xf32>
    %select_n3A_2582 = arith.select %and3A_2568, %broadcast_in_dim3A_2580, %broadcast_in_dim3A_2581 : vector<16xi1>, vector<16xf32>
    %add3A_2583 = arith.addf %add3A_2411, %select_n3A_2582 : vector<16xf32>
    %get3A_2584 = arith.constant 240 : index
    %get3A_2585 = tpu.vector_load %arg7[%get3A_2584] {strides = array<i32>} : memref<256xf32, #tpu.memory_space<vmem>>, vector<16xf32>,
    %get3A_2586 = vector.shape_cast %get3A_2585 : vector<16xf32> to vector<16xf32>
    %get3A_2587 = arith.constant 240 : index
    %get3A_2588 = tpu.vector_load %arg8[%get3A_2587] {strides = array<i32>} : memref<256xi32, #tpu.memory_space<vmem>>, vector<16xi32>,
    %get3A_2589 = vector.shape_cast %get3A_2588 : vector<16xi32> to vector<16xi32>
    %get3A_2590 = arith.constant 240 : index
    %get3A_2591 = tpu.vector_load %arg9[%get3A_2590] {strides = array<i32>} : memref<256xi32, #tpu.memory_space<vmem>>, vector<16xi32>,
    %get3A_2592 = vector.shape_cast %get3A_2591 : vector<16xi32> to vector<16xi32>
    %gt3A_2593 = arith.constant 0xFF800000 : f32
    %gt3A_2594 = vector.broadcast %gt3A_2593 : f32 to vector<16xf32>
    %gt3A_2595 = arith.cmpf ogt, %get3A_2586, %gt3A_2594 : vector<16xf32>
    %lt3A_2596 = arith.constant 2139095040 : i32
    %lt3A_2597 = vector.broadcast %lt3A_2596 : i32 to vector<16xi32>
    %lt3A_2598 = arith.cmpi slt, %get3A_2589, %lt3A_2597 : vector<16xi32>
    %and3A_2599 = arith.constant 7 : i32
    %and3A_2600 = vector.broadcast %and3A_2599 : i32 to vector<16xi32>
    %and3A_2601 = arith.andi %get3A_2589, %and3A_2600 : vector<16xi32>
    %and3A_2602 = arith.constant -8 : i32
    %and3A_2603 = vector.broadcast %and3A_2602 : i32 to vector<16xi32>
    %and3A_2604 = arith.andi %get3A_2589, %and3A_2603 : vector<16xi32>
    %bitcast_convert_type3A_2605 = tpu.bitcast %and3A_2604 : vector<16xi32> -> vector<16xf32>
    %max3A_2606 = arith.constant 0.000000e+00 : f32
    %max3A_2607 = vector.broadcast %max3A_2606 : f32 to vector<16xf32>
    %max3A_2608 = arith.maximumf %get3A_2586, %max3A_2607 : vector<16xf32>
    %bitcast_convert_type3A_2609 = tpu.bitcast %max3A_2608 : vector<16xf32> -> vector<16xi32>
    %shift_right_arithmetic3A_2610 = arith.constant 1 : i32
    %shift_right_arithmetic3A_2611 = vector.broadcast %shift_right_arithmetic3A_2610 : i32 to vector<16xi32>
    %shift_right_arithmetic3A_2612 = arith.shrsi %bitcast_convert_type3A_2609, %shift_right_arithmetic3A_2611 : vector<16xi32>
    %sub3A_2613 = arith.constant 1597463007 : i32
    %sub3A_2614 = vector.broadcast %sub3A_2613 : i32 to vector<16xi32>
    %sub3A_2615 = arith.subi %sub3A_2614, %shift_right_arithmetic3A_2612 : vector<16xi32>
    %bitcast_convert_type3A_2616 = tpu.bitcast %sub3A_2615 : vector<16xi32> -> vector<16xf32>
    %mul3A_2617 = arith.constant 5.000000e-01 : f32
    %mul3A_2618 = vector.broadcast %mul3A_2617 : f32 to vector<16xf32>
    %mul3A_2619 = arith.mulf %mul3A_2618, %max3A_2608 : vector<16xf32>
    %mul3A_2620 = arith.mulf %mul3A_2619, %bitcast_convert_type3A_2616 : vector<16xf32>
    %mul3A_2621 = arith.mulf %mul3A_2620, %bitcast_convert_type3A_2616 : vector<16xf32>
    %sub3A_2622 = arith.constant 1.500000e+00 : f32
    %sub3A_2623 = vector.broadcast %sub3A_2622 : f32 to vector<16xf32>
    %sub3A_2624 = arith.subf %sub3A_2623, %mul3A_2621 : vector<16xf32>
    %mul3A_2625 = arith.mulf %bitcast_convert_type3A_2616, %sub3A_2624 : vector<16xf32>
    %mul3A_2626 = arith.constant 5.000000e-01 : f32
    %mul3A_2627 = vector.broadcast %mul3A_2626 : f32 to vector<16xf32>
    %mul3A_2628 = arith.mulf %mul3A_2627, %max3A_2608 : vector<16xf32>
    %mul3A_2629 = arith.mulf %mul3A_2628, %mul3A_2625 : vector<16xf32>
    %mul3A_2630 = arith.mulf %mul3A_2629, %mul3A_2625 : vector<16xf32>
    %sub3A_2631 = arith.constant 1.500000e+00 : f32
    %sub3A_2632 = vector.broadcast %sub3A_2631 : f32 to vector<16xf32>
    %sub3A_2633 = arith.subf %sub3A_2632, %mul3A_2630 : vector<16xf32>
    %mul3A_2634 = arith.mulf %mul3A_2625, %sub3A_2633 : vector<16xf32>
    %mul3A_2635 = arith.constant 5.000000e-01 : f32
    %mul3A_2636 = vector.broadcast %mul3A_2635 : f32 to vector<16xf32>
    %mul3A_2637 = arith.mulf %mul3A_2636, %max3A_2608 : vector<16xf32>
    %mul3A_2638 = arith.mulf %mul3A_2637, %mul3A_2634 : vector<16xf32>
    %mul3A_2639 = arith.mulf %mul3A_2638, %mul3A_2634 : vector<16xf32>
    %sub3A_2640 = arith.constant 1.500000e+00 : f32
    %sub3A_2641 = vector.broadcast %sub3A_2640 : f32 to vector<16xf32>
    %sub3A_2642 = arith.subf %sub3A_2641, %mul3A_2639 : vector<16xf32>
    %mul3A_2643 = arith.mulf %mul3A_2634, %sub3A_2642 : vector<16xf32>
    %mul3A_2644 = arith.mulf %max3A_2608, %mul3A_2643 : vector<16xf32>
    %bitcast_convert_type3A_2645 = tpu.bitcast %bitcast_convert_type3A_2605 : vector<16xf32> -> vector<16xi32>
    %shift_right_arithmetic3A_2646 = arith.constant 1 : i32
    %shift_right_arithmetic3A_2647 = vector.broadcast %shift_right_arithmetic3A_2646 : i32 to vector<16xi32>
    %shift_right_arithmetic3A_2648 = arith.shrsi %bitcast_convert_type3A_2645, %shift_right_arithmetic3A_2647 : vector<16xi32>
    %sub3A_2649 = arith.constant 1597463007 : i32
    %sub3A_2650 = vector.broadcast %sub3A_2649 : i32 to vector<16xi32>
    %sub3A_2651 = arith.subi %sub3A_2650, %shift_right_arithmetic3A_2648 : vector<16xi32>
    %bitcast_convert_type3A_2652 = tpu.bitcast %sub3A_2651 : vector<16xi32> -> vector<16xf32>
    %mul3A_2653 = arith.constant 5.000000e-01 : f32
    %mul3A_2654 = vector.broadcast %mul3A_2653 : f32 to vector<16xf32>
    %mul3A_2655 = arith.mulf %mul3A_2654, %bitcast_convert_type3A_2605 : vector<16xf32>
    %mul3A_2656 = arith.mulf %mul3A_2655, %bitcast_convert_type3A_2652 : vector<16xf32>
    %mul3A_2657 = arith.mulf %mul3A_2656, %bitcast_convert_type3A_2652 : vector<16xf32>
    %sub3A_2658 = arith.constant 1.500000e+00 : f32
    %sub3A_2659 = vector.broadcast %sub3A_2658 : f32 to vector<16xf32>
    %sub3A_2660 = arith.subf %sub3A_2659, %mul3A_2657 : vector<16xf32>
    %mul3A_2661 = arith.mulf %bitcast_convert_type3A_2652, %sub3A_2660 : vector<16xf32>
    %mul3A_2662 = arith.constant 5.000000e-01 : f32
    %mul3A_2663 = vector.broadcast %mul3A_2662 : f32 to vector<16xf32>
    %mul3A_2664 = arith.mulf %mul3A_2663, %bitcast_convert_type3A_2605 : vector<16xf32>
    %mul3A_2665 = arith.mulf %mul3A_2664, %mul3A_2661 : vector<16xf32>
    %mul3A_2666 = arith.mulf %mul3A_2665, %mul3A_2661 : vector<16xf32>
    %sub3A_2667 = arith.constant 1.500000e+00 : f32
    %sub3A_2668 = vector.broadcast %sub3A_2667 : f32 to vector<16xf32>
    %sub3A_2669 = arith.subf %sub3A_2668, %mul3A_2666 : vector<16xf32>
    %mul3A_2670 = arith.mulf %mul3A_2661, %sub3A_2669 : vector<16xf32>
    %mul3A_2671 = arith.constant 5.000000e-01 : f32
    %mul3A_2672 = vector.broadcast %mul3A_2671 : f32 to vector<16xf32>
    %mul3A_2673 = arith.mulf %mul3A_2672, %bitcast_convert_type3A_2605 : vector<16xf32>
    %mul3A_2674 = arith.mulf %mul3A_2673, %mul3A_2670 : vector<16xf32>
    %mul3A_2675 = arith.mulf %mul3A_2674, %mul3A_2670 : vector<16xf32>
    %sub3A_2676 = arith.constant 1.500000e+00 : f32
    %sub3A_2677 = vector.broadcast %sub3A_2676 : f32 to vector<16xf32>
    %sub3A_2678 = arith.subf %sub3A_2677, %mul3A_2675 : vector<16xf32>
    %mul3A_2679 = arith.mulf %mul3A_2670, %sub3A_2678 : vector<16xf32>
    %mul3A_2680 = arith.mulf %bitcast_convert_type3A_2605, %mul3A_2679 : vector<16xf32>
    %mul3A_2681 = arith.constant 8 : i32
    %mul3A_2682 = vector.broadcast %mul3A_2681 : i32 to vector<16xi32>
    %mul3A_2683 = arith.muli %get3A_2592, %mul3A_2682 : vector<16xi32>
    %add3A_2684 = arith.addi %mul3A_2683, %and3A_2601 : vector<16xi32>
    %and3A_2685 = arith.constant 15 : i32
    %and3A_2686 = vector.broadcast %and3A_2685 : i32 to vector<16xi32>
    %and3A_2687 = arith.andi %add3A_2684, %and3A_2686 : vector<16xi32>
    %lt3A_2688 = arith.constant 0 : i32
    %lt3A_2689 = vector.broadcast %lt3A_2688 : i32 to vector<16xi32>
    %lt3A_2690 = arith.cmpi slt, %and3A_2687, %lt3A_2689 : vector<16xi32>
    %add3A_2691 = arith.constant 16 : i32
    %add3A_2692 = vector.broadcast %add3A_2691 : i32 to vector<16xi32>
    %add3A_2693 = arith.addi %and3A_2687, %add3A_2692 : vector<16xi32>
    %select_n3A_2694 = arith.select %lt3A_2690, %add3A_2693, %and3A_2687 : vector<16xi1>, vector<16xi32>
    %broadcast_in_dim3A_2695 = vector.shape_cast %select_n3A_2694 : vector<16xi32> to vector<16x1xi32>
    %gather3A_2696 = vector.shape_cast %broadcast_in_dim3A_2695 : vector<16x1xi32> to vector<16xi32>
    %gather3A_2697 = tpu.dynamic_gather %get3A_2[%gather3A_2696] in [0] : vector<16xf32>, vector<16xi32> -> vector<16xf32>
    %lt3A_2698 = arith.constant 0 : i32
    %lt3A_2699 = vector.broadcast %lt3A_2698 : i32 to vector<16xi32>
    %lt3A_2700 = arith.cmpi slt, %and3A_2687, %lt3A_2699 : vector<16xi32>
    %add3A_2701 = arith.constant 16 : i32
    %add3A_2702 = vector.broadcast %add3A_2701 : i32 to vector<16xi32>
    %add3A_2703 = arith.addi %and3A_2687, %add3A_2702 : vector<16xi32>
    %select_n3A_2704 = arith.select %lt3A_2700, %add3A_2703, %and3A_2687 : vector<16xi1>, vector<16xi32>
    %broadcast_in_dim3A_2705 = vector.shape_cast %select_n3A_2704 : vector<16xi32> to vector<16x1xi32>
    %gather3A_2706 = vector.shape_cast %broadcast_in_dim3A_2705 : vector<16x1xi32> to vector<16xi32>
    %gather3A_2707 = tpu.dynamic_gather %get3A_5[%gather3A_2706] in [0] : vector<16xf32>, vector<16xi32> -> vector<16xf32>
    %lt3A_2708 = arith.constant 0 : i32
    %lt3A_2709 = vector.broadcast %lt3A_2708 : i32 to vector<16xi32>
    %lt3A_2710 = arith.cmpi slt, %and3A_2687, %lt3A_2709 : vector<16xi32>
    %add3A_2711 = arith.constant 16 : i32
    %add3A_2712 = vector.broadcast %add3A_2711 : i32 to vector<16xi32>
    %add3A_2713 = arith.addi %and3A_2687, %add3A_2712 : vector<16xi32>
    %select_n3A_2714 = arith.select %lt3A_2710, %add3A_2713, %and3A_2687 : vector<16xi1>, vector<16xi32>
    %broadcast_in_dim3A_2715 = vector.shape_cast %select_n3A_2714 : vector<16xi32> to vector<16x1xi32>
    %gather3A_2716 = vector.shape_cast %broadcast_in_dim3A_2715 : vector<16x1xi32> to vector<16xi32>
    %gather3A_2717 = tpu.dynamic_gather %get3A_8[%gather3A_2716] in [0] : vector<16xf32>, vector<16xi32> -> vector<16xf32>
    %lt3A_2718 = arith.constant 0 : i32
    %lt3A_2719 = vector.broadcast %lt3A_2718 : i32 to vector<16xi32>
    %lt3A_2720 = arith.cmpi slt, %and3A_2687, %lt3A_2719 : vector<16xi32>
    %add3A_2721 = arith.constant 16 : i32
    %add3A_2722 = vector.broadcast %add3A_2721 : i32 to vector<16xi32>
    %add3A_2723 = arith.addi %and3A_2687, %add3A_2722 : vector<16xi32>
    %select_n3A_2724 = arith.select %lt3A_2720, %add3A_2723, %and3A_2687 : vector<16xi1>, vector<16xi32>
    %broadcast_in_dim3A_2725 = vector.shape_cast %select_n3A_2724 : vector<16xi32> to vector<16x1xi32>
    %gather3A_2726 = vector.shape_cast %broadcast_in_dim3A_2725 : vector<16x1xi32> to vector<16xi32>
    %gather3A_2727 = tpu.dynamic_gather %get3A_11[%gather3A_2726] in [0] : vector<16xf32>, vector<16xi32> -> vector<16xf32>
    %lt3A_2728 = arith.constant 16 : i32
    %lt3A_2729 = vector.broadcast %lt3A_2728 : i32 to vector<16xi32>
    %lt3A_2730 = arith.cmpi slt, %add3A_2684, %lt3A_2729 : vector<16xi32>
    %lt3A_2731 = arith.constant 32 : i32
    %lt3A_2732 = vector.broadcast %lt3A_2731 : i32 to vector<16xi32>
    %lt3A_2733 = arith.cmpi slt, %add3A_2684, %lt3A_2732 : vector<16xi32>
    %lt3A_2734 = arith.constant 48 : i32
    %lt3A_2735 = vector.broadcast %lt3A_2734 : i32 to vector<16xi32>
    %lt3A_2736 = arith.cmpi slt, %add3A_2684, %lt3A_2735 : vector<16xi32>
    %select_n3A_2737 = arith.select %lt3A_2736, %gather3A_2717, %gather3A_2727 : vector<16xi1>, vector<16xf32>
    %select_n3A_2738 = arith.select %lt3A_2733, %gather3A_2707, %select_n3A_2737 : vector<16xi1>, vector<16xf32>
    %select_n3A_2739 = arith.select %lt3A_2730, %gather3A_2697, %select_n3A_2738 : vector<16xi1>, vector<16xf32>
    %and3A_2740 = arith.andi %gt3A_2595, %lt3A_2598 : vector<16xi1>
    %sub3A_2741 = arith.subf %mul3A_2644, %mul3A_2680 : vector<16xf32>
    %add3A_2742 = arith.addf %sub3A_2741, %select_n3A_2739 : vector<16xf32>
    %max3A_2743 = arith.constant 0.000000e+00 : f32
    %max3A_2744 = vector.broadcast %max3A_2743 : f32 to vector<16xf32>
    %max3A_2745 = arith.maximumf %add3A_2742, %max3A_2744 : vector<16xf32>
    %jit3A_2746 = arith.constant 0.000000e+00 : f32
    %broadcast_in_dim3A_2747 = vector.broadcast %jit3A_2746 : f32 to vector<16xf32>
    %select_n3A_2748 = arith.select %and3A_2740, %max3A_2745, %broadcast_in_dim3A_2747 : vector<16xi1>, vector<16xf32>
    %add3A_2749 = arith.addf %add3A_2577, %select_n3A_2748 : vector<16xf32>
    %jit3A_2750 = arith.constant 1.000000e+00 : f32
    %jit3A_2751 = arith.constant 0.000000e+00 : f32
    %broadcast_in_dim3A_2752 = vector.broadcast %jit3A_2750 : f32 to vector<16xf32>
    %broadcast_in_dim3A_2753 = vector.broadcast %jit3A_2751 : f32 to vector<16xf32>
    %select_n3A_2754 = arith.select %and3A_2740, %broadcast_in_dim3A_2752, %broadcast_in_dim3A_2753 : vector<16xi1>, vector<16xf32>
    %add3A_2755 = arith.addf %add3A_2583, %select_n3A_2754 : vector<16xf32>
    %swap3A = arith.constant 0 : index
    %swap3A_2756 = tpu.vector_load %arg11[%swap3A] {strides = array<i32>} : memref<16xf32, #tpu.memory_space<vmem>>, vector<16xf32>,
    %swap3A_2757 = vector.shape_cast %swap3A_2756 : vector<16xf32> to vector<16xf32>
    %swap3A_2758 = vector.shape_cast %add3A_2749 : vector<16xf32> to vector<16xf32>
    tpu.vector_store %arg11[%swap3A], %swap3A_2758 {strides = array<i32>} : memref<16xf32, #tpu.memory_space<vmem>>, vector<16xf32>,
    %swap3A_2759 = arith.constant 0 : index
    %swap3A_2760 = tpu.vector_load %arg12[%swap3A_2759] {strides = array<i32>} : memref<16xf32, #tpu.memory_space<vmem>>, vector<16xf32>,
    %swap3A_2761 = vector.shape_cast %swap3A_2760 : vector<16xf32> to vector<16xf32>
    %swap3A_2762 = vector.shape_cast %add3A_2755 : vector<16xf32> to vector<16xf32>
    tpu.vector_store %arg12[%swap3A_2759], %swap3A_2762 {strides = array<i32>} : memref<16xf32, #tpu.memory_space<vmem>>, vector<16xf32>,
    "tpu.region"() ({
      %run_scoped3A = tpu.sem_alloc : memref<!tpu.dma_semaphore, #tpu.memory_space<semaphore_mem>>
      %dma_start3A = arith.constant 0 : i32
      %dma_start3A_2767 = tpu.memref_slice %arg6[%arg1, %dma_start3A] : memref<40x16xf32, #tpu.memory_space<hbm>> -> memref<1x16xf32, #tpu.memory_space<hbm>>
      %dma_start3A_2768 = tpu.memref_squeeze %dma_start3A_2767 : memref<1x16xf32, #tpu.memory_space<hbm>> -> memref<16xf32, #tpu.memory_space<hbm>>
      %dma_start3A_2769 = arith.constant 0 : i32
      %dma_start3A_2770 = tpu.memref_slice %arg6[%arg1, %dma_start3A_2769] : memref<40x16xf32, #tpu.memory_space<hbm>> -> memref<1x16xf32, #tpu.memory_space<hbm>>
      %dma_start3A_2771 = tpu.memref_squeeze %dma_start3A_2770 : memref<1x16xf32, #tpu.memory_space<hbm>> -> memref<16xf32, #tpu.memory_space<hbm>>
      tpu.enqueue_dma source(%arg11 : memref<16xf32, #tpu.memory_space<vmem>>) target(%dma_start3A_2771 : memref<16xf32, #tpu.memory_space<hbm>>) target_semaphore(%run_scoped3A : memref<!tpu.dma_semaphore, #tpu.memory_space<semaphore_mem>>)
      %dma_wait3A = arith.constant 0 : i32
      %dma_wait3A_2772 = tpu.memref_slice %arg6[%arg1, %dma_wait3A] : memref<40x16xf32, #tpu.memory_space<hbm>> -> memref<1x16xf32, #tpu.memory_space<hbm>>
      %dma_wait3A_2773 = tpu.memref_squeeze %dma_wait3A_2772 : memref<1x16xf32, #tpu.memory_space<hbm>> -> memref<16xf32, #tpu.memory_space<hbm>>
      %dma_wait3A_2774 = arith.constant 0 : i32
      %dma_wait3A_2775 = tpu.memref_slice %arg6[%arg1, %dma_wait3A_2774] : memref<40x16xf32, #tpu.memory_space<hbm>> -> memref<1x16xf32, #tpu.memory_space<hbm>>
      %dma_wait3A_2776 = tpu.memref_squeeze %dma_wait3A_2775 : memref<1x16xf32, #tpu.memory_space<hbm>> -> memref<16xf32, #tpu.memory_space<hbm>>
      tpu.wait_dma2 semaphore(%run_scoped3A : memref<!tpu.dma_semaphore, #tpu.memory_space<semaphore_mem>>) src(%arg11 : memref<16xf32, #tpu.memory_space<vmem>>) dst(%dma_wait3A_2776 : memref<16xf32, #tpu.memory_space<hbm>>)
      tpu.yield
    }) : () -> ()
    %add3A_2763 = arith.constant 16 : i32
    %add3A_2764 = arith.addi %add3A_2763, %arg1 : i32
    "tpu.region"() ({
      %run_scoped3A = tpu.sem_alloc : memref<!tpu.dma_semaphore, #tpu.memory_space<semaphore_mem>>
      %dma_start3A = arith.constant 0 : i32
      %dma_start3A_2767 = tpu.memref_slice %arg6[%add3A_2764, %dma_start3A] : memref<40x16xf32, #tpu.memory_space<hbm>> -> memref<1x16xf32, #tpu.memory_space<hbm>>
      %dma_start3A_2768 = tpu.memref_squeeze %dma_start3A_2767 : memref<1x16xf32, #tpu.memory_space<hbm>> -> memref<16xf32, #tpu.memory_space<hbm>>
      %dma_start3A_2769 = arith.constant 0 : i32
      %dma_start3A_2770 = tpu.memref_slice %arg6[%add3A_2764, %dma_start3A_2769] : memref<40x16xf32, #tpu.memory_space<hbm>> -> memref<1x16xf32, #tpu.memory_space<hbm>>
      %dma_start3A_2771 = tpu.memref_squeeze %dma_start3A_2770 : memref<1x16xf32, #tpu.memory_space<hbm>> -> memref<16xf32, #tpu.memory_space<hbm>>
      tpu.enqueue_dma source(%arg12 : memref<16xf32, #tpu.memory_space<vmem>>) target(%dma_start3A_2771 : memref<16xf32, #tpu.memory_space<hbm>>) target_semaphore(%run_scoped3A : memref<!tpu.dma_semaphore, #tpu.memory_space<semaphore_mem>>)
      %dma_wait3A = arith.constant 0 : i32
      %dma_wait3A_2772 = tpu.memref_slice %arg6[%add3A_2764, %dma_wait3A] : memref<40x16xf32, #tpu.memory_space<hbm>> -> memref<1x16xf32, #tpu.memory_space<hbm>>
      %dma_wait3A_2773 = tpu.memref_squeeze %dma_wait3A_2772 : memref<1x16xf32, #tpu.memory_space<hbm>> -> memref<16xf32, #tpu.memory_space<hbm>>
      %dma_wait3A_2774 = arith.constant 0 : i32
      %dma_wait3A_2775 = tpu.memref_slice %arg6[%add3A_2764, %dma_wait3A_2774] : memref<40x16xf32, #tpu.memory_space<hbm>> -> memref<1x16xf32, #tpu.memory_space<hbm>>
      %dma_wait3A_2776 = tpu.memref_squeeze %dma_wait3A_2775 : memref<1x16xf32, #tpu.memory_space<hbm>> -> memref<16xf32, #tpu.memory_space<hbm>>
      tpu.wait_dma2 semaphore(%run_scoped3A : memref<!tpu.dma_semaphore, #tpu.memory_space<semaphore_mem>>) src(%arg12 : memref<16xf32, #tpu.memory_space<vmem>>) dst(%dma_wait3A_2776 : memref<16xf32, #tpu.memory_space<hbm>>)
      tpu.yield
    }) : () -> ()
    %barrier3A = arith.constant 0 : index
    tpu.barrier barrier_id(%barrier3A)
    %eq3A = arith.constant 0 : i32
    %eq3A_2765 = arith.cmpi eq, %arg1, %eq3A : i32
    %convert_element_type3A = arith.extui %eq3A_2765 : i1 to i32
    %cond3A = arith.constant 0 : i32
    %cond3A_2766 = arith.cmpi ne, %convert_element_type3A, %cond3A : i32
    scf.if %cond3A_2766 {
      "tpu.region"() ({
        %run_scoped3A_3069 = tpu.sem_alloc : memref<!tpu.dma_semaphore, #tpu.memory_space<semaphore_mem>>
        %dma_start3A = arith.constant 0 : i32
        %dma_start3A_3070 = arith.constant 0 : i32
        %dma_start3A_3071 = tpu.memref_slice %arg6[%dma_start3A, %dma_start3A_3070] : memref<40x16xf32, #tpu.memory_space<hbm>> -> memref<32x16xf32, #tpu.memory_space<hbm>>
        %dma_start3A_3072 = arith.constant 0 : i32
        %dma_start3A_3073 = arith.constant 0 : i32
        %dma_start3A_3074 = tpu.memref_slice %arg6[%dma_start3A_3072, %dma_start3A_3073] : memref<40x16xf32, #tpu.memory_space<hbm>> -> memref<32x16xf32, #tpu.memory_space<hbm>>
        tpu.enqueue_dma source(%dma_start3A_3074 : memref<32x16xf32, #tpu.memory_space<hbm>>) target(%arg13 : memref<32x16xf32, #tpu.memory_space<vmem>>) target_semaphore(%run_scoped3A_3069 : memref<!tpu.dma_semaphore, #tpu.memory_space<semaphore_mem>>)
        %dma_wait3A = arith.constant 0 : i32
        %dma_wait3A_3075 = arith.constant 0 : i32
        %dma_wait3A_3076 = tpu.memref_slice %arg6[%dma_wait3A, %dma_wait3A_3075] : memref<40x16xf32, #tpu.memory_space<hbm>> -> memref<32x16xf32, #tpu.memory_space<hbm>>
        %dma_wait3A_3077 = arith.constant 0 : i32
        %dma_wait3A_3078 = arith.constant 0 : i32
        %dma_wait3A_3079 = tpu.memref_slice %arg6[%dma_wait3A_3077, %dma_wait3A_3078] : memref<40x16xf32, #tpu.memory_space<hbm>> -> memref<32x16xf32, #tpu.memory_space<hbm>>
        tpu.wait_dma2 semaphore(%run_scoped3A_3069 : memref<!tpu.dma_semaphore, #tpu.memory_space<semaphore_mem>>) src(%dma_wait3A_3079 : memref<32x16xf32, #tpu.memory_space<hbm>>) dst(%arg13 : memref<32x16xf32, #tpu.memory_space<vmem>>)
        tpu.yield
      }) : () -> ()
      %get3A_2767 = arith.constant 0 : i32
      %get3A_2768 = arith.index_cast %get3A_2767 : i32 to index
      %get3A_2769 = arith.constant 0 : index
      %get3A_2770 = tpu.vector_load %arg13[%get3A_2768, %get3A_2769] {strides = array<i32>} : memref<32x16xf32, #tpu.memory_space<vmem>>, vector<1x16xf32>,
      %get3A_2771 = vector.shape_cast %get3A_2770 : vector<1x16xf32> to vector<16xf32>
      %get3A_2772 = arith.constant 16 : i32
      %get3A_2773 = arith.index_cast %get3A_2772 : i32 to index
      %get3A_2774 = arith.constant 0 : index
      %get3A_2775 = tpu.vector_load %arg13[%get3A_2773, %get3A_2774] {strides = array<i32>} : memref<32x16xf32, #tpu.memory_space<vmem>>, vector<1x16xf32>,
      %get3A_2776 = vector.shape_cast %get3A_2775 : vector<1x16xf32> to vector<16xf32>
      %get3A_2777 = arith.constant 1 : i32
      %get3A_2778 = arith.index_cast %get3A_2777 : i32 to index
      %get3A_2779 = arith.constant 0 : index
      %get3A_2780 = tpu.vector_load %arg13[%get3A_2778, %get3A_2779] {strides = array<i32>} : memref<32x16xf32, #tpu.memory_space<vmem>>, vector<1x16xf32>,
      %get3A_2781 = vector.shape_cast %get3A_2780 : vector<1x16xf32> to vector<16xf32>
      %add3A_2782 = arith.addf %get3A_2771, %get3A_2781 : vector<16xf32>
      %get3A_2783 = arith.constant 17 : i32
      %get3A_2784 = arith.index_cast %get3A_2783 : i32 to index
      %get3A_2785 = arith.constant 0 : index
      %get3A_2786 = tpu.vector_load %arg13[%get3A_2784, %get3A_2785] {strides = array<i32>} : memref<32x16xf32, #tpu.memory_space<vmem>>, vector<1x16xf32>,
      %get3A_2787 = vector.shape_cast %get3A_2786 : vector<1x16xf32> to vector<16xf32>
      %add3A_2788 = arith.addf %get3A_2776, %get3A_2787 : vector<16xf32>
      %get3A_2789 = arith.constant 2 : i32
      %get3A_2790 = arith.index_cast %get3A_2789 : i32 to index
      %get3A_2791 = arith.constant 0 : index
      %get3A_2792 = tpu.vector_load %arg13[%get3A_2790, %get3A_2791] {strides = array<i32>} : memref<32x16xf32, #tpu.memory_space<vmem>>, vector<1x16xf32>,
      %get3A_2793 = vector.shape_cast %get3A_2792 : vector<1x16xf32> to vector<16xf32>
      %add3A_2794 = arith.addf %add3A_2782, %get3A_2793 : vector<16xf32>
      %get3A_2795 = arith.constant 18 : i32
      %get3A_2796 = arith.index_cast %get3A_2795 : i32 to index
      %get3A_2797 = arith.constant 0 : index
      %get3A_2798 = tpu.vector_load %arg13[%get3A_2796, %get3A_2797] {strides = array<i32>} : memref<32x16xf32, #tpu.memory_space<vmem>>, vector<1x16xf32>,
      %get3A_2799 = vector.shape_cast %get3A_2798 : vector<1x16xf32> to vector<16xf32>
      %add3A_2800 = arith.addf %add3A_2788, %get3A_2799 : vector<16xf32>
      %get3A_2801 = arith.constant 3 : i32
      %get3A_2802 = arith.index_cast %get3A_2801 : i32 to index
      %get3A_2803 = arith.constant 0 : index
      %get3A_2804 = tpu.vector_load %arg13[%get3A_2802, %get3A_2803] {strides = array<i32>} : memref<32x16xf32, #tpu.memory_space<vmem>>, vector<1x16xf32>,
      %get3A_2805 = vector.shape_cast %get3A_2804 : vector<1x16xf32> to vector<16xf32>
      %add3A_2806 = arith.addf %add3A_2794, %get3A_2805 : vector<16xf32>
      %get3A_2807 = arith.constant 19 : i32
      %get3A_2808 = arith.index_cast %get3A_2807 : i32 to index
      %get3A_2809 = arith.constant 0 : index
      %get3A_2810 = tpu.vector_load %arg13[%get3A_2808, %get3A_2809] {strides = array<i32>} : memref<32x16xf32, #tpu.memory_space<vmem>>, vector<1x16xf32>,
      %get3A_2811 = vector.shape_cast %get3A_2810 : vector<1x16xf32> to vector<16xf32>
      %add3A_2812 = arith.addf %add3A_2800, %get3A_2811 : vector<16xf32>
      %get3A_2813 = arith.constant 4 : i32
      %get3A_2814 = arith.index_cast %get3A_2813 : i32 to index
      %get3A_2815 = arith.constant 0 : index
      %get3A_2816 = tpu.vector_load %arg13[%get3A_2814, %get3A_2815] {strides = array<i32>} : memref<32x16xf32, #tpu.memory_space<vmem>>, vector<1x16xf32>,
      %get3A_2817 = vector.shape_cast %get3A_2816 : vector<1x16xf32> to vector<16xf32>
      %add3A_2818 = arith.addf %add3A_2806, %get3A_2817 : vector<16xf32>
      %get3A_2819 = arith.constant 20 : i32
      %get3A_2820 = arith.index_cast %get3A_2819 : i32 to index
      %get3A_2821 = arith.constant 0 : index
      %get3A_2822 = tpu.vector_load %arg13[%get3A_2820, %get3A_2821] {strides = array<i32>} : memref<32x16xf32, #tpu.memory_space<vmem>>, vector<1x16xf32>,
      %get3A_2823 = vector.shape_cast %get3A_2822 : vector<1x16xf32> to vector<16xf32>
      %add3A_2824 = arith.addf %add3A_2812, %get3A_2823 : vector<16xf32>
      %get3A_2825 = arith.constant 5 : i32
      %get3A_2826 = arith.index_cast %get3A_2825 : i32 to index
      %get3A_2827 = arith.constant 0 : index
      %get3A_2828 = tpu.vector_load %arg13[%get3A_2826, %get3A_2827] {strides = array<i32>} : memref<32x16xf32, #tpu.memory_space<vmem>>, vector<1x16xf32>,
      %get3A_2829 = vector.shape_cast %get3A_2828 : vector<1x16xf32> to vector<16xf32>
      %add3A_2830 = arith.addf %add3A_2818, %get3A_2829 : vector<16xf32>
      %get3A_2831 = arith.constant 21 : i32
      %get3A_2832 = arith.index_cast %get3A_2831 : i32 to index
      %get3A_2833 = arith.constant 0 : index
      %get3A_2834 = tpu.vector_load %arg13[%get3A_2832, %get3A_2833] {strides = array<i32>} : memref<32x16xf32, #tpu.memory_space<vmem>>, vector<1x16xf32>,
      %get3A_2835 = vector.shape_cast %get3A_2834 : vector<1x16xf32> to vector<16xf32>
      %add3A_2836 = arith.addf %add3A_2824, %get3A_2835 : vector<16xf32>
      %get3A_2837 = arith.constant 6 : i32
      %get3A_2838 = arith.index_cast %get3A_2837 : i32 to index
      %get3A_2839 = arith.constant 0 : index
      %get3A_2840 = tpu.vector_load %arg13[%get3A_2838, %get3A_2839] {strides = array<i32>} : memref<32x16xf32, #tpu.memory_space<vmem>>, vector<1x16xf32>,
      %get3A_2841 = vector.shape_cast %get3A_2840 : vector<1x16xf32> to vector<16xf32>
      %add3A_2842 = arith.addf %add3A_2830, %get3A_2841 : vector<16xf32>
      %get3A_2843 = arith.constant 22 : i32
      %get3A_2844 = arith.index_cast %get3A_2843 : i32 to index
      %get3A_2845 = arith.constant 0 : index
      %get3A_2846 = tpu.vector_load %arg13[%get3A_2844, %get3A_2845] {strides = array<i32>} : memref<32x16xf32, #tpu.memory_space<vmem>>, vector<1x16xf32>,
      %get3A_2847 = vector.shape_cast %get3A_2846 : vector<1x16xf32> to vector<16xf32>
      %add3A_2848 = arith.addf %add3A_2836, %get3A_2847 : vector<16xf32>
      %get3A_2849 = arith.constant 7 : i32
      %get3A_2850 = arith.index_cast %get3A_2849 : i32 to index
      %get3A_2851 = arith.constant 0 : index
      %get3A_2852 = tpu.vector_load %arg13[%get3A_2850, %get3A_2851] {strides = array<i32>} : memref<32x16xf32, #tpu.memory_space<vmem>>, vector<1x16xf32>,
      %get3A_2853 = vector.shape_cast %get3A_2852 : vector<1x16xf32> to vector<16xf32>
      %add3A_2854 = arith.addf %add3A_2842, %get3A_2853 : vector<16xf32>
      %get3A_2855 = arith.constant 23 : i32
      %get3A_2856 = arith.index_cast %get3A_2855 : i32 to index
      %get3A_2857 = arith.constant 0 : index
      %get3A_2858 = tpu.vector_load %arg13[%get3A_2856, %get3A_2857] {strides = array<i32>} : memref<32x16xf32, #tpu.memory_space<vmem>>, vector<1x16xf32>,
      %get3A_2859 = vector.shape_cast %get3A_2858 : vector<1x16xf32> to vector<16xf32>
      %add3A_2860 = arith.addf %add3A_2848, %get3A_2859 : vector<16xf32>
      %get3A_2861 = arith.constant 8 : i32
      %get3A_2862 = arith.index_cast %get3A_2861 : i32 to index
      %get3A_2863 = arith.constant 0 : index
      %get3A_2864 = tpu.vector_load %arg13[%get3A_2862, %get3A_2863] {strides = array<i32>} : memref<32x16xf32, #tpu.memory_space<vmem>>, vector<1x16xf32>,
      %get3A_2865 = vector.shape_cast %get3A_2864 : vector<1x16xf32> to vector<16xf32>
      %add3A_2866 = arith.addf %add3A_2854, %get3A_2865 : vector<16xf32>
      %get3A_2867 = arith.constant 24 : i32
      %get3A_2868 = arith.index_cast %get3A_2867 : i32 to index
      %get3A_2869 = arith.constant 0 : index
      %get3A_2870 = tpu.vector_load %arg13[%get3A_2868, %get3A_2869] {strides = array<i32>} : memref<32x16xf32, #tpu.memory_space<vmem>>, vector<1x16xf32>,
      %get3A_2871 = vector.shape_cast %get3A_2870 : vector<1x16xf32> to vector<16xf32>
      %add3A_2872 = arith.addf %add3A_2860, %get3A_2871 : vector<16xf32>
      %get3A_2873 = arith.constant 9 : i32
      %get3A_2874 = arith.index_cast %get3A_2873 : i32 to index
      %get3A_2875 = arith.constant 0 : index
      %get3A_2876 = tpu.vector_load %arg13[%get3A_2874, %get3A_2875] {strides = array<i32>} : memref<32x16xf32, #tpu.memory_space<vmem>>, vector<1x16xf32>,
      %get3A_2877 = vector.shape_cast %get3A_2876 : vector<1x16xf32> to vector<16xf32>
      %add3A_2878 = arith.addf %add3A_2866, %get3A_2877 : vector<16xf32>
      %get3A_2879 = arith.constant 25 : i32
      %get3A_2880 = arith.index_cast %get3A_2879 : i32 to index
      %get3A_2881 = arith.constant 0 : index
      %get3A_2882 = tpu.vector_load %arg13[%get3A_2880, %get3A_2881] {strides = array<i32>} : memref<32x16xf32, #tpu.memory_space<vmem>>, vector<1x16xf32>,
      %get3A_2883 = vector.shape_cast %get3A_2882 : vector<1x16xf32> to vector<16xf32>
      %add3A_2884 = arith.addf %add3A_2872, %get3A_2883 : vector<16xf32>
      %get3A_2885 = arith.constant 10 : i32
      %get3A_2886 = arith.index_cast %get3A_2885 : i32 to index
      %get3A_2887 = arith.constant 0 : index
      %get3A_2888 = tpu.vector_load %arg13[%get3A_2886, %get3A_2887] {strides = array<i32>} : memref<32x16xf32, #tpu.memory_space<vmem>>, vector<1x16xf32>,
      %get3A_2889 = vector.shape_cast %get3A_2888 : vector<1x16xf32> to vector<16xf32>
      %add3A_2890 = arith.addf %add3A_2878, %get3A_2889 : vector<16xf32>
      %get3A_2891 = arith.constant 26 : i32
      %get3A_2892 = arith.index_cast %get3A_2891 : i32 to index
      %get3A_2893 = arith.constant 0 : index
      %get3A_2894 = tpu.vector_load %arg13[%get3A_2892, %get3A_2893] {strides = array<i32>} : memref<32x16xf32, #tpu.memory_space<vmem>>, vector<1x16xf32>,
      %get3A_2895 = vector.shape_cast %get3A_2894 : vector<1x16xf32> to vector<16xf32>
      %add3A_2896 = arith.addf %add3A_2884, %get3A_2895 : vector<16xf32>
      %get3A_2897 = arith.constant 11 : i32
      %get3A_2898 = arith.index_cast %get3A_2897 : i32 to index
      %get3A_2899 = arith.constant 0 : index
      %get3A_2900 = tpu.vector_load %arg13[%get3A_2898, %get3A_2899] {strides = array<i32>} : memref<32x16xf32, #tpu.memory_space<vmem>>, vector<1x16xf32>,
      %get3A_2901 = vector.shape_cast %get3A_2900 : vector<1x16xf32> to vector<16xf32>
      %add3A_2902 = arith.addf %add3A_2890, %get3A_2901 : vector<16xf32>
      %get3A_2903 = arith.constant 27 : i32
      %get3A_2904 = arith.index_cast %get3A_2903 : i32 to index
      %get3A_2905 = arith.constant 0 : index
      %get3A_2906 = tpu.vector_load %arg13[%get3A_2904, %get3A_2905] {strides = array<i32>} : memref<32x16xf32, #tpu.memory_space<vmem>>, vector<1x16xf32>,
      %get3A_2907 = vector.shape_cast %get3A_2906 : vector<1x16xf32> to vector<16xf32>
      %add3A_2908 = arith.addf %add3A_2896, %get3A_2907 : vector<16xf32>
      %get3A_2909 = arith.constant 12 : i32
      %get3A_2910 = arith.index_cast %get3A_2909 : i32 to index
      %get3A_2911 = arith.constant 0 : index
      %get3A_2912 = tpu.vector_load %arg13[%get3A_2910, %get3A_2911] {strides = array<i32>} : memref<32x16xf32, #tpu.memory_space<vmem>>, vector<1x16xf32>,
      %get3A_2913 = vector.shape_cast %get3A_2912 : vector<1x16xf32> to vector<16xf32>
      %add3A_2914 = arith.addf %add3A_2902, %get3A_2913 : vector<16xf32>
      %get3A_2915 = arith.constant 28 : i32
      %get3A_2916 = arith.index_cast %get3A_2915 : i32 to index
      %get3A_2917 = arith.constant 0 : index
      %get3A_2918 = tpu.vector_load %arg13[%get3A_2916, %get3A_2917] {strides = array<i32>} : memref<32x16xf32, #tpu.memory_space<vmem>>, vector<1x16xf32>,
      %get3A_2919 = vector.shape_cast %get3A_2918 : vector<1x16xf32> to vector<16xf32>
      %add3A_2920 = arith.addf %add3A_2908, %get3A_2919 : vector<16xf32>
      %get3A_2921 = arith.constant 13 : i32
      %get3A_2922 = arith.index_cast %get3A_2921 : i32 to index
      %get3A_2923 = arith.constant 0 : index
      %get3A_2924 = tpu.vector_load %arg13[%get3A_2922, %get3A_2923] {strides = array<i32>} : memref<32x16xf32, #tpu.memory_space<vmem>>, vector<1x16xf32>,
      %get3A_2925 = vector.shape_cast %get3A_2924 : vector<1x16xf32> to vector<16xf32>
      %add3A_2926 = arith.addf %add3A_2914, %get3A_2925 : vector<16xf32>
      %get3A_2927 = arith.constant 29 : i32
      %get3A_2928 = arith.index_cast %get3A_2927 : i32 to index
      %get3A_2929 = arith.constant 0 : index
      %get3A_2930 = tpu.vector_load %arg13[%get3A_2928, %get3A_2929] {strides = array<i32>} : memref<32x16xf32, #tpu.memory_space<vmem>>, vector<1x16xf32>,
      %get3A_2931 = vector.shape_cast %get3A_2930 : vector<1x16xf32> to vector<16xf32>
      %add3A_2932 = arith.addf %add3A_2920, %get3A_2931 : vector<16xf32>
      %get3A_2933 = arith.constant 14 : i32
      %get3A_2934 = arith.index_cast %get3A_2933 : i32 to index
      %get3A_2935 = arith.constant 0 : index
      %get3A_2936 = tpu.vector_load %arg13[%get3A_2934, %get3A_2935] {strides = array<i32>} : memref<32x16xf32, #tpu.memory_space<vmem>>, vector<1x16xf32>,
      %get3A_2937 = vector.shape_cast %get3A_2936 : vector<1x16xf32> to vector<16xf32>
      %add3A_2938 = arith.addf %add3A_2926, %get3A_2937 : vector<16xf32>
      %get3A_2939 = arith.constant 30 : i32
      %get3A_2940 = arith.index_cast %get3A_2939 : i32 to index
      %get3A_2941 = arith.constant 0 : index
      %get3A_2942 = tpu.vector_load %arg13[%get3A_2940, %get3A_2941] {strides = array<i32>} : memref<32x16xf32, #tpu.memory_space<vmem>>, vector<1x16xf32>,
      %get3A_2943 = vector.shape_cast %get3A_2942 : vector<1x16xf32> to vector<16xf32>
      %add3A_2944 = arith.addf %add3A_2932, %get3A_2943 : vector<16xf32>
      %get3A_2945 = arith.constant 15 : i32
      %get3A_2946 = arith.index_cast %get3A_2945 : i32 to index
      %get3A_2947 = arith.constant 0 : index
      %get3A_2948 = tpu.vector_load %arg13[%get3A_2946, %get3A_2947] {strides = array<i32>} : memref<32x16xf32, #tpu.memory_space<vmem>>, vector<1x16xf32>,
      %get3A_2949 = vector.shape_cast %get3A_2948 : vector<1x16xf32> to vector<16xf32>
      %add3A_2950 = arith.addf %add3A_2938, %get3A_2949 : vector<16xf32>
      %get3A_2951 = arith.constant 31 : i32
      %get3A_2952 = arith.index_cast %get3A_2951 : i32 to index
      %get3A_2953 = arith.constant 0 : index
      %get3A_2954 = tpu.vector_load %arg13[%get3A_2952, %get3A_2953] {strides = array<i32>} : memref<32x16xf32, #tpu.memory_space<vmem>>, vector<1x16xf32>,
      %get3A_2955 = vector.shape_cast %get3A_2954 : vector<1x16xf32> to vector<16xf32>
      %add3A_2956 = arith.addf %add3A_2944, %get3A_2955 : vector<16xf32>
      %iota3A = tpu.iota {dimensions = array<i32: 0>} : vector<16xi32>
      %xor3A = arith.constant 8 : i32
      %xor3A_2957 = vector.broadcast %xor3A : i32 to vector<16xi32>
      %xor3A_2958 = arith.xori %iota3A, %xor3A_2957 : vector<16xi32>
      %lt3A_2959 = arith.constant 0 : i32
      %lt3A_2960 = vector.broadcast %lt3A_2959 : i32 to vector<16xi32>
      %lt3A_2961 = arith.cmpi slt, %xor3A_2958, %lt3A_2960 : vector<16xi32>
      %add3A_2962 = arith.constant 16 : i32
      %add3A_2963 = vector.broadcast %add3A_2962 : i32 to vector<16xi32>
      %add3A_2964 = arith.addi %xor3A_2958, %add3A_2963 : vector<16xi32>
      %select_n3A_2965 = arith.select %lt3A_2961, %add3A_2964, %xor3A_2958 : vector<16xi1>, vector<16xi32>
      %broadcast_in_dim3A_2966 = vector.shape_cast %select_n3A_2965 : vector<16xi32> to vector<16x1xi32>
      %gather3A_2967 = vector.shape_cast %broadcast_in_dim3A_2966 : vector<16x1xi32> to vector<16xi32>
      %gather3A_2968 = tpu.dynamic_gather %add3A_2950[%gather3A_2967] in [0] : vector<16xf32>, vector<16xi32> -> vector<16xf32>
      %add3A_2969 = arith.addf %add3A_2950, %gather3A_2968 : vector<16xf32>
      %lt3A_2970 = arith.constant 0 : i32
      %lt3A_2971 = vector.broadcast %lt3A_2970 : i32 to vector<16xi32>
      %lt3A_2972 = arith.cmpi slt, %xor3A_2958, %lt3A_2971 : vector<16xi32>
      %add3A_2973 = arith.constant 16 : i32
      %add3A_2974 = vector.broadcast %add3A_2973 : i32 to vector<16xi32>
      %add3A_2975 = arith.addi %xor3A_2958, %add3A_2974 : vector<16xi32>
      %select_n3A_2976 = arith.select %lt3A_2972, %add3A_2975, %xor3A_2958 : vector<16xi1>, vector<16xi32>
      %broadcast_in_dim3A_2977 = vector.shape_cast %select_n3A_2976 : vector<16xi32> to vector<16x1xi32>
      %gather3A_2978 = vector.shape_cast %broadcast_in_dim3A_2977 : vector<16x1xi32> to vector<16xi32>
      %gather3A_2979 = tpu.dynamic_gather %add3A_2956[%gather3A_2978] in [0] : vector<16xf32>, vector<16xi32> -> vector<16xf32>
      %add3A_2980 = arith.addf %add3A_2956, %gather3A_2979 : vector<16xf32>
      %xor3A_2981 = arith.constant 4 : i32
      %xor3A_2982 = vector.broadcast %xor3A_2981 : i32 to vector<16xi32>
      %xor3A_2983 = arith.xori %iota3A, %xor3A_2982 : vector<16xi32>
      %lt3A_2984 = arith.constant 0 : i32
      %lt3A_2985 = vector.broadcast %lt3A_2984 : i32 to vector<16xi32>
      %lt3A_2986 = arith.cmpi slt, %xor3A_2983, %lt3A_2985 : vector<16xi32>
      %add3A_2987 = arith.constant 16 : i32
      %add3A_2988 = vector.broadcast %add3A_2987 : i32 to vector<16xi32>
      %add3A_2989 = arith.addi %xor3A_2983, %add3A_2988 : vector<16xi32>
      %select_n3A_2990 = arith.select %lt3A_2986, %add3A_2989, %xor3A_2983 : vector<16xi1>, vector<16xi32>
      %broadcast_in_dim3A_2991 = vector.shape_cast %select_n3A_2990 : vector<16xi32> to vector<16x1xi32>
      %gather3A_2992 = vector.shape_cast %broadcast_in_dim3A_2991 : vector<16x1xi32> to vector<16xi32>
      %gather3A_2993 = tpu.dynamic_gather %add3A_2969[%gather3A_2992] in [0] : vector<16xf32>, vector<16xi32> -> vector<16xf32>
      %add3A_2994 = arith.addf %add3A_2969, %gather3A_2993 : vector<16xf32>
      %lt3A_2995 = arith.constant 0 : i32
      %lt3A_2996 = vector.broadcast %lt3A_2995 : i32 to vector<16xi32>
      %lt3A_2997 = arith.cmpi slt, %xor3A_2983, %lt3A_2996 : vector<16xi32>
      %add3A_2998 = arith.constant 16 : i32
      %add3A_2999 = vector.broadcast %add3A_2998 : i32 to vector<16xi32>
      %add3A_3000 = arith.addi %xor3A_2983, %add3A_2999 : vector<16xi32>
      %select_n3A_3001 = arith.select %lt3A_2997, %add3A_3000, %xor3A_2983 : vector<16xi1>, vector<16xi32>
      %broadcast_in_dim3A_3002 = vector.shape_cast %select_n3A_3001 : vector<16xi32> to vector<16x1xi32>
      %gather3A_3003 = vector.shape_cast %broadcast_in_dim3A_3002 : vector<16x1xi32> to vector<16xi32>
      %gather3A_3004 = tpu.dynamic_gather %add3A_2980[%gather3A_3003] in [0] : vector<16xf32>, vector<16xi32> -> vector<16xf32>
      %add3A_3005 = arith.addf %add3A_2980, %gather3A_3004 : vector<16xf32>
      %xor3A_3006 = arith.constant 2 : i32
      %xor3A_3007 = vector.broadcast %xor3A_3006 : i32 to vector<16xi32>
      %xor3A_3008 = arith.xori %iota3A, %xor3A_3007 : vector<16xi32>
      %lt3A_3009 = arith.constant 0 : i32
      %lt3A_3010 = vector.broadcast %lt3A_3009 : i32 to vector<16xi32>
      %lt3A_3011 = arith.cmpi slt, %xor3A_3008, %lt3A_3010 : vector<16xi32>
      %add3A_3012 = arith.constant 16 : i32
      %add3A_3013 = vector.broadcast %add3A_3012 : i32 to vector<16xi32>
      %add3A_3014 = arith.addi %xor3A_3008, %add3A_3013 : vector<16xi32>
      %select_n3A_3015 = arith.select %lt3A_3011, %add3A_3014, %xor3A_3008 : vector<16xi1>, vector<16xi32>
      %broadcast_in_dim3A_3016 = vector.shape_cast %select_n3A_3015 : vector<16xi32> to vector<16x1xi32>
      %gather3A_3017 = vector.shape_cast %broadcast_in_dim3A_3016 : vector<16x1xi32> to vector<16xi32>
      %gather3A_3018 = tpu.dynamic_gather %add3A_2994[%gather3A_3017] in [0] : vector<16xf32>, vector<16xi32> -> vector<16xf32>
      %add3A_3019 = arith.addf %add3A_2994, %gather3A_3018 : vector<16xf32>
      %lt3A_3020 = arith.constant 0 : i32
      %lt3A_3021 = vector.broadcast %lt3A_3020 : i32 to vector<16xi32>
      %lt3A_3022 = arith.cmpi slt, %xor3A_3008, %lt3A_3021 : vector<16xi32>
      %add3A_3023 = arith.constant 16 : i32
      %add3A_3024 = vector.broadcast %add3A_3023 : i32 to vector<16xi32>
      %add3A_3025 = arith.addi %xor3A_3008, %add3A_3024 : vector<16xi32>
      %select_n3A_3026 = arith.select %lt3A_3022, %add3A_3025, %xor3A_3008 : vector<16xi1>, vector<16xi32>
      %broadcast_in_dim3A_3027 = vector.shape_cast %select_n3A_3026 : vector<16xi32> to vector<16x1xi32>
      %gather3A_3028 = vector.shape_cast %broadcast_in_dim3A_3027 : vector<16x1xi32> to vector<16xi32>
      %gather3A_3029 = tpu.dynamic_gather %add3A_3005[%gather3A_3028] in [0] : vector<16xf32>, vector<16xi32> -> vector<16xf32>
      %add3A_3030 = arith.addf %add3A_3005, %gather3A_3029 : vector<16xf32>
      %xor3A_3031 = arith.constant 1 : i32
      %xor3A_3032 = vector.broadcast %xor3A_3031 : i32 to vector<16xi32>
      %xor3A_3033 = arith.xori %iota3A, %xor3A_3032 : vector<16xi32>
      %lt3A_3034 = arith.constant 0 : i32
      %lt3A_3035 = vector.broadcast %lt3A_3034 : i32 to vector<16xi32>
      %lt3A_3036 = arith.cmpi slt, %xor3A_3033, %lt3A_3035 : vector<16xi32>
      %add3A_3037 = arith.constant 16 : i32
      %add3A_3038 = vector.broadcast %add3A_3037 : i32 to vector<16xi32>
      %add3A_3039 = arith.addi %xor3A_3033, %add3A_3038 : vector<16xi32>
      %select_n3A_3040 = arith.select %lt3A_3036, %add3A_3039, %xor3A_3033 : vector<16xi1>, vector<16xi32>
      %broadcast_in_dim3A_3041 = vector.shape_cast %select_n3A_3040 : vector<16xi32> to vector<16x1xi32>
      %gather3A_3042 = vector.shape_cast %broadcast_in_dim3A_3041 : vector<16x1xi32> to vector<16xi32>
      %gather3A_3043 = tpu.dynamic_gather %add3A_3019[%gather3A_3042] in [0] : vector<16xf32>, vector<16xi32> -> vector<16xf32>
      %add3A_3044 = arith.addf %add3A_3019, %gather3A_3043 : vector<16xf32>
      %lt3A_3045 = arith.constant 0 : i32
      %lt3A_3046 = vector.broadcast %lt3A_3045 : i32 to vector<16xi32>
      %lt3A_3047 = arith.cmpi slt, %xor3A_3033, %lt3A_3046 : vector<16xi32>
      %add3A_3048 = arith.constant 16 : i32
      %add3A_3049 = vector.broadcast %add3A_3048 : i32 to vector<16xi32>
      %add3A_3050 = arith.addi %xor3A_3033, %add3A_3049 : vector<16xi32>
      %select_n3A_3051 = arith.select %lt3A_3047, %add3A_3050, %xor3A_3033 : vector<16xi1>, vector<16xi32>
      %broadcast_in_dim3A_3052 = vector.shape_cast %select_n3A_3051 : vector<16xi32> to vector<16x1xi32>
      %gather3A_3053 = vector.shape_cast %broadcast_in_dim3A_3052 : vector<16x1xi32> to vector<16xi32>
      %gather3A_3054 = tpu.dynamic_gather %add3A_3030[%gather3A_3053] in [0] : vector<16xf32>, vector<16xi32> -> vector<16xf32>
      %add3A_3055 = arith.addf %add3A_3030, %gather3A_3054 : vector<16xf32>
      %gt3A_3056 = arith.constant 0.000000e+00 : f32
      %gt3A_3057 = vector.broadcast %gt3A_3056 : f32 to vector<16xf32>
      %gt3A_3058 = arith.cmpf ogt, %add3A_3055, %gt3A_3057 : vector<16xf32>
      %max3A_3059 = arith.constant 1.000000e+00 : f32
      %max3A_3060 = vector.broadcast %max3A_3059 : f32 to vector<16xf32>
      %max3A_3061 = arith.maximumf %add3A_3055, %max3A_3060 : vector<16xf32>
      %div3A = arith.divf %add3A_3044, %max3A_3061 : vector<16xf32>
      %jit3A_3062 = arith.constant 0.000000e+00 : f32
      %broadcast_in_dim3A_3063 = vector.broadcast %jit3A_3062 : f32 to vector<16xf32>
      %select_n3A_3064 = arith.select %gt3A_3058, %div3A, %broadcast_in_dim3A_3063 : vector<16xi1>, vector<16xf32>
      %swap3A_3065 = arith.constant 0 : index
      %swap3A_3066 = tpu.vector_load %arg11[%swap3A_3065] {strides = array<i32>} : memref<16xf32, #tpu.memory_space<vmem>>, vector<16xf32>,
      %swap3A_3067 = vector.shape_cast %swap3A_3066 : vector<16xf32> to vector<16xf32>
      %swap3A_3068 = vector.shape_cast %select_n3A_3064 : vector<16xf32> to vector<16xf32>
      tpu.vector_store %arg11[%swap3A_3065], %swap3A_3068 {strides = array<i32>} : memref<16xf32, #tpu.memory_space<vmem>>, vector<16xf32>,
      %run_scoped3A = arith.constant 32 : i32
      "tpu.region"() ({
        %run_scoped3A_3069 = tpu.sem_alloc : memref<!tpu.dma_semaphore, #tpu.memory_space<semaphore_mem>>
        %dma_start3A = arith.constant 0 : i32
        %dma_start3A_3070 = tpu.memref_slice %arg6[%run_scoped3A, %dma_start3A] : memref<40x16xf32, #tpu.memory_space<hbm>> -> memref<1x16xf32, #tpu.memory_space<hbm>>
        %dma_start3A_3071 = tpu.memref_squeeze %dma_start3A_3070 : memref<1x16xf32, #tpu.memory_space<hbm>> -> memref<16xf32, #tpu.memory_space<hbm>>
        %dma_start3A_3072 = arith.constant 0 : i32
        %dma_start3A_3073 = tpu.memref_slice %arg6[%run_scoped3A, %dma_start3A_3072] : memref<40x16xf32, #tpu.memory_space<hbm>> -> memref<1x16xf32, #tpu.memory_space<hbm>>
        %dma_start3A_3074 = tpu.memref_squeeze %dma_start3A_3073 : memref<1x16xf32, #tpu.memory_space<hbm>> -> memref<16xf32, #tpu.memory_space<hbm>>
        tpu.enqueue_dma source(%arg11 : memref<16xf32, #tpu.memory_space<vmem>>) target(%dma_start3A_3074 : memref<16xf32, #tpu.memory_space<hbm>>) target_semaphore(%run_scoped3A_3069 : memref<!tpu.dma_semaphore, #tpu.memory_space<semaphore_mem>>)
        %dma_wait3A = arith.constant 0 : i32
        %dma_wait3A_3075 = tpu.memref_slice %arg6[%run_scoped3A, %dma_wait3A] : memref<40x16xf32, #tpu.memory_space<hbm>> -> memref<1x16xf32, #tpu.memory_space<hbm>>
        %dma_wait3A_3076 = tpu.memref_squeeze %dma_wait3A_3075 : memref<1x16xf32, #tpu.memory_space<hbm>> -> memref<16xf32, #tpu.memory_space<hbm>>
        %dma_wait3A_3077 = arith.constant 0 : i32
        %dma_wait3A_3078 = tpu.memref_slice %arg6[%run_scoped3A, %dma_wait3A_3077] : memref<40x16xf32, #tpu.memory_space<hbm>> -> memref<1x16xf32, #tpu.memory_space<hbm>>
        %dma_wait3A_3079 = tpu.memref_squeeze %dma_wait3A_3078 : memref<1x16xf32, #tpu.memory_space<hbm>> -> memref<16xf32, #tpu.memory_space<hbm>>
        tpu.wait_dma2 semaphore(%run_scoped3A_3069 : memref<!tpu.dma_semaphore, #tpu.memory_space<semaphore_mem>>) src(%arg11 : memref<16xf32, #tpu.memory_space<vmem>>) dst(%dma_wait3A_3079 : memref<16xf32, #tpu.memory_space<hbm>>)
        tpu.yield
      }) : () -> ()
    } else {
    }
    return
  }
}

module attributes {stable_mosaic.version = 14 : i64} {
  func.func @_mine_kernel(%arg0: i32, %arg1: memref<4096x64xf32, #tpu.memory_space<vmem>>, %arg2: memref<1x4096xi32, #tpu.memory_space<vmem>>, %arg3: memref<4096x1xi32, #tpu.memory_space<vmem>>, %arg4: memref<8x8xf32, #tpu.memory_space<vmem>>, %arg5: memref<4096x1xf32, #tpu.memory_space<vmem>>, %arg6: memref<4096x1xi32, #tpu.memory_space<vmem>>, %arg7: memref<4096x64xf32, #tpu.memory_space<vmem>>, %arg8: memref<64x4096xf32, #tpu.memory_space<vmem>>) attributes {dimension_semantics = [#tpu.dimension_semantics<arbitrary>], iteration_bounds = array<i64: 4>, scalar_prefetch = 0 : i64, scratch_operands = 2 : i64, tpu.core_type = #tpu.core_type<tc>, window_params = [{pipeline_mode = #tpu.pipeline_mode<synchronous>, transform_indices = @transform_0, window_bounds = array<i64: 4096, 64>}, {pipeline_mode = #tpu.pipeline_mode<synchronous>, transform_indices = @transform_1, window_bounds = array<i64: 1, 4096>}, {pipeline_mode = #tpu.pipeline_mode<synchronous>, transform_indices = @transform_2, window_bounds = array<i64: 4096, 1>}, {pipeline_mode = #tpu.pipeline_mode<synchronous>, transform_indices = @transform_3, window_bounds = array<i64: 8, 8>}, {pipeline_mode = #tpu.pipeline_mode<synchronous>, transform_indices = @transform_4, window_bounds = array<i64: 4096, 1>}, {pipeline_mode = #tpu.pipeline_mode<synchronous>, transform_indices = @transform_5, window_bounds = array<i64: 4096, 1>}]} {
    %eq3A = arith.constant 0 : i32
    %eq3A_0 = arith.cmpi eq, %arg0, %eq3A : i32
    %convert_element_type3A = arith.extui %eq3A_0 : i1 to i32
    %cond3A = arith.constant 0 : i32
    %cond3A_1 = arith.cmpi ne, %convert_element_type3A, %cond3A : i32
    scf.if %cond3A_1 {
      %get3A_80 = arith.constant 0 : index
      %get3A_81 = arith.constant 0 : index
      %get3A_82 = vector.load %arg1[%get3A_80, %get3A_81] : memref<4096x64xf32, #tpu.memory_space<vmem>>, vector<4096x64xf32>
      %mul3A_83 = arith.mulf %get3A_82, %get3A_82 : vector<4096x64xf32>
      %reduce_sum3A_84 = arith.constant dense<0.000000e+00> : vector<4096xf32>
      %reduce_sum3A_85 = vector.multi_reduction <add>, %mul3A_83, %reduce_sum3A_84 [1] : vector<4096x64xf32> to vector<4096xf32>
      %broadcast_in_dim3A_86 = vector.shape_cast %reduce_sum3A_85 : vector<4096xf32> to vector<4096x1xf32>
      %sqrt3A_87 = math.sqrt %broadcast_in_dim3A_86 : vector<4096x1xf32>
      %max3A_88 = arith.constant 9.99999996E-13 : f32
      %max3A_89 = vector.broadcast %max3A_88 : f32 to vector<4096x1xf32>
      %max3A_90 = arith.maximumf %sqrt3A_87, %max3A_89 : vector<4096x1xf32>
      %div3A = vector.broadcast %max3A_90 : vector<4096x1xf32> to vector<4096x64xf32>
      %div3A_91 = arith.divf %get3A_82, %div3A : vector<4096x64xf32>
      %swap3A_92 = arith.constant 0 : index
      %swap3A_93 = arith.constant 0 : index
      %swap3A_94 = vector.load %arg7[%swap3A_92, %swap3A_93] : memref<4096x64xf32, #tpu.memory_space<vmem>>, vector<4096x64xf32>
      tpu.vector_store %arg7[%swap3A_92, %swap3A_93], %div3A_91 {strides = array<i32>} : memref<4096x64xf32, #tpu.memory_space<vmem>>, vector<4096x64xf32>,
      %transpose3A = tpu.transpose %div3A_91, [1, 0] : vector<4096x64xf32> -> vector<64x4096xf32>
      %swap3A_95 = arith.constant 0 : index
      %swap3A_96 = arith.constant 0 : index
      %swap3A_97 = vector.load %arg8[%swap3A_95, %swap3A_96] : memref<64x4096xf32, #tpu.memory_space<vmem>>, vector<64x4096xf32>
      tpu.vector_store %arg8[%swap3A_95, %swap3A_96], %transpose3A {strides = array<i32>} : memref<64x4096xf32, #tpu.memory_space<vmem>>, vector<64x4096xf32>,
    } else {
    }
    %mul3A = arith.constant 1024 : i32
    %mul3A_2 = arith.muli %arg0, %mul3A : i32
    %get3A = arith.index_cast %mul3A_2 : i32 to index
    %get3A_3 = arith.constant 0 : index
    %get3A_4 = vector.load %arg7[%get3A, %get3A_3] : memref<4096x64xf32, #tpu.memory_space<vmem>>, vector<1024x64xf32>
    %get3A_5 = arith.constant 0 : index
    %get3A_6 = arith.constant 0 : index
    %get3A_7 = vector.load %arg8[%get3A_5, %get3A_6] : memref<64x4096xf32, #tpu.memory_space<vmem>>, vector<64x4096xf32>
    %dot_general3A = arith.constant dense<0.000000e+00> : vector<1024x4096xf32>
    %dot_general3A_8 = tpu.matmul %get3A_4, %get3A_7, %dot_general3A {dimension_numbers = #tpu.dot_dimension_numbers<[1], [0], [0], [1], [0, 0, 1, 1], [], []>, transpose_lhs_hint = false} : vector<1024x64xf32>, vector<64x4096xf32>, vector<1024x4096xf32> -> vector<1024x4096xf32>
    %mul3A_9 = arith.mulf %get3A_7, %get3A_7 : vector<64x4096xf32>
    %reduce_sum3A = arith.constant dense<0.000000e+00> : vector<4096xf32>
    %reduce_sum3A_10 = vector.multi_reduction <add>, %mul3A_9, %reduce_sum3A [0] : vector<64x4096xf32> to vector<4096xf32>
    %broadcast_in_dim3A = vector.shape_cast %reduce_sum3A_10 : vector<4096xf32> to vector<1x4096xf32>
    %mul3A_11 = arith.mulf %get3A_4, %get3A_4 : vector<1024x64xf32>
    %reduce_sum3A_12 = arith.constant dense<0.000000e+00> : vector<1024xf32>
    %reduce_sum3A_13 = vector.multi_reduction <add>, %mul3A_11, %reduce_sum3A_12 [1] : vector<1024x64xf32> to vector<1024xf32>
    %broadcast_in_dim3A_14 = vector.shape_cast %reduce_sum3A_13 : vector<1024xf32> to vector<1024x1xf32>
    %add3A = vector.broadcast %broadcast_in_dim3A_14 : vector<1024x1xf32> to vector<1024x4096xf32>
    %add3A_15 = vector.broadcast %broadcast_in_dim3A : vector<1x4096xf32> to vector<1024x4096xf32>
    %add3A_16 = arith.addf %add3A, %add3A_15 : vector<1024x4096xf32>
    %mul3A_17 = arith.constant 2.000000e+00 : f32
    %mul3A_18 = vector.broadcast %mul3A_17 : f32 to vector<1024x4096xf32>
    %mul3A_19 = arith.mulf %mul3A_18, %dot_general3A_8 : vector<1024x4096xf32>
    %sub3A = arith.subf %add3A_16, %mul3A_19 : vector<1024x4096xf32>
    %get3A_20 = arith.constant 0 : index
    %get3A_21 = arith.constant 0 : index
    %get3A_22 = vector.load %arg2[%get3A_20, %get3A_21] : memref<1x4096xi32, #tpu.memory_space<vmem>>, vector<1x4096xi32>
    %get3A_23 = arith.index_cast %mul3A_2 : i32 to index
    %get3A_24 = arith.constant 0 : index
    %get3A_25 = vector.load %arg3[%get3A_23, %get3A_24] : memref<4096x1xi32, #tpu.memory_space<vmem>>, vector<1024x1xi32>
    %eq3A_26 = vector.broadcast %get3A_25 : vector<1024x1xi32> to vector<1024x4096xi32>
    %eq3A_27 = vector.broadcast %get3A_22 : vector<1x4096xi32> to vector<1024x4096xi32>
    %eq3A_28 = arith.cmpi eq, %eq3A_26, %eq3A_27 : vector<1024x4096xi32>
    %jit3A = arith.constant 0xFF800000 : f32
    %broadcast_in_dim3A_29 = vector.broadcast %jit3A : f32 to vector<1024x4096xf32>
    %select_n3A = arith.select %eq3A_28, %sub3A, %broadcast_in_dim3A_29 : vector<1024x4096xi1>, vector<1024x4096xf32>
    %reduce_max3A = arith.constant dense<0xFF800000> : vector<1024xf32>
    %reduce_max3A_30 = vector.multi_reduction <maximumf>, %select_n3A, %reduce_max3A [1] : vector<1024x4096xf32> to vector<1024xf32>
    %broadcast_in_dim3A_31 = vector.shape_cast %reduce_max3A_30 : vector<1024xf32> to vector<1024x1xf32>
    %max3A = arith.constant 0.000000e+00 : f32
    %max3A_32 = vector.broadcast %max3A : f32 to vector<1024x1xf32>
    %max3A_33 = arith.maximumf %broadcast_in_dim3A_31, %max3A_32 : vector<1024x1xf32>
    %sqrt3A = math.sqrt %max3A_33 : vector<1024x1xf32>
    %iota3A = tpu.iota {dimensions = array<i32: 1>} : vector<1x8xi32>
    %eq3A_34 = vector.broadcast %get3A_25 : vector<1024x1xi32> to vector<1024x8xi32>
    %eq3A_35 = vector.broadcast %iota3A : vector<1x8xi32> to vector<1024x8xi32>
    %eq3A_36 = arith.cmpi eq, %eq3A_34, %eq3A_35 : vector<1024x8xi32>
    %convert_element_type3A_37 = arith.extui %eq3A_36 : vector<1024x8xi1> to vector<1024x8xi32>
    %convert_element_type3A_38 = arith.sitofp %convert_element_type3A_37 : vector<1024x8xi32> to vector<1024x8xf32>
    %iota3A_39 = tpu.iota {dimensions = array<i32: 0>} : vector<8x1xi32>
    %eq3A_40 = vector.broadcast %iota3A_39 : vector<8x1xi32> to vector<8x4096xi32>
    %eq3A_41 = vector.broadcast %get3A_22 : vector<1x4096xi32> to vector<8x4096xi32>
    %eq3A_42 = arith.cmpi eq, %eq3A_40, %eq3A_41 : vector<8x4096xi32>
    %convert_element_type3A_43 = arith.extui %eq3A_42 : vector<8x4096xi1> to vector<8x4096xi32>
    %convert_element_type3A_44 = arith.sitofp %convert_element_type3A_43 : vector<8x4096xi32> to vector<8x4096xf32>
    %get3A_45 = arith.constant 0 : index
    %get3A_46 = arith.constant 0 : index
    %get3A_47 = vector.load %arg4[%get3A_45, %get3A_46] : memref<8x8xf32, #tpu.memory_space<vmem>>, vector<8x8xf32>
    %dot_general3A_48 = arith.constant dense<0.000000e+00> : vector<1024x8xf32>
    %dot_general3A_49 = tpu.matmul %convert_element_type3A_38, %get3A_47, %dot_general3A_48 {dimension_numbers = #tpu.dot_dimension_numbers<[1], [0], [0], [1], [0, 0, 1, 1], [], []>, transpose_lhs_hint = false} : vector<1024x8xf32>, vector<8x8xf32>, vector<1024x8xf32> -> vector<1024x8xf32>
    %dot_general3A_50 = arith.constant dense<0.000000e+00> : vector<1024x4096xf32>
    %dot_general3A_51 = tpu.matmul %dot_general3A_49, %convert_element_type3A_44, %dot_general3A_50 {dimension_numbers = #tpu.dot_dimension_numbers<[1], [0], [0], [1], [0, 0, 1, 1], [], []>, transpose_lhs_hint = false} : vector<1024x8xf32>, vector<8x4096xf32>, vector<1024x4096xf32> -> vector<1024x4096xf32>
    %reduce_sum3A_52 = arith.constant dense<0.000000e+00> : vector<8xf32>
    %reduce_sum3A_53 = vector.multi_reduction <add>, %convert_element_type3A_44, %reduce_sum3A_52 [1] : vector<8x4096xf32> to vector<8xf32>
    %broadcast_in_dim3A_54 = vector.shape_cast %reduce_sum3A_53 : vector<8xf32> to vector<8x1xf32>
    %dot_general3A_55 = arith.constant dense<0.000000e+00> : vector<1024x1xf32>
    %dot_general3A_56 = tpu.matmul %convert_element_type3A_38, %broadcast_in_dim3A_54, %dot_general3A_55 {dimension_numbers = #tpu.dot_dimension_numbers<[1], [0], [0], [1], [0, 0, 1, 1], [], []>, transpose_lhs_hint = false} : vector<1024x8xf32>, vector<8x1xf32>, vector<1024x1xf32> -> vector<1024x1xf32>
    %ge3A = arith.constant 2.000000e+00 : f32
    %ge3A_57 = vector.broadcast %ge3A : f32 to vector<1024x1xf32>
    %ge3A_58 = arith.cmpf oge, %dot_general3A_56, %ge3A_57 : vector<1024x1xf32>
    %add3A_59 = vector.broadcast %sqrt3A : vector<1024x1xf32> to vector<1024x4096xf32>
    %add3A_60 = arith.addf %add3A_59, %dot_general3A_51 : vector<1024x4096xf32>
    %gt3A = vector.broadcast %max3A_33 : vector<1024x1xf32> to vector<1024x4096xf32>
    %gt3A_61 = arith.cmpf ogt, %sub3A, %gt3A : vector<1024x4096xf32>
    %mul3A_62 = arith.mulf %add3A_60, %add3A_60 : vector<1024x4096xf32>
    %lt3A = arith.cmpf olt, %sub3A, %mul3A_62 : vector<1024x4096xf32>
    %and3A = arith.andi %gt3A_61, %lt3A : vector<1024x4096xi1>
    %bitcast_convert_type3A = tpu.bitcast %sub3A : vector<1024x4096xf32> -> vector<1024x4096xi32>
    %and3A_63 = arith.constant -8 : i32
    %and3A_64 = vector.broadcast %and3A_63 : i32 to vector<1024x4096xi32>
    %and3A_65 = arith.andi %bitcast_convert_type3A, %and3A_64 : vector<1024x4096xi32>
    %or3A = vector.broadcast %get3A_22 : vector<1x4096xi32> to vector<1024x4096xi32>
    %or3A_66 = arith.ori %and3A_65, %or3A : vector<1024x4096xi32>
    %jit3A_67 = arith.constant 2139095040 : i32
    %broadcast_in_dim3A_68 = vector.broadcast %jit3A_67 : i32 to vector<1024x4096xi32>
    %select_n3A_69 = arith.select %and3A, %or3A_66, %broadcast_in_dim3A_68 : vector<1024x4096xi1>, vector<1024x4096xi32>
    %reduce_min3A = arith.constant dense<2147483647> : vector<1024xi32>
    %reduce_min3A_70 = vector.multi_reduction <minsi>, %select_n3A_69, %reduce_min3A [1] : vector<1024x4096xi32> to vector<1024xi32>
    %broadcast_in_dim3A_71 = vector.shape_cast %reduce_min3A_70 : vector<1024xi32> to vector<1024x1xi32>
    %jit3A_72 = arith.constant 0xFF800000 : f32
    %broadcast_in_dim3A_73 = vector.broadcast %jit3A_72 : f32 to vector<1024x1xf32>
    %select_n3A_74 = arith.select %ge3A_58, %broadcast_in_dim3A_31, %broadcast_in_dim3A_73 : vector<1024x1xi1>, vector<1024x1xf32>
    %swap3A = arith.index_cast %mul3A_2 : i32 to index
    %swap3A_75 = arith.constant 0 : index
    %swap3A_76 = vector.load %arg5[%swap3A, %swap3A_75] : memref<4096x1xf32, #tpu.memory_space<vmem>>, vector<1024x1xf32>
    tpu.vector_store %arg5[%swap3A, %swap3A_75], %select_n3A_74 {strides = array<i32>} : memref<4096x1xf32, #tpu.memory_space<vmem>>, vector<1024x1xf32>,
    %swap3A_77 = arith.index_cast %mul3A_2 : i32 to index
    %swap3A_78 = arith.constant 0 : index
    %swap3A_79 = vector.load %arg6[%swap3A_77, %swap3A_78] : memref<4096x1xi32, #tpu.memory_space<vmem>>, vector<1024x1xi32>
    tpu.vector_store %arg6[%swap3A_77, %swap3A_78], %broadcast_in_dim3A_71 {strides = array<i32>} : memref<4096x1xi32, #tpu.memory_space<vmem>>, vector<1024x1xi32>,
    return
  }
  func.func @transform_0(%arg0: i32) -> (i32, i32) {
    %c0_i32 = arith.constant 0 : i32
    %c0_i32_0 = arith.constant 0 : i32
    %c0_i32_1 = arith.constant 0 : i32
    return %c0_i32, %c0_i32_0 : i32, i32
  }
  func.func @transform_1(%arg0: i32) -> (i32, i32) {
    %c0_i32 = arith.constant 0 : i32
    %c0_i32_0 = arith.constant 0 : i32
    %c0_i32_1 = arith.constant 0 : i32
    return %c0_i32, %c0_i32_0 : i32, i32
  }
  func.func @transform_2(%arg0: i32) -> (i32, i32) {
    %c0_i32 = arith.constant 0 : i32
    %c0_i32_0 = arith.constant 0 : i32
    %c0_i32_1 = arith.constant 0 : i32
    return %c0_i32, %c0_i32_0 : i32, i32
  }
  func.func @transform_3(%arg0: i32) -> (i32, i32) {
    %c0_i32 = arith.constant 0 : i32
    %c0_i32_0 = arith.constant 0 : i32
    %c0_i32_1 = arith.constant 0 : i32
    return %c0_i32, %c0_i32_0 : i32, i32
  }
  func.func @transform_4(%arg0: i32) -> (i32, i32) {
    %c0_i32 = arith.constant 0 : i32
    %c0_i32_0 = arith.constant 0 : i32
    %c0_i32_1 = arith.constant 0 : i32
    return %c0_i32, %c0_i32_0 : i32, i32
  }
  func.func @transform_5(%arg0: i32) -> (i32, i32) {
    %c0_i32 = arith.constant 0 : i32
    %c0_i32_0 = arith.constant 0 : i32
    %c0_i32_1 = arith.constant 0 : i32
    return %c0_i32, %c0_i32_0 : i32, i32
  }
}

</mosaic_0001>

<sc_bundles>
// kernel: kernel.4.cloned.1.call-start
scs
__scs_entry_jumppad:
0x0: {  	(pc) =	sbr.rel $0x88, $3  }
0x1: {  	(tag) =	ssettag $0x0;
	lr =	simm.s32 $0x1  }
0x2: {  	[smem:$0x3F9E] =	sst lr;
	_ =	strace $0xD0000000  }
0x3: {  	_ = 	snop  }
0x4: {  	_ = 	snop  }
0x5: {  	_ = 	snop  }
0x6: {  	_ = 	snop  }
0x7: {  	_ = 	snop  }
__scs_overlays_trampoline_lowered:
0x8: {  	[smem:$0x3FAD] =	sst s0  }
0x9: {  	[smem:$0x3FAE] =	sst s1  }
0xa: {  	[smem:$0x3FAF] =	sst s2  }
0xb: {  	[smem:$0x3FB0] =	sst s3  }
0xc: {  	[smem:$0x3FB1] =	sst s4  }
0xd: {  	[smem:$0x3FB2] =	sst s5  }
0xe: {  	[smem:$0x3FB3] =	sst s6  }
0xf: {  	[smem:$0x3FB4] =	sst s7  }
0x10: {  	[smem:$0x3FB5] =	sst s8  }
0x11: {  	[smem:$0x3FB6] =	sst s9;
	s0 =	simm.s32 @!p0 $0x0  }
0x12: {  	s1 =	sld [smem:$0x3F9C];
	s0 =	simm.s32 @p0 $0x1  }
0x13: {  	[smem:$0x3FB7] =	sst s0;
	s0 =	simm.s32 @!p1 $0x0  }
0x14: {  	s2 =	sld [smem:$0x3F9B];
	s0 =	simm.s32 @p1 $0x1  }
0x15: {  	[smem:$0x3FB8] =	sst s0;
	s0 =	simm.s32 @!p2 $0x0  }
0x16: {  	s3 =	sld [smem:$0x3FDB];
	s0 =	simm.s32 @p2 $0x1  }
0x17: {  	s4 =	simm.s32 $0x1BF5;
	[smem:$0x3FBA] =	sst s0  }
0x18: {  	s0 =	sld [smem:$0x3F9D];
	_ =	swait.ge [sflag:s4], $0x0  }
0x19: {  	s7 =	sld [smem:$0x3F9E]  }
0x1a: {  	s8 =	sadd.s32 $0xFFFFE003, lr  }
0x1b: {  	s9 =	sadd.s32 $0xFFFFFEF7, lr;
	s5 =	simm.s32 $0xFFFFFFFF;
	p2 =	slt.u32 s8, $0xFFFFF086  }
0x1c: {  	p1 =	slt.u32 s9, $0xF7A;
	s5 =	simm.s32 @!p2 $0x0  }
0x1d: {  	s5 =	simm.s32 @p1 $0x1;
	p0 =	seq.s32 s7, s2  }
0x1e: {  	s7 =	smul.u32 @!p0 $0xF7A, s2;
	p2 =	seq.s32 @!p0 s5, $0x0  }
0x1f: {  	s9 =	smul.u32 $0xF7A, s1;
	s8 =	simm.s32 @!p0 $0x1BF5;
	p2 =	por !p2, p0  }
0x20: {  	[sflag:s8] =	ssyncset.s32 @!p0 $0xFFFFF086;
	s6 =	sadd.s32 @!p0 s3, s7;
	s7 =	simm.s32 @!p0 $0x108  }
0x21: {  	s3 =	sadd.s32 s3, s9;
	s6 =	sadd.s32 @!p0 $0x88, s6;
	s7 =	simm.s32 @p2 $0x1082  }
0x22: {  	[simem:s7], [sflag:s8] =	dma.local @!p0 [hbm:s6], $0xF7A  }
0x23: {  	s9 =	sor.u32 $0xD0000000, s2;
	s6 =	simm.s32 $0x108;
	_ =	swait.ge @!p0 [sflag:s8], $0x0  }
0x24: {  	s3 =	sadd.s32 $0x88, s3;
	s6 =	simm.s32 @!p1 $0x1082;
	[sflag:s4] =	ssyncset.s32 $0xFFFFF086  }
0x25: {  	[simem:s6], [sflag:s4] =	dma.local [hbm:s3], $0xF7A  }
0x26: {  	[smem:$0x3F9E] =	sst s1;
	(tag) =	ssettag s2;
	_ =	strace s9  }
0x27: {  	s1 =	sld [smem:$0x3FAE]  }
0x28: {  	s2 =	sld [smem:$0x3FAF]  }
0x29: {  	s4 =	sld [smem:$0x3FB1]  }
0x2a: {  	p0 =	seq.s32 s5, $0x0;
	s5 =	sld [smem:$0x3FB2]  }
0x2b: {  	s6 =	sld [smem:$0x3FB3]  }
0x2c: {  	s7 =	sld [smem:$0x3FB4]  }
0x2d: {  	s3 =	simm.s32 $0x108;
	s8 =	sld [smem:$0x3FB5]  }
0x2e: {  	s3 =	simm.s32 @!p0 $0x1082;
	s9 =	sld [smem:$0x3FB6]  }
0x2f: {  	lr =	sadd.s32 s0, s3;
	s0 =	sld [smem:$0x3FAD]  }
0x30: {  	s3 =	sld [smem:$0x3FB0]  }
0x31: {  	[smem:$0x3FB9] =	sst s10  }
0x32: {  	s10 =	sld [smem:$0x3FB7];
	_ =	sdelay $0x3  }
0x33: {  	p0 =	seq.s32 s10, $0x1;
	s10 =	sld [smem:$0x3FB9];
	_ =	sdelay $0x3  }
0x34: {  	[smem:$0x3FB9] =	sst s10  }
0x35: {  	s10 =	sld [smem:$0x3FB8];
	_ =	sdelay $0x3  }
0x36: {  	p1 =	seq.s32 s10, $0x1;
	s10 =	sld [smem:$0x3FB9];
	_ =	sdelay $0x3  }
0x37: {  	[smem:$0x3FB9] =	sst s10  }
0x38: {  	s10 =	sld [smem:$0x3FBA]  }
0x39: {  	_ = 	snop;
	(pc) =	sbr.ind lr, $3  }
0x3a: {  	_ = 	snop  }
0x3b: {  	_ = 	snop  }
0x3c: {  	p2 =	seq.s32 s10, $0x1;
	s10 =	sld [smem:$0x3FB9]  }
0x3d: {  	_ =	shalt  }
0x3e: {  	_ =	shalt  }
0x3f: {  	_ =	shalt  }
0x40: {  	_ =	shalt  }
0x41: {  	_ =	shalt  }
0x42: {  	_ =	shalt  }
0x43: {  	_ =	shalt  }
0x44: {  	_ =	shalt  }
0x45: {  	_ =	shalt  }
0x46: {  	_ =	shalt  }
0x47: {  	_ =	shalt  }
0x48: {  	_ =	shalt  }
0x49: {  	_ =	shalt  }
0x4a: {  	_ =	shalt  }
0x4b: {  	_ =	shalt  }
0x4c: {  	_ =	shalt  }
0x4d: {  	_ =	shalt  }
0x4e: {  	_ =	shalt  }
0x4f: {  	_ =	shalt  }
0x50: {  	_ =	shalt  }
0x51: {  	_ =	shalt  }
0x52: {  	_ =	shalt  }
0x53: {  	_ =	shalt  }
0x54: {  	_ =	shalt  }
0x55: {  	_ =	shalt  }
0x56: {  	_ =	shalt  }
0x57: {  	_ =	shalt  }
0x58: {  	_ =	shalt  }
0x59: {  	_ =	shalt  }
0x5a: {  	_ =	shalt  }
0x5b: {  	_ =	shalt  }
0x5c: {  	_ =	shalt  }
0x5d: {  	_ =	shalt  }
0x5e: {  	_ =	shalt  }
0x5f: {  	_ =	shalt  }
0x60: {  	_ =	shalt  }
0x61: {  	_ =	shalt  }
0x62: {  	_ =	shalt  }
0x63: {  	_ =	shalt  }
0x64: {  	_ =	shalt  }
0x65: {  	_ =	shalt  }
0x66: {  	_ =	shalt  }
0x67: {  	_ =	shalt  }
0x68: {  	_ =	shalt  }
0x69: {  	_ =	shalt  }
0x6a: {  	_ =	shalt  }
0x6b: {  	_ =	shalt  }
0x6c: {  	_ =	shalt  }
0x6d: {  	_ =	shalt  }
0x6e: {  	_ =	shalt  }
0x6f: {  	_ =	shalt  }
0x70: {  	_ =	shalt  }
0x71: {  	_ =	shalt  }
0x72: {  	_ =	shalt  }
0x73: {  	_ =	shalt  }
0x74: {  	_ =	shalt  }
0x75: {  	_ =	shalt  }
0x76: {  	_ =	shalt  }
0x77: {  	_ =	shalt  }
0x78: {  	_ =	shalt  }
0x79: {  	_ =	shalt  }
0x7a: {  	_ =	shalt  }
0x7b: {  	_ =	shalt  }
0x7c: {  	_ =	shalt  }
0x7d: {  	_ =	shalt  }
0x7e: {  	_ =	shalt  }
0x7f: {  	_ =	shalt  }
0x80: {  	_ =	shalt  }
0x81: {  	_ =	shalt  }
0x82: {  	_ =	shalt  }
0x83: {  	_ =	shalt  }
0x84: {  	_ =	shalt  }
0x85: {  	_ =	shalt  }
0x86: {  	_ =	shalt  }
0x87: {  	_ =	shalt  }
.Lfunc_end0:
.L_simem_size_0:
called_computation_lowered:
.L_overlay_start_0:
0x88: {  	s0 =	sld [smem:$0x3FD9]  }
0x89: {  	s1 =	sld [smem:$0x3FFE];
	_ =	sdelay $0x3  }
0x8a: {  	s0 =	sadd.s32 s1, s0  }
0x8b: {  	[smem:$0x3FC5] =	sst s0  }
0x8c: {  	_ = 	snop  }
0x8d: {  	s0 =	sld [smem:$0x3FC8]  }
0x8e: {  	s16 =	sld [smem:$0x3FD0];
	(tm) =	ssettm $0x1  }
0x8f: {  	s2 =	sld [smem:$0x3FFB];
	_ =	sdelay $0x3  }
0x90: {  	_ =	strace s2  }
0x91: {  	s2 =	sld [smem:$0x3FFC];
	_ =	sdelay $0x3  }
0x92: {  	_ =	strace s2  }
0x93: {  	s2 =	sld [smem:$0x3FFD];
	_ =	sdelay $0x3  }
0x94: {  	_ =	strace s2  }
0x95: {  	_ =	strace $0x8FFFFFFF  }
0x96: {  	s17 =	sld [smem:$0x3FDB];
	_ =	sdelay $0x1  }
0x97: {  	s3 =	simm.s32 $_scs_section_size  }
0x98: {  	s4 =	simm.s32 $_size__tile_overlayer_lowered;
	s5 =	simm.s32 $_tile_overlayer_lowered  }
0x99: {  	s20 =	simm.s32 $0x1BFF;
	s19 =	sshll.u32 s5, $0x1;
	s2 =	sadd.s32 s3, s17  }
0x9a: {  	s6 =	simm.s32 $0x0;
	s18 =	sshll.u32 s4, $0x1;
	s4 =	sadd.s32 s19, s2  }
0x9b: {  	[timem:s6], [sflag:s20] =	dma.local [hbm:s4], s18  }
0x9c: {  	_ =	swait.ge [sflag:s20], s18  }
0x9d: {  	s3 =	ssub.s32 $0x0, s18;
	[sflag:s20] =	ssyncset.done $0x0  }
0x9e: {  	[sflag:s20] =	ssyncadd.s32 s3;
	_ =	sdelay $0x1  }
0x9f: {  	s21 =	simm.s32 $0x1B8B  }
0xa0: {  	_ =	swait.ge [sflag:s21], $0x1  }
0xa1: {  	[sflag:s21] =	ssyncset.done $0x0  }
0xa2: {  	s23 =	simm.s32 $0x1B8E;
	s22 =	sld [smem:$0x3FFE];
	[sflag:s21] =	ssyncadd.s32 $0xFFFFFFFF  }
0xa3: {  	s24 =	simm.s32 $execute0_lowered;
	[smem:$0x3FD2] =	sst s23  }
0xa4: {  	s4 =	sshll.u32 s24, $0x1;
	_ =	strace $0x80000046;
	[dreg:$0x1] =	wrdreg $0xFFFFFFFF  }
0xa5: {  	s25 =	simm.s32 $_size_execute0_lowered;
	s2 =	sadd.s32 s2, s4;
	[dreg:$0x0] =	wrdreg $0x0  }
0xa6: {  	s4 =	sshll.u32 s25, $0x1;
	[dreg:$0x2] =	wrdreg s2  }
0xa7: {  	[dreg:$0x3] =	wrdreg s4  }
0xa8: {  	[dreg:$0x4] =	wrdreg $0xC0  }
0xa9: {  	_ =	task [dreg:s6], $0x5FFFF  }
0xaa: {  	[dreg:$0x1] =	wrdreg $0xFFFFFFFF  }
0xab: {  	[dreg:$0x0] =	wrdreg $0x60  }
0xac: {  	[dreg:$0x2] =	wrdreg s22  }
0xad: {  	[dreg:$0x3] =	wrdreg s0  }
0xae: {  	[dreg:$0x4] =	wrdreg s16  }
0xaf: {  	[dreg:$0x5] =	wrdreg $0x9  }
0xb0: {  	_ =	task.clear_ibuf [dreg:s6], $0x6FFFF;
	_ =	strace $0x90000046  }
0xb1: {  	s26 =	simm.s32 $0x9;
	_ =	strace $0x80000048  }
0xb2: {  	_ =	swait.ge [sflag:s26], $0x1  }
0xb3: {  	[sflag:s26] =	ssyncadd.s32 $0xFFFFFFFF  }
0xb4: {  	_ =	strace $0x90000048  }
0xb5: {  	_ =	sfence  }
0xb6: {  	s28 =	sld [smem:$0x0];
	_ =	sdelay $0x1  }
0xb7: {  	s29 =	srdreg.scid  }
0xb8: {  	s30 =	sshll.u32 s29, $0xD;
	s31 =	sshrl.u32 s29, $0x2  }
0xb9: {  	s1 =	sand.u32 $0x1, s29;
	s2 =	sand.u32 $0x4000, s30;
	s0 =	sadd.s32 s31, s28  }
0xba: {  	s1 =	sor.u32 s2, s1;
	s0 =	sshll.u32 s0, $0x11  }
0xbb: {  	s0 =	sor.u32 s0, s1  }
0xbc: {  	s0 =	sadd.s32 $0x8F2B, s0  }
0xbd: {  	[sflag:s0] =	ssyncadd.remote.s32 $0x1  }
0xbe: {  	_ =	sfence.sel $0xFFFF  }
0xbf: {  	[dreg:$0x0] =	wrdreg $0xFFFFFFFF;
	(pc) =	sbr.abs _section_cstart, $3  }
0xc0: {  	[dreg:$0x1] =	wrdreg $0xFFFFFFFF  }
0xc1: {  	_ =	task.clear_ibuf [dreg:s6], $0x2FFFF;
	_ =	strace $0x9FFFFFFF  }
0xc2: {  	(tm) =	ssettm $0x7FFFFFFF  }
0xc3: {  	_ =	shalt  }
tec
execute0_lowered:
.L_overlay_start_1:
0x0: {  	(tag) =	ssettag $0x1  }
0x1: {  	s4 =	rddreg [dreg:$0x0]  }
0x2: {  	s5 =	rddreg [dreg:$0x1]  }
0x3: {  	s6 =	rddreg [dreg:$0x2]  }
0x4: {  	s0 =	rddreg [dreg:$0x3];
	s1 =	simm.s32 $0x0;
	s3 =	stileid.u32  }
0x5: {  	[smem:$0x7FF] =	sst s1;
	s7 =	sshll.u32 s3, $0x5  }
0x6: {  	s2 =	simm.s32 $0x1;
	_ =	strace $0x80000047;
	s8 =	sadd.s32 s4, s7  }
0x7: {  	[tilespmem:s1], [sflag:$0x1] =	stream.linear.gather [hbm4b:s8+s1], $0x100, $0x38;
	[tilespmem:$0x1480] =	vst v63  }
0x8: {  	_ =	swait.ge [sflag:s2], $0x100  }
0x9: {  	[sflag:s2] =	ssyncset.done $0x0  }
0xa: {  	s9 =	simm.s32 $0x100;
	s8 =	sadd.s32 $0x200, s8;
	[sflag:s2] =	ssyncadd.s32 $0xFFFFFF00  }
0xb: {  	[tilespmem:s9], [sflag:$0x1] =	stream.linear.gather [hbm4b:s8+s1], $0x100, $0x38;
	[tilespmem:$0x1480] =	vst v63  }
0xc: {  	_ =	swait.ge [sflag:s2], $0x100  }
0xd: {  	[sflag:s2] =	ssyncset.done $0x0  }
0xe: {  	s26 =	simm.s32 $0x200;
	s5 =	sadd.s32 s5, s7;
	[sflag:s2] =	ssyncadd.s32 $0xFFFFFF00  }
0xf: {  	[tilespmem:s26], [sflag:$0x1] =	stream.linear.gather [hbm4b:s5+s1], $0x100, $0x38;
	[tilespmem:$0x1480] =	vst v63  }
0x10: {  	_ =	swait.ge [sflag:s2], $0x100  }
0x11: {  	[sflag:s2] =	ssyncset.done $0x0  }
0x12: {  	s28 =	simm.s32 $0x300;
	[sflag:s2] =	ssyncadd.s32 $0xFFFFFF00  }
0x13: {  	[tilespmem:s28], [sflag:$0x1] =	stream.linear.gather [hbm4b:s6+s1], $0x80, $0x38;
	[tilespmem:$0x1480] =	vst v63  }
0x14: {  	_ =	swait.ge [sflag:s2], $0x80  }
0x15: {  	[sflag:s2] =	ssyncset.done $0x0  }
0x16: {  	[sflag:s2] =	ssyncadd.s32 $0xFFFFFF80  }
0x17: {  	v4 =	vld [tilespmem:$0x0]  }
0x18: {  	v5 =	vld [tilespmem:$0x100];
	_ =	sdelay $0x3  }
0x19: {  	v6 =	vmax.f32 v4, $0.0e+00  }
0x1a: {  	v7 =	vand.u32 $0xFFFFFFF8, v5;
	v0 =	vshra.s32 v6, $0x1  }
0x1b: {  	v1 =	vmul.f32 $5.000000000e-01, v6;
	v3 =	vshra.s32 v7, $0x1;
	v8 =	vmul.f32 $5.000000000e-01, v7  }
0x1c: {  	v0 =	vsub.s32 $0x5F3759DF, v0;
	v3 =	vsub.s32 $0x5F3759DF, v3  }
0x1d: {  	v10 =	vld [tilespmem:$0x10];
	v2 =	vmul.f32 v0, v1;
	v9 =	vmul.f32 v3, v8;
	_ =	sdelay $0x1  }
0x1e: {  	v14 =	vld [tilespmem:$0x200];
	v2 =	vmul.f32 v0, v2;
	v9 =	vmul.f32 v3, v9;
	_ =	sdelay $0x1  }
0x1f: {  	v2 =	vsub.f32 $1.500000000e+00, v2;
	v27 =	vsub.f32 $1.500000000e+00, v9  }
0x20: {  	v47 =	vld [tilespmem:$0x20];
	v34 =	vmax.f32 v10, $0.0e+00  }
0x21: {  	v56 =	vld [tilespmem:$0x210];
	v21 =	vand.u32 $0x7, v5;
	v0 =	vmul.f32 v0, v2;
	v2 =	vmul.f32 v3, v27  }
0x22: {  	v14 =	vshll.u32 v14, $0x3;
	vm0 =	vlt.f32 v4, $-Inf;
	vm1 =	vgt.f32 v4, $-Inf  }
0x23: {  	v35 =	vshra.s32 v34, $0x1;
	v13 =	vmul.f32 $5.000000000e-01, v34;
	v30 =	vmul.f32 v2, v8  }
0x24: {  	vm10 =	vlt.s32 v5, $0x7F800000;
	v15 =	vsub.s32 $0x5F3759DF, v35;
	v28 =	vmul.f32 v0, v1  }
0x25: {  	v53 =	vmax.f32 v47, $0.0e+00;
	v17 =	vmul.f32 v15, v13;
	v9 =	vmul.f32 v30, v2  }
0x26: {  	v60 =	vshll.u32 v56, $0x3;
	vm11 =	vlt.f32 v10, $-Inf;
	v29 =	vmul.f32 v28, v0  }
0x27: {  	vm12 =	vgt.f32 v10, $-Inf;
	v17 =	vmul.f32 v15, v17;
	v31 =	vsub.f32 $1.500000000e+00, v9;
	v9 =	vld [tilespmem:$0x110]  }
0x28: {  	vm7 =	vlt.f32 v47, $-Inf;
	vm8 =	vgt.f32 v47, $-Inf;
	v3 =	vsub.f32 $1.500000000e+00, v29  }
0x29: {  	v14 =	vor.u32 v21, v14;
	vm0 =	vmor vm1, vm0;
	v17 =	vsub.f32 $1.500000000e+00, v17  }
0x2a: {  	v54 =	vshra.s32 v53, $0x1;
	v3 =	vmul.f32 v3, v0;
	v11 =	vmul.f32 v31, v2  }
0x2b: {  	v55 =	vmul.f32 $5.000000000e-01, v53;
	vm1 =	vmor vm12, vm11;
	v15 =	vmul.f32 v15, v17  }
0x2c: {  	v1 =	vmul.f32 v3, v1;
	v33 =	vmul.f32 v11, v8;
	v12 =	vand.u32 $0xFFFFFFF8, v9  }
0x2d: {  	v17 =	vsub.s32 $0x5F3759DF, v54;
	v36 =	vshra.s32 v12, $0x1;
	v16 =	vmul.f32 $5.000000000e-01, v12  }
0x2e: {  	v32 =	vmul.f32 v1, v3;
	v1 =	vmul.f32 v33, v11;
	v18 =	vsub.s32 $0x5F3759DF, v36  }
0x2f: {  	v38 =	vand.u32 $0xF, v14;
	v58 =	vmul.f32 v17, v55;
	v19 =	vmul.f32 v18, v16  }
0x30: {  	vm2 =	vlt.s32 v14, $0x10;
	v41 =	vmul.f32 v15, v13;
	v20 =	vsub.f32 $1.500000000e+00, v1  }
0x31: {  	vm3 =	vlt.s32 v14, $0x30;
	v21 =	vmul.f32 v17, v58;
	v19 =	vmul.f32 v18, v19  }
0x32: {  	vm4 =	vlt.s32 v14, $0x20;
	v45 =	vmul.f32 v41, v15;
	v0 =	vld [tilespmem:$0x300];
	v11 =	vmul.f32 v20, v11  }
0x33: {  	vm0 =	vmand vm0, vm10;
	v2 =	vld [tilespmem:$0x320];
	v37 =	vsub.f32 $1.500000000e+00, v32;
	v19 =	vsub.f32 $1.500000000e+00, v19  }
0x34: {  	v61 =	vsub.f32 $1.500000000e+00, v21;
	v1 =	vld [tilespmem:$0x310];
	v7 =	vmul.f32 v7, v11;
	v11 =	vsub.f32 $1.500000000e+00, v45  }
0x35: {  	v25 =	vand.u32 $0x7, v9;
	v22 =	vmul.f32 v37, v3;
	v3 =	vld [tilespmem:$0x330];
	v18 =	vmul.f32 v18, v19  }
0x36: {  	vm5 =	vlt.s32 v9, $0x7F800000;
	v63 =	vor.u32 v25, v60;
	v11 =	vmul.f32 v11, v15;
	v15 =	vld [tilespmem:$0x120]  }
0x37: {  	vm6 =	vmand vm1, vm5;
	v39 =	vperm.xlane v0, v38;
	v43 =	vmul.f32 v18, v16  }
0x38: {  	v42 =	vperm.xlane v2, v38;
	vm13 =	vlt.s32 v63, $0x20;
	v6 =	vmul.f32 v22, v6  }
0x39: {  	vm14 =	vlt.s32 v63, $0x30;
	vm15 =	vlt.s32 v63, $0x10;
	v46 =	vmul.f32 v43, v18  }
0x3a: {  	v40 =	vperm.xlane v1, v38;
	v6 =	vsub.f32 v6, v7;
	v44 =	vperm.xlane v3, v38  }
0x3b: {  	v51 =	vmul.f32 v11, v13;
	v57 =	vand.u32 $0xFFFFFFF8, v15;
	v48 =	vsub.f32 $1.500000000e+00, v46  }
0x3c: {  	v4 =	vsel vm3, v42, v44;
	v59 =	vshra.s32 v57, $0x1;
	v23 =	vmul.f32 $5.000000000e-01, v57  }
0x3d: {  	v4 =	vsel vm4, v40, v4;
	v22 =	vsub.s32 $0x5F3759DF, v59;
	v50 =	vmul.f32 v48, v18  }
0x3e: {  	v7 =	vmul.f32 v51, v11;
	v4 =	vsel vm2, v39, v4;
	v24 =	vmul.f32 v22, v23  }
0x3f: {  	vm9 =	vlt.s32 v15, $0x7F800000;
	v49 =	vadd.f32 v6, v4;
	v52 =	vmul.f32 v50, v16  }
0x40: {  	v4 =	vimm.f32 $0.0e+00;
	v62 =	vmul.f32 v22, v24;
	v24 =	vmul.f32 v17, v61  }
0x41: {  	v7 =	vsub.f32 $1.500000000e+00, v7;
	v36 =	vsel vm0, $0x3F800000, v4;
	v13 =	vmul.f32 v52, v50  }
0x42: {  	v39 =	vsel vm6, $0x3F800000, v4;
	v5 =	vmax.f32 v49, $0.0e+00;
	v28 =	vmul.f32 v24, v55  }
0x43: {  	v7 =	vmul.f32 v7, v11;
	v11 =	vand.u32 $0xF, v63;
	v13 =	vsub.f32 $1.500000000e+00, v13  }
0x44: {  	v26 =	vperm.xlane v2, v11;
	v25 =	vsub.f32 $1.500000000e+00, v62;
	v10 =	vmul.f32 v28, v24  }
0x45: {  	v9 =	vadd.f32 v39, v36;
	v27 =	vperm.xlane v3, v11;
	v6 =	vmul.f32 v13, v50  }
0x46: {  	v29 =	vperm.xlane v1, v11;
	v13 =	vmul.f32 v22, v25;
	v32 =	vsub.f32 $1.500000000e+00, v10  }
0x47: {  	v49 =	vand.u32 $0x7, v15;
	v7 =	vmul.f32 v7, v34;
	v6 =	vmul.f32 v12, v6  }
0x48: {  	v17 =	vsel vm14, v26, v27;
	v10 =	vld [tilespmem:$0x30];
	v30 =	vmul.f32 v13, v23;
	v34 =	vmul.f32 v32, v24  }
0x49: {  	v5 =	vadd.f32 $0.0e+00, v5;
	v11 =	vperm.xlane v0, v11;
	v31 =	vsel vm13, v29, v17  }
0x4a: {  	v6 =	vsub.f32 v7, v6;
	v33 =	vmul.f32 v30, v13;
	v37 =	vmul.f32 v34, v55;
	v7 =	vld [tilespmem:$0x130]  }
0x4b: {  	v5 =	vnsel vm0, $0x0, v5;
	vm0 =	vmor vm8, vm7;
	v8 =	vsel vm15, v11, v31  }
0x4c: {  	v6 =	vadd.f32 v6, v8;
	v35 =	vsub.f32 $1.500000000e+00, v33;
	v11 =	vmul.f32 v37, v34  }
0x4d: {  	vm0 =	vmand vm0, vm9;
	vm4 =	vlt.f32 v10, $-Inf;
	vm5 =	vgt.f32 v10, $-Inf  }
0x4e: {  	v41 =	vld [tilespmem:$0x220];
	v6 =	vmax.f32 v6, $0.0e+00;
	v38 =	vmul.f32 v35, v13;
	v42 =	vsub.f32 $1.500000000e+00, v11  }
0x4f: {  	v13 =	vmax.f32 v10, $0.0e+00;
	v6 =	vnsel vm6, $0x0, v6;
	v14 =	vand.u32 $0xFFFFFFF8, v7  }
0x50: {  	v44 =	vshra.s32 v13, $0x1;
	v45 =	vmul.f32 $5.000000000e-01, v13;
	vm6 =	vlt.s32 v7, $0x7F800000  }
0x51: {  	v40 =	vmul.f32 v38, v23;
	v17 =	vadd.f32 v6, v5;
	v18 =	vsub.s32 $0x5F3759DF, v44  }
0x52: {  	v46 =	vshra.s32 v14, $0x1;
	v47 =	vmul.f32 $5.000000000e-01, v14;
	v6 =	vmul.f32 v42, v34  }
0x53: {  	v5 =	vshll.u32 v41, $0x3;
	v41 =	vand.u32 $0x7, v7;
	v48 =	vmul.f32 v18, v45  }
0x54: {  	v21 =	vsub.s32 $0x5F3759DF, v46;
	v52 =	vor.u32 v49, v5;
	v43 =	vmul.f32 v40, v38  }
0x55: {  	v5 =	vld [tilespmem:$0x40];
	v49 =	vsel vm0, $0x3F800000, v4;
	v50 =	vmul.f32 v21, v47;
	v16 =	vmul.f32 v6, v53  }
0x56: {  	v39 =	vld [tilespmem:$0x230];
	v55 =	vand.u32 $0xF, v52;
	vm10 =	vlt.s32 v52, $0x10;
	v51 =	vmul.f32 v18, v48  }
0x57: {  	vm11 =	vlt.s32 v52, $0x20;
	vm12 =	vlt.s32 v52, $0x30;
	v11 =	vsub.f32 $1.500000000e+00, v43  }
0x58: {  	v56 =	vperm.xlane v0, v55;
	v53 =	vmul.f32 v21, v50;
	v12 =	vsub.f32 $1.500000000e+00, v51  }
0x59: {  	v9 =	vadd.f32 v49, v9;
	v58 =	vperm.xlane v2, v55;
	v11 =	vmul.f32 v11, v38  }
0x5a: {  	v6 =	vsub.f32 $1.500000000e+00, v53;
	v23 =	vmax.f32 v5, $0.0e+00;
	v12 =	vmul.f32 v18, v12  }
0x5b: {  	v43 =	vshll.u32 v39, $0x3;
	v26 =	vmul.f32 $5.000000000e-01, v23;
	v54 =	vmul.f32 v57, v11  }
0x5c: {  	v62 =	vshra.s32 v23, $0x1;
	v11 =	vperm.xlane v3, v55;
	v59 =	vmul.f32 v21, v6  }
0x5d: {  	v57 =	vperm.xlane v1, v55;
	v6 =	vld [tilespmem:$0x140];
	v63 =	vsub.s32 $0x5F3759DF, v62;
	v60 =	vmul.f32 v12, v45  }
0x5e: {  	v27 =	vmul.f32 v63, v26;
	v11 =	vsel vm12, v58, v11;
	v61 =	vmul.f32 v59, v47  }
0x5f: {  	v8 =	vsub.f32 v16, v54;
	v21 =	vmul.f32 v60, v12;
	v11 =	vsel vm11, v57, v11  }
0x60: {  	v33 =	vmul.f32 v63, v27;
	vm11 =	vgt.f32 v5, $-Inf;
	v15 =	vmul.f32 v61, v59  }
0x61: {  	v11 =	vsel vm10, v56, v11;
	vm10 =	vlt.f32 v5, $-Inf;
	v21 =	vsub.f32 $1.500000000e+00, v21  }
0x62: {  	v57 =	vld [tilespmem:$0x50];
	v32 =	vand.u32 $0xFFFFFFF8, v6;
	v37 =	vsub.f32 $1.500000000e+00, v33;
	v8 =	vadd.f32 v8, v11  }
0x63: {  	v61 =	vand.u32 $0x7, v6;
	vm12 =	vlt.s32 v6, $0x7F800000;
	v15 =	vsub.f32 $1.500000000e+00, v15  }
0x64: {  	v28 =	vshra.s32 v32, $0x1;
	v29 =	vmul.f32 $5.000000000e-01, v32;
	v12 =	vmul.f32 v21, v12  }
0x65: {  	v34 =	vsub.s32 $0x5F3759DF, v28;
	v19 =	vmul.f32 v63, v37;
	v8 =	vmax.f32 v8, $0.0e+00  }
0x66: {  	v15 =	vmul.f32 v15, v59;
	v35 =	vmul.f32 v34, v29;
	v8 =	vnsel vm0, $0x0, v8  }
0x67: {  	vm0 =	vmor vm5, vm4;
	v62 =	vmax.f32 v57, $0.0e+00;
	v36 =	vmul.f32 v12, v45  }
0x68: {  	v40 =	vmul.f32 v19, v26;
	v8 =	vadd.f32 v8, v17;
	v38 =	vmul.f32 v15, v47  }
0x69: {  	v45 =	vor.u32 v41, v43;
	vm0 =	vmand vm0, vm6;
	v16 =	vmul.f32 v34, v35  }
0x6a: {  	v27 =	vshra.s32 v62, $0x1;
	v28 =	vmul.f32 $5.000000000e-01, v62;
	v11 =	vmul.f32 v38, v15  }
0x6b: {  	v47 =	vand.u32 $0xF, v45;
	v18 =	vmul.f32 v36, v12;
	v16 =	vsub.f32 $1.500000000e+00, v16  }
0x6c: {  	v42 =	vmul.f32 v40, v19;
	v50 =	vperm.xlane v0, v47;
	v11 =	vsub.f32 $1.500000000e+00, v11  }
0x6d: {  	v51 =	vperm.xlane v1, v47;
	v18 =	vsub.f32 $1.500000000e+00, v18;
	v16 =	vmul.f32 v34, v16  }
0x6e: {  	v52 =	vperm.xlane v2, v47;
	v46 =	vsub.f32 $1.500000000e+00, v42;
	v11 =	vmul.f32 v11, v15  }
0x6f: {  	vm13 =	vlt.s32 v45, $0x10;
	v12 =	vmul.f32 v18, v12;
	v44 =	vmul.f32 v16, v29  }
0x70: {  	v56 =	vld [tilespmem:$0x240];
	vm14 =	vlt.s32 v45, $0x30;
	v15 =	vmul.f32 v46, v19;
	v11 =	vmul.f32 v14, v11  }
0x71: {  	vm15 =	vlt.s32 v45, $0x20;
	v48 =	vmul.f32 v44, v16;
	v14 =	vperm.xlane v3, v47  }
0x72: {  	v35 =	vsel vm0, $0x3F800000, v4;
	v12 =	vmul.f32 v12, v13;
	v53 =	vmul.f32 v15, v26  }
0x73: {  	v9 =	vadd.f32 v35, v9;
	v17 =	vsub.f32 $1.500000000e+00, v48;
	v54 =	vsel vm14, v52, v14  }
0x74: {  	v55 =	vmul.f32 v53, v15;
	v11 =	vsub.f32 v12, v11;
	v13 =	vsel vm15, v51, v54  }
0x75: {  	v12 =	vshll.u32 v56, $0x3;
	v16 =	vmul.f32 v17, v16;
	v13 =	vsel vm13, v50, v13  }
0x76: {  	v12 =	vor.u32 v61, v12;
	v14 =	vsub.f32 $1.500000000e+00, v55;
	v58 =	vadd.f32 v11, v13;
	v13 =	vld [tilespmem:$0x150]  }
0x77: {  	vm14 =	vgt.f32 v57, $-Inf;
	vm7 =	vlt.s32 v12, $0x10;
	v17 =	vmul.f32 v16, v29  }
0x78: {  	vm8 =	vlt.s32 v12, $0x30;
	vm9 =	vlt.s32 v12, $0x20;
	v60 =	vmul.f32 v14, v15  }
0x79: {  	v54 =	vld [tilespmem:$0x250];
	vm13 =	vlt.f32 v57, $-Inf;
	v10 =	vmax.f32 v58, $0.0e+00;
	v59 =	vmul.f32 v17, v16  }
0x7a: {  	v10 =	vnsel vm0, $0x0, v10;
	v7 =	vmul.f32 v60, v23;
	v17 =	vsub.s32 $0x5F3759DF, v27  }
0x7b: {  	v31 =	vmul.f32 v17, v28;
	v11 =	vsub.f32 $1.500000000e+00, v59;
	v63 =	vand.u32 $0xFFFFFFF8, v13  }
0x7c: {  	vm0 =	vmor vm11, vm10;
	v29 =	vshra.s32 v63, $0x1;
	v30 =	vmul.f32 $5.000000000e-01, v63  }
0x7d: {  	v14 =	vmul.f32 v17, v31;
	v11 =	vmul.f32 v11, v16;
	v20 =	vsub.s32 $0x5F3759DF, v29  }
0x7e: {  	v60 =	vshll.u32 v54, $0x3;
	v8 =	vadd.f32 v10, v8;
	v33 =	vmul.f32 v20, v30  }
0x7f: {  	v14 =	vsub.f32 $1.500000000e+00, v14;
	v11 =	vmul.f32 v32, v11;
	v32 =	vand.u32 $0xF, v12  }
0x80: {  	vm0 =	vmand vm0, vm12;
	v23 =	vmul.f32 v20, v33;
	v37 =	vperm.xlane v2, v32  }
0x81: {  	v35 =	vld [tilespmem:$0x260];
	v47 =	vsel vm0, $0x3F800000, v4;
	v22 =	vperm.xlane v3, v32;
	v14 =	vmul.f32 v17, v14  }
0x82: {  	v59 =	vand.u32 $0x7, v13;
	v36 =	vperm.xlane v1, v32;
	v17 =	vld [tilespmem:$0x60];
	v23 =	vsub.f32 $1.500000000e+00, v23  }
0x83: {  	v34 =	vperm.xlane v0, v32;
	v38 =	vsel vm8, v37, v22;
	v40 =	vmul.f32 v14, v28  }
0x84: {  	v7 =	vsub.f32 v7, v11;
	v12 =	vsel vm9, v36, v38;
	v39 =	vmul.f32 v20, v23  }
0x85: {  	vm15 =	vlt.s32 v13, $0x7F800000;
	v10 =	vsel vm7, v34, v12;
	v43 =	vmul.f32 v40, v14  }
0x86: {  	v9 =	vadd.f32 v47, v9;
	v41 =	vadd.f32 v7, v10;
	v10 =	vld [tilespmem:$0x160];
	v42 =	vmul.f32 v39, v30  }
0x87: {  	v20 =	vshll.u32 v35, $0x3;
	vm11 =	vlt.f32 v17, $-Inf;
	v6 =	vsub.f32 $1.500000000e+00, v43  }
0x88: {  	vm12 =	vgt.f32 v17, $-Inf;
	v5 =	vmax.f32 v41, $0.0e+00;
	v7 =	vmul.f32 v42, v39  }
0x89: {  	vm5 =	vmor vm12, vm11;
	v5 =	vnsel vm0, $0x0, v5;
	v6 =	vmul.f32 v6, v14  }
0x8a: {  	v8 =	vadd.f32 v5, v8;
	v44 =	vsub.f32 $1.500000000e+00, v7;
	v7 =	vmax.f32 v17, $0.0e+00  }
0x8b: {  	v49 =	vmul.f32 v6, v28;
	v50 =	vand.u32 $0xFFFFFFF8, v10;
	v45 =	vshra.s32 v7, $0x1  }
0x8c: {  	v46 =	vmul.f32 $5.000000000e-01, v7;
	v52 =	vshra.s32 v50, $0x1;
	v5 =	vmul.f32 v44, v39  }
0x8d: {  	v53 =	vmul.f32 $5.000000000e-01, v50;
	v48 =	vsub.s32 $0x5F3759DF, v45;
	v12 =	vmul.f32 v49, v6  }
0x8e: {  	v23 =	vsub.s32 $0x5F3759DF, v52;
	v51 =	vmul.f32 v48, v46;
	v21 =	vmul.f32 v5, v30  }
0x8f: {  	vm0 =	vmor vm14, vm13;
	v56 =	vmul.f32 v23, v53;
	v12 =	vsub.f32 $1.500000000e+00, v12  }
0x90: {  	vm0 =	vmand vm0, vm15;
	v22 =	vmul.f32 v48, v51;
	v55 =	vmul.f32 v21, v5  }
0x91: {  	v41 =	vand.u32 $0x7, v10;
	v58 =	vmul.f32 v23, v56;
	v6 =	vmul.f32 v12, v6  }
0x92: {  	v12 =	vor.u32 v59, v60;
	v22 =	vsub.f32 $1.500000000e+00, v22;
	v57 =	vsub.f32 $1.500000000e+00, v55  }
0x93: {  	vm6 =	vlt.s32 v10, $0x7F800000;
	v61 =	vsub.f32 $1.500000000e+00, v58;
	vm8 =	vlt.s32 v12, $0x10  }
0x94: {  	vm9 =	vlt.s32 v12, $0x30;
	v58 =	vld [tilespmem:$0x80];
	v11 =	vmul.f32 v48, v22;
	v5 =	vmul.f32 v57, v5  }
0x95: {  	vm10 =	vlt.s32 v12, $0x20;
	v6 =	vmul.f32 v6, v62;
	v18 =	vmul.f32 v23, v61  }
0x96: {  	v62 =	vmul.f32 v11, v46;
	v16 =	vmul.f32 v63, v5;
	v63 =	vand.u32 $0xF, v12  }
0x97: {  	v57 =	vsel vm0, $0x3F800000, v4;
	v27 =	vmul.f32 v18, v53;
	v25 =	vperm.xlane v0, v63  }
0x98: {  	v9 =	vadd.f32 v57, v9;
	v5 =	vld [tilespmem:$0x70];
	v15 =	vmul.f32 v62, v11;
	v28 =	vperm.xlane v2, v63  }
0x99: {  	v19 =	vmax.f32 v58, $0.0e+00;
	v29 =	vperm.xlane v3, v63;
	v21 =	vmul.f32 v27, v18  }
0x9a: {  	v26 =	vperm.xlane v1, v63;
	v6 =	vsub.f32 v6, v16;
	v15 =	vsub.f32 $1.500000000e+00, v15  }
0x9b: {  	v30 =	vsel vm9, v28, v29;
	v31 =	vsub.f32 $1.500000000e+00, v21;
	v29 =	vshra.s32 v19, $0x1  }
0x9c: {  	v12 =	vsel vm10, v26, v30;
	v30 =	vmul.f32 $5.000000000e-01, v19;
	v11 =	vmul.f32 v15, v11  }
0x9d: {  	v12 =	vsel vm8, v25, v12;
	v32 =	vmul.f32 v31, v18;
	v13 =	vmax.f32 v5, $0.0e+00  }
0x9e: {  	vm10 =	vlt.f32 v5, $-Inf;
	vm11 =	vgt.f32 v5, $-Inf;
	v6 =	vadd.f32 v6, v12  }
0x9f: {  	v15 =	vld [tilespmem:$0x170];
	v33 =	vshra.s32 v13, $0x1;
	v34 =	vmul.f32 $5.000000000e-01, v13;
	v14 =	vmul.f32 v11, v46  }
0xa0: {  	v36 =	vmul.f32 v32, v53;
	v16 =	vsub.s32 $0x5F3759DF, v33;
	v46 =	vor.u32 v41, v20  }
0xa1: {  	v37 =	vmul.f32 v16, v34;
	v6 =	vmax.f32 v6, $0.0e+00;
	v47 =	vand.u32 $0xF, v46  }
0xa2: {  	vm13 =	vlt.s32 v46, $0x20;
	v14 =	vmul.f32 v14, v11;
	v21 =	vmul.f32 v36, v32  }
0xa3: {  	vm14 =	vlt.s32 v46, $0x30;
	v49 =	vperm.xlane v0, v47;
	v51 =	vperm.xlane v2, v47  }
0xa4: {  	v52 =	vperm.xlane v3, v47;
	v22 =	vand.u32 $0xFFFFFFF8, v15;
	v23 =	vmul.f32 v16, v37  }
0xa5: {  	v38 =	vshra.s32 v22, $0x1;
	v39 =	vmul.f32 $5.000000000e-01, v22;
	v14 =	vsub.f32 $1.500000000e+00, v14  }
0xa6: {  	v42 =	vsub.f32 $1.500000000e+00, v21;
	v24 =	vsub.s32 $0x5F3759DF, v38;
	v43 =	vsub.f32 $1.500000000e+00, v23  }
0xa7: {  	vm15 =	vlt.s32 v46, $0x10;
	v40 =	vmul.f32 v24, v39;
	v11 =	vmul.f32 v14, v11  }
0xa8: {  	v6 =	vnsel vm0, $0x0, v6;
	v45 =	vmul.f32 v42, v32;
	v16 =	vmul.f32 v16, v43  }
0xa9: {  	vm0 =	vmand vm5, vm6;
	v44 =	vmul.f32 v24, v40;
	v7 =	vmul.f32 v11, v7  }
0xaa: {  	v6 =	vadd.f32 v6, v8;
	v11 =	vmul.f32 v50, v45;
	v50 =	vmul.f32 v16, v34  }
0xab: {  	v61 =	vsel vm0, $0x3F800000, v4;
	v14 =	vperm.xlane v1, v47;
	v48 =	vsub.f32 $1.500000000e+00, v44  }
0xac: {  	v63 =	vand.u32 $0x7, v15;
	v21 =	vsel vm14, v51, v52;
	v8 =	vmul.f32 v50, v16  }
0xad: {  	v54 =	vsel vm13, v14, v21;
	v7 =	vsub.f32 v7, v11;
	v20 =	vmul.f32 v24, v48  }
0xae: {  	vm12 =	vlt.s32 v15, $0x7F800000;
	v55 =	vsel vm15, v49, v54;
	v8 =	vsub.f32 $1.500000000e+00, v8  }
0xaf: {  	v62 =	vld [tilespmem:$0x270];
	v21 =	vsub.s32 $0x5F3759DF, v29;
	v7 =	vadd.f32 v7, v55;
	v53 =	vmul.f32 v20, v39  }
0xb0: {  	vm14 =	vgt.f32 v58, $-Inf;
	v33 =	vmul.f32 v21, v30;
	v8 =	vmul.f32 v8, v16;
	v16 =	vld [tilespmem:$0x180]  }
0xb1: {  	vm13 =	vlt.f32 v58, $-Inf;
	v7 =	vmax.f32 v7, $0.0e+00;
	v17 =	vmul.f32 v53, v20  }
0xb2: {  	v36 =	vmul.f32 v21, v33;
	v7 =	vnsel vm0, $0x0, v7;
	vm0 =	vmor vm11, vm10  }
0xb3: {  	v48 =	vld [tilespmem:$0x90];
	v6 =	vadd.f32 v7, v6;
	v59 =	vmul.f32 v8, v34;
	v56 =	vsub.f32 $1.500000000e+00, v17  }
0xb4: {  	v7 =	vadd.f32 v61, v9;
	vm0 =	vmand vm0, vm12;
	v34 =	vshll.u32 v62, $0x3  }
0xb5: {  	v10 =	vmul.f32 v59, v8;
	v12 =	vmul.f32 v56, v20;
	v28 =	vand.u32 $0xFFFFFFF8, v16  }
0xb6: {  	v49 =	vsel vm0, $0x3F800000, v4;
	v31 =	vshra.s32 v28, $0x1;
	v32 =	vmul.f32 $5.000000000e-01, v28  }
0xb7: {  	v10 =	vsub.f32 $1.500000000e+00, v10;
	v60 =	vmul.f32 v12, v39;
	v24 =	vsub.s32 $0x5F3759DF, v31  }
0xb8: {  	vm11 =	vlt.f32 v48, $-Inf;
	vm12 =	vgt.f32 v48, $-Inf;
	v35 =	vmul.f32 v24, v32  }
0xb9: {  	v8 =	vmul.f32 v10, v8;
	v10 =	vor.u32 v63, v34;
	v14 =	vmul.f32 v60, v12  }
0xba: {  	v7 =	vadd.f32 v49, v7;
	v37 =	vand.u32 $0xF, v10;
	v17 =	vmul.f32 v24, v35  }
0xbb: {  	vm7 =	vlt.s32 v10, $0x10;
	v8 =	vmul.f32 v8, v13;
	v13 =	vld [tilespmem:$0x190];
	v14 =	vsub.f32 $1.500000000e+00, v14  }
0xbc: {  	vm8 =	vlt.s32 v10, $0x30;
	v40 =	vperm.xlane v2, v37;
	v17 =	vsub.f32 $1.500000000e+00, v17  }
0xbd: {  	v41 =	vperm.xlane v3, v37;
	v12 =	vmul.f32 v14, v12;
	v14 =	vsub.f32 $1.500000000e+00, v36  }
0xbe: {  	vm9 =	vlt.s32 v10, $0x20;
	v38 =	vperm.xlane v0, v37;
	v43 =	vmul.f32 v24, v17  }
0xbf: {  	v39 =	vperm.xlane v1, v37;
	v9 =	vsel vm8, v40, v41;
	v42 =	vmul.f32 v21, v14  }
0xc0: {  	v12 =	vmul.f32 v22, v12;
	v58 =	vand.u32 $0xFFFFFFF8, v13;
	v45 =	vmul.f32 v43, v32  }
0xc1: {  	v56 =	vld [tilespmem:$0x280];
	v9 =	vsel vm9, v39, v9;
	v60 =	vshra.s32 v58, $0x1;
	v44 =	vmul.f32 v42, v30  }
0xc2: {  	v61 =	vmul.f32 $5.000000000e-01, v58;
	v8 =	vsub.f32 v8, v12;
	v47 =	vmul.f32 v45, v43  }
0xc3: {  	v9 =	vsel vm7, v38, v9;
	v22 =	vsub.s32 $0x5F3759DF, v60;
	v10 =	vmul.f32 v44, v42  }
0xc4: {  	v63 =	vmul.f32 v22, v61;
	v46 =	vadd.f32 v8, v9;
	v8 =	vsub.f32 $1.500000000e+00, v47  }
0xc5: {  	v62 =	vand.u32 $0x7, v16;
	vm15 =	vlt.s32 v16, $0x7F800000;
	v10 =	vsub.f32 $1.500000000e+00, v10  }
0xc6: {  	v25 =	vshll.u32 v56, $0x3;
	v27 =	vmul.f32 v22, v63;
	v51 =	vmul.f32 v8, v43  }
0xc7: {  	v5 =	vmax.f32 v46, $0.0e+00;
	v8 =	vmax.f32 v48, $0.0e+00;
	v10 =	vmul.f32 v10, v42  }
0xc8: {  	v54 =	vshra.s32 v8, $0x1;
	v55 =	vmul.f32 $5.000000000e-01, v8;
	v53 =	vmul.f32 v51, v32  }
0xc9: {  	v47 =	vld [tilespmem:$0x290];
	v5 =	vnsel vm0, $0x0, v5;
	v57 =	vsub.s32 $0x5F3759DF, v54;
	v52 =	vmul.f32 v10, v30  }
0xca: {  	vm0 =	vmor vm14, vm13;
	v59 =	vmul.f32 v57, v55;
	v12 =	vmul.f32 v53, v51  }
0xcb: {  	v50 =	vadd.f32 v5, v6;
	vm0 =	vmand vm0, vm15;
	v6 =	vmul.f32 v52, v10  }
0xcc: {  	v46 =	vsel vm0, $0x3F800000, v4;
	v21 =	vmul.f32 v57, v59;
	v12 =	vsub.f32 $1.500000000e+00, v12  }
0xcd: {  	vm13 =	vlt.s32 v13, $0x7F800000;
	v7 =	vadd.f32 v46, v7;
	v6 =	vsub.f32 $1.500000000e+00, v6  }
0xce: {  	v53 =	vshll.u32 v47, $0x3;
	v26 =	vsub.f32 $1.500000000e+00, v21;
	v5 =	vmul.f32 v12, v51  }
0xcf: {  	v12 =	vor.u32 v62, v25;
	v51 =	vand.u32 $0x7, v13;
	v6 =	vmul.f32 v6, v10  }
0xd0: {  	v29 =	vand.u32 $0xF, v12;
	v11 =	vmul.f32 v57, v26;
	vm8 =	vlt.s32 v12, $0x10  }
0xd1: {  	vm9 =	vlt.s32 v12, $0x30;
	vm10 =	vlt.s32 v12, $0x20;
	v28 =	vmul.f32 v28, v5  }
0xd2: {  	v56 =	vor.u32 v51, v53;
	v30 =	vperm.xlane v0, v29;
	v31 =	vperm.xlane v1, v29  }
0xd3: {  	v32 =	vperm.xlane v2, v29;
	v34 =	vperm.xlane v3, v29;
	v57 =	vand.u32 $0xF, v56  }
0xd4: {  	v5 =	vld [tilespmem:$0x1A0];
	vm14 =	vlt.s32 v56, $0x20;
	vm15 =	vlt.s32 v56, $0x30;
	vm6 =	vlt.s32 v56, $0x10  }
0xd5: {  	v19 =	vmul.f32 v6, v19;
	v6 =	vsub.f32 $1.500000000e+00, v27;
	v33 =	vmul.f32 v11, v55  }
0xd6: {  	v60 =	vperm.xlane v0, v57;
	v62 =	vperm.xlane v3, v57;
	v35 =	vsel vm9, v32, v34  }
0xd7: {  	v22 =	vmul.f32 v22, v6;
	v6 =	vld [tilespmem:$0xA0];
	v24 =	vmul.f32 v33, v11;
	v12 =	vsel vm10, v31, v35  }
0xd8: {  	v14 =	vperm.xlane v1, v57;
	v10 =	vsub.f32 v19, v28;
	v12 =	vsel vm8, v30, v12  }
0xd9: {  	v36 =	vmul.f32 v22, v61;
	v37 =	vsub.f32 $1.500000000e+00, v24;
	v18 =	vand.u32 $0xFFFFFFF8, v5  }
0xda: {  	v10 =	vadd.f32 v10, v12;
	v40 =	vshra.s32 v18, $0x1;
	v41 =	vmul.f32 $5.000000000e-01, v18  }
0xdb: {  	v16 =	vmul.f32 v36, v22;
	v11 =	vmul.f32 v37, v11;
	v21 =	vsub.s32 $0x5F3759DF, v40  }
0xdc: {  	v10 =	vmax.f32 v10, $0.0e+00;
	v12 =	vmax.f32 v6, $0.0e+00;
	v43 =	vmul.f32 v21, v41  }
0xdd: {  	v10 =	vnsel vm0, $0x0, v10;
	vm0 =	vmor vm12, vm11;
	vm10 =	vlt.f32 v6, $-Inf  }
0xde: {  	vm11 =	vgt.f32 v6, $-Inf;
	vm12 =	vlt.s32 v5, $0x7F800000;
	v16 =	vsub.f32 $1.500000000e+00, v16  }
0xdf: {  	v38 =	vshra.s32 v12, $0x1;
	v39 =	vmul.f32 $5.000000000e-01, v12;
	v17 =	vmul.f32 v11, v55  }
0xe0: {  	v10 =	vadd.f32 v10, v50;
	v19 =	vsub.s32 $0x5F3759DF, v38;
	v45 =	vmul.f32 v21, v43  }
0xe1: {  	vm0 =	vmand vm0, vm13;
	v16 =	vmul.f32 v16, v22;
	v42 =	vmul.f32 v19, v39  }
0xe2: {  	v53 =	vsel vm0, $0x3F800000, v4;
	v17 =	vmul.f32 v17, v11;
	v22 =	vsub.f32 $1.500000000e+00, v45  }
0xe3: {  	v37 =	vld [tilespmem:$0x2A0];
	v7 =	vadd.f32 v53, v7;
	v23 =	vmul.f32 v16, v61;
	v44 =	vmul.f32 v19, v42  }
0xe4: {  	v48 =	vsub.f32 $1.500000000e+00, v17;
	v61 =	vperm.xlane v2, v57;
	v50 =	vmul.f32 v21, v22  }
0xe5: {  	v45 =	vand.u32 $0x7, v5;
	v23 =	vmul.f32 v23, v16;
	v15 =	vsub.f32 $1.500000000e+00, v44  }
0xe6: {  	v9 =	vmul.f32 v48, v11;
	v21 =	vsel vm15, v61, v62;
	v22 =	vmul.f32 v50, v41  }
0xe7: {  	v30 =	vsel vm14, v14, v21;
	v49 =	vsub.f32 $1.500000000e+00, v23;
	v15 =	vmul.f32 v19, v15;
	v23 =	vld [tilespmem:$0xB0]  }
0xe8: {  	v14 =	vshll.u32 v37, $0x3;
	v8 =	vmul.f32 v9, v8;
	v59 =	vmul.f32 v22, v50  }
0xe9: {  	v48 =	vor.u32 v45, v14;
	v52 =	vmul.f32 v49, v16;
	v54 =	vmul.f32 v15, v39  }
0xea: {  	v31 =	vsel vm6, v60, v30;
	vm7 =	vlt.s32 v48, $0x10;
	v17 =	vsub.f32 $1.500000000e+00, v59  }
0xeb: {  	vm8 =	vlt.s32 v48, $0x30;
	v55 =	vmul.f32 v58, v52;
	v58 =	vmul.f32 v54, v15  }
0xec: {  	vm9 =	vlt.s32 v48, $0x20;
	v63 =	vmul.f32 v17, v50;
	v17 =	vld [tilespmem:$0x1B0];
	v36 =	vmax.f32 v23, $0.0e+00  }
0xed: {  	v50 =	vand.u32 $0xF, v48;
	vm13 =	vlt.f32 v23, $-Inf;
	v16 =	vsub.f32 $1.500000000e+00, v58  }
0xee: {  	v8 =	vsub.f32 v8, v55;
	v40 =	vmul.f32 $5.000000000e-01, v36;
	v51 =	vperm.xlane v0, v50  }
0xef: {  	vm14 =	vgt.f32 v23, $-Inf;
	v52 =	vperm.xlane v1, v50;
	v15 =	vmul.f32 v16, v15  }
0xf0: {  	v54 =	vperm.xlane v2, v50;
	v33 =	vmul.f32 v63, v41;
	v8 =	vadd.f32 v8, v31  }
0xf1: {  	v32 =	vmul.f32 v15, v39;
	v38 =	vand.u32 $0xFFFFFFF8, v17;
	v39 =	vshra.s32 v36, $0x1  }
0xf2: {  	v20 =	vsub.s32 $0x5F3759DF, v39;
	v41 =	vshra.s32 v38, $0x1;
	v42 =	vmul.f32 $5.000000000e-01, v38  }
0xf3: {  	v35 =	vmul.f32 v33, v63;
	v43 =	vmul.f32 v20, v40;
	v22 =	vsub.s32 $0x5F3759DF, v41  }
0xf4: {  	v8 =	vmax.f32 v8, $0.0e+00;
	v34 =	vmul.f32 v32, v15;
	v44 =	vmul.f32 v22, v42  }
0xf5: {  	v31 =	vand.u32 $0x7, v17;
	v11 =	vsub.f32 $1.500000000e+00, v35;
	v46 =	vmul.f32 v20, v43  }
0xf6: {  	v8 =	vnsel vm0, $0x0, v8;
	v9 =	vsub.f32 $1.500000000e+00, v34;
	v47 =	vmul.f32 v22, v44  }
0xf7: {  	vm0 =	vmor vm11, vm10;
	v11 =	vmul.f32 v11, v63;
	v49 =	vsub.f32 $1.500000000e+00, v46  }
0xf8: {  	v9 =	vmul.f32 v9, v15;
	v15 =	vperm.xlane v3, v50;
	v16 =	vsub.f32 $1.500000000e+00, v47  }
0xf9: {  	v8 =	vadd.f32 v8, v10;
	v11 =	vmul.f32 v18, v11;
	v14 =	vmul.f32 v20, v49  }
0xfa: {  	v9 =	vmul.f32 v9, v12;
	v57 =	vsel vm8, v54, v15;
	v15 =	vld [tilespmem:$0x1C0];
	v16 =	vmul.f32 v22, v16  }
0xfb: {  	vm0 =	vmand vm0, vm12;
	vm8 =	vlt.s32 v17, $0x7F800000;
	v55 =	vmul.f32 v14, v40  }
0xfc: {  	v10 =	vsel vm9, v52, v57;
	v9 =	vsub.f32 v9, v11;
	v56 =	vmul.f32 v16, v42  }
0xfd: {  	v22 =	vsel vm0, $0x3F800000, v4;
	v10 =	vsel vm7, v51, v10;
	v25 =	vmul.f32 v55, v14  }
0xfe: {  	v7 =	vadd.f32 v22, v7;
	v61 =	vadd.f32 v9, v10;
	v10 =	vld [tilespmem:$0xC0];
	v58 =	vmul.f32 v56, v16  }
0xff: {  	v32 =	vand.u32 $0xFFFFFFF8, v15;
	vm11 =	vlt.s32 v15, $0x7F800000;
	v59 =	vsub.f32 $1.500000000e+00, v25  }
0x100: {  	v6 =	vmax.f32 v61, $0.0e+00;
	v34 =	vshra.s32 v32, $0x1;
	v60 =	vsub.f32 $1.500000000e+00, v58  }
0x101: {  	v35 =	vmul.f32 $5.000000000e-01, v32;
	v6 =	vnsel vm0, $0x0, v6;
	v62 =	vmul.f32 v59, v14  }
0x102: {  	v27 =	vld [tilespmem:$0x2B0];
	vm0 =	vmor vm14, vm13;
	v8 =	vadd.f32 v6, v8;
	v63 =	vmul.f32 v60, v16  }
0x103: {  	vm0 =	vmand vm0, vm8;
	v14 =	vmax.f32 v10, $0.0e+00;
	v11 =	vmul.f32 v62, v40  }
0x104: {  	v61 =	vsel vm0, $0x3F800000, v4;
	vm9 =	vlt.f32 v10, $-Inf;
	v25 =	vmul.f32 v63, v42  }
0x105: {  	v29 =	vshra.s32 v14, $0x1;
	v30 =	vmul.f32 $5.000000000e-01, v14;
	v26 =	vmul.f32 v11, v62  }
0x106: {  	vm10 =	vgt.f32 v10, $-Inf;
	v16 =	vsub.s32 $0x5F3759DF, v29;
	v28 =	vmul.f32 v25, v63  }
0x107: {  	v33 =	vmul.f32 v16, v30;
	v11 =	vshll.u32 v27, $0x3;
	v6 =	vsub.f32 $1.500000000e+00, v26  }
0x108: {  	v7 =	vadd.f32 v61, v7;
	v11 =	vor.u32 v31, v11;
	v12 =	vsub.f32 $1.500000000e+00, v28  }
0x109: {  	v20 =	vld [tilespmem:$0xF0];
	v21 =	vmul.f32 v16, v33;
	v37 =	vand.u32 $0xF, v11;
	v6 =	vmul.f32 v6, v62  }
0x10a: {  	vm15 =	vlt.s32 v11, $0x10;
	v5 =	vmul.f32 v12, v63;
	v12 =	vsub.s32 $0x5F3759DF, v34  }
0x10b: {  	vm6 =	vlt.s32 v11, $0x30;
	v13 =	vmul.f32 v6, v36;
	v36 =	vmul.f32 v12, v35  }
0x10c: {  	vm7 =	vlt.s32 v11, $0x20;
	v41 =	vperm.xlane v2, v37;
	v42 =	vperm.xlane v3, v37;
	v62 =	vld [tilespmem:$0x2C0]  }
0x10d: {  	v19 =	vmul.f32 v38, v5;
	v38 =	vsub.f32 $1.500000000e+00, v21;
	v5 =	vld [tilespmem:$0x1D0];
	v6 =	vmul.f32 v12, v36  }
0x10e: {  	v26 =	vmax.f32 v20, $0.0e+00;
	v39 =	vperm.xlane v0, v37;
	v40 =	vperm.xlane v1, v37  }
0x10f: {  	v45 =	vsel vm6, v41, v42;
	v16 =	vmul.f32 v16, v38;
	v43 =	vsub.f32 $1.500000000e+00, v6  }
0x110: {  	v28 =	vand.u32 $0x7, v15;
	v11 =	vsel vm7, v40, v45;
	v13 =	vsub.f32 v13, v19;
	v6 =	vld [tilespmem:$0xD0]  }
0x111: {  	v11 =	vsel vm15, v39, v11;
	v44 =	vmul.f32 v16, v30;
	v12 =	vmul.f32 v12, v43  }
0x112: {  	v29 =	vshll.u32 v62, $0x3;
	v11 =	vadd.f32 v13, v11;
	v50 =	vand.u32 $0xFFFFFFF8, v5  }
0x113: {  	v46 =	vmul.f32 v44, v16;
	v53 =	vshra.s32 v50, $0x1;
	v47 =	vmul.f32 v12, v35  }
0x114: {  	v54 =	vmul.f32 $5.000000000e-01, v50;
	v11 =	vmax.f32 v11, $0.0e+00;
	v24 =	vsub.s32 $0x5F3759DF, v53  }
0x115: {  	v48 =	vsub.f32 $1.500000000e+00, v46;
	v49 =	vmax.f32 v6, $0.0e+00;
	v17 =	vmul.f32 v47, v12  }
0x116: {  	v56 =	vmul.f32 v24, v54;
	v51 =	vshra.s32 v49, $0x1;
	v52 =	vmul.f32 $5.000000000e-01, v49  }
0x117: {  	v21 =	vsub.s32 $0x5F3759DF, v51;
	v13 =	vmul.f32 v48, v16;
	v17 =	vsub.f32 $1.500000000e+00, v17  }
0x118: {  	v11 =	vnsel vm0, $0x0, v11;
	v58 =	vmul.f32 v24, v56;
	v55 =	vmul.f32 v21, v52  }
0x119: {  	vm0 =	vmor vm10, vm9;
	v59 =	vmul.f32 v13, v30;
	v12 =	vmul.f32 v17, v12  }
0x11a: {  	vm9 =	vlt.s32 v5, $0x7F800000;
	v57 =	vmul.f32 v21, v55;
	v17 =	vsub.f32 $1.500000000e+00, v58  }
0x11b: {  	v11 =	vadd.f32 v11, v8;
	v8 =	vmul.f32 v59, v13;
	v60 =	vmul.f32 v12, v35  }
0x11c: {  	v27 =	vld [tilespmem:$0x1F0];
	vm0 =	vmand vm0, vm11;
	v16 =	vsub.f32 $1.500000000e+00, v57;
	v17 =	vmul.f32 v24, v17  }
0x11d: {  	v46 =	vand.u32 $0x7, v5;
	v8 =	vsub.f32 $1.500000000e+00, v8;
	v18 =	vmul.f32 v60, v12  }
0x11e: {  	vm6 =	vlt.f32 v6, $-Inf;
	v16 =	vmul.f32 v21, v16;
	v63 =	vmul.f32 v17, v54  }
0x11f: {  	vm7 =	vgt.f32 v6, $-Inf;
	v8 =	vmul.f32 v8, v13;
	v18 =	vsub.f32 $1.500000000e+00, v18  }
0x120: {  	v38 =	vld [tilespmem:$0x2D0];
	vm8 =	vmor vm7, vm6;
	v21 =	vmul.f32 v16, v52;
	v31 =	vmul.f32 v63, v17  }
0x121: {  	v56 =	vmul.f32 $5.000000000e-01, v26;
	v57 =	vand.u32 $0xFFFFFFF8, v27;
	v12 =	vmul.f32 v18, v12  }
0x122: {  	v14 =	vmul.f32 v8, v14;
	v30 =	vmul.f32 v21, v16;
	v21 =	vsub.f32 $1.500000000e+00, v31  }
0x123: {  	v55 =	vshra.s32 v26, $0x1;
	v31 =	vmul.f32 $5.000000000e-01, v57;
	v9 =	vmul.f32 v32, v12  }
0x124: {  	v32 =	vor.u32 v28, v29;
	v18 =	vsub.f32 $1.500000000e+00, v30;
	v17 =	vmul.f32 v21, v17  }
0x125: {  	v8 =	vld [tilespmem:$0xE0];
	v12 =	vshll.u32 v38, $0x3;
	v30 =	vshra.s32 v57, $0x1;
	v38 =	vsel vm0, $0x3F800000, v4  }
0x126: {  	v13 =	vand.u32 $0xF, v32;
	vm12 =	vlt.s32 v32, $0x10;
	vm13 =	vlt.s32 v32, $0x20  }
0x127: {  	vm14 =	vlt.s32 v32, $0x30;
	v12 =	vor.u32 v46, v12;
	v33 =	vperm.xlane v0, v13  }
0x128: {  	v30 =	vsub.s32 $0x5F3759DF, v30;
	v34 =	vperm.xlane v1, v13;
	v16 =	vmul.f32 v18, v16  }
0x129: {  	v7 =	vadd.f32 v38, v7;
	v35 =	vperm.xlane v2, v13;
	v13 =	vperm.xlane v3, v13  }
0x12a: {  	v21 =	vmul.f32 v17, v54;
	v23 =	vmax.f32 v8, $0.0e+00;
	v9 =	vsub.f32 v14, v9  }
0x12b: {  	vm15 =	vlt.s32 v12, $0x30;
	v36 =	vshra.s32 v23, $0x1;
	v37 =	vmul.f32 $5.000000000e-01, v23  }
0x12c: {  	vm4 =	vlt.s32 v12, $0x20;
	v60 =	vmul.f32 v30, v31;
	v24 =	vsub.s32 $0x5F3759DF, v36  }
0x12d: {  	vm5 =	vlt.s32 v12, $0x10;
	vm10 =	vlt.f32 v8, $-Inf;
	v39 =	vmul.f32 v24, v37  }
0x12e: {  	vm11 =	vgt.f32 v8, $-Inf;
	v18 =	vmul.f32 v16, v52;
	v21 =	vmul.f32 v21, v17  }
0x12f: {  	v13 =	vsel vm14, v35, v13;
	v29 =	vmul.f32 v30, v60;
	v42 =	vmul.f32 v24, v39  }
0x130: {  	v13 =	vsel vm13, v34, v13;
	v18 =	vmul.f32 v18, v16;
	v41 =	vsub.f32 $1.500000000e+00, v21  }
0x131: {  	v21 =	vld [tilespmem:$0x1E0];
	v10 =	vsel vm12, v33, v13;
	v34 =	vsub.f32 $1.500000000e+00, v29;
	v45 =	vsub.f32 $1.500000000e+00, v42  }
0x132: {  	v9 =	vadd.f32 v9, v10;
	v40 =	vsub.f32 $1.500000000e+00, v18;
	v44 =	vmul.f32 v41, v17  }
0x133: {  	vm1 =	vmor vm11, vm10;
	v36 =	vmul.f32 v30, v34;
	v10 =	vmul.f32 v24, v45  }
0x134: {  	v9 =	vmax.f32 v9, $0.0e+00;
	v43 =	vmul.f32 v40, v16;
	v15 =	vmul.f32 v50, v44  }
0x135: {  	v39 =	vld [tilespmem:$0x2E0];
	v9 =	vnsel vm0, $0x0, v9;
	v41 =	vmul.f32 v36, v31;
	v50 =	vmul.f32 v10, v37  }
0x136: {  	vm0 =	vmand vm8, vm9;
	v16 =	vand.u32 $0xFFFFFFF8, v21;
	v9 =	vadd.f32 v9, v11  }
0x137: {  	v47 =	vshra.s32 v16, $0x1;
	v48 =	vmul.f32 $5.000000000e-01, v16;
	v19 =	vmul.f32 v50, v10  }
0x138: {  	v44 =	vand.u32 $0x7, v21;
	vm12 =	vlt.s32 v21, $0x7F800000;
	v14 =	vsub.s32 $0x5F3759DF, v47  }
0x139: {  	v13 =	vmul.f32 v43, v49;
	v52 =	vmul.f32 v14, v48;
	v19 =	vsub.f32 $1.500000000e+00, v19  }
0x13a: {  	v49 =	vand.u32 $0xF, v12;
	v5 =	vshll.u32 v39, $0x3;
	vm8 =	vmand vm1, vm12  }
0x13b: {  	v24 =	vmul.f32 v14, v52;
	v10 =	vmul.f32 v19, v10;
	v19 =	vsub.s32 $0x5F3759DF, v55  }
0x13c: {  	vm12 =	vlt.f32 v20, $-Inf;
	v51 =	vperm.xlane v0, v49;
	v58 =	vmul.f32 v19, v56  }
0x13d: {  	v53 =	vperm.xlane v2, v49;
	v54 =	vperm.xlane v3, v49;
	v24 =	vsub.f32 $1.500000000e+00, v24  }
0x13e: {  	v18 =	vperm.xlane v1, v49;
	v5 =	vor.u32 v44, v5;
	v59 =	vmul.f32 v19, v58  }
0x13f: {  	v13 =	vsub.f32 v13, v15;
	v45 =	vand.u32 $0xF, v5;
	v14 =	vmul.f32 v14, v24  }
0x140: {  	v15 =	vmul.f32 v41, v36;
	v47 =	vperm.xlane v2, v45;
	v63 =	vsub.f32 $1.500000000e+00, v59  }
0x141: {  	vm13 =	vlt.s32 v5, $0x30;
	v25 =	vmul.f32 v10, v37;
	v62 =	vmul.f32 v14, v48  }
0x142: {  	vm14 =	vlt.s32 v5, $0x20;
	v49 =	vperm.xlane v3, v45;
	v33 =	vmul.f32 v19, v63  }
0x143: {  	v11 =	vsel vm15, v53, v54;
	v61 =	vmul.f32 v25, v10;
	v32 =	vmul.f32 v62, v14  }
0x144: {  	vm15 =	vlt.s32 v5, $0x10;
	v43 =	vsub.f32 $1.500000000e+00, v15;
	v37 =	vmul.f32 v33, v56  }
0x145: {  	v11 =	vsel vm4, v18, v11;
	v12 =	vsub.f32 $1.500000000e+00, v61;
	v35 =	vsub.f32 $1.500000000e+00, v32  }
0x146: {  	v11 =	vsel vm5, v51, v11;
	v51 =	vperm.xlane v1, v45;
	v40 =	vmul.f32 v37, v33  }
0x147: {  	v53 =	vand.u32 $0x7, v27;
	v10 =	vmul.f32 v12, v10;
	v12 =	vmul.f32 v35, v14  }
0x148: {  	v50 =	vld [tilespmem:$0x2F0];
	v8 =	vsel vm13, v47, v49;
	v6 =	vmul.f32 v43, v36;
	v14 =	vsub.f32 $1.500000000e+00, v40  }
0x149: {  	vm13 =	vgt.f32 v20, $-Inf;
	v11 =	vadd.f32 v13, v11;
	v17 =	vmul.f32 v12, v48  }
0x14a: {  	vm1 =	vmor vm13, vm12;
	v48 =	vmul.f32 v6, v31;
	v13 =	vmul.f32 v14, v33  }
0x14b: {  	v8 =	vsel vm14, v51, v8;
	v11 =	vmax.f32 v11, $0.0e+00;
	v42 =	vmul.f32 v17, v12  }
0x14c: {  	v11 =	vnsel vm0, $0x0, v11;
	v15 =	vmul.f32 v48, v6;
	v46 =	vmul.f32 v13, v56  }
0x14d: {  	v54 =	vshll.u32 v50, $0x3;
	v9 =	vadd.f32 v11, v9;
	v11 =	vsub.f32 $1.500000000e+00, v42  }
0x14e: {  	v10 =	vmul.f32 v10, v23;
	v15 =	vsub.f32 $1.500000000e+00, v15;
	v14 =	vmul.f32 v46, v13  }
0x14f: {  	v55 =	vor.u32 v53, v54;
	v11 =	vmul.f32 v11, v12;
	v12 =	vperm.xlane v0, v45  }
0x150: {  	v6 =	vmul.f32 v15, v6;
	v56 =	vand.u32 $0xF, v55;
	v14 =	vsub.f32 $1.500000000e+00, v14  }
0x151: {  	vm9 =	vlt.s32 v55, $0x30;
	v0 =	vperm.xlane v0, v56;
	v1 =	vperm.xlane v1, v56  }
0x152: {  	vm10 =	vlt.s32 v55, $0x20;
	v11 =	vmul.f32 v16, v11;
	v52 =	vmul.f32 v14, v13  }
0x153: {  	vm11 =	vlt.s32 v55, $0x10;
	v2 =	vperm.xlane v2, v56;
	v3 =	vperm.xlane v3, v56  }
0x154: {  	v6 =	vmul.f32 v57, v6;
	v10 =	vsub.f32 v10, v11;
	v5 =	vmul.f32 v52, v26  }
0x155: {  	v8 =	vsel vm15, v12, v8;
	v57 =	vsel vm0, $0x3F800000, v4;
	v2 =	vsel vm9, v2, v3  }
0x156: {  	v1 =	vsel vm10, v1, v2;
	v8 =	vadd.f32 v10, v8;
	v58 =	vsub.f32 v5, v6  }
0x157: {  	vm14 =	vlt.s32 v27, $0x7F800000;
	v59 =	vadd.f32 v57, v7;
	v0 =	vsel vm11, v0, v1  }
0x158: {  	v62 =	vsel vm8, $0x3F800000, v4;
	v8 =	vmax.f32 v8, $0.0e+00;
	v0 =	vadd.f32 v58, v0  }
0x159: {  	vm15 =	vmand vm1, vm14;
	v2 =	vadd.f32 v62, v59;
	v60 =	vnsel vm8, $0x0, v8  }
0x15a: {  	v63 =	vsel vm15, $0x3F800000, v4;
	v61 =	vadd.f32 v60, v9;
	v0 =	vmax.f32 v0, $0.0e+00  }
0x15b: {  	v1 =	vadd.f32 v63, v2;
	v0 =	vnsel vm15, $0x0, v0  }
0x15c: {  	v0 =	vadd.f32 v0, v61  }
0x15d: {  	s29 =	sshll.u32 s3, $0x4;
	s4 =	sadd.s32 $0x400, s4;
	[tilespmem:$0x400] =	vst v1  }
0x15e: {  	s30 =	sadd.s32 s4, s29;
	s5 =	simm.s32 $0x380;
	[tilespmem:$0x380] =	vst v0  }
0x15f: {  	[hbm4b:s30+s1] =	stream.linear.scatter [tilespmem:s5], [sflag:$0x1], $0x80, $0x38;
	[tilespmem:$0x1480] =	vst v63  }
0x160: {  	_ =	swait.ge [sflag:s2], $0x80  }
0x161: {  	[sflag:s2] =	ssyncset.done $0x0  }
0x162: {  	s31 =	simm.s32 $0x400;
	s6 =	sadd.s32 $0x100, s30;
	[sflag:s2] =	ssyncadd.s32 $0xFFFFFF80  }
0x163: {  	[hbm4b:s6+s1] =	stream.linear.scatter [tilespmem:s31], [sflag:$0x1], $0x80, $0x38;
	[tilespmem:$0x1480] =	vst v63  }
0x164: {  	_ =	swait.ge [sflag:s2], $0x80  }
0x165: {  	[sflag:s2] =	ssyncset.done $0x0  }
0x166: {  	[sflag:s2] =	ssyncadd.s32 $0xFFFFFF80  }
0x167: {  	p0 =	sne.s32 s3, $0x0;
	[bflag:$0x0] =	sbarrier.arrive $0xFFFF  }
0x168: {  	_ =	sfence.sel @p0 $0x180000  }
0x169: {  	[bflag:$0x0] =	sbarrier.arrive @p0 $0xFFFF  }
0x16a: {  	_ =	strace @p0 $0x90000047  }
0x16b: {  	[bflag:$0x2] =	sbarrier.arrive @p0 $0xFFFF  }
0x16c: {  	_ =	shalt @p0  }
.LBB2_1:
0x16d: {  	s3 =	simm.s32 $0x480  }
0x16e: {  	[tilespmem:s3], [sflag:$0x1] =	stream.linear.gather [hbm4b:s4+s1], $0x1000, $0x38;
	[tilespmem:$0x1480] =	vst v63  }
0x16f: {  	_ =	swait.ge [sflag:s2], $0x1000  }
0x170: {  	[sflag:s2] =	ssyncset.done $0x0  }
0x171: {  	[sflag:s2] =	ssyncadd.s32 $0xFFFFF000  }
0x172: {  	v0 =	vld [tilespmem:$0xC80]  }
0x173: {  	v1 =	vld [tilespmem:$0xD00];
	_ =	sdelay $0x1  }
0x174: {  	v2 =	vld [tilespmem:$0xD80];
	_ =	sdelay $0x1  }
0x175: {  	v4 =	vld [tilespmem:$0xE00]  }
0x176: {  	v0 =	vadd.f32 v1, v0  }
0x177: {  	v18 =	vld [tilespmem:$0xE80]  }
0x178: {  	v0 =	vadd.f32 v2, v0  }
0x179: {  	v19 =	vld [tilespmem:$0xF00]  }
0x17a: {  	v3 =	vld [tilespmem:$0x480];
	v0 =	vadd.f32 v4, v0  }
0x17b: {  	v20 =	vld [tilespmem:$0xF80]  }
0x17c: {  	v5 =	vld [tilespmem:$0x500];
	v0 =	vadd.f32 v18, v0  }
0x17d: {  	v23 =	vld [tilespmem:$0x1000]  }
0x17e: {  	v6 =	vld [tilespmem:$0x580];
	v0 =	vadd.f32 v19, v0  }
0x17f: {  	v25 =	vld [tilespmem:$0x1080]  }
0x180: {  	v7 =	vld [tilespmem:$0x600];
	v0 =	vadd.f32 v20, v0  }
0x181: {  	v27 =	vld [tilespmem:$0x1100];
	v3 =	vadd.f32 v5, v3  }
0x182: {  	v21 =	vld [tilespmem:$0x680];
	v0 =	vadd.f32 v23, v0  }
0x183: {  	v29 =	vld [tilespmem:$0x1180];
	v22 =	vadd.f32 v6, v3  }
0x184: {  	v24 =	vld [tilespmem:$0x700];
	v0 =	vadd.f32 v25, v0  }
0x185: {  	v31 =	vld [tilespmem:$0x1200];
	v1 =	vadd.f32 v7, v22  }
0x186: {  	v26 =	vld [tilespmem:$0x780];
	v0 =	vadd.f32 v27, v0  }
0x187: {  	v33 =	vld [tilespmem:$0x1280];
	v1 =	vadd.f32 v21, v1  }
0x188: {  	v28 =	vld [tilespmem:$0x800];
	v0 =	vadd.f32 v29, v0  }
0x189: {  	v35 =	vld [tilespmem:$0x1300];
	v1 =	vadd.f32 v24, v1  }
0x18a: {  	v30 =	vld [tilespmem:$0x880];
	v0 =	vadd.f32 v31, v0  }
0x18b: {  	v37 =	vld [tilespmem:$0x1380];
	v1 =	vadd.f32 v26, v1  }
0x18c: {  	v38 =	vimm.s32 $0xFEDCBA98;
	v32 =	vld [tilespmem:$0x900];
	v0 =	vadd.f32 v33, v0  }
0x18d: {  	v40 =	vimm.s32 $0x76543210;
	v39 =	vld [tilespmem:$0x1400];
	v4 =	vunpack.c.l.s4.s8 v38;
	v1 =	vadd.f32 v28, v1  }
0x18e: {  	v44 =	vimm.s32 $0xBA98FEDC;
	v34 =	vld [tilespmem:$0x980];
	v5 =	vunpack.c.l.s4.s8 v40;
	v0 =	vadd.f32 v35, v0  }
0x18f: {  	v45 =	vimm.s32 $0x32107654;
	v42 =	vunpack.c.0.s8.s32 v4;
	v1 =	vadd.f32 v30, v1  }
0x190: {  	v36 =	vld [tilespmem:$0xA00];
	v43 =	vunpack.c.0.s8.s32 v5;
	v5 =	vunpack.c.l.s4.s8 v44;
	v0 =	vadd.f32 v37, v0  }
0x191: {  	v6 =	vunpack.c.l.s4.s8 v45;
	v2 =	vand.u32 $0xF, v42;
	v1 =	vadd.f32 v32, v1  }
0x192: {  	v50 =	vimm.s32 $0x54761032;
	v41 =	vld [tilespmem:$0xA80];
	v2 =	vcombine.low v2, v43;
	v0 =	vadd.f32 v39, v0  }
0x193: {  	v46 =	vunpack.c.0.s8.s32 v5;
	v47 =	vunpack.c.0.s8.s32 v6;
	v1 =	vadd.f32 v34, v1  }
0x194: {  	v49 =	vimm.s32 $0xDCFE98BA;
	v52 =	vunpack.c.l.s4.s8 v50;
	v8 =	vld [tilespmem:$0xB00];
	v48 =	vperm.xlane v0, v2  }
0x195: {  	v51 =	vunpack.c.l.s4.s8 v49;
	v3 =	vcombine.low v47, v46;
	v1 =	vadd.f32 v36, v1  }
0x196: {  	v10 =	vimm.s32 $0x67452301;
	v53 =	vunpack.c.0.s8.s32 v52;
	v9 =	vld [tilespmem:$0xB80];
	v0 =	vadd.f32 v48, v0  }
0x197: {  	v4 =	vunpack.c.0.s8.s32 v51;
	v3 =	vand.u32 $0xF, v3;
	v1 =	vadd.f32 v41, v1  }
0x198: {  	v56 =	vimm.s32 $0xEFCDAB89;
	v58 =	vunpack.c.l.s4.s8 v10;
	v54 =	vld [tilespmem:$0xC00];
	v55 =	vperm.xlane v0, v3  }
0x199: {  	v57 =	vunpack.c.l.s4.s8 v56;
	v4 =	vcombine.low v53, v4;
	v1 =	vadd.f32 v8, v1  }
0x19a: {  	v59 =	vunpack.c.0.s8.s32 v58;
	v0 =	vadd.f32 v55, v0  }
0x19b: {  	v5 =	vunpack.c.0.s8.s32 v57;
	v4 =	vand.u32 $0xF, v4;
	v1 =	vadd.f32 v9, v1  }
0x19c: {  	v60 =	vperm.xlane v0, v4  }
0x19d: {  	v5 =	vcombine.low v59, v5;
	v1 =	vadd.f32 v54, v1  }
0x19e: {  	v0 =	vadd.f32 v60, v0  }
0x19f: {  	v5 =	vand.u32 $0xF, v5;
	v2 =	vperm.xlane v1, v2  }
0x1a0: {  	v61 =	vperm.xlane v0, v5  }
0x1a1: {  	v1 =	vadd.f32 v2, v1  }
0x1a2: {  	v0 =	vadd.f32 v61, v0  }
0x1a3: {  	v2 =	vperm.xlane v1, v3  }
0x1a4: {  	v62 =	vmax.f32 v0, $1.000000000e+00  }
0x1a5: {  	v1 =	vadd.f32 v2, v1;
	(erf) = vrcp.f32 v62;
	_ =	sdelay $0x1  }
0x1a6: {  	v2 =	vperm.xlane v1, v4;
	_ =	sdelay $0x1  }
0x1a7: {  	v1 =	vadd.f32 v2, v1;
	_ =	sdelay $0x1  }
0x1a8: {  	v2 =	vperm.xlane v1, v5;
	_ =	sdelay $0x1  }
0x1a9: {  	v1 =	vadd.f32 v2, v1  }
0x1aa: {  	v63 =	vpop (erf)  }
0x1ab: {  	v1 =	vmul.f32 v63, v1  }
0x1ac: {  	vm0 =	vgt.f32 v0, $0.0e+00  }
0x1ad: {  	v0 =	vnsel vm0, $0x0, v1  }
0x1ae: {  	s31 =	sadd.s32 $0x200, s4;
	[tilespmem:$0x380] =	vst v0  }
0x1af: {  	[hbm4b:s31+s1] =	stream.linear.scatter [tilespmem:s5], [sflag:$0x1], $0x80, $0x38;
	[tilespmem:$0x1480] =	vst v63  }
0x1b0: {  	_ =	swait.ge [sflag:s2], $0x80  }
0x1b1: {  	[sflag:s2] =	ssyncset.done $0x0  }
0x1b2: {  	[sflag:s2] =	ssyncadd.s32 $0xFFFFFF80  }
0x1b3: {  	_ =	sfence.sel $0x180000  }
0x1b4: {  	[bflag:$0x0] =	sbarrier.arrive $0xFFFF  }
0x1b5: {  	_ =	strace $0x90000047  }
0x1b6: {  	s0 =	sadd.s32 $0x100000, s0;
	[bflag:$0x2] =	sbarrier.arrive $0xFFFF  }
0x1b7: {  	[sflag:s0] =	ssyncadd.tile.s32 $0x1;
	_ =	shalt  }
.Lfunc_end2:
_tile_overlayer_lowered:
.L_overlay_start_2:
0x1b8: {  	(tag) =	ssettag $0x2  }
0x1b9: {  	s0 =	rddreg [dreg:$0x0];
	s2 =	stileid.u32  }
0x1ba: {  	s1 =	rddreg [dreg:$0x1];
	p0 =	sne.s32 s2, $0x0  }
0x1bb: {  	s3 =	rddreg [dreg:$0x2];
	[bflag:$0x3] =	sbarrier.arrive $0xFFFF;
	s2 =	simm.s32 @!p0 $0x1C01  }
0x1bc: {  	[timem:s3], [sflag:s2] =	dma.local @!p0 [hbm:s0], s1  }
0x1bd: {  	s0 =	simm.s32 @!p0 $0x1  }
0x1be: {  	_ =	swait.ge @!p0 [sflag:s0], s1  }
0x1bf: {  	s1 =	ssub.s32 @!p0 $0x0, s1;
	[sflag:s0] =	ssyncset.done @!p0 $0x0  }
0x1c0: {  	[sflag:s0] =	ssyncadd.s32 @!p0 s1  }
0x1c1: {  	[bflag:$0x3] =	sbarrier.arrive $0xFFFF  }
0x1c2: {  	_ =	shalt  }

</sc_bundles>
